<compile_context>
chip_gen: v7x
topology: tpu7x:2x2x1
jax: 0.10.2.dev20260603
libtpu: 0.0.44.dev20260713+nightly
codegen_flags: <defaults>
</compile_context>

<pallas_src>
import functools

import jax
import jax.numpy as jnp
from jax import lax
from jax.experimental import pallas as pl
from jax.experimental.pallas import tpu as pltpu
from jax.experimental.pallas import tpu_sc as plsc

B = 16
L = 4096
D = 8
HALF = L // 2
LANES = 16
LT_PER_HALF = HALF // 128
SECS_PER_DAY = 86400


def _take(v, idx):
    return lax.gather(
        v,
        idx[:, None],
        lax.GatherDimensionNumbers(
            offset_dims=(), collapsed_slice_dims=(0,), start_index_map=(0,)
        ),
        slice_sizes=(1,),
        mode=lax.GatherScatterMode.PROMISE_IN_BOUNDS,
    )


def _mod86400(chunk):
    t = lax.shift_right_logical(chunk, 7).astype(jnp.float32)
    low = (chunk & 127).astype(jnp.float32)
    q = (t * jnp.float32(1.0 / 675.0)).astype(jnp.int32).astype(jnp.float32)
    r = t - q * 675.0
    r = jnp.where(r < 0.0, r + 675.0, r)
    r = jnp.where(r >= 675.0, r - 675.0, r)
    return r * 128.0 + low


def _build():
    mesh = plsc.VectorSubcoreMesh(core_axis_name="c", subcore_axis_name="s")

    @functools.partial(
        pl.kernel,
        mesh=mesh,
        out_type=jax.ShapeDtypeStruct((B * L * D,), jnp.float32),
        scratch_types=[
            pltpu.VMEM((HALF,), jnp.int32),
            pltpu.VMEM((HALF,), jnp.float32),
            pltpu.VMEM((LANES,), jnp.int32),
            pltpu.VMEM((LANES,), jnp.float32),
            pltpu.VMEM((2 * LANES,), jnp.float32),
            pltpu.VMEM((2 * LANES,), jnp.float32),
            pltpu.VMEM_SHARED((LANES, 2 * LANES), jnp.float32),
            pltpu.VMEM((HALF * D,), jnp.float32),
            pltpu.SemaphoreType.DMA,
            pltpu.SemaphoreType.DMA,
        ],
    )
    def embed_kernel(
        ts_hbm, lens_hbm, w_hbm, b_hbm, out_hbm,
        ts_v, secs_v, lens_v, wb_v, pair_v, nbr_v, sh_x, out_v, isem, osem,
    ):
        c = lax.axis_index("c")
        s = lax.axis_index("s")
        wid = c * 16 + s
        row = wid // 2
        half = wid % 2
        rt = row // 8
        ir = row % 8

        tbase = rt * 32 + half * LT_PER_HALF
        in_cps = [
            pltpu.async_copy(
                ts_hbm.at[tbase + lt, ir], ts_v.at[pl.ds(lt * 128, 128)], isem
            )
            for lt in range(LT_PER_HALF)
        ]
        lens_cp = pltpu.async_copy(lens_hbm, lens_v, isem)
        w_cp = pltpu.async_copy(w_hbm, wb_v.at[pl.ds(0, D)], isem)
        b_cp = pltpu.async_copy(b_hbm, wb_v.at[pl.ds(D, D)], isem)
        for cp in in_cps:
            cp.wait()

        iota = lax.iota(jnp.int32, LANES)

        def p1_body(i, carry):
            mn0, mx0, mn1, mx1 = carry
            base = i * 128
            for ch in range(8):
                secs = _mod86400(ts_v[pl.ds(base + ch * LANES, LANES)])
                secs_v[pl.ds(base + ch * LANES, LANES)] = secs
                if ch % 2 == 0:
                    mn0 = jnp.minimum(mn0, secs)
                    mx0 = jnp.maximum(mx0, secs)
                else:
                    mn1 = jnp.minimum(mn1, secs)
                    mx1 = jnp.maximum(mx1, secs)
            return mn0, mx0, mn1, mx1

        big = jnp.full((LANES,), 3.0e38, jnp.float32)
        mn0, mx0, mn1, mx1 = lax.fori_loop(
            0, LT_PER_HALF, p1_body, (big, -big, big, -big)
        )
        mn_v = jnp.minimum(mn0, mn1)
        mx_v = jnp.maximum(mx0, mx1)

        pair_v[pl.ds(0, LANES)] = mn_v
        pair_v[pl.ds(LANES, LANES)] = mx_v
        pltpu.sync_copy(pair_v, sh_x.at[s])
        plsc.subcore_barrier()
        pltpu.sync_copy(sh_x.at[s ^ 1], nbr_v)
        lens_cp.wait()
        w_cp.wait()
        b_cp.wait()
        mn_v = jnp.minimum(mn_v, nbr_v[pl.ds(0, LANES)])
        mx_v = jnp.maximum(mx_v, nbr_v[pl.ds(LANES, LANES)])

        for step in (8, 4, 2, 1):
            perm = iota ^ step
            mn_v = jnp.minimum(mn_v, _take(mn_v, perm))
            mx_v = jnp.maximum(mx_v, _take(mx_v, perm))
        inv_b = 1.0 / (mx_v - mn_v)

        len_b = _take(lens_v[...], jnp.broadcast_to(row, (LANES,)).astype(jnp.int32))
        wb_vec = wb_v[...]
        w_s = [_take(wb_vec, jnp.full((LANES,), d, jnp.int32)) for d in range(D)]
        b_s = [_take(wb_vec, jnp.full((LANES,), D + d, jnp.int32)) for d in range(D)]

        rbase = half * HALF

        def p2_body(i, carry):
            base = i * 128
            obase = i * (D * 128)
            nms, vfs = [], []
            for ch in range(8):
                s16 = secs_v[pl.ds(base + ch * LANES, LANES)]
                n = (s16 - mn_v) * inv_b
                valid = ((rbase + base + ch * LANES) + iota) < len_b
                nms.append(jnp.where(valid, n, 0.0))
                vfs.append(jnp.where(valid, 1.0, 0.0))
            for ch in range(8):
                for d in range(D):
                    out_v[pl.ds(obase + d * 128 + ch * LANES, LANES)] = (
                        nms[ch] * w_s[d] + vfs[ch] * b_s[d]
                    )
            return carry

        obase_hbm = wid * HALF * D
        qwords = (HALF * D) // 4
        out_cps = []
        for g in range(4):
            lax.fori_loop(
                g * (LT_PER_HALF // 4), (g + 1) * (LT_PER_HALF // 4), p2_body, 0
            )
            out_cps.append(
                pltpu.async_copy(
                    out_v.at[pl.ds(g * qwords, qwords)],
                    out_hbm.at[pl.ds(obase_hbm + g * qwords, qwords)],
                    osem,
                )
            )
        for cp in out_cps:
            cp.wait()

    return embed_kernel


_EMBED = _build()


def kernel(time_seqs, seq_lengths, W, b):
    ts_t = (
        time_seqs.astype(jnp.int32)
        .reshape(2, 8, 32, 128)
        .transpose(0, 2, 1, 3)
        .reshape(64, 8, 128)
    )
    lens = seq_lengths.astype(jnp.int32)
    out_flat = _EMBED(ts_t, lens, W.reshape(D), b)
    return (
        out_flat.reshape(B, 32, D, 128)
        .transpose(0, 1, 3, 2)
        .reshape(B, L, D)
    )

# --- scband reference (transcript-rebuilt; emitter-appended) ---
"""Pipeline reference for scband-time-embedding-6786048328636 (READ-ONLY COPY).

The authoritative reference and input builder live on the scoring server;
editing this copy changes nothing except your own understanding.
"""

import jax, jax.numpy as jnp
import numpy as np

B = 16
L = 4096
TIME_DIM = 8  # parameters.time_dim, must equal hidden_dim=8


def setup_inputs(seed: int = 0) -> dict:
    key = jax.random.key(seed)
    k1, k2, k3, k4 = jax.random.split(key, 4)
    time_seqs = jax.random.randint(k1, (B, L), 0, 1700000000).astype(jnp.int64)
    seq_lengths = jax.random.randint(k2, (B,), 1, L + 1).astype(jnp.int64)
    # ensure max(seq_lengths) == L so padded output width is static
    seq_lengths = seq_lengths.at[0].set(L)
    # nn.Linear(1, time_dim): weight [time_dim, 1], bias [time_dim]
    bound = 1.0  # 1/sqrt(fan_in=1)
    W = jax.random.uniform(k3, (TIME_DIM, 1), minval=-bound, maxval=bound, dtype=jnp.float32)
    b = jax.random.uniform(k4, (TIME_DIM,), minval=-bound, maxval=bound, dtype=jnp.float32)
    return {"time_seqs": time_seqs, "seq_lengths": seq_lengths, "W": W, "b": b}


def reference(time_seqs, seq_lengths, W, b):
    # seconds-of-day per timestamp (UTC): hour*3600 + minute*60 + second == ts % 86400
    secs = (time_seqs % 86400).astype(jnp.float32)  # [B, L]
    # per-sequence min-max normalization
    mn = jnp.min(secs, axis=1, keepdims=True)
    mx = jnp.max(secs, axis=1, keepdims=True)
    normalized = (secs - mn) / (mx - mn)  # [B, L]
    # Linear(1, time_dim)
    embed = normalized[..., None] * W[:, 0][None, None, :] + b[None, None, :]  # [B, L, TIME_DIM]
    # pack into zero-padded tensor: positions >= seq_lengths[i] are zero
    max_len = time_seqs.shape[1]
    mask = (jnp.arange(max_len)[None, :] < seq_lengths[:, None])[..., None]
    embedded_seq_tensor = jnp.where(mask, embed, jnp.zeros((), dtype=jnp.float32))
    return embedded_seq_tensor

if __name__ == "__main__":
    import jax
    _d = setup_inputs()
    print(jax.jit(kernel)(*tuple(_d.values())))

</pallas_src>

<mosaic_0001>
#map = affine_map<(d0, d1) -> (0, 0, 0)>
#map1 = affine_map<(d0, d1) -> (0)>
module attributes {stable_mosaic.version = 14 : i64} {
  func.func @embed_kernel(%arg0: i32, %arg1: i32, %arg2: memref<64x8x128xi32, #tpu.memory_space<hbm>>, %arg3: memref<16xi32, #tpu.memory_space<hbm>>, %arg4: memref<8xf32, #tpu.memory_space<hbm>>, %arg5: memref<8xf32, #tpu.memory_space<hbm>>, %arg6: memref<524288xf32, #tpu.memory_space<hbm>>, %arg7: memref<2048xi32, #tpu.memory_space<vmem>>, %arg8: memref<2048xf32, #tpu.memory_space<vmem>>, %arg9: memref<16xi32, #tpu.memory_space<vmem>>, %arg10: memref<16xf32, #tpu.memory_space<vmem>>, %arg11: memref<32xf32, #tpu.memory_space<vmem>>, %arg12: memref<32xf32, #tpu.memory_space<vmem>>, %arg13: memref<16x32xf32, #tpu.memory_space<vmem_shared>>, %arg14: memref<16384xf32, #tpu.memory_space<vmem>>, %arg15: memref<!tpu.dma_semaphore, #tpu.memory_space<semaphore_mem>>, %arg16: memref<!tpu.dma_semaphore, #tpu.memory_space<semaphore_mem>>) attributes {dimension_semantics = [#tpu.dimension_semantics<core_parallel>, #tpu.dimension_semantics<subcore_parallel>], iteration_bounds = array<i64: 2, 16>, scalar_prefetch = 0 : i64, scratch_operands = 10 : i64, tpu.core_type = #tpu.core_type<sc_vector_subcore>, window_params = [{transform_indices = #map}, {transform_indices = #map1}, {transform_indices = #map1}, {transform_indices = #map1}, {transform_indices = #map1}]} {
    %mul3A = arith.constant 16 : i32
    %mul3A_0 = arith.muli %arg0, %mul3A : i32
    %add3A = arith.addi %mul3A_0, %arg1 : i32
    %jit3A = arith.constant 2 : i32
    %div3A = arith.divsi %add3A, %jit3A : i32
    %sign3A = arith.constant 0 : i32
    %sign3A_1 = arith.cmpi sgt, %add3A, %sign3A : i32
    %sign3A_2 = arith.extui %sign3A_1 : i1 to i32
    %sign3A_3 = arith.constant 0 : i32
    %sign3A_4 = arith.cmpi slt, %add3A, %sign3A_3 : i32
    %sign3A_5 = arith.extui %sign3A_4 : i1 to i32
    %sign3A_6 = arith.subi %sign3A_2, %sign3A_5 : i32
    %sign3A_7 = arith.constant 0 : i32
    %sign3A_8 = arith.cmpi sgt, %jit3A, %sign3A_7 : i32
    %sign3A_9 = arith.extui %sign3A_8 : i1 to i32
    %sign3A_10 = arith.constant 0 : i32
    %sign3A_11 = arith.cmpi slt, %jit3A, %sign3A_10 : i32
    %sign3A_12 = arith.extui %sign3A_11 : i1 to i32
    %sign3A_13 = arith.subi %sign3A_9, %sign3A_12 : i32
    %ne3A = arith.cmpi ne, %sign3A_6, %sign3A_13 : i32
    %rem3A = arith.remsi %add3A, %jit3A : i32
    %ne3A_14 = arith.constant 0 : i32
    %ne3A_15 = arith.cmpi ne, %rem3A, %ne3A_14 : i32
    %and3A = arith.andi %ne3A, %ne3A_15 : i1
    %sub3A = arith.constant 1 : i32
    %sub3A_16 = arith.subi %div3A, %sub3A : i32
    %select_n3A = arith.select %and3A, %sub3A_16, %div3A : i32
    %jit3A_17 = arith.constant 2 : i32
    %eq3A = arith.constant 0 : i32
    %eq3A_18 = arith.cmpi eq, %jit3A_17, %eq3A : i32
    %jit3A_19 = arith.constant 1 : i32
    %select_n3A_20 = arith.select %eq3A_18, %jit3A_19, %jit3A_17 : i32
    %rem3A_21 = arith.remsi %add3A, %select_n3A_20 : i32
    %ne3A_22 = arith.constant 0 : i32
    %ne3A_23 = arith.cmpi ne, %rem3A_21, %ne3A_22 : i32
    %lt3A = arith.constant 0 : i32
    %lt3A_24 = arith.cmpi slt, %rem3A_21, %lt3A : i32
    %lt3A_25 = arith.constant 0 : i32
    %lt3A_26 = arith.cmpi slt, %select_n3A_20, %lt3A_25 : i32
    %ne3A_27 = arith.xori %lt3A_24, %lt3A_26 : i1
    %and3A_28 = arith.andi %ne3A_27, %ne3A_23 : i1
    %add3A_29 = arith.addi %rem3A_21, %select_n3A_20 : i32
    %select_n3A_30 = arith.select %and3A_28, %add3A_29, %rem3A_21 : i32
    %jit3A_31 = arith.constant 8 : i32
    %div3A_32 = arith.divsi %select_n3A, %jit3A_31 : i32
    %sign3A_33 = arith.constant 0 : i32
    %sign3A_34 = arith.cmpi sgt, %select_n3A, %sign3A_33 : i32
    %sign3A_35 = arith.extui %sign3A_34 : i1 to i32
    %sign3A_36 = arith.constant 0 : i32
    %sign3A_37 = arith.cmpi slt, %select_n3A, %sign3A_36 : i32
    %sign3A_38 = arith.extui %sign3A_37 : i1 to i32
    %sign3A_39 = arith.subi %sign3A_35, %sign3A_38 : i32
    %sign3A_40 = arith.constant 0 : i32
    %sign3A_41 = arith.cmpi sgt, %jit3A_31, %sign3A_40 : i32
    %sign3A_42 = arith.extui %sign3A_41 : i1 to i32
    %sign3A_43 = arith.constant 0 : i32
    %sign3A_44 = arith.cmpi slt, %jit3A_31, %sign3A_43 : i32
    %sign3A_45 = arith.extui %sign3A_44 : i1 to i32
    %sign3A_46 = arith.subi %sign3A_42, %sign3A_45 : i32
    %ne3A_47 = arith.cmpi ne, %sign3A_39, %sign3A_46 : i32
    %rem3A_48 = arith.remsi %select_n3A, %jit3A_31 : i32
    %ne3A_49 = arith.constant 0 : i32
    %ne3A_50 = arith.cmpi ne, %rem3A_48, %ne3A_49 : i32
    %and3A_51 = arith.andi %ne3A_47, %ne3A_50 : i1
    %sub3A_52 = arith.constant 1 : i32
    %sub3A_53 = arith.subi %div3A_32, %sub3A_52 : i32
    %select_n3A_54 = arith.select %and3A_51, %sub3A_53, %div3A_32 : i32
    %jit3A_55 = arith.constant 8 : i32
    %eq3A_56 = arith.constant 0 : i32
    %eq3A_57 = arith.cmpi eq, %jit3A_55, %eq3A_56 : i32
    %jit3A_58 = arith.constant 1 : i32
    %select_n3A_59 = arith.select %eq3A_57, %jit3A_58, %jit3A_55 : i32
    %rem3A_60 = arith.remsi %select_n3A, %select_n3A_59 : i32
    %ne3A_61 = arith.constant 0 : i32
    %ne3A_62 = arith.cmpi ne, %rem3A_60, %ne3A_61 : i32
    %lt3A_63 = arith.constant 0 : i32
    %lt3A_64 = arith.cmpi slt, %rem3A_60, %lt3A_63 : i32
    %lt3A_65 = arith.constant 0 : i32
    %lt3A_66 = arith.cmpi slt, %select_n3A_59, %lt3A_65 : i32
    %ne3A_67 = arith.xori %lt3A_64, %lt3A_66 : i1
    %and3A_68 = arith.andi %ne3A_67, %ne3A_62 : i1
    %add3A_69 = arith.addi %rem3A_60, %select_n3A_59 : i32
    %select_n3A_70 = arith.select %and3A_68, %add3A_69, %rem3A_60 : i32
    %mul3A_71 = arith.constant 32 : i32
    %mul3A_72 = arith.muli %select_n3A_54, %mul3A_71 : i32
    %mul3A_73 = arith.constant 16 : i32
    %mul3A_74 = arith.muli %select_n3A_30, %mul3A_73 : i32
    %add3A_75 = arith.addi %mul3A_72, %mul3A_74 : i32
    %add3A_76 = arith.constant 0 : i32
    %add3A_77 = arith.addi %add3A_75, %add3A_76 : i32
    %dma_start3A = arith.constant 0 : i32
    %dma_start3A_78 = tpu.memref_slice %arg7[%dma_start3A] : memref<2048xi32, #tpu.memory_space<vmem>> -> memref<128xi32, #tpu.memory_space<vmem>>
    %dma_start3A_79 = arith.constant 0 : i32
    %dma_start3A_80 = tpu.memref_slice %arg2[%add3A_77, %select_n3A_70, %dma_start3A_79] : memref<64x8x128xi32, #tpu.memory_space<hbm>> -> memref<1x1x128xi32, #tpu.memory_space<hbm>>
    %dma_start3A_81 = tpu.memref_squeeze %dma_start3A_80 : memref<1x1x128xi32, #tpu.memory_space<hbm>> -> memref<128xi32, #tpu.memory_space<hbm>>
    %dma_start3A_82 = arith.constant 0 : i32
    %dma_start3A_83 = tpu.memref_slice %arg7[%dma_start3A_82] : memref<2048xi32, #tpu.memory_space<vmem>> -> memref<128xi32, #tpu.memory_space<vmem>>
    %dma_start3A_84 = arith.constant 0 : i32
    %dma_start3A_85 = tpu.memref_slice %arg2[%add3A_77, %select_n3A_70, %dma_start3A_84] : memref<64x8x128xi32, #tpu.memory_space<hbm>> -> memref<1x1x128xi32, #tpu.memory_space<hbm>>
    %dma_start3A_86 = tpu.memref_squeeze %dma_start3A_85 : memref<1x1x128xi32, #tpu.memory_space<hbm>> -> memref<128xi32, #tpu.memory_space<hbm>>
    tpu.enqueue_dma source(%dma_start3A_86 : memref<128xi32, #tpu.memory_space<hbm>>) target(%dma_start3A_83 : memref<128xi32, #tpu.memory_space<vmem>>) target_semaphore(%arg15 : memref<!tpu.dma_semaphore, #tpu.memory_space<semaphore_mem>>)
    %add3A_87 = arith.constant 1 : i32
    %add3A_88 = arith.addi %add3A_75, %add3A_87 : i32
    %dma_start3A_89 = arith.constant 128 : i32
    %dma_start3A_90 = tpu.memref_slice %arg7[%dma_start3A_89] : memref<2048xi32, #tpu.memory_space<vmem>> -> memref<128xi32, #tpu.memory_space<vmem>>
    %dma_start3A_91 = arith.constant 0 : i32
    %dma_start3A_92 = tpu.memref_slice %arg2[%add3A_88, %select_n3A_70, %dma_start3A_91] : memref<64x8x128xi32, #tpu.memory_space<hbm>> -> memref<1x1x128xi32, #tpu.memory_space<hbm>>
    %dma_start3A_93 = tpu.memref_squeeze %dma_start3A_92 : memref<1x1x128xi32, #tpu.memory_space<hbm>> -> memref<128xi32, #tpu.memory_space<hbm>>
    %dma_start3A_94 = arith.constant 128 : i32
    %dma_start3A_95 = tpu.memref_slice %arg7[%dma_start3A_94] : memref<2048xi32, #tpu.memory_space<vmem>> -> memref<128xi32, #tpu.memory_space<vmem>>
    %dma_start3A_96 = arith.constant 0 : i32
    %dma_start3A_97 = tpu.memref_slice %arg2[%add3A_88, %select_n3A_70, %dma_start3A_96] : memref<64x8x128xi32, #tpu.memory_space<hbm>> -> memref<1x1x128xi32, #tpu.memory_space<hbm>>
    %dma_start3A_98 = tpu.memref_squeeze %dma_start3A_97 : memref<1x1x128xi32, #tpu.memory_space<hbm>> -> memref<128xi32, #tpu.memory_space<hbm>>
    tpu.enqueue_dma source(%dma_start3A_98 : memref<128xi32, #tpu.memory_space<hbm>>) target(%dma_start3A_95 : memref<128xi32, #tpu.memory_space<vmem>>) target_semaphore(%arg15 : memref<!tpu.dma_semaphore, #tpu.memory_space<semaphore_mem>>)
    %add3A_99 = arith.constant 2 : i32
    %add3A_100 = arith.addi %add3A_75, %add3A_99 : i32
    %dma_start3A_101 = arith.constant 256 : i32
    %dma_start3A_102 = tpu.memref_slice %arg7[%dma_start3A_101] : memref<2048xi32, #tpu.memory_space<vmem>> -> memref<128xi32, #tpu.memory_space<vmem>>
    %dma_start3A_103 = arith.constant 0 : i32
    %dma_start3A_104 = tpu.memref_slice %arg2[%add3A_100, %select_n3A_70, %dma_start3A_103] : memref<64x8x128xi32, #tpu.memory_space<hbm>> -> memref<1x1x128xi32, #tpu.memory_space<hbm>>
    %dma_start3A_105 = tpu.memref_squeeze %dma_start3A_104 : memref<1x1x128xi32, #tpu.memory_space<hbm>> -> memref<128xi32, #tpu.memory_space<hbm>>
    %dma_start3A_106 = arith.constant 256 : i32
    %dma_start3A_107 = tpu.memref_slice %arg7[%dma_start3A_106] : memref<2048xi32, #tpu.memory_space<vmem>> -> memref<128xi32, #tpu.memory_space<vmem>>
    %dma_start3A_108 = arith.constant 0 : i32
    %dma_start3A_109 = tpu.memref_slice %arg2[%add3A_100, %select_n3A_70, %dma_start3A_108] : memref<64x8x128xi32, #tpu.memory_space<hbm>> -> memref<1x1x128xi32, #tpu.memory_space<hbm>>
    %dma_start3A_110 = tpu.memref_squeeze %dma_start3A_109 : memref<1x1x128xi32, #tpu.memory_space<hbm>> -> memref<128xi32, #tpu.memory_space<hbm>>
    tpu.enqueue_dma source(%dma_start3A_110 : memref<128xi32, #tpu.memory_space<hbm>>) target(%dma_start3A_107 : memref<128xi32, #tpu.memory_space<vmem>>) target_semaphore(%arg15 : memref<!tpu.dma_semaphore, #tpu.memory_space<semaphore_mem>>)
    %add3A_111 = arith.constant 3 : i32
    %add3A_112 = arith.addi %add3A_75, %add3A_111 : i32
    %dma_start3A_113 = arith.constant 384 : i32
    %dma_start3A_114 = tpu.memref_slice %arg7[%dma_start3A_113] : memref<2048xi32, #tpu.memory_space<vmem>> -> memref<128xi32, #tpu.memory_space<vmem>>
    %dma_start3A_115 = arith.constant 0 : i32
    %dma_start3A_116 = tpu.memref_slice %arg2[%add3A_112, %select_n3A_70, %dma_start3A_115] : memref<64x8x128xi32, #tpu.memory_space<hbm>> -> memref<1x1x128xi32, #tpu.memory_space<hbm>>
    %dma_start3A_117 = tpu.memref_squeeze %dma_start3A_116 : memref<1x1x128xi32, #tpu.memory_space<hbm>> -> memref<128xi32, #tpu.memory_space<hbm>>
    %dma_start3A_118 = arith.constant 384 : i32
    %dma_start3A_119 = tpu.memref_slice %arg7[%dma_start3A_118] : memref<2048xi32, #tpu.memory_space<vmem>> -> memref<128xi32, #tpu.memory_space<vmem>>
    %dma_start3A_120 = arith.constant 0 : i32
    %dma_start3A_121 = tpu.memref_slice %arg2[%add3A_112, %select_n3A_70, %dma_start3A_120] : memref<64x8x128xi32, #tpu.memory_space<hbm>> -> memref<1x1x128xi32, #tpu.memory_space<hbm>>
    %dma_start3A_122 = tpu.memref_squeeze %dma_start3A_121 : memref<1x1x128xi32, #tpu.memory_space<hbm>> -> memref<128xi32, #tpu.memory_space<hbm>>
    tpu.enqueue_dma source(%dma_start3A_122 : memref<128xi32, #tpu.memory_space<hbm>>) target(%dma_start3A_119 : memref<128xi32, #tpu.memory_space<vmem>>) target_semaphore(%arg15 : memref<!tpu.dma_semaphore, #tpu.memory_space<semaphore_mem>>)
    %add3A_123 = arith.constant 4 : i32
    %add3A_124 = arith.addi %add3A_75, %add3A_123 : i32
    %dma_start3A_125 = arith.constant 512 : i32
    %dma_start3A_126 = tpu.memref_slice %arg7[%dma_start3A_125] : memref<2048xi32, #tpu.memory_space<vmem>> -> memref<128xi32, #tpu.memory_space<vmem>>
    %dma_start3A_127 = arith.constant 0 : i32
    %dma_start3A_128 = tpu.memref_slice %arg2[%add3A_124, %select_n3A_70, %dma_start3A_127] : memref<64x8x128xi32, #tpu.memory_space<hbm>> -> memref<1x1x128xi32, #tpu.memory_space<hbm>>
    %dma_start3A_129 = tpu.memref_squeeze %dma_start3A_128 : memref<1x1x128xi32, #tpu.memory_space<hbm>> -> memref<128xi32, #tpu.memory_space<hbm>>
    %dma_start3A_130 = arith.constant 512 : i32
    %dma_start3A_131 = tpu.memref_slice %arg7[%dma_start3A_130] : memref<2048xi32, #tpu.memory_space<vmem>> -> memref<128xi32, #tpu.memory_space<vmem>>
    %dma_start3A_132 = arith.constant 0 : i32
    %dma_start3A_133 = tpu.memref_slice %arg2[%add3A_124, %select_n3A_70, %dma_start3A_132] : memref<64x8x128xi32, #tpu.memory_space<hbm>> -> memref<1x1x128xi32, #tpu.memory_space<hbm>>
    %dma_start3A_134 = tpu.memref_squeeze %dma_start3A_133 : memref<1x1x128xi32, #tpu.memory_space<hbm>> -> memref<128xi32, #tpu.memory_space<hbm>>
    tpu.enqueue_dma source(%dma_start3A_134 : memref<128xi32, #tpu.memory_space<hbm>>) target(%dma_start3A_131 : memref<128xi32, #tpu.memory_space<vmem>>) target_semaphore(%arg15 : memref<!tpu.dma_semaphore, #tpu.memory_space<semaphore_mem>>)
    %add3A_135 = arith.constant 5 : i32
    %add3A_136 = arith.addi %add3A_75, %add3A_135 : i32
    %dma_start3A_137 = arith.constant 640 : i32
    %dma_start3A_138 = tpu.memref_slice %arg7[%dma_start3A_137] : memref<2048xi32, #tpu.memory_space<vmem>> -> memref<128xi32, #tpu.memory_space<vmem>>
    %dma_start3A_139 = arith.constant 0 : i32
    %dma_start3A_140 = tpu.memref_slice %arg2[%add3A_136, %select_n3A_70, %dma_start3A_139] : memref<64x8x128xi32, #tpu.memory_space<hbm>> -> memref<1x1x128xi32, #tpu.memory_space<hbm>>
    %dma_start3A_141 = tpu.memref_squeeze %dma_start3A_140 : memref<1x1x128xi32, #tpu.memory_space<hbm>> -> memref<128xi32, #tpu.memory_space<hbm>>
    %dma_start3A_142 = arith.constant 640 : i32
    %dma_start3A_143 = tpu.memref_slice %arg7[%dma_start3A_142] : memref<2048xi32, #tpu.memory_space<vmem>> -> memref<128xi32, #tpu.memory_space<vmem>>
    %dma_start3A_144 = arith.constant 0 : i32
    %dma_start3A_145 = tpu.memref_slice %arg2[%add3A_136, %select_n3A_70, %dma_start3A_144] : memref<64x8x128xi32, #tpu.memory_space<hbm>> -> memref<1x1x128xi32, #tpu.memory_space<hbm>>
    %dma_start3A_146 = tpu.memref_squeeze %dma_start3A_145 : memref<1x1x128xi32, #tpu.memory_space<hbm>> -> memref<128xi32, #tpu.memory_space<hbm>>
    tpu.enqueue_dma source(%dma_start3A_146 : memref<128xi32, #tpu.memory_space<hbm>>) target(%dma_start3A_143 : memref<128xi32, #tpu.memory_space<vmem>>) target_semaphore(%arg15 : memref<!tpu.dma_semaphore, #tpu.memory_space<semaphore_mem>>)
    %add3A_147 = arith.constant 6 : i32
    %add3A_148 = arith.addi %add3A_75, %add3A_147 : i32
    %dma_start3A_149 = arith.constant 768 : i32
    %dma_start3A_150 = tpu.memref_slice %arg7[%dma_start3A_149] : memref<2048xi32, #tpu.memory_space<vmem>> -> memref<128xi32, #tpu.memory_space<vmem>>
    %dma_start3A_151 = arith.constant 0 : i32
    %dma_start3A_152 = tpu.memref_slice %arg2[%add3A_148, %select_n3A_70, %dma_start3A_151] : memref<64x8x128xi32, #tpu.memory_space<hbm>> -> memref<1x1x128xi32, #tpu.memory_space<hbm>>
    %dma_start3A_153 = tpu.memref_squeeze %dma_start3A_152 : memref<1x1x128xi32, #tpu.memory_space<hbm>> -> memref<128xi32, #tpu.memory_space<hbm>>
    %dma_start3A_154 = arith.constant 768 : i32
    %dma_start3A_155 = tpu.memref_slice %arg7[%dma_start3A_154] : memref<2048xi32, #tpu.memory_space<vmem>> -> memref<128xi32, #tpu.memory_space<vmem>>
    %dma_start3A_156 = arith.constant 0 : i32
    %dma_start3A_157 = tpu.memref_slice %arg2[%add3A_148, %select_n3A_70, %dma_start3A_156] : memref<64x8x128xi32, #tpu.memory_space<hbm>> -> memref<1x1x128xi32, #tpu.memory_space<hbm>>
    %dma_start3A_158 = tpu.memref_squeeze %dma_start3A_157 : memref<1x1x128xi32, #tpu.memory_space<hbm>> -> memref<128xi32, #tpu.memory_space<hbm>>
    tpu.enqueue_dma source(%dma_start3A_158 : memref<128xi32, #tpu.memory_space<hbm>>) target(%dma_start3A_155 : memref<128xi32, #tpu.memory_space<vmem>>) target_semaphore(%arg15 : memref<!tpu.dma_semaphore, #tpu.memory_space<semaphore_mem>>)
    %add3A_159 = arith.constant 7 : i32
    %add3A_160 = arith.addi %add3A_75, %add3A_159 : i32
    %dma_start3A_161 = arith.constant 896 : i32
    %dma_start3A_162 = tpu.memref_slice %arg7[%dma_start3A_161] : memref<2048xi32, #tpu.memory_space<vmem>> -> memref<128xi32, #tpu.memory_space<vmem>>
    %dma_start3A_163 = arith.constant 0 : i32
    %dma_start3A_164 = tpu.memref_slice %arg2[%add3A_160, %select_n3A_70, %dma_start3A_163] : memref<64x8x128xi32, #tpu.memory_space<hbm>> -> memref<1x1x128xi32, #tpu.memory_space<hbm>>
    %dma_start3A_165 = tpu.memref_squeeze %dma_start3A_164 : memref<1x1x128xi32, #tpu.memory_space<hbm>> -> memref<128xi32, #tpu.memory_space<hbm>>
    %dma_start3A_166 = arith.constant 896 : i32
    %dma_start3A_167 = tpu.memref_slice %arg7[%dma_start3A_166] : memref<2048xi32, #tpu.memory_space<vmem>> -> memref<128xi32, #tpu.memory_space<vmem>>
    %dma_start3A_168 = arith.constant 0 : i32
    %dma_start3A_169 = tpu.memref_slice %arg2[%add3A_160, %select_n3A_70, %dma_start3A_168] : memref<64x8x128xi32, #tpu.memory_space<hbm>> -> memref<1x1x128xi32, #tpu.memory_space<hbm>>
    %dma_start3A_170 = tpu.memref_squeeze %dma_start3A_169 : memref<1x1x128xi32, #tpu.memory_space<hbm>> -> memref<128xi32, #tpu.memory_space<hbm>>
    tpu.enqueue_dma source(%dma_start3A_170 : memref<128xi32, #tpu.memory_space<hbm>>) target(%dma_start3A_167 : memref<128xi32, #tpu.memory_space<vmem>>) target_semaphore(%arg15 : memref<!tpu.dma_semaphore, #tpu.memory_space<semaphore_mem>>)
    %add3A_171 = arith.constant 8 : i32
    %add3A_172 = arith.addi %add3A_75, %add3A_171 : i32
    %dma_start3A_173 = arith.constant 1024 : i32
    %dma_start3A_174 = tpu.memref_slice %arg7[%dma_start3A_173] : memref<2048xi32, #tpu.memory_space<vmem>> -> memref<128xi32, #tpu.memory_space<vmem>>
    %dma_start3A_175 = arith.constant 0 : i32
    %dma_start3A_176 = tpu.memref_slice %arg2[%add3A_172, %select_n3A_70, %dma_start3A_175] : memref<64x8x128xi32, #tpu.memory_space<hbm>> -> memref<1x1x128xi32, #tpu.memory_space<hbm>>
    %dma_start3A_177 = tpu.memref_squeeze %dma_start3A_176 : memref<1x1x128xi32, #tpu.memory_space<hbm>> -> memref<128xi32, #tpu.memory_space<hbm>>
    %dma_start3A_178 = arith.constant 1024 : i32
    %dma_start3A_179 = tpu.memref_slice %arg7[%dma_start3A_178] : memref<2048xi32, #tpu.memory_space<vmem>> -> memref<128xi32, #tpu.memory_space<vmem>>
    %dma_start3A_180 = arith.constant 0 : i32
    %dma_start3A_181 = tpu.memref_slice %arg2[%add3A_172, %select_n3A_70, %dma_start3A_180] : memref<64x8x128xi32, #tpu.memory_space<hbm>> -> memref<1x1x128xi32, #tpu.memory_space<hbm>>
    %dma_start3A_182 = tpu.memref_squeeze %dma_start3A_181 : memref<1x1x128xi32, #tpu.memory_space<hbm>> -> memref<128xi32, #tpu.memory_space<hbm>>
    tpu.enqueue_dma source(%dma_start3A_182 : memref<128xi32, #tpu.memory_space<hbm>>) target(%dma_start3A_179 : memref<128xi32, #tpu.memory_space<vmem>>) target_semaphore(%arg15 : memref<!tpu.dma_semaphore, #tpu.memory_space<semaphore_mem>>)
    %add3A_183 = arith.constant 9 : i32
    %add3A_184 = arith.addi %add3A_75, %add3A_183 : i32
    %dma_start3A_185 = arith.constant 1152 : i32
    %dma_start3A_186 = tpu.memref_slice %arg7[%dma_start3A_185] : memref<2048xi32, #tpu.memory_space<vmem>> -> memref<128xi32, #tpu.memory_space<vmem>>
    %dma_start3A_187 = arith.constant 0 : i32
    %dma_start3A_188 = tpu.memref_slice %arg2[%add3A_184, %select_n3A_70, %dma_start3A_187] : memref<64x8x128xi32, #tpu.memory_space<hbm>> -> memref<1x1x128xi32, #tpu.memory_space<hbm>>
    %dma_start3A_189 = tpu.memref_squeeze %dma_start3A_188 : memref<1x1x128xi32, #tpu.memory_space<hbm>> -> memref<128xi32, #tpu.memory_space<hbm>>
    %dma_start3A_190 = arith.constant 1152 : i32
    %dma_start3A_191 = tpu.memref_slice %arg7[%dma_start3A_190] : memref<2048xi32, #tpu.memory_space<vmem>> -> memref<128xi32, #tpu.memory_space<vmem>>
    %dma_start3A_192 = arith.constant 0 : i32
    %dma_start3A_193 = tpu.memref_slice %arg2[%add3A_184, %select_n3A_70, %dma_start3A_192] : memref<64x8x128xi32, #tpu.memory_space<hbm>> -> memref<1x1x128xi32, #tpu.memory_space<hbm>>
    %dma_start3A_194 = tpu.memref_squeeze %dma_start3A_193 : memref<1x1x128xi32, #tpu.memory_space<hbm>> -> memref<128xi32, #tpu.memory_space<hbm>>
    tpu.enqueue_dma source(%dma_start3A_194 : memref<128xi32, #tpu.memory_space<hbm>>) target(%dma_start3A_191 : memref<128xi32, #tpu.memory_space<vmem>>) target_semaphore(%arg15 : memref<!tpu.dma_semaphore, #tpu.memory_space<semaphore_mem>>)
    %add3A_195 = arith.constant 10 : i32
    %add3A_196 = arith.addi %add3A_75, %add3A_195 : i32
    %dma_start3A_197 = arith.constant 1280 : i32
    %dma_start3A_198 = tpu.memref_slice %arg7[%dma_start3A_197] : memref<2048xi32, #tpu.memory_space<vmem>> -> memref<128xi32, #tpu.memory_space<vmem>>
    %dma_start3A_199 = arith.constant 0 : i32
    %dma_start3A_200 = tpu.memref_slice %arg2[%add3A_196, %select_n3A_70, %dma_start3A_199] : memref<64x8x128xi32, #tpu.memory_space<hbm>> -> memref<1x1x128xi32, #tpu.memory_space<hbm>>
    %dma_start3A_201 = tpu.memref_squeeze %dma_start3A_200 : memref<1x1x128xi32, #tpu.memory_space<hbm>> -> memref<128xi32, #tpu.memory_space<hbm>>
    %dma_start3A_202 = arith.constant 1280 : i32
    %dma_start3A_203 = tpu.memref_slice %arg7[%dma_start3A_202] : memref<2048xi32, #tpu.memory_space<vmem>> -> memref<128xi32, #tpu.memory_space<vmem>>
    %dma_start3A_204 = arith.constant 0 : i32
    %dma_start3A_205 = tpu.memref_slice %arg2[%add3A_196, %select_n3A_70, %dma_start3A_204] : memref<64x8x128xi32, #tpu.memory_space<hbm>> -> memref<1x1x128xi32, #tpu.memory_space<hbm>>
    %dma_start3A_206 = tpu.memref_squeeze %dma_start3A_205 : memref<1x1x128xi32, #tpu.memory_space<hbm>> -> memref<128xi32, #tpu.memory_space<hbm>>
    tpu.enqueue_dma source(%dma_start3A_206 : memref<128xi32, #tpu.memory_space<hbm>>) target(%dma_start3A_203 : memref<128xi32, #tpu.memory_space<vmem>>) target_semaphore(%arg15 : memref<!tpu.dma_semaphore, #tpu.memory_space<semaphore_mem>>)
    %add3A_207 = arith.constant 11 : i32
    %add3A_208 = arith.addi %add3A_75, %add3A_207 : i32
    %dma_start3A_209 = arith.constant 1408 : i32
    %dma_start3A_210 = tpu.memref_slice %arg7[%dma_start3A_209] : memref<2048xi32, #tpu.memory_space<vmem>> -> memref<128xi32, #tpu.memory_space<vmem>>
    %dma_start3A_211 = arith.constant 0 : i32
    %dma_start3A_212 = tpu.memref_slice %arg2[%add3A_208, %select_n3A_70, %dma_start3A_211] : memref<64x8x128xi32, #tpu.memory_space<hbm>> -> memref<1x1x128xi32, #tpu.memory_space<hbm>>
    %dma_start3A_213 = tpu.memref_squeeze %dma_start3A_212 : memref<1x1x128xi32, #tpu.memory_space<hbm>> -> memref<128xi32, #tpu.memory_space<hbm>>
    %dma_start3A_214 = arith.constant 1408 : i32
    %dma_start3A_215 = tpu.memref_slice %arg7[%dma_start3A_214] : memref<2048xi32, #tpu.memory_space<vmem>> -> memref<128xi32, #tpu.memory_space<vmem>>
    %dma_start3A_216 = arith.constant 0 : i32
    %dma_start3A_217 = tpu.memref_slice %arg2[%add3A_208, %select_n3A_70, %dma_start3A_216] : memref<64x8x128xi32, #tpu.memory_space<hbm>> -> memref<1x1x128xi32, #tpu.memory_space<hbm>>
    %dma_start3A_218 = tpu.memref_squeeze %dma_start3A_217 : memref<1x1x128xi32, #tpu.memory_space<hbm>> -> memref<128xi32, #tpu.memory_space<hbm>>
    tpu.enqueue_dma source(%dma_start3A_218 : memref<128xi32, #tpu.memory_space<hbm>>) target(%dma_start3A_215 : memref<128xi32, #tpu.memory_space<vmem>>) target_semaphore(%arg15 : memref<!tpu.dma_semaphore, #tpu.memory_space<semaphore_mem>>)
    %add3A_219 = arith.constant 12 : i32
    %add3A_220 = arith.addi %add3A_75, %add3A_219 : i32
    %dma_start3A_221 = arith.constant 1536 : i32
    %dma_start3A_222 = tpu.memref_slice %arg7[%dma_start3A_221] : memref<2048xi32, #tpu.memory_space<vmem>> -> memref<128xi32, #tpu.memory_space<vmem>>
    %dma_start3A_223 = arith.constant 0 : i32
    %dma_start3A_224 = tpu.memref_slice %arg2[%add3A_220, %select_n3A_70, %dma_start3A_223] : memref<64x8x128xi32, #tpu.memory_space<hbm>> -> memref<1x1x128xi32, #tpu.memory_space<hbm>>
    %dma_start3A_225 = tpu.memref_squeeze %dma_start3A_224 : memref<1x1x128xi32, #tpu.memory_space<hbm>> -> memref<128xi32, #tpu.memory_space<hbm>>
    %dma_start3A_226 = arith.constant 1536 : i32
    %dma_start3A_227 = tpu.memref_slice %arg7[%dma_start3A_226] : memref<2048xi32, #tpu.memory_space<vmem>> -> memref<128xi32, #tpu.memory_space<vmem>>
    %dma_start3A_228 = arith.constant 0 : i32
    %dma_start3A_229 = tpu.memref_slice %arg2[%add3A_220, %select_n3A_70, %dma_start3A_228] : memref<64x8x128xi32, #tpu.memory_space<hbm>> -> memref<1x1x128xi32, #tpu.memory_space<hbm>>
    %dma_start3A_230 = tpu.memref_squeeze %dma_start3A_229 : memref<1x1x128xi32, #tpu.memory_space<hbm>> -> memref<128xi32, #tpu.memory_space<hbm>>
    tpu.enqueue_dma source(%dma_start3A_230 : memref<128xi32, #tpu.memory_space<hbm>>) target(%dma_start3A_227 : memref<128xi32, #tpu.memory_space<vmem>>) target_semaphore(%arg15 : memref<!tpu.dma_semaphore, #tpu.memory_space<semaphore_mem>>)
    %add3A_231 = arith.constant 13 : i32
    %add3A_232 = arith.addi %add3A_75, %add3A_231 : i32
    %dma_start3A_233 = arith.constant 1664 : i32
    %dma_start3A_234 = tpu.memref_slice %arg7[%dma_start3A_233] : memref<2048xi32, #tpu.memory_space<vmem>> -> memref<128xi32, #tpu.memory_space<vmem>>
    %dma_start3A_235 = arith.constant 0 : i32
    %dma_start3A_236 = tpu.memref_slice %arg2[%add3A_232, %select_n3A_70, %dma_start3A_235] : memref<64x8x128xi32, #tpu.memory_space<hbm>> -> memref<1x1x128xi32, #tpu.memory_space<hbm>>
    %dma_start3A_237 = tpu.memref_squeeze %dma_start3A_236 : memref<1x1x128xi32, #tpu.memory_space<hbm>> -> memref<128xi32, #tpu.memory_space<hbm>>
    %dma_start3A_238 = arith.constant 1664 : i32
    %dma_start3A_239 = tpu.memref_slice %arg7[%dma_start3A_238] : memref<2048xi32, #tpu.memory_space<vmem>> -> memref<128xi32, #tpu.memory_space<vmem>>
    %dma_start3A_240 = arith.constant 0 : i32
    %dma_start3A_241 = tpu.memref_slice %arg2[%add3A_232, %select_n3A_70, %dma_start3A_240] : memref<64x8x128xi32, #tpu.memory_space<hbm>> -> memref<1x1x128xi32, #tpu.memory_space<hbm>>
    %dma_start3A_242 = tpu.memref_squeeze %dma_start3A_241 : memref<1x1x128xi32, #tpu.memory_space<hbm>> -> memref<128xi32, #tpu.memory_space<hbm>>
    tpu.enqueue_dma source(%dma_start3A_242 : memref<128xi32, #tpu.memory_space<hbm>>) target(%dma_start3A_239 : memref<128xi32, #tpu.memory_space<vmem>>) target_semaphore(%arg15 : memref<!tpu.dma_semaphore, #tpu.memory_space<semaphore_mem>>)
    %add3A_243 = arith.constant 14 : i32
    %add3A_244 = arith.addi %add3A_75, %add3A_243 : i32
    %dma_start3A_245 = arith.constant 1792 : i32
    %dma_start3A_246 = tpu.memref_slice %arg7[%dma_start3A_245] : memref<2048xi32, #tpu.memory_space<vmem>> -> memref<128xi32, #tpu.memory_space<vmem>>
    %dma_start3A_247 = arith.constant 0 : i32
    %dma_start3A_248 = tpu.memref_slice %arg2[%add3A_244, %select_n3A_70, %dma_start3A_247] : memref<64x8x128xi32, #tpu.memory_space<hbm>> -> memref<1x1x128xi32, #tpu.memory_space<hbm>>
    %dma_start3A_249 = tpu.memref_squeeze %dma_start3A_248 : memref<1x1x128xi32, #tpu.memory_space<hbm>> -> memref<128xi32, #tpu.memory_space<hbm>>
    %dma_start3A_250 = arith.constant 1792 : i32
    %dma_start3A_251 = tpu.memref_slice %arg7[%dma_start3A_250] : memref<2048xi32, #tpu.memory_space<vmem>> -> memref<128xi32, #tpu.memory_space<vmem>>
    %dma_start3A_252 = arith.constant 0 : i32
    %dma_start3A_253 = tpu.memref_slice %arg2[%add3A_244, %select_n3A_70, %dma_start3A_252] : memref<64x8x128xi32, #tpu.memory_space<hbm>> -> memref<1x1x128xi32, #tpu.memory_space<hbm>>
    %dma_start3A_254 = tpu.memref_squeeze %dma_start3A_253 : memref<1x1x128xi32, #tpu.memory_space<hbm>> -> memref<128xi32, #tpu.memory_space<hbm>>
    tpu.enqueue_dma source(%dma_start3A_254 : memref<128xi32, #tpu.memory_space<hbm>>) target(%dma_start3A_251 : memref<128xi32, #tpu.memory_space<vmem>>) target_semaphore(%arg15 : memref<!tpu.dma_semaphore, #tpu.memory_space<semaphore_mem>>)
    %add3A_255 = arith.constant 15 : i32
    %add3A_256 = arith.addi %add3A_75, %add3A_255 : i32
    %dma_start3A_257 = arith.constant 1920 : i32
    %dma_start3A_258 = tpu.memref_slice %arg7[%dma_start3A_257] : memref<2048xi32, #tpu.memory_space<vmem>> -> memref<128xi32, #tpu.memory_space<vmem>>
    %dma_start3A_259 = arith.constant 0 : i32
    %dma_start3A_260 = tpu.memref_slice %arg2[%add3A_256, %select_n3A_70, %dma_start3A_259] : memref<64x8x128xi32, #tpu.memory_space<hbm>> -> memref<1x1x128xi32, #tpu.memory_space<hbm>>
    %dma_start3A_261 = tpu.memref_squeeze %dma_start3A_260 : memref<1x1x128xi32, #tpu.memory_space<hbm>> -> memref<128xi32, #tpu.memory_space<hbm>>
    %dma_start3A_262 = arith.constant 1920 : i32
    %dma_start3A_263 = tpu.memref_slice %arg7[%dma_start3A_262] : memref<2048xi32, #tpu.memory_space<vmem>> -> memref<128xi32, #tpu.memory_space<vmem>>
    %dma_start3A_264 = arith.constant 0 : i32
    %dma_start3A_265 = tpu.memref_slice %arg2[%add3A_256, %select_n3A_70, %dma_start3A_264] : memref<64x8x128xi32, #tpu.memory_space<hbm>> -> memref<1x1x128xi32, #tpu.memory_space<hbm>>
    %dma_start3A_266 = tpu.memref_squeeze %dma_start3A_265 : memref<1x1x128xi32, #tpu.memory_space<hbm>> -> memref<128xi32, #tpu.memory_space<hbm>>
    tpu.enqueue_dma source(%dma_start3A_266 : memref<128xi32, #tpu.memory_space<hbm>>) target(%dma_start3A_263 : memref<128xi32, #tpu.memory_space<vmem>>) target_semaphore(%arg15 : memref<!tpu.dma_semaphore, #tpu.memory_space<semaphore_mem>>)
    tpu.enqueue_dma source(%arg3 : memref<16xi32, #tpu.memory_space<hbm>>) target(%arg9 : memref<16xi32, #tpu.memory_space<vmem>>) target_semaphore(%arg15 : memref<!tpu.dma_semaphore, #tpu.memory_space<semaphore_mem>>)
    %dma_start3A_267 = arith.constant 0 : i32
    %dma_start3A_268 = tpu.memref_slice %arg10[%dma_start3A_267] : memref<16xf32, #tpu.memory_space<vmem>> -> memref<8xf32, #tpu.memory_space<vmem>>
    %dma_start3A_269 = arith.constant 0 : i32
    %dma_start3A_270 = tpu.memref_slice %arg10[%dma_start3A_269] : memref<16xf32, #tpu.memory_space<vmem>> -> memref<8xf32, #tpu.memory_space<vmem>>
    tpu.enqueue_dma source(%arg4 : memref<8xf32, #tpu.memory_space<hbm>>) target(%dma_start3A_270 : memref<8xf32, #tpu.memory_space<vmem>>) target_semaphore(%arg15 : memref<!tpu.dma_semaphore, #tpu.memory_space<semaphore_mem>>)
    %dma_start3A_271 = arith.constant 8 : i32
    %dma_start3A_272 = tpu.memref_slice %arg10[%dma_start3A_271] : memref<16xf32, #tpu.memory_space<vmem>> -> memref<8xf32, #tpu.memory_space<vmem>>
    %dma_start3A_273 = arith.constant 8 : i32
    %dma_start3A_274 = tpu.memref_slice %arg10[%dma_start3A_273] : memref<16xf32, #tpu.memory_space<vmem>> -> memref<8xf32, #tpu.memory_space<vmem>>
    tpu.enqueue_dma source(%arg5 : memref<8xf32, #tpu.memory_space<hbm>>) target(%dma_start3A_274 : memref<8xf32, #tpu.memory_space<vmem>>) target_semaphore(%arg15 : memref<!tpu.dma_semaphore, #tpu.memory_space<semaphore_mem>>)
    %dma_wait3A = arith.constant 0 : i32
    %dma_wait3A_275 = tpu.memref_slice %arg7[%dma_wait3A] : memref<2048xi32, #tpu.memory_space<vmem>> -> memref<128xi32, #tpu.memory_space<vmem>>
    %dma_wait3A_276 = arith.constant 0 : i32
    %dma_wait3A_277 = tpu.memref_slice %arg2[%add3A_77, %select_n3A_70, %dma_wait3A_276] : memref<64x8x128xi32, #tpu.memory_space<hbm>> -> memref<1x1x128xi32, #tpu.memory_space<hbm>>
    %dma_wait3A_278 = tpu.memref_squeeze %dma_wait3A_277 : memref<1x1x128xi32, #tpu.memory_space<hbm>> -> memref<128xi32, #tpu.memory_space<hbm>>
    %dma_wait3A_279 = arith.constant 0 : i32
    %dma_wait3A_280 = tpu.memref_slice %arg7[%dma_wait3A_279] : memref<2048xi32, #tpu.memory_space<vmem>> -> memref<128xi32, #tpu.memory_space<vmem>>
    %dma_wait3A_281 = arith.constant 0 : i32
    %dma_wait3A_282 = tpu.memref_slice %arg2[%add3A_77, %select_n3A_70, %dma_wait3A_281] : memref<64x8x128xi32, #tpu.memory_space<hbm>> -> memref<1x1x128xi32, #tpu.memory_space<hbm>>
    %dma_wait3A_283 = tpu.memref_squeeze %dma_wait3A_282 : memref<1x1x128xi32, #tpu.memory_space<hbm>> -> memref<128xi32, #tpu.memory_space<hbm>>
    tpu.wait_dma2 semaphore(%arg15 : memref<!tpu.dma_semaphore, #tpu.memory_space<semaphore_mem>>) src(%dma_wait3A_283 : memref<128xi32, #tpu.memory_space<hbm>>) dst(%dma_wait3A_280 : memref<128xi32, #tpu.memory_space<vmem>>)
    %dma_wait3A_284 = arith.constant 128 : i32
    %dma_wait3A_285 = tpu.memref_slice %arg7[%dma_wait3A_284] : memref<2048xi32, #tpu.memory_space<vmem>> -> memref<128xi32, #tpu.memory_space<vmem>>
    %dma_wait3A_286 = arith.constant 0 : i32
    %dma_wait3A_287 = tpu.memref_slice %arg2[%add3A_88, %select_n3A_70, %dma_wait3A_286] : memref<64x8x128xi32, #tpu.memory_space<hbm>> -> memref<1x1x128xi32, #tpu.memory_space<hbm>>
    %dma_wait3A_288 = tpu.memref_squeeze %dma_wait3A_287 : memref<1x1x128xi32, #tpu.memory_space<hbm>> -> memref<128xi32, #tpu.memory_space<hbm>>
    %dma_wait3A_289 = arith.constant 128 : i32
    %dma_wait3A_290 = tpu.memref_slice %arg7[%dma_wait3A_289] : memref<2048xi32, #tpu.memory_space<vmem>> -> memref<128xi32, #tpu.memory_space<vmem>>
    %dma_wait3A_291 = arith.constant 0 : i32
    %dma_wait3A_292 = tpu.memref_slice %arg2[%add3A_88, %select_n3A_70, %dma_wait3A_291] : memref<64x8x128xi32, #tpu.memory_space<hbm>> -> memref<1x1x128xi32, #tpu.memory_space<hbm>>
    %dma_wait3A_293 = tpu.memref_squeeze %dma_wait3A_292 : memref<1x1x128xi32, #tpu.memory_space<hbm>> -> memref<128xi32, #tpu.memory_space<hbm>>
    tpu.wait_dma2 semaphore(%arg15 : memref<!tpu.dma_semaphore, #tpu.memory_space<semaphore_mem>>) src(%dma_wait3A_293 : memref<128xi32, #tpu.memory_space<hbm>>) dst(%dma_wait3A_290 : memref<128xi32, #tpu.memory_space<vmem>>)
    %dma_wait3A_294 = arith.constant 256 : i32
    %dma_wait3A_295 = tpu.memref_slice %arg7[%dma_wait3A_294] : memref<2048xi32, #tpu.memory_space<vmem>> -> memref<128xi32, #tpu.memory_space<vmem>>
    %dma_wait3A_296 = arith.constant 0 : i32
    %dma_wait3A_297 = tpu.memref_slice %arg2[%add3A_100, %select_n3A_70, %dma_wait3A_296] : memref<64x8x128xi32, #tpu.memory_space<hbm>> -> memref<1x1x128xi32, #tpu.memory_space<hbm>>
    %dma_wait3A_298 = tpu.memref_squeeze %dma_wait3A_297 : memref<1x1x128xi32, #tpu.memory_space<hbm>> -> memref<128xi32, #tpu.memory_space<hbm>>
    %dma_wait3A_299 = arith.constant 256 : i32
    %dma_wait3A_300 = tpu.memref_slice %arg7[%dma_wait3A_299] : memref<2048xi32, #tpu.memory_space<vmem>> -> memref<128xi32, #tpu.memory_space<vmem>>
    %dma_wait3A_301 = arith.constant 0 : i32
    %dma_wait3A_302 = tpu.memref_slice %arg2[%add3A_100, %select_n3A_70, %dma_wait3A_301] : memref<64x8x128xi32, #tpu.memory_space<hbm>> -> memref<1x1x128xi32, #tpu.memory_space<hbm>>
    %dma_wait3A_303 = tpu.memref_squeeze %dma_wait3A_302 : memref<1x1x128xi32, #tpu.memory_space<hbm>> -> memref<128xi32, #tpu.memory_space<hbm>>
    tpu.wait_dma2 semaphore(%arg15 : memref<!tpu.dma_semaphore, #tpu.memory_space<semaphore_mem>>) src(%dma_wait3A_303 : memref<128xi32, #tpu.memory_space<hbm>>) dst(%dma_wait3A_300 : memref<128xi32, #tpu.memory_space<vmem>>)
    %dma_wait3A_304 = arith.constant 384 : i32
    %dma_wait3A_305 = tpu.memref_slice %arg7[%dma_wait3A_304] : memref<2048xi32, #tpu.memory_space<vmem>> -> memref<128xi32, #tpu.memory_space<vmem>>
    %dma_wait3A_306 = arith.constant 0 : i32
    %dma_wait3A_307 = tpu.memref_slice %arg2[%add3A_112, %select_n3A_70, %dma_wait3A_306] : memref<64x8x128xi32, #tpu.memory_space<hbm>> -> memref<1x1x128xi32, #tpu.memory_space<hbm>>
    %dma_wait3A_308 = tpu.memref_squeeze %dma_wait3A_307 : memref<1x1x128xi32, #tpu.memory_space<hbm>> -> memref<128xi32, #tpu.memory_space<hbm>>
    %dma_wait3A_309 = arith.constant 384 : i32
    %dma_wait3A_310 = tpu.memref_slice %arg7[%dma_wait3A_309] : memref<2048xi32, #tpu.memory_space<vmem>> -> memref<128xi32, #tpu.memory_space<vmem>>
    %dma_wait3A_311 = arith.constant 0 : i32
    %dma_wait3A_312 = tpu.memref_slice %arg2[%add3A_112, %select_n3A_70, %dma_wait3A_311] : memref<64x8x128xi32, #tpu.memory_space<hbm>> -> memref<1x1x128xi32, #tpu.memory_space<hbm>>
    %dma_wait3A_313 = tpu.memref_squeeze %dma_wait3A_312 : memref<1x1x128xi32, #tpu.memory_space<hbm>> -> memref<128xi32, #tpu.memory_space<hbm>>
    tpu.wait_dma2 semaphore(%arg15 : memref<!tpu.dma_semaphore, #tpu.memory_space<semaphore_mem>>) src(%dma_wait3A_313 : memref<128xi32, #tpu.memory_space<hbm>>) dst(%dma_wait3A_310 : memref<128xi32, #tpu.memory_space<vmem>>)
    %dma_wait3A_314 = arith.constant 512 : i32
    %dma_wait3A_315 = tpu.memref_slice %arg7[%dma_wait3A_314] : memref<2048xi32, #tpu.memory_space<vmem>> -> memref<128xi32, #tpu.memory_space<vmem>>
    %dma_wait3A_316 = arith.constant 0 : i32
    %dma_wait3A_317 = tpu.memref_slice %arg2[%add3A_124, %select_n3A_70, %dma_wait3A_316] : memref<64x8x128xi32, #tpu.memory_space<hbm>> -> memref<1x1x128xi32, #tpu.memory_space<hbm>>
    %dma_wait3A_318 = tpu.memref_squeeze %dma_wait3A_317 : memref<1x1x128xi32, #tpu.memory_space<hbm>> -> memref<128xi32, #tpu.memory_space<hbm>>
    %dma_wait3A_319 = arith.constant 512 : i32
    %dma_wait3A_320 = tpu.memref_slice %arg7[%dma_wait3A_319] : memref<2048xi32, #tpu.memory_space<vmem>> -> memref<128xi32, #tpu.memory_space<vmem>>
    %dma_wait3A_321 = arith.constant 0 : i32
    %dma_wait3A_322 = tpu.memref_slice %arg2[%add3A_124, %select_n3A_70, %dma_wait3A_321] : memref<64x8x128xi32, #tpu.memory_space<hbm>> -> memref<1x1x128xi32, #tpu.memory_space<hbm>>
    %dma_wait3A_323 = tpu.memref_squeeze %dma_wait3A_322 : memref<1x1x128xi32, #tpu.memory_space<hbm>> -> memref<128xi32, #tpu.memory_space<hbm>>
    tpu.wait_dma2 semaphore(%arg15 : memref<!tpu.dma_semaphore, #tpu.memory_space<semaphore_mem>>) src(%dma_wait3A_323 : memref<128xi32, #tpu.memory_space<hbm>>) dst(%dma_wait3A_320 : memref<128xi32, #tpu.memory_space<vmem>>)
    %dma_wait3A_324 = arith.constant 640 : i32
    %dma_wait3A_325 = tpu.memref_slice %arg7[%dma_wait3A_324] : memref<2048xi32, #tpu.memory_space<vmem>> -> memref<128xi32, #tpu.memory_space<vmem>>
    %dma_wait3A_326 = arith.constant 0 : i32
    %dma_wait3A_327 = tpu.memref_slice %arg2[%add3A_136, %select_n3A_70, %dma_wait3A_326] : memref<64x8x128xi32, #tpu.memory_space<hbm>> -> memref<1x1x128xi32, #tpu.memory_space<hbm>>
    %dma_wait3A_328 = tpu.memref_squeeze %dma_wait3A_327 : memref<1x1x128xi32, #tpu.memory_space<hbm>> -> memref<128xi32, #tpu.memory_space<hbm>>
    %dma_wait3A_329 = arith.constant 640 : i32
    %dma_wait3A_330 = tpu.memref_slice %arg7[%dma_wait3A_329] : memref<2048xi32, #tpu.memory_space<vmem>> -> memref<128xi32, #tpu.memory_space<vmem>>
    %dma_wait3A_331 = arith.constant 0 : i32
    %dma_wait3A_332 = tpu.memref_slice %arg2[%add3A_136, %select_n3A_70, %dma_wait3A_331] : memref<64x8x128xi32, #tpu.memory_space<hbm>> -> memref<1x1x128xi32, #tpu.memory_space<hbm>>
    %dma_wait3A_333 = tpu.memref_squeeze %dma_wait3A_332 : memref<1x1x128xi32, #tpu.memory_space<hbm>> -> memref<128xi32, #tpu.memory_space<hbm>>
    tpu.wait_dma2 semaphore(%arg15 : memref<!tpu.dma_semaphore, #tpu.memory_space<semaphore_mem>>) src(%dma_wait3A_333 : memref<128xi32, #tpu.memory_space<hbm>>) dst(%dma_wait3A_330 : memref<128xi32, #tpu.memory_space<vmem>>)
    %dma_wait3A_334 = arith.constant 768 : i32
    %dma_wait3A_335 = tpu.memref_slice %arg7[%dma_wait3A_334] : memref<2048xi32, #tpu.memory_space<vmem>> -> memref<128xi32, #tpu.memory_space<vmem>>
    %dma_wait3A_336 = arith.constant 0 : i32
    %dma_wait3A_337 = tpu.memref_slice %arg2[%add3A_148, %select_n3A_70, %dma_wait3A_336] : memref<64x8x128xi32, #tpu.memory_space<hbm>> -> memref<1x1x128xi32, #tpu.memory_space<hbm>>
    %dma_wait3A_338 = tpu.memref_squeeze %dma_wait3A_337 : memref<1x1x128xi32, #tpu.memory_space<hbm>> -> memref<128xi32, #tpu.memory_space<hbm>>
    %dma_wait3A_339 = arith.constant 768 : i32
    %dma_wait3A_340 = tpu.memref_slice %arg7[%dma_wait3A_339] : memref<2048xi32, #tpu.memory_space<vmem>> -> memref<128xi32, #tpu.memory_space<vmem>>
    %dma_wait3A_341 = arith.constant 0 : i32
    %dma_wait3A_342 = tpu.memref_slice %arg2[%add3A_148, %select_n3A_70, %dma_wait3A_341] : memref<64x8x128xi32, #tpu.memory_space<hbm>> -> memref<1x1x128xi32, #tpu.memory_space<hbm>>
    %dma_wait3A_343 = tpu.memref_squeeze %dma_wait3A_342 : memref<1x1x128xi32, #tpu.memory_space<hbm>> -> memref<128xi32, #tpu.memory_space<hbm>>
    tpu.wait_dma2 semaphore(%arg15 : memref<!tpu.dma_semaphore, #tpu.memory_space<semaphore_mem>>) src(%dma_wait3A_343 : memref<128xi32, #tpu.memory_space<hbm>>) dst(%dma_wait3A_340 : memref<128xi32, #tpu.memory_space<vmem>>)
    %dma_wait3A_344 = arith.constant 896 : i32
    %dma_wait3A_345 = tpu.memref_slice %arg7[%dma_wait3A_344] : memref<2048xi32, #tpu.memory_space<vmem>> -> memref<128xi32, #tpu.memory_space<vmem>>
    %dma_wait3A_346 = arith.constant 0 : i32
    %dma_wait3A_347 = tpu.memref_slice %arg2[%add3A_160, %select_n3A_70, %dma_wait3A_346] : memref<64x8x128xi32, #tpu.memory_space<hbm>> -> memref<1x1x128xi32, #tpu.memory_space<hbm>>
    %dma_wait3A_348 = tpu.memref_squeeze %dma_wait3A_347 : memref<1x1x128xi32, #tpu.memory_space<hbm>> -> memref<128xi32, #tpu.memory_space<hbm>>
    %dma_wait3A_349 = arith.constant 896 : i32
    %dma_wait3A_350 = tpu.memref_slice %arg7[%dma_wait3A_349] : memref<2048xi32, #tpu.memory_space<vmem>> -> memref<128xi32, #tpu.memory_space<vmem>>
    %dma_wait3A_351 = arith.constant 0 : i32
    %dma_wait3A_352 = tpu.memref_slice %arg2[%add3A_160, %select_n3A_70, %dma_wait3A_351] : memref<64x8x128xi32, #tpu.memory_space<hbm>> -> memref<1x1x128xi32, #tpu.memory_space<hbm>>
    %dma_wait3A_353 = tpu.memref_squeeze %dma_wait3A_352 : memref<1x1x128xi32, #tpu.memory_space<hbm>> -> memref<128xi32, #tpu.memory_space<hbm>>
    tpu.wait_dma2 semaphore(%arg15 : memref<!tpu.dma_semaphore, #tpu.memory_space<semaphore_mem>>) src(%dma_wait3A_353 : memref<128xi32, #tpu.memory_space<hbm>>) dst(%dma_wait3A_350 : memref<128xi32, #tpu.memory_space<vmem>>)
    %dma_wait3A_354 = arith.constant 1024 : i32
    %dma_wait3A_355 = tpu.memref_slice %arg7[%dma_wait3A_354] : memref<2048xi32, #tpu.memory_space<vmem>> -> memref<128xi32, #tpu.memory_space<vmem>>
    %dma_wait3A_356 = arith.constant 0 : i32
    %dma_wait3A_357 = tpu.memref_slice %arg2[%add3A_172, %select_n3A_70, %dma_wait3A_356] : memref<64x8x128xi32, #tpu.memory_space<hbm>> -> memref<1x1x128xi32, #tpu.memory_space<hbm>>
    %dma_wait3A_358 = tpu.memref_squeeze %dma_wait3A_357 : memref<1x1x128xi32, #tpu.memory_space<hbm>> -> memref<128xi32, #tpu.memory_space<hbm>>
    %dma_wait3A_359 = arith.constant 1024 : i32
    %dma_wait3A_360 = tpu.memref_slice %arg7[%dma_wait3A_359] : memref<2048xi32, #tpu.memory_space<vmem>> -> memref<128xi32, #tpu.memory_space<vmem>>
    %dma_wait3A_361 = arith.constant 0 : i32
    %dma_wait3A_362 = tpu.memref_slice %arg2[%add3A_172, %select_n3A_70, %dma_wait3A_361] : memref<64x8x128xi32, #tpu.memory_space<hbm>> -> memref<1x1x128xi32, #tpu.memory_space<hbm>>
    %dma_wait3A_363 = tpu.memref_squeeze %dma_wait3A_362 : memref<1x1x128xi32, #tpu.memory_space<hbm>> -> memref<128xi32, #tpu.memory_space<hbm>>
    tpu.wait_dma2 semaphore(%arg15 : memref<!tpu.dma_semaphore, #tpu.memory_space<semaphore_mem>>) src(%dma_wait3A_363 : memref<128xi32, #tpu.memory_space<hbm>>) dst(%dma_wait3A_360 : memref<128xi32, #tpu.memory_space<vmem>>)
    %dma_wait3A_364 = arith.constant 1152 : i32
    %dma_wait3A_365 = tpu.memref_slice %arg7[%dma_wait3A_364] : memref<2048xi32, #tpu.memory_space<vmem>> -> memref<128xi32, #tpu.memory_space<vmem>>
    %dma_wait3A_366 = arith.constant 0 : i32
    %dma_wait3A_367 = tpu.memref_slice %arg2[%add3A_184, %select_n3A_70, %dma_wait3A_366] : memref<64x8x128xi32, #tpu.memory_space<hbm>> -> memref<1x1x128xi32, #tpu.memory_space<hbm>>
    %dma_wait3A_368 = tpu.memref_squeeze %dma_wait3A_367 : memref<1x1x128xi32, #tpu.memory_space<hbm>> -> memref<128xi32, #tpu.memory_space<hbm>>
    %dma_wait3A_369 = arith.constant 1152 : i32
    %dma_wait3A_370 = tpu.memref_slice %arg7[%dma_wait3A_369] : memref<2048xi32, #tpu.memory_space<vmem>> -> memref<128xi32, #tpu.memory_space<vmem>>
    %dma_wait3A_371 = arith.constant 0 : i32
    %dma_wait3A_372 = tpu.memref_slice %arg2[%add3A_184, %select_n3A_70, %dma_wait3A_371] : memref<64x8x128xi32, #tpu.memory_space<hbm>> -> memref<1x1x128xi32, #tpu.memory_space<hbm>>
    %dma_wait3A_373 = tpu.memref_squeeze %dma_wait3A_372 : memref<1x1x128xi32, #tpu.memory_space<hbm>> -> memref<128xi32, #tpu.memory_space<hbm>>
    tpu.wait_dma2 semaphore(%arg15 : memref<!tpu.dma_semaphore, #tpu.memory_space<semaphore_mem>>) src(%dma_wait3A_373 : memref<128xi32, #tpu.memory_space<hbm>>) dst(%dma_wait3A_370 : memref<128xi32, #tpu.memory_space<vmem>>)
    %dma_wait3A_374 = arith.constant 1280 : i32
    %dma_wait3A_375 = tpu.memref_slice %arg7[%dma_wait3A_374] : memref<2048xi32, #tpu.memory_space<vmem>> -> memref<128xi32, #tpu.memory_space<vmem>>
    %dma_wait3A_376 = arith.constant 0 : i32
    %dma_wait3A_377 = tpu.memref_slice %arg2[%add3A_196, %select_n3A_70, %dma_wait3A_376] : memref<64x8x128xi32, #tpu.memory_space<hbm>> -> memref<1x1x128xi32, #tpu.memory_space<hbm>>
    %dma_wait3A_378 = tpu.memref_squeeze %dma_wait3A_377 : memref<1x1x128xi32, #tpu.memory_space<hbm>> -> memref<128xi32, #tpu.memory_space<hbm>>
    %dma_wait3A_379 = arith.constant 1280 : i32
    %dma_wait3A_380 = tpu.memref_slice %arg7[%dma_wait3A_379] : memref<2048xi32, #tpu.memory_space<vmem>> -> memref<128xi32, #tpu.memory_space<vmem>>
    %dma_wait3A_381 = arith.constant 0 : i32
    %dma_wait3A_382 = tpu.memref_slice %arg2[%add3A_196, %select_n3A_70, %dma_wait3A_381] : memref<64x8x128xi32, #tpu.memory_space<hbm>> -> memref<1x1x128xi32, #tpu.memory_space<hbm>>
    %dma_wait3A_383 = tpu.memref_squeeze %dma_wait3A_382 : memref<1x1x128xi32, #tpu.memory_space<hbm>> -> memref<128xi32, #tpu.memory_space<hbm>>
    tpu.wait_dma2 semaphore(%arg15 : memref<!tpu.dma_semaphore, #tpu.memory_space<semaphore_mem>>) src(%dma_wait3A_383 : memref<128xi32, #tpu.memory_space<hbm>>) dst(%dma_wait3A_380 : memref<128xi32, #tpu.memory_space<vmem>>)
    %dma_wait3A_384 = arith.constant 1408 : i32
    %dma_wait3A_385 = tpu.memref_slice %arg7[%dma_wait3A_384] : memref<2048xi32, #tpu.memory_space<vmem>> -> memref<128xi32, #tpu.memory_space<vmem>>
    %dma_wait3A_386 = arith.constant 0 : i32
    %dma_wait3A_387 = tpu.memref_slice %arg2[%add3A_208, %select_n3A_70, %dma_wait3A_386] : memref<64x8x128xi32, #tpu.memory_space<hbm>> -> memref<1x1x128xi32, #tpu.memory_space<hbm>>
    %dma_wait3A_388 = tpu.memref_squeeze %dma_wait3A_387 : memref<1x1x128xi32, #tpu.memory_space<hbm>> -> memref<128xi32, #tpu.memory_space<hbm>>
    %dma_wait3A_389 = arith.constant 1408 : i32
    %dma_wait3A_390 = tpu.memref_slice %arg7[%dma_wait3A_389] : memref<2048xi32, #tpu.memory_space<vmem>> -> memref<128xi32, #tpu.memory_space<vmem>>
    %dma_wait3A_391 = arith.constant 0 : i32
    %dma_wait3A_392 = tpu.memref_slice %arg2[%add3A_208, %select_n3A_70, %dma_wait3A_391] : memref<64x8x128xi32, #tpu.memory_space<hbm>> -> memref<1x1x128xi32, #tpu.memory_space<hbm>>
    %dma_wait3A_393 = tpu.memref_squeeze %dma_wait3A_392 : memref<1x1x128xi32, #tpu.memory_space<hbm>> -> memref<128xi32, #tpu.memory_space<hbm>>
    tpu.wait_dma2 semaphore(%arg15 : memref<!tpu.dma_semaphore, #tpu.memory_space<semaphore_mem>>) src(%dma_wait3A_393 : memref<128xi32, #tpu.memory_space<hbm>>) dst(%dma_wait3A_390 : memref<128xi32, #tpu.memory_space<vmem>>)
    %dma_wait3A_394 = arith.constant 1536 : i32
    %dma_wait3A_395 = tpu.memref_slice %arg7[%dma_wait3A_394] : memref<2048xi32, #tpu.memory_space<vmem>> -> memref<128xi32, #tpu.memory_space<vmem>>
    %dma_wait3A_396 = arith.constant 0 : i32
    %dma_wait3A_397 = tpu.memref_slice %arg2[%add3A_220, %select_n3A_70, %dma_wait3A_396] : memref<64x8x128xi32, #tpu.memory_space<hbm>> -> memref<1x1x128xi32, #tpu.memory_space<hbm>>
    %dma_wait3A_398 = tpu.memref_squeeze %dma_wait3A_397 : memref<1x1x128xi32, #tpu.memory_space<hbm>> -> memref<128xi32, #tpu.memory_space<hbm>>
    %dma_wait3A_399 = arith.constant 1536 : i32
    %dma_wait3A_400 = tpu.memref_slice %arg7[%dma_wait3A_399] : memref<2048xi32, #tpu.memory_space<vmem>> -> memref<128xi32, #tpu.memory_space<vmem>>
    %dma_wait3A_401 = arith.constant 0 : i32
    %dma_wait3A_402 = tpu.memref_slice %arg2[%add3A_220, %select_n3A_70, %dma_wait3A_401] : memref<64x8x128xi32, #tpu.memory_space<hbm>> -> memref<1x1x128xi32, #tpu.memory_space<hbm>>
    %dma_wait3A_403 = tpu.memref_squeeze %dma_wait3A_402 : memref<1x1x128xi32, #tpu.memory_space<hbm>> -> memref<128xi32, #tpu.memory_space<hbm>>
    tpu.wait_dma2 semaphore(%arg15 : memref<!tpu.dma_semaphore, #tpu.memory_space<semaphore_mem>>) src(%dma_wait3A_403 : memref<128xi32, #tpu.memory_space<hbm>>) dst(%dma_wait3A_400 : memref<128xi32, #tpu.memory_space<vmem>>)
    %dma_wait3A_404 = arith.constant 1664 : i32
    %dma_wait3A_405 = tpu.memref_slice %arg7[%dma_wait3A_404] : memref<2048xi32, #tpu.memory_space<vmem>> -> memref<128xi32, #tpu.memory_space<vmem>>
    %dma_wait3A_406 = arith.constant 0 : i32
    %dma_wait3A_407 = tpu.memref_slice %arg2[%add3A_232, %select_n3A_70, %dma_wait3A_406] : memref<64x8x128xi32, #tpu.memory_space<hbm>> -> memref<1x1x128xi32, #tpu.memory_space<hbm>>
    %dma_wait3A_408 = tpu.memref_squeeze %dma_wait3A_407 : memref<1x1x128xi32, #tpu.memory_space<hbm>> -> memref<128xi32, #tpu.memory_space<hbm>>
    %dma_wait3A_409 = arith.constant 1664 : i32
    %dma_wait3A_410 = tpu.memref_slice %arg7[%dma_wait3A_409] : memref<2048xi32, #tpu.memory_space<vmem>> -> memref<128xi32, #tpu.memory_space<vmem>>
    %dma_wait3A_411 = arith.constant 0 : i32
    %dma_wait3A_412 = tpu.memref_slice %arg2[%add3A_232, %select_n3A_70, %dma_wait3A_411] : memref<64x8x128xi32, #tpu.memory_space<hbm>> -> memref<1x1x128xi32, #tpu.memory_space<hbm>>
    %dma_wait3A_413 = tpu.memref_squeeze %dma_wait3A_412 : memref<1x1x128xi32, #tpu.memory_space<hbm>> -> memref<128xi32, #tpu.memory_space<hbm>>
    tpu.wait_dma2 semaphore(%arg15 : memref<!tpu.dma_semaphore, #tpu.memory_space<semaphore_mem>>) src(%dma_wait3A_413 : memref<128xi32, #tpu.memory_space<hbm>>) dst(%dma_wait3A_410 : memref<128xi32, #tpu.memory_space<vmem>>)
    %dma_wait3A_414 = arith.constant 1792 : i32
    %dma_wait3A_415 = tpu.memref_slice %arg7[%dma_wait3A_414] : memref<2048xi32, #tpu.memory_space<vmem>> -> memref<128xi32, #tpu.memory_space<vmem>>
    %dma_wait3A_416 = arith.constant 0 : i32
    %dma_wait3A_417 = tpu.memref_slice %arg2[%add3A_244, %select_n3A_70, %dma_wait3A_416] : memref<64x8x128xi32, #tpu.memory_space<hbm>> -> memref<1x1x128xi32, #tpu.memory_space<hbm>>
    %dma_wait3A_418 = tpu.memref_squeeze %dma_wait3A_417 : memref<1x1x128xi32, #tpu.memory_space<hbm>> -> memref<128xi32, #tpu.memory_space<hbm>>
    %dma_wait3A_419 = arith.constant 1792 : i32
    %dma_wait3A_420 = tpu.memref_slice %arg7[%dma_wait3A_419] : memref<2048xi32, #tpu.memory_space<vmem>> -> memref<128xi32, #tpu.memory_space<vmem>>
    %dma_wait3A_421 = arith.constant 0 : i32
    %dma_wait3A_422 = tpu.memref_slice %arg2[%add3A_244, %select_n3A_70, %dma_wait3A_421] : memref<64x8x128xi32, #tpu.memory_space<hbm>> -> memref<1x1x128xi32, #tpu.memory_space<hbm>>
    %dma_wait3A_423 = tpu.memref_squeeze %dma_wait3A_422 : memref<1x1x128xi32, #tpu.memory_space<hbm>> -> memref<128xi32, #tpu.memory_space<hbm>>
    tpu.wait_dma2 semaphore(%arg15 : memref<!tpu.dma_semaphore, #tpu.memory_space<semaphore_mem>>) src(%dma_wait3A_423 : memref<128xi32, #tpu.memory_space<hbm>>) dst(%dma_wait3A_420 : memref<128xi32, #tpu.memory_space<vmem>>)
    %dma_wait3A_424 = arith.constant 1920 : i32
    %dma_wait3A_425 = tpu.memref_slice %arg7[%dma_wait3A_424] : memref<2048xi32, #tpu.memory_space<vmem>> -> memref<128xi32, #tpu.memory_space<vmem>>
    %dma_wait3A_426 = arith.constant 0 : i32
    %dma_wait3A_427 = tpu.memref_slice %arg2[%add3A_256, %select_n3A_70, %dma_wait3A_426] : memref<64x8x128xi32, #tpu.memory_space<hbm>> -> memref<1x1x128xi32, #tpu.memory_space<hbm>>
    %dma_wait3A_428 = tpu.memref_squeeze %dma_wait3A_427 : memref<1x1x128xi32, #tpu.memory_space<hbm>> -> memref<128xi32, #tpu.memory_space<hbm>>
    %dma_wait3A_429 = arith.constant 1920 : i32
    %dma_wait3A_430 = tpu.memref_slice %arg7[%dma_wait3A_429] : memref<2048xi32, #tpu.memory_space<vmem>> -> memref<128xi32, #tpu.memory_space<vmem>>
    %dma_wait3A_431 = arith.constant 0 : i32
    %dma_wait3A_432 = tpu.memref_slice %arg2[%add3A_256, %select_n3A_70, %dma_wait3A_431] : memref<64x8x128xi32, #tpu.memory_space<hbm>> -> memref<1x1x128xi32, #tpu.memory_space<hbm>>
    %dma_wait3A_433 = tpu.memref_squeeze %dma_wait3A_432 : memref<1x1x128xi32, #tpu.memory_space<hbm>> -> memref<128xi32, #tpu.memory_space<hbm>>
    tpu.wait_dma2 semaphore(%arg15 : memref<!tpu.dma_semaphore, #tpu.memory_space<semaphore_mem>>) src(%dma_wait3A_433 : memref<128xi32, #tpu.memory_space<hbm>>) dst(%dma_wait3A_430 : memref<128xi32, #tpu.memory_space<vmem>>)
    %iota3A = tpu.iota {dimensions = array<i32: 0>} : vector<16xi32>
    %broadcast_in_dim3A = arith.constant 3.000000e+38 : f32
    %broadcast_in_dim3A_434 = vector.broadcast %broadcast_in_dim3A : f32 to vector<16xf32>
    %neg3A = arith.constant 0.000000e+00 : f32
    %neg3A_435 = vector.broadcast %neg3A : f32 to vector<16xf32>
    %neg3A_436 = arith.subf %neg3A_435, %broadcast_in_dim3A_434 : vector<16xf32>
    %neg3A_437 = arith.constant 0.000000e+00 : f32
    %neg3A_438 = vector.broadcast %neg3A_437 : f32 to vector<16xf32>
    %neg3A_439 = arith.subf %neg3A_438, %broadcast_in_dim3A_434 : vector<16xf32>
    %scan3A = arith.constant 0 : i32
    %scan3A_440 = arith.constant 16 : i32
    %scan3A_441 = arith.addi %scan3A, %scan3A_440 : i32
    %scan3A_442 = arith.constant 1 : i32
    %scan3A_443:4 = scf.for %scan3A_691 = %scan3A to %scan3A_441 step %scan3A_442 iter_args(%scan3A_692 = %broadcast_in_dim3A_434, %scan3A_693 = %neg3A_436, %scan3A_694 = %broadcast_in_dim3A_434, %scan3A_695 = %neg3A_439) -> (vector<16xf32>, vector<16xf32>, vector<16xf32>, vector<16xf32>)  : i32 {
      %mul3A_696 = arith.constant 128 : i32
      %mul3A_697 = arith.muli %scan3A_691, %mul3A_696 : i32
      %add3A_698 = arith.constant 0 : i32
      %add3A_699 = arith.addi %mul3A_697, %add3A_698 : i32
      %get3A_700 = arith.index_cast %add3A_699 : i32 to index
      %get3A_701 = tpu.vector_load %arg7[%get3A_700] {strides = array<i32>} : memref<2048xi32, #tpu.memory_space<vmem>>, vector<16xi32>,
      %get3A_702 = vector.shape_cast %get3A_701 : vector<16xi32> to vector<16xi32>
      %shift_right_logical3A = arith.constant 7 : i32
      %shift_right_logical3A_703 = vector.broadcast %shift_right_logical3A : i32 to vector<16xi32>
      %shift_right_logical3A_704 = arith.shrui %get3A_702, %shift_right_logical3A_703 : vector<16xi32>
      %convert_element_type3A = arith.sitofp %shift_right_logical3A_704 : vector<16xi32> to vector<16xf32>
      %and3A_705 = arith.constant 127 : i32
      %and3A_706 = vector.broadcast %and3A_705 : i32 to vector<16xi32>
      %and3A_707 = arith.andi %get3A_702, %and3A_706 : vector<16xi32>
      %convert_element_type3A_708 = arith.sitofp %and3A_707 : vector<16xi32> to vector<16xf32>
      %mul3A_709 = arith.constant 0.00148148148 : f32
      %mul3A_710 = vector.broadcast %mul3A_709 : f32 to vector<16xf32>
      %mul3A_711 = arith.mulf %convert_element_type3A, %mul3A_710 : vector<16xf32>
      %convert_element_type3A_712 = arith.fptosi %mul3A_711 : vector<16xf32> to vector<16xi32>
      %convert_element_type3A_713 = arith.sitofp %convert_element_type3A_712 : vector<16xi32> to vector<16xf32>
      %mul3A_714 = arith.constant 6.750000e+02 : f32
      %mul3A_715 = vector.broadcast %mul3A_714 : f32 to vector<16xf32>
      %mul3A_716 = arith.mulf %convert_element_type3A_713, %mul3A_715 : vector<16xf32>
      %sub3A_717 = arith.subf %convert_element_type3A, %mul3A_716 : vector<16xf32>
      %lt3A_718 = arith.constant 0.000000e+00 : f32
      %lt3A_719 = vector.broadcast %lt3A_718 : f32 to vector<16xf32>
      %lt3A_720 = arith.cmpf olt, %sub3A_717, %lt3A_719 : vector<16xf32>
      %add3A_721 = arith.constant 6.750000e+02 : f32
      %add3A_722 = vector.broadcast %add3A_721 : f32 to vector<16xf32>
      %add3A_723 = arith.addf %sub3A_717, %add3A_722 : vector<16xf32>
      %select_n3A_724 = arith.select %lt3A_720, %add3A_723, %sub3A_717 : vector<16xi1>, vector<16xf32>
      %ge3A = arith.constant 6.750000e+02 : f32
      %ge3A_725 = vector.broadcast %ge3A : f32 to vector<16xf32>
      %ge3A_726 = arith.cmpf oge, %select_n3A_724, %ge3A_725 : vector<16xf32>
      %sub3A_727 = arith.constant 6.750000e+02 : f32
      %sub3A_728 = vector.broadcast %sub3A_727 : f32 to vector<16xf32>
      %sub3A_729 = arith.subf %select_n3A_724, %sub3A_728 : vector<16xf32>
      %select_n3A_730 = arith.select %ge3A_726, %sub3A_729, %select_n3A_724 : vector<16xi1>, vector<16xf32>
      %mul3A_731 = arith.constant 1.280000e+02 : f32
      %mul3A_732 = vector.broadcast %mul3A_731 : f32 to vector<16xf32>
      %mul3A_733 = arith.mulf %select_n3A_730, %mul3A_732 : vector<16xf32>
      %add3A_734 = arith.addf %mul3A_733, %convert_element_type3A_708 : vector<16xf32>
      %add3A_735 = arith.constant 0 : i32
      %add3A_736 = arith.addi %mul3A_697, %add3A_735 : i32
      %swap3A_737 = arith.index_cast %add3A_736 : i32 to index
      %swap3A_738 = tpu.vector_load %arg8[%swap3A_737] {strides = array<i32>} : memref<2048xf32, #tpu.memory_space<vmem>>, vector<16xf32>,
      %swap3A_739 = vector.shape_cast %swap3A_738 : vector<16xf32> to vector<16xf32>
      %swap3A_740 = vector.shape_cast %add3A_734 : vector<16xf32> to vector<16xf32>
      tpu.vector_store %arg8[%swap3A_737], %swap3A_740 {strides = array<i32>} : memref<2048xf32, #tpu.memory_space<vmem>>, vector<16xf32>,
      %min3A_741 = arith.minimumf %scan3A_692, %add3A_734 : vector<16xf32>
      %max3A_742 = arith.maximumf %scan3A_693, %add3A_734 : vector<16xf32>
      %add3A_743 = arith.constant 16 : i32
      %add3A_744 = arith.addi %mul3A_697, %add3A_743 : i32
      %get3A_745 = arith.index_cast %add3A_744 : i32 to index
      %get3A_746 = tpu.vector_load %arg7[%get3A_745] {strides = array<i32>} : memref<2048xi32, #tpu.memory_space<vmem>>, vector<16xi32>,
      %get3A_747 = vector.shape_cast %get3A_746 : vector<16xi32> to vector<16xi32>
      %shift_right_logical3A_748 = arith.constant 7 : i32
      %shift_right_logical3A_749 = vector.broadcast %shift_right_logical3A_748 : i32 to vector<16xi32>
      %shift_right_logical3A_750 = arith.shrui %get3A_747, %shift_right_logical3A_749 : vector<16xi32>
      %convert_element_type3A_751 = arith.sitofp %shift_right_logical3A_750 : vector<16xi32> to vector<16xf32>
      %and3A_752 = arith.constant 127 : i32
      %and3A_753 = vector.broadcast %and3A_752 : i32 to vector<16xi32>
      %and3A_754 = arith.andi %get3A_747, %and3A_753 : vector<16xi32>
      %convert_element_type3A_755 = arith.sitofp %and3A_754 : vector<16xi32> to vector<16xf32>
      %mul3A_756 = arith.constant 0.00148148148 : f32
      %mul3A_757 = vector.broadcast %mul3A_756 : f32 to vector<16xf32>
      %mul3A_758 = arith.mulf %convert_element_type3A_751, %mul3A_757 : vector<16xf32>
      %convert_element_type3A_759 = arith.fptosi %mul3A_758 : vector<16xf32> to vector<16xi32>
      %convert_element_type3A_760 = arith.sitofp %convert_element_type3A_759 : vector<16xi32> to vector<16xf32>
      %mul3A_761 = arith.constant 6.750000e+02 : f32
      %mul3A_762 = vector.broadcast %mul3A_761 : f32 to vector<16xf32>
      %mul3A_763 = arith.mulf %convert_element_type3A_760, %mul3A_762 : vector<16xf32>
      %sub3A_764 = arith.subf %convert_element_type3A_751, %mul3A_763 : vector<16xf32>
      %lt3A_765 = arith.constant 0.000000e+00 : f32
      %lt3A_766 = vector.broadcast %lt3A_765 : f32 to vector<16xf32>
      %lt3A_767 = arith.cmpf olt, %sub3A_764, %lt3A_766 : vector<16xf32>
      %add3A_768 = arith.constant 6.750000e+02 : f32
      %add3A_769 = vector.broadcast %add3A_768 : f32 to vector<16xf32>
      %add3A_770 = arith.addf %sub3A_764, %add3A_769 : vector<16xf32>
      %select_n3A_771 = arith.select %lt3A_767, %add3A_770, %sub3A_764 : vector<16xi1>, vector<16xf32>
      %ge3A_772 = arith.constant 6.750000e+02 : f32
      %ge3A_773 = vector.broadcast %ge3A_772 : f32 to vector<16xf32>
      %ge3A_774 = arith.cmpf oge, %select_n3A_771, %ge3A_773 : vector<16xf32>
      %sub3A_775 = arith.constant 6.750000e+02 : f32
      %sub3A_776 = vector.broadcast %sub3A_775 : f32 to vector<16xf32>
      %sub3A_777 = arith.subf %select_n3A_771, %sub3A_776 : vector<16xf32>
      %select_n3A_778 = arith.select %ge3A_774, %sub3A_777, %select_n3A_771 : vector<16xi1>, vector<16xf32>
      %mul3A_779 = arith.constant 1.280000e+02 : f32
      %mul3A_780 = vector.broadcast %mul3A_779 : f32 to vector<16xf32>
      %mul3A_781 = arith.mulf %select_n3A_778, %mul3A_780 : vector<16xf32>
      %add3A_782 = arith.addf %mul3A_781, %convert_element_type3A_755 : vector<16xf32>
      %add3A_783 = arith.constant 16 : i32
      %add3A_784 = arith.addi %mul3A_697, %add3A_783 : i32
      %swap3A_785 = arith.index_cast %add3A_784 : i32 to index
      %swap3A_786 = tpu.vector_load %arg8[%swap3A_785] {strides = array<i32>} : memref<2048xf32, #tpu.memory_space<vmem>>, vector<16xf32>,
      %swap3A_787 = vector.shape_cast %swap3A_786 : vector<16xf32> to vector<16xf32>
      %swap3A_788 = vector.shape_cast %add3A_782 : vector<16xf32> to vector<16xf32>
      tpu.vector_store %arg8[%swap3A_785], %swap3A_788 {strides = array<i32>} : memref<2048xf32, #tpu.memory_space<vmem>>, vector<16xf32>,
      %min3A_789 = arith.minimumf %scan3A_694, %add3A_782 : vector<16xf32>
      %max3A_790 = arith.maximumf %scan3A_695, %add3A_782 : vector<16xf32>
      %add3A_791 = arith.constant 32 : i32
      %add3A_792 = arith.addi %mul3A_697, %add3A_791 : i32
      %get3A_793 = arith.index_cast %add3A_792 : i32 to index
      %get3A_794 = tpu.vector_load %arg7[%get3A_793] {strides = array<i32>} : memref<2048xi32, #tpu.memory_space<vmem>>, vector<16xi32>,
      %get3A_795 = vector.shape_cast %get3A_794 : vector<16xi32> to vector<16xi32>
      %shift_right_logical3A_796 = arith.constant 7 : i32
      %shift_right_logical3A_797 = vector.broadcast %shift_right_logical3A_796 : i32 to vector<16xi32>
      %shift_right_logical3A_798 = arith.shrui %get3A_795, %shift_right_logical3A_797 : vector<16xi32>
      %convert_element_type3A_799 = arith.sitofp %shift_right_logical3A_798 : vector<16xi32> to vector<16xf32>
      %and3A_800 = arith.constant 127 : i32
      %and3A_801 = vector.broadcast %and3A_800 : i32 to vector<16xi32>
      %and3A_802 = arith.andi %get3A_795, %and3A_801 : vector<16xi32>
      %convert_element_type3A_803 = arith.sitofp %and3A_802 : vector<16xi32> to vector<16xf32>
      %mul3A_804 = arith.constant 0.00148148148 : f32
      %mul3A_805 = vector.broadcast %mul3A_804 : f32 to vector<16xf32>
      %mul3A_806 = arith.mulf %convert_element_type3A_799, %mul3A_805 : vector<16xf32>
      %convert_element_type3A_807 = arith.fptosi %mul3A_806 : vector<16xf32> to vector<16xi32>
      %convert_element_type3A_808 = arith.sitofp %convert_element_type3A_807 : vector<16xi32> to vector<16xf32>
      %mul3A_809 = arith.constant 6.750000e+02 : f32
      %mul3A_810 = vector.broadcast %mul3A_809 : f32 to vector<16xf32>
      %mul3A_811 = arith.mulf %convert_element_type3A_808, %mul3A_810 : vector<16xf32>
      %sub3A_812 = arith.subf %convert_element_type3A_799, %mul3A_811 : vector<16xf32>
      %lt3A_813 = arith.constant 0.000000e+00 : f32
      %lt3A_814 = vector.broadcast %lt3A_813 : f32 to vector<16xf32>
      %lt3A_815 = arith.cmpf olt, %sub3A_812, %lt3A_814 : vector<16xf32>
      %add3A_816 = arith.constant 6.750000e+02 : f32
      %add3A_817 = vector.broadcast %add3A_816 : f32 to vector<16xf32>
      %add3A_818 = arith.addf %sub3A_812, %add3A_817 : vector<16xf32>
      %select_n3A_819 = arith.select %lt3A_815, %add3A_818, %sub3A_812 : vector<16xi1>, vector<16xf32>
      %ge3A_820 = arith.constant 6.750000e+02 : f32
      %ge3A_821 = vector.broadcast %ge3A_820 : f32 to vector<16xf32>
      %ge3A_822 = arith.cmpf oge, %select_n3A_819, %ge3A_821 : vector<16xf32>
      %sub3A_823 = arith.constant 6.750000e+02 : f32
      %sub3A_824 = vector.broadcast %sub3A_823 : f32 to vector<16xf32>
      %sub3A_825 = arith.subf %select_n3A_819, %sub3A_824 : vector<16xf32>
      %select_n3A_826 = arith.select %ge3A_822, %sub3A_825, %select_n3A_819 : vector<16xi1>, vector<16xf32>
      %mul3A_827 = arith.constant 1.280000e+02 : f32
      %mul3A_828 = vector.broadcast %mul3A_827 : f32 to vector<16xf32>
      %mul3A_829 = arith.mulf %select_n3A_826, %mul3A_828 : vector<16xf32>
      %add3A_830 = arith.addf %mul3A_829, %convert_element_type3A_803 : vector<16xf32>
      %add3A_831 = arith.constant 32 : i32
      %add3A_832 = arith.addi %mul3A_697, %add3A_831 : i32
      %swap3A_833 = arith.index_cast %add3A_832 : i32 to index
      %swap3A_834 = tpu.vector_load %arg8[%swap3A_833] {strides = array<i32>} : memref<2048xf32, #tpu.memory_space<vmem>>, vector<16xf32>,
      %swap3A_835 = vector.shape_cast %swap3A_834 : vector<16xf32> to vector<16xf32>
      %swap3A_836 = vector.shape_cast %add3A_830 : vector<16xf32> to vector<16xf32>
      tpu.vector_store %arg8[%swap3A_833], %swap3A_836 {strides = array<i32>} : memref<2048xf32, #tpu.memory_space<vmem>>, vector<16xf32>,
      %min3A_837 = arith.minimumf %min3A_741, %add3A_830 : vector<16xf32>
      %max3A_838 = arith.maximumf %max3A_742, %add3A_830 : vector<16xf32>
      %add3A_839 = arith.constant 48 : i32
      %add3A_840 = arith.addi %mul3A_697, %add3A_839 : i32
      %get3A_841 = arith.index_cast %add3A_840 : i32 to index
      %get3A_842 = tpu.vector_load %arg7[%get3A_841] {strides = array<i32>} : memref<2048xi32, #tpu.memory_space<vmem>>, vector<16xi32>,
      %get3A_843 = vector.shape_cast %get3A_842 : vector<16xi32> to vector<16xi32>
      %shift_right_logical3A_844 = arith.constant 7 : i32
      %shift_right_logical3A_845 = vector.broadcast %shift_right_logical3A_844 : i32 to vector<16xi32>
      %shift_right_logical3A_846 = arith.shrui %get3A_843, %shift_right_logical3A_845 : vector<16xi32>
      %convert_element_type3A_847 = arith.sitofp %shift_right_logical3A_846 : vector<16xi32> to vector<16xf32>
      %and3A_848 = arith.constant 127 : i32
      %and3A_849 = vector.broadcast %and3A_848 : i32 to vector<16xi32>
      %and3A_850 = arith.andi %get3A_843, %and3A_849 : vector<16xi32>
      %convert_element_type3A_851 = arith.sitofp %and3A_850 : vector<16xi32> to vector<16xf32>
      %mul3A_852 = arith.constant 0.00148148148 : f32
      %mul3A_853 = vector.broadcast %mul3A_852 : f32 to vector<16xf32>
      %mul3A_854 = arith.mulf %convert_element_type3A_847, %mul3A_853 : vector<16xf32>
      %convert_element_type3A_855 = arith.fptosi %mul3A_854 : vector<16xf32> to vector<16xi32>
      %convert_element_type3A_856 = arith.sitofp %convert_element_type3A_855 : vector<16xi32> to vector<16xf32>
      %mul3A_857 = arith.constant 6.750000e+02 : f32
      %mul3A_858 = vector.broadcast %mul3A_857 : f32 to vector<16xf32>
      %mul3A_859 = arith.mulf %convert_element_type3A_856, %mul3A_858 : vector<16xf32>
      %sub3A_860 = arith.subf %convert_element_type3A_847, %mul3A_859 : vector<16xf32>
      %lt3A_861 = arith.constant 0.000000e+00 : f32
      %lt3A_862 = vector.broadcast %lt3A_861 : f32 to vector<16xf32>
      %lt3A_863 = arith.cmpf olt, %sub3A_860, %lt3A_862 : vector<16xf32>
      %add3A_864 = arith.constant 6.750000e+02 : f32
      %add3A_865 = vector.broadcast %add3A_864 : f32 to vector<16xf32>
      %add3A_866 = arith.addf %sub3A_860, %add3A_865 : vector<16xf32>
      %select_n3A_867 = arith.select %lt3A_863, %add3A_866, %sub3A_860 : vector<16xi1>, vector<16xf32>
      %ge3A_868 = arith.constant 6.750000e+02 : f32
      %ge3A_869 = vector.broadcast %ge3A_868 : f32 to vector<16xf32>
      %ge3A_870 = arith.cmpf oge, %select_n3A_867, %ge3A_869 : vector<16xf32>
      %sub3A_871 = arith.constant 6.750000e+02 : f32
      %sub3A_872 = vector.broadcast %sub3A_871 : f32 to vector<16xf32>
      %sub3A_873 = arith.subf %select_n3A_867, %sub3A_872 : vector<16xf32>
      %select_n3A_874 = arith.select %ge3A_870, %sub3A_873, %select_n3A_867 : vector<16xi1>, vector<16xf32>
      %mul3A_875 = arith.constant 1.280000e+02 : f32
      %mul3A_876 = vector.broadcast %mul3A_875 : f32 to vector<16xf32>
      %mul3A_877 = arith.mulf %select_n3A_874, %mul3A_876 : vector<16xf32>
      %add3A_878 = arith.addf %mul3A_877, %convert_element_type3A_851 : vector<16xf32>
      %add3A_879 = arith.constant 48 : i32
      %add3A_880 = arith.addi %mul3A_697, %add3A_879 : i32
      %swap3A_881 = arith.index_cast %add3A_880 : i32 to index
      %swap3A_882 = tpu.vector_load %arg8[%swap3A_881] {strides = array<i32>} : memref<2048xf32, #tpu.memory_space<vmem>>, vector<16xf32>,
      %swap3A_883 = vector.shape_cast %swap3A_882 : vector<16xf32> to vector<16xf32>
      %swap3A_884 = vector.shape_cast %add3A_878 : vector<16xf32> to vector<16xf32>
      tpu.vector_store %arg8[%swap3A_881], %swap3A_884 {strides = array<i32>} : memref<2048xf32, #tpu.memory_space<vmem>>, vector<16xf32>,
      %min3A_885 = arith.minimumf %min3A_789, %add3A_878 : vector<16xf32>
      %max3A_886 = arith.maximumf %max3A_790, %add3A_878 : vector<16xf32>
      %add3A_887 = arith.constant 64 : i32
      %add3A_888 = arith.addi %mul3A_697, %add3A_887 : i32
      %get3A_889 = arith.index_cast %add3A_888 : i32 to index
      %get3A_890 = tpu.vector_load %arg7[%get3A_889] {strides = array<i32>} : memref<2048xi32, #tpu.memory_space<vmem>>, vector<16xi32>,
      %get3A_891 = vector.shape_cast %get3A_890 : vector<16xi32> to vector<16xi32>
      %shift_right_logical3A_892 = arith.constant 7 : i32
      %shift_right_logical3A_893 = vector.broadcast %shift_right_logical3A_892 : i32 to vector<16xi32>
      %shift_right_logical3A_894 = arith.shrui %get3A_891, %shift_right_logical3A_893 : vector<16xi32>
      %convert_element_type3A_895 = arith.sitofp %shift_right_logical3A_894 : vector<16xi32> to vector<16xf32>
      %and3A_896 = arith.constant 127 : i32
      %and3A_897 = vector.broadcast %and3A_896 : i32 to vector<16xi32>
      %and3A_898 = arith.andi %get3A_891, %and3A_897 : vector<16xi32>
      %convert_element_type3A_899 = arith.sitofp %and3A_898 : vector<16xi32> to vector<16xf32>
      %mul3A_900 = arith.constant 0.00148148148 : f32
      %mul3A_901 = vector.broadcast %mul3A_900 : f32 to vector<16xf32>
      %mul3A_902 = arith.mulf %convert_element_type3A_895, %mul3A_901 : vector<16xf32>
      %convert_element_type3A_903 = arith.fptosi %mul3A_902 : vector<16xf32> to vector<16xi32>
      %convert_element_type3A_904 = arith.sitofp %convert_element_type3A_903 : vector<16xi32> to vector<16xf32>
      %mul3A_905 = arith.constant 6.750000e+02 : f32
      %mul3A_906 = vector.broadcast %mul3A_905 : f32 to vector<16xf32>
      %mul3A_907 = arith.mulf %convert_element_type3A_904, %mul3A_906 : vector<16xf32>
      %sub3A_908 = arith.subf %convert_element_type3A_895, %mul3A_907 : vector<16xf32>
      %lt3A_909 = arith.constant 0.000000e+00 : f32
      %lt3A_910 = vector.broadcast %lt3A_909 : f32 to vector<16xf32>
      %lt3A_911 = arith.cmpf olt, %sub3A_908, %lt3A_910 : vector<16xf32>
      %add3A_912 = arith.constant 6.750000e+02 : f32
      %add3A_913 = vector.broadcast %add3A_912 : f32 to vector<16xf32>
      %add3A_914 = arith.addf %sub3A_908, %add3A_913 : vector<16xf32>
      %select_n3A_915 = arith.select %lt3A_911, %add3A_914, %sub3A_908 : vector<16xi1>, vector<16xf32>
      %ge3A_916 = arith.constant 6.750000e+02 : f32
      %ge3A_917 = vector.broadcast %ge3A_916 : f32 to vector<16xf32>
      %ge3A_918 = arith.cmpf oge, %select_n3A_915, %ge3A_917 : vector<16xf32>
      %sub3A_919 = arith.constant 6.750000e+02 : f32
      %sub3A_920 = vector.broadcast %sub3A_919 : f32 to vector<16xf32>
      %sub3A_921 = arith.subf %select_n3A_915, %sub3A_920 : vector<16xf32>
      %select_n3A_922 = arith.select %ge3A_918, %sub3A_921, %select_n3A_915 : vector<16xi1>, vector<16xf32>
      %mul3A_923 = arith.constant 1.280000e+02 : f32
      %mul3A_924 = vector.broadcast %mul3A_923 : f32 to vector<16xf32>
      %mul3A_925 = arith.mulf %select_n3A_922, %mul3A_924 : vector<16xf32>
      %add3A_926 = arith.addf %mul3A_925, %convert_element_type3A_899 : vector<16xf32>
      %add3A_927 = arith.constant 64 : i32
      %add3A_928 = arith.addi %mul3A_697, %add3A_927 : i32
      %swap3A_929 = arith.index_cast %add3A_928 : i32 to index
      %swap3A_930 = tpu.vector_load %arg8[%swap3A_929] {strides = array<i32>} : memref<2048xf32, #tpu.memory_space<vmem>>, vector<16xf32>,
      %swap3A_931 = vector.shape_cast %swap3A_930 : vector<16xf32> to vector<16xf32>
      %swap3A_932 = vector.shape_cast %add3A_926 : vector<16xf32> to vector<16xf32>
      tpu.vector_store %arg8[%swap3A_929], %swap3A_932 {strides = array<i32>} : memref<2048xf32, #tpu.memory_space<vmem>>, vector<16xf32>,
      %min3A_933 = arith.minimumf %min3A_837, %add3A_926 : vector<16xf32>
      %max3A_934 = arith.maximumf %max3A_838, %add3A_926 : vector<16xf32>
      %add3A_935 = arith.constant 80 : i32
      %add3A_936 = arith.addi %mul3A_697, %add3A_935 : i32
      %get3A_937 = arith.index_cast %add3A_936 : i32 to index
      %get3A_938 = tpu.vector_load %arg7[%get3A_937] {strides = array<i32>} : memref<2048xi32, #tpu.memory_space<vmem>>, vector<16xi32>,
      %get3A_939 = vector.shape_cast %get3A_938 : vector<16xi32> to vector<16xi32>
      %shift_right_logical3A_940 = arith.constant 7 : i32
      %shift_right_logical3A_941 = vector.broadcast %shift_right_logical3A_940 : i32 to vector<16xi32>
      %shift_right_logical3A_942 = arith.shrui %get3A_939, %shift_right_logical3A_941 : vector<16xi32>
      %convert_element_type3A_943 = arith.sitofp %shift_right_logical3A_942 : vector<16xi32> to vector<16xf32>
      %and3A_944 = arith.constant 127 : i32
      %and3A_945 = vector.broadcast %and3A_944 : i32 to vector<16xi32>
      %and3A_946 = arith.andi %get3A_939, %and3A_945 : vector<16xi32>
      %convert_element_type3A_947 = arith.sitofp %and3A_946 : vector<16xi32> to vector<16xf32>
      %mul3A_948 = arith.constant 0.00148148148 : f32
      %mul3A_949 = vector.broadcast %mul3A_948 : f32 to vector<16xf32>
      %mul3A_950 = arith.mulf %convert_element_type3A_943, %mul3A_949 : vector<16xf32>
      %convert_element_type3A_951 = arith.fptosi %mul3A_950 : vector<16xf32> to vector<16xi32>
      %convert_element_type3A_952 = arith.sitofp %convert_element_type3A_951 : vector<16xi32> to vector<16xf32>
      %mul3A_953 = arith.constant 6.750000e+02 : f32
      %mul3A_954 = vector.broadcast %mul3A_953 : f32 to vector<16xf32>
      %mul3A_955 = arith.mulf %convert_element_type3A_952, %mul3A_954 : vector<16xf32>
      %sub3A_956 = arith.subf %convert_element_type3A_943, %mul3A_955 : vector<16xf32>
      %lt3A_957 = arith.constant 0.000000e+00 : f32
      %lt3A_958 = vector.broadcast %lt3A_957 : f32 to vector<16xf32>
      %lt3A_959 = arith.cmpf olt, %sub3A_956, %lt3A_958 : vector<16xf32>
      %add3A_960 = arith.constant 6.750000e+02 : f32
      %add3A_961 = vector.broadcast %add3A_960 : f32 to vector<16xf32>
      %add3A_962 = arith.addf %sub3A_956, %add3A_961 : vector<16xf32>
      %select_n3A_963 = arith.select %lt3A_959, %add3A_962, %sub3A_956 : vector<16xi1>, vector<16xf32>
      %ge3A_964 = arith.constant 6.750000e+02 : f32
      %ge3A_965 = vector.broadcast %ge3A_964 : f32 to vector<16xf32>
      %ge3A_966 = arith.cmpf oge, %select_n3A_963, %ge3A_965 : vector<16xf32>
      %sub3A_967 = arith.constant 6.750000e+02 : f32
      %sub3A_968 = vector.broadcast %sub3A_967 : f32 to vector<16xf32>
      %sub3A_969 = arith.subf %select_n3A_963, %sub3A_968 : vector<16xf32>
      %select_n3A_970 = arith.select %ge3A_966, %sub3A_969, %select_n3A_963 : vector<16xi1>, vector<16xf32>
      %mul3A_971 = arith.constant 1.280000e+02 : f32
      %mul3A_972 = vector.broadcast %mul3A_971 : f32 to vector<16xf32>
      %mul3A_973 = arith.mulf %select_n3A_970, %mul3A_972 : vector<16xf32>
      %add3A_974 = arith.addf %mul3A_973, %convert_element_type3A_947 : vector<16xf32>
      %add3A_975 = arith.constant 80 : i32
      %add3A_976 = arith.addi %mul3A_697, %add3A_975 : i32
      %swap3A_977 = arith.index_cast %add3A_976 : i32 to index
      %swap3A_978 = tpu.vector_load %arg8[%swap3A_977] {strides = array<i32>} : memref<2048xf32, #tpu.memory_space<vmem>>, vector<16xf32>,
      %swap3A_979 = vector.shape_cast %swap3A_978 : vector<16xf32> to vector<16xf32>
      %swap3A_980 = vector.shape_cast %add3A_974 : vector<16xf32> to vector<16xf32>
      tpu.vector_store %arg8[%swap3A_977], %swap3A_980 {strides = array<i32>} : memref<2048xf32, #tpu.memory_space<vmem>>, vector<16xf32>,
      %min3A_981 = arith.minimumf %min3A_885, %add3A_974 : vector<16xf32>
      %max3A_982 = arith.maximumf %max3A_886, %add3A_974 : vector<16xf32>
      %add3A_983 = arith.constant 96 : i32
      %add3A_984 = arith.addi %mul3A_697, %add3A_983 : i32
      %get3A_985 = arith.index_cast %add3A_984 : i32 to index
      %get3A_986 = tpu.vector_load %arg7[%get3A_985] {strides = array<i32>} : memref<2048xi32, #tpu.memory_space<vmem>>, vector<16xi32>,
      %get3A_987 = vector.shape_cast %get3A_986 : vector<16xi32> to vector<16xi32>
      %shift_right_logical3A_988 = arith.constant 7 : i32
      %shift_right_logical3A_989 = vector.broadcast %shift_right_logical3A_988 : i32 to vector<16xi32>
      %shift_right_logical3A_990 = arith.shrui %get3A_987, %shift_right_logical3A_989 : vector<16xi32>
      %convert_element_type3A_991 = arith.sitofp %shift_right_logical3A_990 : vector<16xi32> to vector<16xf32>
      %and3A_992 = arith.constant 127 : i32
      %and3A_993 = vector.broadcast %and3A_992 : i32 to vector<16xi32>
      %and3A_994 = arith.andi %get3A_987, %and3A_993 : vector<16xi32>
      %convert_element_type3A_995 = arith.sitofp %and3A_994 : vector<16xi32> to vector<16xf32>
      %mul3A_996 = arith.constant 0.00148148148 : f32
      %mul3A_997 = vector.broadcast %mul3A_996 : f32 to vector<16xf32>
      %mul3A_998 = arith.mulf %convert_element_type3A_991, %mul3A_997 : vector<16xf32>
      %convert_element_type3A_999 = arith.fptosi %mul3A_998 : vector<16xf32> to vector<16xi32>
      %convert_element_type3A_1000 = arith.sitofp %convert_element_type3A_999 : vector<16xi32> to vector<16xf32>
      %mul3A_1001 = arith.constant 6.750000e+02 : f32
      %mul3A_1002 = vector.broadcast %mul3A_1001 : f32 to vector<16xf32>
      %mul3A_1003 = arith.mulf %convert_element_type3A_1000, %mul3A_1002 : vector<16xf32>
      %sub3A_1004 = arith.subf %convert_element_type3A_991, %mul3A_1003 : vector<16xf32>
      %lt3A_1005 = arith.constant 0.000000e+00 : f32
      %lt3A_1006 = vector.broadcast %lt3A_1005 : f32 to vector<16xf32>
      %lt3A_1007 = arith.cmpf olt, %sub3A_1004, %lt3A_1006 : vector<16xf32>
      %add3A_1008 = arith.constant 6.750000e+02 : f32
      %add3A_1009 = vector.broadcast %add3A_1008 : f32 to vector<16xf32>
      %add3A_1010 = arith.addf %sub3A_1004, %add3A_1009 : vector<16xf32>
      %select_n3A_1011 = arith.select %lt3A_1007, %add3A_1010, %sub3A_1004 : vector<16xi1>, vector<16xf32>
      %ge3A_1012 = arith.constant 6.750000e+02 : f32
      %ge3A_1013 = vector.broadcast %ge3A_1012 : f32 to vector<16xf32>
      %ge3A_1014 = arith.cmpf oge, %select_n3A_1011, %ge3A_1013 : vector<16xf32>
      %sub3A_1015 = arith.constant 6.750000e+02 : f32
      %sub3A_1016 = vector.broadcast %sub3A_1015 : f32 to vector<16xf32>
      %sub3A_1017 = arith.subf %select_n3A_1011, %sub3A_1016 : vector<16xf32>
      %select_n3A_1018 = arith.select %ge3A_1014, %sub3A_1017, %select_n3A_1011 : vector<16xi1>, vector<16xf32>
      %mul3A_1019 = arith.constant 1.280000e+02 : f32
      %mul3A_1020 = vector.broadcast %mul3A_1019 : f32 to vector<16xf32>
      %mul3A_1021 = arith.mulf %select_n3A_1018, %mul3A_1020 : vector<16xf32>
      %add3A_1022 = arith.addf %mul3A_1021, %convert_element_type3A_995 : vector<16xf32>
      %add3A_1023 = arith.constant 96 : i32
      %add3A_1024 = arith.addi %mul3A_697, %add3A_1023 : i32
      %swap3A_1025 = arith.index_cast %add3A_1024 : i32 to index
      %swap3A_1026 = tpu.vector_load %arg8[%swap3A_1025] {strides = array<i32>} : memref<2048xf32, #tpu.memory_space<vmem>>, vector<16xf32>,
      %swap3A_1027 = vector.shape_cast %swap3A_1026 : vector<16xf32> to vector<16xf32>
      %swap3A_1028 = vector.shape_cast %add3A_1022 : vector<16xf32> to vector<16xf32>
      tpu.vector_store %arg8[%swap3A_1025], %swap3A_1028 {strides = array<i32>} : memref<2048xf32, #tpu.memory_space<vmem>>, vector<16xf32>,
      %min3A_1029 = arith.minimumf %min3A_933, %add3A_1022 : vector<16xf32>
      %max3A_1030 = arith.maximumf %max3A_934, %add3A_1022 : vector<16xf32>
      %add3A_1031 = arith.constant 112 : i32
      %add3A_1032 = arith.addi %mul3A_697, %add3A_1031 : i32
      %get3A_1033 = arith.index_cast %add3A_1032 : i32 to index
      %get3A_1034 = tpu.vector_load %arg7[%get3A_1033] {strides = array<i32>} : memref<2048xi32, #tpu.memory_space<vmem>>, vector<16xi32>,
      %get3A_1035 = vector.shape_cast %get3A_1034 : vector<16xi32> to vector<16xi32>
      %shift_right_logical3A_1036 = arith.constant 7 : i32
      %shift_right_logical3A_1037 = vector.broadcast %shift_right_logical3A_1036 : i32 to vector<16xi32>
      %shift_right_logical3A_1038 = arith.shrui %get3A_1035, %shift_right_logical3A_1037 : vector<16xi32>
      %convert_element_type3A_1039 = arith.sitofp %shift_right_logical3A_1038 : vector<16xi32> to vector<16xf32>
      %and3A_1040 = arith.constant 127 : i32
      %and3A_1041 = vector.broadcast %and3A_1040 : i32 to vector<16xi32>
      %and3A_1042 = arith.andi %get3A_1035, %and3A_1041 : vector<16xi32>
      %convert_element_type3A_1043 = arith.sitofp %and3A_1042 : vector<16xi32> to vector<16xf32>
      %mul3A_1044 = arith.constant 0.00148148148 : f32
      %mul3A_1045 = vector.broadcast %mul3A_1044 : f32 to vector<16xf32>
      %mul3A_1046 = arith.mulf %convert_element_type3A_1039, %mul3A_1045 : vector<16xf32>
      %convert_element_type3A_1047 = arith.fptosi %mul3A_1046 : vector<16xf32> to vector<16xi32>
      %convert_element_type3A_1048 = arith.sitofp %convert_element_type3A_1047 : vector<16xi32> to vector<16xf32>
      %mul3A_1049 = arith.constant 6.750000e+02 : f32
      %mul3A_1050 = vector.broadcast %mul3A_1049 : f32 to vector<16xf32>
      %mul3A_1051 = arith.mulf %convert_element_type3A_1048, %mul3A_1050 : vector<16xf32>
      %sub3A_1052 = arith.subf %convert_element_type3A_1039, %mul3A_1051 : vector<16xf32>
      %lt3A_1053 = arith.constant 0.000000e+00 : f32
      %lt3A_1054 = vector.broadcast %lt3A_1053 : f32 to vector<16xf32>
      %lt3A_1055 = arith.cmpf olt, %sub3A_1052, %lt3A_1054 : vector<16xf32>
      %add3A_1056 = arith.constant 6.750000e+02 : f32
      %add3A_1057 = vector.broadcast %add3A_1056 : f32 to vector<16xf32>
      %add3A_1058 = arith.addf %sub3A_1052, %add3A_1057 : vector<16xf32>
      %select_n3A_1059 = arith.select %lt3A_1055, %add3A_1058, %sub3A_1052 : vector<16xi1>, vector<16xf32>
      %ge3A_1060 = arith.constant 6.750000e+02 : f32
      %ge3A_1061 = vector.broadcast %ge3A_1060 : f32 to vector<16xf32>
      %ge3A_1062 = arith.cmpf oge, %select_n3A_1059, %ge3A_1061 : vector<16xf32>
      %sub3A_1063 = arith.constant 6.750000e+02 : f32
      %sub3A_1064 = vector.broadcast %sub3A_1063 : f32 to vector<16xf32>
      %sub3A_1065 = arith.subf %select_n3A_1059, %sub3A_1064 : vector<16xf32>
      %select_n3A_1066 = arith.select %ge3A_1062, %sub3A_1065, %select_n3A_1059 : vector<16xi1>, vector<16xf32>
      %mul3A_1067 = arith.constant 1.280000e+02 : f32
      %mul3A_1068 = vector.broadcast %mul3A_1067 : f32 to vector<16xf32>
      %mul3A_1069 = arith.mulf %select_n3A_1066, %mul3A_1068 : vector<16xf32>
      %add3A_1070 = arith.addf %mul3A_1069, %convert_element_type3A_1043 : vector<16xf32>
      %add3A_1071 = arith.constant 112 : i32
      %add3A_1072 = arith.addi %mul3A_697, %add3A_1071 : i32
      %swap3A_1073 = arith.index_cast %add3A_1072 : i32 to index
      %swap3A_1074 = tpu.vector_load %arg8[%swap3A_1073] {strides = array<i32>} : memref<2048xf32, #tpu.memory_space<vmem>>, vector<16xf32>,
      %swap3A_1075 = vector.shape_cast %swap3A_1074 : vector<16xf32> to vector<16xf32>
      %swap3A_1076 = vector.shape_cast %add3A_1070 : vector<16xf32> to vector<16xf32>
      tpu.vector_store %arg8[%swap3A_1073], %swap3A_1076 {strides = array<i32>} : memref<2048xf32, #tpu.memory_space<vmem>>, vector<16xf32>,
      %min3A_1077 = arith.minimumf %min3A_981, %add3A_1070 : vector<16xf32>
      %max3A_1078 = arith.maximumf %max3A_982, %add3A_1070 : vector<16xf32>
      scf.yield %min3A_1029, %max3A_1030, %min3A_1077, %max3A_1078 : vector<16xf32>, vector<16xf32>, vector<16xf32>, vector<16xf32>
    }
    %scan3A_444 = arith.constant 16 : i32
    %min3A = arith.minimumf %scan3A_443#0, %scan3A_443#2 : vector<16xf32>
    %max3A = arith.maximumf %scan3A_443#1, %scan3A_443#3 : vector<16xf32>
    %swap3A = arith.constant 0 : index
    %swap3A_445 = tpu.vector_load %arg11[%swap3A] {strides = array<i32>} : memref<32xf32, #tpu.memory_space<vmem>>, vector<16xf32>,
    %swap3A_446 = vector.shape_cast %swap3A_445 : vector<16xf32> to vector<16xf32>
    %swap3A_447 = vector.shape_cast %min3A : vector<16xf32> to vector<16xf32>
    tpu.vector_store %arg11[%swap3A], %swap3A_447 {strides = array<i32>} : memref<32xf32, #tpu.memory_space<vmem>>, vector<16xf32>,
    %swap3A_448 = arith.constant 16 : index
    %swap3A_449 = tpu.vector_load %arg11[%swap3A_448] {strides = array<i32>} : memref<32xf32, #tpu.memory_space<vmem>>, vector<16xf32>,
    %swap3A_450 = vector.shape_cast %swap3A_449 : vector<16xf32> to vector<16xf32>
    %swap3A_451 = vector.shape_cast %max3A : vector<16xf32> to vector<16xf32>
    tpu.vector_store %arg11[%swap3A_448], %swap3A_451 {strides = array<i32>} : memref<32xf32, #tpu.memory_space<vmem>>, vector<16xf32>,
    "tpu.region"() ({
      %run_scoped3A = tpu.sem_alloc : memref<!tpu.dma_semaphore, #tpu.memory_space<semaphore_mem>>
      %dma_start3A_691 = arith.constant 0 : i32
      %dma_start3A_692 = tpu.memref_slice %arg13[%arg1, %dma_start3A_691] : memref<16x32xf32, #tpu.memory_space<vmem_shared>> -> memref<1x32xf32, #tpu.memory_space<vmem_shared>>
      %dma_start3A_693 = tpu.memref_squeeze %dma_start3A_692 : memref<1x32xf32, #tpu.memory_space<vmem_shared>> -> memref<32xf32, #tpu.memory_space<vmem_shared>>
      %dma_start3A_694 = arith.constant 0 : i32
      %dma_start3A_695 = tpu.memref_slice %arg13[%arg1, %dma_start3A_694] : memref<16x32xf32, #tpu.memory_space<vmem_shared>> -> memref<1x32xf32, #tpu.memory_space<vmem_shared>>
      %dma_start3A_696 = tpu.memref_squeeze %dma_start3A_695 : memref<1x32xf32, #tpu.memory_space<vmem_shared>> -> memref<32xf32, #tpu.memory_space<vmem_shared>>
      tpu.enqueue_dma source(%arg11 : memref<32xf32, #tpu.memory_space<vmem>>) target(%dma_start3A_696 : memref<32xf32, #tpu.memory_space<vmem_shared>>) target_semaphore(%run_scoped3A : memref<!tpu.dma_semaphore, #tpu.memory_space<semaphore_mem>>)
      %dma_wait3A_697 = arith.constant 0 : i32
      %dma_wait3A_698 = tpu.memref_slice %arg13[%arg1, %dma_wait3A_697] : memref<16x32xf32, #tpu.memory_space<vmem_shared>> -> memref<1x32xf32, #tpu.memory_space<vmem_shared>>
      %dma_wait3A_699 = tpu.memref_squeeze %dma_wait3A_698 : memref<1x32xf32, #tpu.memory_space<vmem_shared>> -> memref<32xf32, #tpu.memory_space<vmem_shared>>
      %dma_wait3A_700 = arith.constant 0 : i32
      %dma_wait3A_701 = tpu.memref_slice %arg13[%arg1, %dma_wait3A_700] : memref<16x32xf32, #tpu.memory_space<vmem_shared>> -> memref<1x32xf32, #tpu.memory_space<vmem_shared>>
      %dma_wait3A_702 = tpu.memref_squeeze %dma_wait3A_701 : memref<1x32xf32, #tpu.memory_space<vmem_shared>> -> memref<32xf32, #tpu.memory_space<vmem_shared>>
      tpu.wait_dma2 semaphore(%run_scoped3A : memref<!tpu.dma_semaphore, #tpu.memory_space<semaphore_mem>>) src(%arg11 : memref<32xf32, #tpu.memory_space<vmem>>) dst(%dma_wait3A_702 : memref<32xf32, #tpu.memory_space<vmem_shared>>)
      tpu.yield
    }) : () -> ()
    %barrier3A = arith.constant 0 : index
    tpu.barrier barrier_id(%barrier3A)
    %xor3A = arith.constant 1 : i32
    %xor3A_452 = arith.xori %arg1, %xor3A : i32
    "tpu.region"() ({
      %run_scoped3A = tpu.sem_alloc : memref<!tpu.dma_semaphore, #tpu.memory_space<semaphore_mem>>
      %dma_start3A_691 = arith.constant 0 : i32
      %dma_start3A_692 = tpu.memref_slice %arg13[%xor3A_452, %dma_start3A_691] : memref<16x32xf32, #tpu.memory_space<vmem_shared>> -> memref<1x32xf32, #tpu.memory_space<vmem_shared>>
      %dma_start3A_693 = tpu.memref_squeeze %dma_start3A_692 : memref<1x32xf32, #tpu.memory_space<vmem_shared>> -> memref<32xf32, #tpu.memory_space<vmem_shared>>
      %dma_start3A_694 = arith.constant 0 : i32
      %dma_start3A_695 = tpu.memref_slice %arg13[%xor3A_452, %dma_start3A_694] : memref<16x32xf32, #tpu.memory_space<vmem_shared>> -> memref<1x32xf32, #tpu.memory_space<vmem_shared>>
      %dma_start3A_696 = tpu.memref_squeeze %dma_start3A_695 : memref<1x32xf32, #tpu.memory_space<vmem_shared>> -> memref<32xf32, #tpu.memory_space<vmem_shared>>
      tpu.enqueue_dma source(%dma_start3A_696 : memref<32xf32, #tpu.memory_space<vmem_shared>>) target(%arg12 : memref<32xf32, #tpu.memory_space<vmem>>) target_semaphore(%run_scoped3A : memref<!tpu.dma_semaphore, #tpu.memory_space<semaphore_mem>>)
      %dma_wait3A_697 = arith.constant 0 : i32
      %dma_wait3A_698 = tpu.memref_slice %arg13[%xor3A_452, %dma_wait3A_697] : memref<16x32xf32, #tpu.memory_space<vmem_shared>> -> memref<1x32xf32, #tpu.memory_space<vmem_shared>>
      %dma_wait3A_699 = tpu.memref_squeeze %dma_wait3A_698 : memref<1x32xf32, #tpu.memory_space<vmem_shared>> -> memref<32xf32, #tpu.memory_space<vmem_shared>>
      %dma_wait3A_700 = arith.constant 0 : i32
      %dma_wait3A_701 = tpu.memref_slice %arg13[%xor3A_452, %dma_wait3A_700] : memref<16x32xf32, #tpu.memory_space<vmem_shared>> -> memref<1x32xf32, #tpu.memory_space<vmem_shared>>
      %dma_wait3A_702 = tpu.memref_squeeze %dma_wait3A_701 : memref<1x32xf32, #tpu.memory_space<vmem_shared>> -> memref<32xf32, #tpu.memory_space<vmem_shared>>
      tpu.wait_dma2 semaphore(%run_scoped3A : memref<!tpu.dma_semaphore, #tpu.memory_space<semaphore_mem>>) src(%dma_wait3A_702 : memref<32xf32, #tpu.memory_space<vmem_shared>>) dst(%arg12 : memref<32xf32, #tpu.memory_space<vmem>>)
      tpu.yield
    }) : () -> ()
    tpu.wait_dma2 semaphore(%arg15 : memref<!tpu.dma_semaphore, #tpu.memory_space<semaphore_mem>>) src(%arg3 : memref<16xi32, #tpu.memory_space<hbm>>) dst(%arg9 : memref<16xi32, #tpu.memory_space<vmem>>)
    %dma_wait3A_453 = arith.constant 0 : i32
    %dma_wait3A_454 = tpu.memref_slice %arg10[%dma_wait3A_453] : memref<16xf32, #tpu.memory_space<vmem>> -> memref<8xf32, #tpu.memory_space<vmem>>
    %dma_wait3A_455 = arith.constant 0 : i32
    %dma_wait3A_456 = tpu.memref_slice %arg10[%dma_wait3A_455] : memref<16xf32, #tpu.memory_space<vmem>> -> memref<8xf32, #tpu.memory_space<vmem>>
    tpu.wait_dma2 semaphore(%arg15 : memref<!tpu.dma_semaphore, #tpu.memory_space<semaphore_mem>>) src(%arg4 : memref<8xf32, #tpu.memory_space<hbm>>) dst(%dma_wait3A_456 : memref<8xf32, #tpu.memory_space<vmem>>)
    %dma_wait3A_457 = arith.constant 8 : i32
    %dma_wait3A_458 = tpu.memref_slice %arg10[%dma_wait3A_457] : memref<16xf32, #tpu.memory_space<vmem>> -> memref<8xf32, #tpu.memory_space<vmem>>
    %dma_wait3A_459 = arith.constant 8 : i32
    %dma_wait3A_460 = tpu.memref_slice %arg10[%dma_wait3A_459] : memref<16xf32, #tpu.memory_space<vmem>> -> memref<8xf32, #tpu.memory_space<vmem>>
    tpu.wait_dma2 semaphore(%arg15 : memref<!tpu.dma_semaphore, #tpu.memory_space<semaphore_mem>>) src(%arg5 : memref<8xf32, #tpu.memory_space<hbm>>) dst(%dma_wait3A_460 : memref<8xf32, #tpu.memory_space<vmem>>)
    %get3A = arith.constant 0 : index
    %get3A_461 = tpu.vector_load %arg12[%get3A] {strides = array<i32>} : memref<32xf32, #tpu.memory_space<vmem>>, vector<16xf32>,
    %get3A_462 = vector.shape_cast %get3A_461 : vector<16xf32> to vector<16xf32>
    %min3A_463 = arith.minimumf %min3A, %get3A_462 : vector<16xf32>
    %get3A_464 = arith.constant 16 : index
    %get3A_465 = tpu.vector_load %arg12[%get3A_464] {strides = array<i32>} : memref<32xf32, #tpu.memory_space<vmem>>, vector<16xf32>,
    %get3A_466 = vector.shape_cast %get3A_465 : vector<16xf32> to vector<16xf32>
    %max3A_467 = arith.maximumf %max3A, %get3A_466 : vector<16xf32>
    %xor3A_468 = arith.constant 8 : i32
    %xor3A_469 = vector.broadcast %xor3A_468 : i32 to vector<16xi32>
    %xor3A_470 = arith.xori %iota3A, %xor3A_469 : vector<16xi32>
    %broadcast_in_dim3A_471 = vector.shape_cast %xor3A_470 : vector<16xi32> to vector<16x1xi32>
    %gather3A = vector.shape_cast %broadcast_in_dim3A_471 : vector<16x1xi32> to vector<16xi32>
    %gather3A_472 = tpu.dynamic_gather %min3A_463[%gather3A] in [0] : vector<16xf32>, vector<16xi32> -> vector<16xf32>
    %min3A_473 = arith.minimumf %min3A_463, %gather3A_472 : vector<16xf32>
    %broadcast_in_dim3A_474 = vector.shape_cast %xor3A_470 : vector<16xi32> to vector<16x1xi32>
    %gather3A_475 = vector.shape_cast %broadcast_in_dim3A_474 : vector<16x1xi32> to vector<16xi32>
    %gather3A_476 = tpu.dynamic_gather %max3A_467[%gather3A_475] in [0] : vector<16xf32>, vector<16xi32> -> vector<16xf32>
    %max3A_477 = arith.maximumf %max3A_467, %gather3A_476 : vector<16xf32>
    %xor3A_478 = arith.constant 4 : i32
    %xor3A_479 = vector.broadcast %xor3A_478 : i32 to vector<16xi32>
    %xor3A_480 = arith.xori %iota3A, %xor3A_479 : vector<16xi32>
    %broadcast_in_dim3A_481 = vector.shape_cast %xor3A_480 : vector<16xi32> to vector<16x1xi32>
    %gather3A_482 = vector.shape_cast %broadcast_in_dim3A_481 : vector<16x1xi32> to vector<16xi32>
    %gather3A_483 = tpu.dynamic_gather %min3A_473[%gather3A_482] in [0] : vector<16xf32>, vector<16xi32> -> vector<16xf32>
    %min3A_484 = arith.minimumf %min3A_473, %gather3A_483 : vector<16xf32>
    %broadcast_in_dim3A_485 = vector.shape_cast %xor3A_480 : vector<16xi32> to vector<16x1xi32>
    %gather3A_486 = vector.shape_cast %broadcast_in_dim3A_485 : vector<16x1xi32> to vector<16xi32>
    %gather3A_487 = tpu.dynamic_gather %max3A_477[%gather3A_486] in [0] : vector<16xf32>, vector<16xi32> -> vector<16xf32>
    %max3A_488 = arith.maximumf %max3A_477, %gather3A_487 : vector<16xf32>
    %xor3A_489 = arith.constant 2 : i32
    %xor3A_490 = vector.broadcast %xor3A_489 : i32 to vector<16xi32>
    %xor3A_491 = arith.xori %iota3A, %xor3A_490 : vector<16xi32>
    %broadcast_in_dim3A_492 = vector.shape_cast %xor3A_491 : vector<16xi32> to vector<16x1xi32>
    %gather3A_493 = vector.shape_cast %broadcast_in_dim3A_492 : vector<16x1xi32> to vector<16xi32>
    %gather3A_494 = tpu.dynamic_gather %min3A_484[%gather3A_493] in [0] : vector<16xf32>, vector<16xi32> -> vector<16xf32>
    %min3A_495 = arith.minimumf %min3A_484, %gather3A_494 : vector<16xf32>
    %broadcast_in_dim3A_496 = vector.shape_cast %xor3A_491 : vector<16xi32> to vector<16x1xi32>
    %gather3A_497 = vector.shape_cast %broadcast_in_dim3A_496 : vector<16x1xi32> to vector<16xi32>
    %gather3A_498 = tpu.dynamic_gather %max3A_488[%gather3A_497] in [0] : vector<16xf32>, vector<16xi32> -> vector<16xf32>
    %max3A_499 = arith.maximumf %max3A_488, %gather3A_498 : vector<16xf32>
    %xor3A_500 = arith.constant 1 : i32
    %xor3A_501 = vector.broadcast %xor3A_500 : i32 to vector<16xi32>
    %xor3A_502 = arith.xori %iota3A, %xor3A_501 : vector<16xi32>
    %broadcast_in_dim3A_503 = vector.shape_cast %xor3A_502 : vector<16xi32> to vector<16x1xi32>
    %gather3A_504 = vector.shape_cast %broadcast_in_dim3A_503 : vector<16x1xi32> to vector<16xi32>
    %gather3A_505 = tpu.dynamic_gather %min3A_495[%gather3A_504] in [0] : vector<16xf32>, vector<16xi32> -> vector<16xf32>
    %min3A_506 = arith.minimumf %min3A_495, %gather3A_505 : vector<16xf32>
    %broadcast_in_dim3A_507 = vector.shape_cast %xor3A_502 : vector<16xi32> to vector<16x1xi32>
    %gather3A_508 = vector.shape_cast %broadcast_in_dim3A_507 : vector<16x1xi32> to vector<16xi32>
    %gather3A_509 = tpu.dynamic_gather %max3A_499[%gather3A_508] in [0] : vector<16xf32>, vector<16xi32> -> vector<16xf32>
    %max3A_510 = arith.maximumf %max3A_499, %gather3A_509 : vector<16xf32>
    %sub3A_511 = arith.subf %max3A_510, %min3A_506 : vector<16xf32>
    %div3A_512 = arith.constant 1.000000e+00 : f32
    %div3A_513 = vector.broadcast %div3A_512 : f32 to vector<16xf32>
    %div3A_514 = arith.divf %div3A_513, %sub3A_511 : vector<16xf32>
    %get3A_515 = arith.constant 0 : index
    %get3A_516 = tpu.vector_load %arg9[%get3A_515] {strides = array<i32>} : memref<16xi32, #tpu.memory_space<vmem>>, vector<16xi32>,
    %get3A_517 = vector.shape_cast %get3A_516 : vector<16xi32> to vector<16xi32>
    %broadcast_in_dim3A_518 = vector.broadcast %select_n3A : i32 to vector<16xi32>
    %broadcast_in_dim3A_519 = vector.shape_cast %broadcast_in_dim3A_518 : vector<16xi32> to vector<16x1xi32>
    %gather3A_520 = vector.shape_cast %broadcast_in_dim3A_519 : vector<16x1xi32> to vector<16xi32>
    %gather3A_521 = tpu.dynamic_gather %get3A_517[%gather3A_520] in [0] : vector<16xi32>, vector<16xi32> -> vector<16xi32>
    %get3A_522 = arith.constant 0 : index
    %get3A_523 = tpu.vector_load %arg10[%get3A_522] {strides = array<i32>} : memref<16xf32, #tpu.memory_space<vmem>>, vector<16xf32>,
    %get3A_524 = vector.shape_cast %get3A_523 : vector<16xf32> to vector<16xf32>
    %broadcast_in_dim3A_525 = arith.constant 0 : i32
    %broadcast_in_dim3A_526 = vector.broadcast %broadcast_in_dim3A_525 : i32 to vector<16xi32>
    %broadcast_in_dim3A_527 = vector.shape_cast %broadcast_in_dim3A_526 : vector<16xi32> to vector<16x1xi32>
    %gather3A_528 = vector.shape_cast %broadcast_in_dim3A_527 : vector<16x1xi32> to vector<16xi32>
    %gather3A_529 = tpu.dynamic_gather %get3A_524[%gather3A_528] in [0] : vector<16xf32>, vector<16xi32> -> vector<16xf32>
    %broadcast_in_dim3A_530 = arith.constant 1 : i32
    %broadcast_in_dim3A_531 = vector.broadcast %broadcast_in_dim3A_530 : i32 to vector<16xi32>
    %broadcast_in_dim3A_532 = vector.shape_cast %broadcast_in_dim3A_531 : vector<16xi32> to vector<16x1xi32>
    %gather3A_533 = vector.shape_cast %broadcast_in_dim3A_532 : vector<16x1xi32> to vector<16xi32>
    %gather3A_534 = tpu.dynamic_gather %get3A_524[%gather3A_533] in [0] : vector<16xf32>, vector<16xi32> -> vector<16xf32>
    %broadcast_in_dim3A_535 = arith.constant 2 : i32
    %broadcast_in_dim3A_536 = vector.broadcast %broadcast_in_dim3A_535 : i32 to vector<16xi32>
    %broadcast_in_dim3A_537 = vector.shape_cast %broadcast_in_dim3A_536 : vector<16xi32> to vector<16x1xi32>
    %gather3A_538 = vector.shape_cast %broadcast_in_dim3A_537 : vector<16x1xi32> to vector<16xi32>
    %gather3A_539 = tpu.dynamic_gather %get3A_524[%gather3A_538] in [0] : vector<16xf32>, vector<16xi32> -> vector<16xf32>
    %broadcast_in_dim3A_540 = arith.constant 3 : i32
    %broadcast_in_dim3A_541 = vector.broadcast %broadcast_in_dim3A_540 : i32 to vector<16xi32>
    %broadcast_in_dim3A_542 = vector.shape_cast %broadcast_in_dim3A_541 : vector<16xi32> to vector<16x1xi32>
    %gather3A_543 = vector.shape_cast %broadcast_in_dim3A_542 : vector<16x1xi32> to vector<16xi32>
    %gather3A_544 = tpu.dynamic_gather %get3A_524[%gather3A_543] in [0] : vector<16xf32>, vector<16xi32> -> vector<16xf32>
    %broadcast_in_dim3A_545 = arith.constant 4 : i32
    %broadcast_in_dim3A_546 = vector.broadcast %broadcast_in_dim3A_545 : i32 to vector<16xi32>
    %broadcast_in_dim3A_547 = vector.shape_cast %broadcast_in_dim3A_546 : vector<16xi32> to vector<16x1xi32>
    %gather3A_548 = vector.shape_cast %broadcast_in_dim3A_547 : vector<16x1xi32> to vector<16xi32>
    %gather3A_549 = tpu.dynamic_gather %get3A_524[%gather3A_548] in [0] : vector<16xf32>, vector<16xi32> -> vector<16xf32>
    %broadcast_in_dim3A_550 = arith.constant 5 : i32
    %broadcast_in_dim3A_551 = vector.broadcast %broadcast_in_dim3A_550 : i32 to vector<16xi32>
    %broadcast_in_dim3A_552 = vector.shape_cast %broadcast_in_dim3A_551 : vector<16xi32> to vector<16x1xi32>
    %gather3A_553 = vector.shape_cast %broadcast_in_dim3A_552 : vector<16x1xi32> to vector<16xi32>
    %gather3A_554 = tpu.dynamic_gather %get3A_524[%gather3A_553] in [0] : vector<16xf32>, vector<16xi32> -> vector<16xf32>
    %broadcast_in_dim3A_555 = arith.constant 6 : i32
    %broadcast_in_dim3A_556 = vector.broadcast %broadcast_in_dim3A_555 : i32 to vector<16xi32>
    %broadcast_in_dim3A_557 = vector.shape_cast %broadcast_in_dim3A_556 : vector<16xi32> to vector<16x1xi32>
    %gather3A_558 = vector.shape_cast %broadcast_in_dim3A_557 : vector<16x1xi32> to vector<16xi32>
    %gather3A_559 = tpu.dynamic_gather %get3A_524[%gather3A_558] in [0] : vector<16xf32>, vector<16xi32> -> vector<16xf32>
    %broadcast_in_dim3A_560 = arith.constant 7 : i32
    %broadcast_in_dim3A_561 = vector.broadcast %broadcast_in_dim3A_560 : i32 to vector<16xi32>
    %broadcast_in_dim3A_562 = vector.shape_cast %broadcast_in_dim3A_561 : vector<16xi32> to vector<16x1xi32>
    %gather3A_563 = vector.shape_cast %broadcast_in_dim3A_562 : vector<16x1xi32> to vector<16xi32>
    %gather3A_564 = tpu.dynamic_gather %get3A_524[%gather3A_563] in [0] : vector<16xf32>, vector<16xi32> -> vector<16xf32>
    %broadcast_in_dim3A_565 = arith.constant 8 : i32
    %broadcast_in_dim3A_566 = vector.broadcast %broadcast_in_dim3A_565 : i32 to vector<16xi32>
    %broadcast_in_dim3A_567 = vector.shape_cast %broadcast_in_dim3A_566 : vector<16xi32> to vector<16x1xi32>
    %gather3A_568 = vector.shape_cast %broadcast_in_dim3A_567 : vector<16x1xi32> to vector<16xi32>
    %gather3A_569 = tpu.dynamic_gather %get3A_524[%gather3A_568] in [0] : vector<16xf32>, vector<16xi32> -> vector<16xf32>
    %broadcast_in_dim3A_570 = arith.constant 9 : i32
    %broadcast_in_dim3A_571 = vector.broadcast %broadcast_in_dim3A_570 : i32 to vector<16xi32>
    %broadcast_in_dim3A_572 = vector.shape_cast %broadcast_in_dim3A_571 : vector<16xi32> to vector<16x1xi32>
    %gather3A_573 = vector.shape_cast %broadcast_in_dim3A_572 : vector<16x1xi32> to vector<16xi32>
    %gather3A_574 = tpu.dynamic_gather %get3A_524[%gather3A_573] in [0] : vector<16xf32>, vector<16xi32> -> vector<16xf32>
    %broadcast_in_dim3A_575 = arith.constant 10 : i32
    %broadcast_in_dim3A_576 = vector.broadcast %broadcast_in_dim3A_575 : i32 to vector<16xi32>
    %broadcast_in_dim3A_577 = vector.shape_cast %broadcast_in_dim3A_576 : vector<16xi32> to vector<16x1xi32>
    %gather3A_578 = vector.shape_cast %broadcast_in_dim3A_577 : vector<16x1xi32> to vector<16xi32>
    %gather3A_579 = tpu.dynamic_gather %get3A_524[%gather3A_578] in [0] : vector<16xf32>, vector<16xi32> -> vector<16xf32>
    %broadcast_in_dim3A_580 = arith.constant 11 : i32
    %broadcast_in_dim3A_581 = vector.broadcast %broadcast_in_dim3A_580 : i32 to vector<16xi32>
    %broadcast_in_dim3A_582 = vector.shape_cast %broadcast_in_dim3A_581 : vector<16xi32> to vector<16x1xi32>
    %gather3A_583 = vector.shape_cast %broadcast_in_dim3A_582 : vector<16x1xi32> to vector<16xi32>
    %gather3A_584 = tpu.dynamic_gather %get3A_524[%gather3A_583] in [0] : vector<16xf32>, vector<16xi32> -> vector<16xf32>
    %broadcast_in_dim3A_585 = arith.constant 12 : i32
    %broadcast_in_dim3A_586 = vector.broadcast %broadcast_in_dim3A_585 : i32 to vector<16xi32>
    %broadcast_in_dim3A_587 = vector.shape_cast %broadcast_in_dim3A_586 : vector<16xi32> to vector<16x1xi32>
    %gather3A_588 = vector.shape_cast %broadcast_in_dim3A_587 : vector<16x1xi32> to vector<16xi32>
    %gather3A_589 = tpu.dynamic_gather %get3A_524[%gather3A_588] in [0] : vector<16xf32>, vector<16xi32> -> vector<16xf32>
    %broadcast_in_dim3A_590 = arith.constant 13 : i32
    %broadcast_in_dim3A_591 = vector.broadcast %broadcast_in_dim3A_590 : i32 to vector<16xi32>
    %broadcast_in_dim3A_592 = vector.shape_cast %broadcast_in_dim3A_591 : vector<16xi32> to vector<16x1xi32>
    %gather3A_593 = vector.shape_cast %broadcast_in_dim3A_592 : vector<16x1xi32> to vector<16xi32>
    %gather3A_594 = tpu.dynamic_gather %get3A_524[%gather3A_593] in [0] : vector<16xf32>, vector<16xi32> -> vector<16xf32>
    %broadcast_in_dim3A_595 = arith.constant 14 : i32
    %broadcast_in_dim3A_596 = vector.broadcast %broadcast_in_dim3A_595 : i32 to vector<16xi32>
    %broadcast_in_dim3A_597 = vector.shape_cast %broadcast_in_dim3A_596 : vector<16xi32> to vector<16x1xi32>
    %gather3A_598 = vector.shape_cast %broadcast_in_dim3A_597 : vector<16x1xi32> to vector<16xi32>
    %gather3A_599 = tpu.dynamic_gather %get3A_524[%gather3A_598] in [0] : vector<16xf32>, vector<16xi32> -> vector<16xf32>
    %broadcast_in_dim3A_600 = arith.constant 15 : i32
    %broadcast_in_dim3A_601 = vector.broadcast %broadcast_in_dim3A_600 : i32 to vector<16xi32>
    %broadcast_in_dim3A_602 = vector.shape_cast %broadcast_in_dim3A_601 : vector<16xi32> to vector<16x1xi32>
    %gather3A_603 = vector.shape_cast %broadcast_in_dim3A_602 : vector<16x1xi32> to vector<16xi32>
    %gather3A_604 = tpu.dynamic_gather %get3A_524[%gather3A_603] in [0] : vector<16xf32>, vector<16xi32> -> vector<16xf32>
    %mul3A_605 = arith.constant 2048 : i32
    %mul3A_606 = arith.muli %select_n3A_30, %mul3A_605 : i32
    %mul3A_607 = arith.constant 2048 : i32
    %mul3A_608 = arith.muli %add3A, %mul3A_607 : i32
    %mul3A_609 = arith.constant 8 : i32
    %mul3A_610 = arith.muli %mul3A_608, %mul3A_609 : i32
    %scan3A_611 = arith.constant 0 : i32
    %scan3A_612 = arith.constant 0 : i32
    %scan3A_613 = arith.constant 4 : i32
    %scan3A_614 = arith.addi %scan3A_612, %scan3A_613 : i32
    %scan3A_615 = arith.constant 1 : i32
    scf.for %scan3A_691 = %scan3A_612 to %scan3A_614 step %scan3A_615  : i32 {
      %mul3A_692 = arith.constant 128 : i32
      %mul3A_693 = arith.muli %scan3A_691, %mul3A_692 : i32
      %mul3A_694 = arith.constant 1024 : i32
      %mul3A_695 = arith.muli %scan3A_691, %mul3A_694 : i32
      %add3A_696 = arith.constant 0 : i32
      %add3A_697 = arith.addi %mul3A_693, %add3A_696 : i32
      %get3A_698 = arith.index_cast %add3A_697 : i32 to index
      %get3A_699 = tpu.vector_load %arg8[%get3A_698] {strides = array<i32>} : memref<2048xf32, #tpu.memory_space<vmem>>, vector<16xf32>,
      %get3A_700 = vector.shape_cast %get3A_699 : vector<16xf32> to vector<16xf32>
      %sub3A_701 = arith.subf %get3A_700, %min3A_506 : vector<16xf32>
      %mul3A_702 = arith.mulf %sub3A_701, %div3A_514 : vector<16xf32>
      %add3A_703 = arith.addi %mul3A_606, %mul3A_693 : i32
      %add3A_704 = arith.constant 0 : i32
      %add3A_705 = arith.addi %add3A_703, %add3A_704 : i32
      %add3A_706 = vector.broadcast %add3A_705 : i32 to vector<16xi32>
      %add3A_707 = arith.addi %add3A_706, %iota3A : vector<16xi32>
      %lt3A_708 = arith.cmpi slt, %add3A_707, %gather3A_521 : vector<16xi32>
      %jit3A_709 = arith.constant 0.000000e+00 : f32
      %broadcast_in_dim3A_710 = vector.broadcast %jit3A_709 : f32 to vector<16xf32>
      %select_n3A_711 = arith.select %lt3A_708, %mul3A_702, %broadcast_in_dim3A_710 : vector<16xi1>, vector<16xf32>
      %jit3A_712 = arith.constant 1.000000e+00 : f32
      %jit3A_713 = arith.constant 0.000000e+00 : f32
      %broadcast_in_dim3A_714 = vector.broadcast %jit3A_712 : f32 to vector<16xf32>
      %broadcast_in_dim3A_715 = vector.broadcast %jit3A_713 : f32 to vector<16xf32>
      %select_n3A_716 = arith.select %lt3A_708, %broadcast_in_dim3A_714, %broadcast_in_dim3A_715 : vector<16xi1>, vector<16xf32>
      %add3A_717 = arith.constant 16 : i32
      %add3A_718 = arith.addi %mul3A_693, %add3A_717 : i32
      %get3A_719 = arith.index_cast %add3A_718 : i32 to index
      %get3A_720 = tpu.vector_load %arg8[%get3A_719] {strides = array<i32>} : memref<2048xf32, #tpu.memory_space<vmem>>, vector<16xf32>,
      %get3A_721 = vector.shape_cast %get3A_720 : vector<16xf32> to vector<16xf32>
      %sub3A_722 = arith.subf %get3A_721, %min3A_506 : vector<16xf32>
      %mul3A_723 = arith.mulf %sub3A_722, %div3A_514 : vector<16xf32>
      %add3A_724 = arith.addi %mul3A_606, %mul3A_693 : i32
      %add3A_725 = arith.constant 16 : i32
      %add3A_726 = arith.addi %add3A_724, %add3A_725 : i32
      %add3A_727 = vector.broadcast %add3A_726 : i32 to vector<16xi32>
      %add3A_728 = arith.addi %add3A_727, %iota3A : vector<16xi32>
      %lt3A_729 = arith.cmpi slt, %add3A_728, %gather3A_521 : vector<16xi32>
      %jit3A_730 = arith.constant 0.000000e+00 : f32
      %broadcast_in_dim3A_731 = vector.broadcast %jit3A_730 : f32 to vector<16xf32>
      %select_n3A_732 = arith.select %lt3A_729, %mul3A_723, %broadcast_in_dim3A_731 : vector<16xi1>, vector<16xf32>
      %jit3A_733 = arith.constant 1.000000e+00 : f32
      %jit3A_734 = arith.constant 0.000000e+00 : f32
      %broadcast_in_dim3A_735 = vector.broadcast %jit3A_733 : f32 to vector<16xf32>
      %broadcast_in_dim3A_736 = vector.broadcast %jit3A_734 : f32 to vector<16xf32>
      %select_n3A_737 = arith.select %lt3A_729, %broadcast_in_dim3A_735, %broadcast_in_dim3A_736 : vector<16xi1>, vector<16xf32>
      %add3A_738 = arith.constant 32 : i32
      %add3A_739 = arith.addi %mul3A_693, %add3A_738 : i32
      %get3A_740 = arith.index_cast %add3A_739 : i32 to index
      %get3A_741 = tpu.vector_load %arg8[%get3A_740] {strides = array<i32>} : memref<2048xf32, #tpu.memory_space<vmem>>, vector<16xf32>,
      %get3A_742 = vector.shape_cast %get3A_741 : vector<16xf32> to vector<16xf32>
      %sub3A_743 = arith.subf %get3A_742, %min3A_506 : vector<16xf32>
      %mul3A_744 = arith.mulf %sub3A_743, %div3A_514 : vector<16xf32>
      %add3A_745 = arith.addi %mul3A_606, %mul3A_693 : i32
      %add3A_746 = arith.constant 32 : i32
      %add3A_747 = arith.addi %add3A_745, %add3A_746 : i32
      %add3A_748 = vector.broadcast %add3A_747 : i32 to vector<16xi32>
      %add3A_749 = arith.addi %add3A_748, %iota3A : vector<16xi32>
      %lt3A_750 = arith.cmpi slt, %add3A_749, %gather3A_521 : vector<16xi32>
      %jit3A_751 = arith.constant 0.000000e+00 : f32
      %broadcast_in_dim3A_752 = vector.broadcast %jit3A_751 : f32 to vector<16xf32>
      %select_n3A_753 = arith.select %lt3A_750, %mul3A_744, %broadcast_in_dim3A_752 : vector<16xi1>, vector<16xf32>
      %jit3A_754 = arith.constant 1.000000e+00 : f32
      %jit3A_755 = arith.constant 0.000000e+00 : f32
      %broadcast_in_dim3A_756 = vector.broadcast %jit3A_754 : f32 to vector<16xf32>
      %broadcast_in_dim3A_757 = vector.broadcast %jit3A_755 : f32 to vector<16xf32>
      %select_n3A_758 = arith.select %lt3A_750, %broadcast_in_dim3A_756, %broadcast_in_dim3A_757 : vector<16xi1>, vector<16xf32>
      %add3A_759 = arith.constant 48 : i32
      %add3A_760 = arith.addi %mul3A_693, %add3A_759 : i32
      %get3A_761 = arith.index_cast %add3A_760 : i32 to index
      %get3A_762 = tpu.vector_load %arg8[%get3A_761] {strides = array<i32>} : memref<2048xf32, #tpu.memory_space<vmem>>, vector<16xf32>,
      %get3A_763 = vector.shape_cast %get3A_762 : vector<16xf32> to vector<16xf32>
      %sub3A_764 = arith.subf %get3A_763, %min3A_506 : vector<16xf32>
      %mul3A_765 = arith.mulf %sub3A_764, %div3A_514 : vector<16xf32>
      %add3A_766 = arith.addi %mul3A_606, %mul3A_693 : i32
      %add3A_767 = arith.constant 48 : i32
      %add3A_768 = arith.addi %add3A_766, %add3A_767 : i32
      %add3A_769 = vector.broadcast %add3A_768 : i32 to vector<16xi32>
      %add3A_770 = arith.addi %add3A_769, %iota3A : vector<16xi32>
      %lt3A_771 = arith.cmpi slt, %add3A_770, %gather3A_521 : vector<16xi32>
      %jit3A_772 = arith.constant 0.000000e+00 : f32
      %broadcast_in_dim3A_773 = vector.broadcast %jit3A_772 : f32 to vector<16xf32>
      %select_n3A_774 = arith.select %lt3A_771, %mul3A_765, %broadcast_in_dim3A_773 : vector<16xi1>, vector<16xf32>
      %jit3A_775 = arith.constant 1.000000e+00 : f32
      %jit3A_776 = arith.constant 0.000000e+00 : f32
      %broadcast_in_dim3A_777 = vector.broadcast %jit3A_775 : f32 to vector<16xf32>
      %broadcast_in_dim3A_778 = vector.broadcast %jit3A_776 : f32 to vector<16xf32>
      %select_n3A_779 = arith.select %lt3A_771, %broadcast_in_dim3A_777, %broadcast_in_dim3A_778 : vector<16xi1>, vector<16xf32>
      %add3A_780 = arith.constant 64 : i32
      %add3A_781 = arith.addi %mul3A_693, %add3A_780 : i32
      %get3A_782 = arith.index_cast %add3A_781 : i32 to index
      %get3A_783 = tpu.vector_load %arg8[%get3A_782] {strides = array<i32>} : memref<2048xf32, #tpu.memory_space<vmem>>, vector<16xf32>,
      %get3A_784 = vector.shape_cast %get3A_783 : vector<16xf32> to vector<16xf32>
      %sub3A_785 = arith.subf %get3A_784, %min3A_506 : vector<16xf32>
      %mul3A_786 = arith.mulf %sub3A_785, %div3A_514 : vector<16xf32>
      %add3A_787 = arith.addi %mul3A_606, %mul3A_693 : i32
      %add3A_788 = arith.constant 64 : i32
      %add3A_789 = arith.addi %add3A_787, %add3A_788 : i32
      %add3A_790 = vector.broadcast %add3A_789 : i32 to vector<16xi32>
      %add3A_791 = arith.addi %add3A_790, %iota3A : vector<16xi32>
      %lt3A_792 = arith.cmpi slt, %add3A_791, %gather3A_521 : vector<16xi32>
      %jit3A_793 = arith.constant 0.000000e+00 : f32
      %broadcast_in_dim3A_794 = vector.broadcast %jit3A_793 : f32 to vector<16xf32>
      %select_n3A_795 = arith.select %lt3A_792, %mul3A_786, %broadcast_in_dim3A_794 : vector<16xi1>, vector<16xf32>
      %jit3A_796 = arith.constant 1.000000e+00 : f32
      %jit3A_797 = arith.constant 0.000000e+00 : f32
      %broadcast_in_dim3A_798 = vector.broadcast %jit3A_796 : f32 to vector<16xf32>
      %broadcast_in_dim3A_799 = vector.broadcast %jit3A_797 : f32 to vector<16xf32>
      %select_n3A_800 = arith.select %lt3A_792, %broadcast_in_dim3A_798, %broadcast_in_dim3A_799 : vector<16xi1>, vector<16xf32>
      %add3A_801 = arith.constant 80 : i32
      %add3A_802 = arith.addi %mul3A_693, %add3A_801 : i32
      %get3A_803 = arith.index_cast %add3A_802 : i32 to index
      %get3A_804 = tpu.vector_load %arg8[%get3A_803] {strides = array<i32>} : memref<2048xf32, #tpu.memory_space<vmem>>, vector<16xf32>,
      %get3A_805 = vector.shape_cast %get3A_804 : vector<16xf32> to vector<16xf32>
      %sub3A_806 = arith.subf %get3A_805, %min3A_506 : vector<16xf32>
      %mul3A_807 = arith.mulf %sub3A_806, %div3A_514 : vector<16xf32>
      %add3A_808 = arith.addi %mul3A_606, %mul3A_693 : i32
      %add3A_809 = arith.constant 80 : i32
      %add3A_810 = arith.addi %add3A_808, %add3A_809 : i32
      %add3A_811 = vector.broadcast %add3A_810 : i32 to vector<16xi32>
      %add3A_812 = arith.addi %add3A_811, %iota3A : vector<16xi32>
      %lt3A_813 = arith.cmpi slt, %add3A_812, %gather3A_521 : vector<16xi32>
      %jit3A_814 = arith.constant 0.000000e+00 : f32
      %broadcast_in_dim3A_815 = vector.broadcast %jit3A_814 : f32 to vector<16xf32>
      %select_n3A_816 = arith.select %lt3A_813, %mul3A_807, %broadcast_in_dim3A_815 : vector<16xi1>, vector<16xf32>
      %jit3A_817 = arith.constant 1.000000e+00 : f32
      %jit3A_818 = arith.constant 0.000000e+00 : f32
      %broadcast_in_dim3A_819 = vector.broadcast %jit3A_817 : f32 to vector<16xf32>
      %broadcast_in_dim3A_820 = vector.broadcast %jit3A_818 : f32 to vector<16xf32>
      %select_n3A_821 = arith.select %lt3A_813, %broadcast_in_dim3A_819, %broadcast_in_dim3A_820 : vector<16xi1>, vector<16xf32>
      %add3A_822 = arith.constant 96 : i32
      %add3A_823 = arith.addi %mul3A_693, %add3A_822 : i32
      %get3A_824 = arith.index_cast %add3A_823 : i32 to index
      %get3A_825 = tpu.vector_load %arg8[%get3A_824] {strides = array<i32>} : memref<2048xf32, #tpu.memory_space<vmem>>, vector<16xf32>,
      %get3A_826 = vector.shape_cast %get3A_825 : vector<16xf32> to vector<16xf32>
      %sub3A_827 = arith.subf %get3A_826, %min3A_506 : vector<16xf32>
      %mul3A_828 = arith.mulf %sub3A_827, %div3A_514 : vector<16xf32>
      %add3A_829 = arith.addi %mul3A_606, %mul3A_693 : i32
      %add3A_830 = arith.constant 96 : i32
      %add3A_831 = arith.addi %add3A_829, %add3A_830 : i32
      %add3A_832 = vector.broadcast %add3A_831 : i32 to vector<16xi32>
      %add3A_833 = arith.addi %add3A_832, %iota3A : vector<16xi32>
      %lt3A_834 = arith.cmpi slt, %add3A_833, %gather3A_521 : vector<16xi32>
      %jit3A_835 = arith.constant 0.000000e+00 : f32
      %broadcast_in_dim3A_836 = vector.broadcast %jit3A_835 : f32 to vector<16xf32>
      %select_n3A_837 = arith.select %lt3A_834, %mul3A_828, %broadcast_in_dim3A_836 : vector<16xi1>, vector<16xf32>
      %jit3A_838 = arith.constant 1.000000e+00 : f32
      %jit3A_839 = arith.constant 0.000000e+00 : f32
      %broadcast_in_dim3A_840 = vector.broadcast %jit3A_838 : f32 to vector<16xf32>
      %broadcast_in_dim3A_841 = vector.broadcast %jit3A_839 : f32 to vector<16xf32>
      %select_n3A_842 = arith.select %lt3A_834, %broadcast_in_dim3A_840, %broadcast_in_dim3A_841 : vector<16xi1>, vector<16xf32>
      %add3A_843 = arith.constant 112 : i32
      %add3A_844 = arith.addi %mul3A_693, %add3A_843 : i32
      %get3A_845 = arith.index_cast %add3A_844 : i32 to index
      %get3A_846 = tpu.vector_load %arg8[%get3A_845] {strides = array<i32>} : memref<2048xf32, #tpu.memory_space<vmem>>, vector<16xf32>,
      %get3A_847 = vector.shape_cast %get3A_846 : vector<16xf32> to vector<16xf32>
      %sub3A_848 = arith.subf %get3A_847, %min3A_506 : vector<16xf32>
      %mul3A_849 = arith.mulf %sub3A_848, %div3A_514 : vector<16xf32>
      %add3A_850 = arith.addi %mul3A_606, %mul3A_693 : i32
      %add3A_851 = arith.constant 112 : i32
      %add3A_852 = arith.addi %add3A_850, %add3A_851 : i32
      %add3A_853 = vector.broadcast %add3A_852 : i32 to vector<16xi32>
      %add3A_854 = arith.addi %add3A_853, %iota3A : vector<16xi32>
      %lt3A_855 = arith.cmpi slt, %add3A_854, %gather3A_521 : vector<16xi32>
      %jit3A_856 = arith.constant 0.000000e+00 : f32
      %broadcast_in_dim3A_857 = vector.broadcast %jit3A_856 : f32 to vector<16xf32>
      %select_n3A_858 = arith.select %lt3A_855, %mul3A_849, %broadcast_in_dim3A_857 : vector<16xi1>, vector<16xf32>
      %jit3A_859 = arith.constant 1.000000e+00 : f32
      %jit3A_860 = arith.constant 0.000000e+00 : f32
      %broadcast_in_dim3A_861 = vector.broadcast %jit3A_859 : f32 to vector<16xf32>
      %broadcast_in_dim3A_862 = vector.broadcast %jit3A_860 : f32 to vector<16xf32>
      %select_n3A_863 = arith.select %lt3A_855, %broadcast_in_dim3A_861, %broadcast_in_dim3A_862 : vector<16xi1>, vector<16xf32>
      %mul3A_864 = arith.mulf %select_n3A_711, %gather3A_529 : vector<16xf32>
      %mul3A_865 = arith.mulf %select_n3A_716, %gather3A_569 : vector<16xf32>
      %add3A_866 = arith.addf %mul3A_864, %mul3A_865 : vector<16xf32>
      %add3A_867 = arith.constant 0 : i32
      %add3A_868 = arith.addi %mul3A_695, %add3A_867 : i32
      %add3A_869 = arith.constant 0 : i32
      %add3A_870 = arith.addi %add3A_868, %add3A_869 : i32
      %swap3A_871 = arith.index_cast %add3A_870 : i32 to index
      %swap3A_872 = tpu.vector_load %arg14[%swap3A_871] {strides = array<i32>} : memref<16384xf32, #tpu.memory_space<vmem>>, vector<16xf32>,
      %swap3A_873 = vector.shape_cast %swap3A_872 : vector<16xf32> to vector<16xf32>
      %swap3A_874 = vector.shape_cast %add3A_866 : vector<16xf32> to vector<16xf32>
      tpu.vector_store %arg14[%swap3A_871], %swap3A_874 {strides = array<i32>} : memref<16384xf32, #tpu.memory_space<vmem>>, vector<16xf32>,
      %mul3A_875 = arith.mulf %select_n3A_711, %gather3A_534 : vector<16xf32>
      %mul3A_876 = arith.mulf %select_n3A_716, %gather3A_574 : vector<16xf32>
      %add3A_877 = arith.addf %mul3A_875, %mul3A_876 : vector<16xf32>
      %add3A_878 = arith.constant 128 : i32
      %add3A_879 = arith.addi %mul3A_695, %add3A_878 : i32
      %add3A_880 = arith.constant 0 : i32
      %add3A_881 = arith.addi %add3A_879, %add3A_880 : i32
      %swap3A_882 = arith.index_cast %add3A_881 : i32 to index
      %swap3A_883 = tpu.vector_load %arg14[%swap3A_882] {strides = array<i32>} : memref<16384xf32, #tpu.memory_space<vmem>>, vector<16xf32>,
      %swap3A_884 = vector.shape_cast %swap3A_883 : vector<16xf32> to vector<16xf32>
      %swap3A_885 = vector.shape_cast %add3A_877 : vector<16xf32> to vector<16xf32>
      tpu.vector_store %arg14[%swap3A_882], %swap3A_885 {strides = array<i32>} : memref<16384xf32, #tpu.memory_space<vmem>>, vector<16xf32>,
      %mul3A_886 = arith.mulf %select_n3A_711, %gather3A_539 : vector<16xf32>
      %mul3A_887 = arith.mulf %select_n3A_716, %gather3A_579 : vector<16xf32>
      %add3A_888 = arith.addf %mul3A_886, %mul3A_887 : vector<16xf32>
      %add3A_889 = arith.constant 256 : i32
      %add3A_890 = arith.addi %mul3A_695, %add3A_889 : i32
      %add3A_891 = arith.constant 0 : i32
      %add3A_892 = arith.addi %add3A_890, %add3A_891 : i32
      %swap3A_893 = arith.index_cast %add3A_892 : i32 to index
      %swap3A_894 = tpu.vector_load %arg14[%swap3A_893] {strides = array<i32>} : memref<16384xf32, #tpu.memory_space<vmem>>, vector<16xf32>,
      %swap3A_895 = vector.shape_cast %swap3A_894 : vector<16xf32> to vector<16xf32>
      %swap3A_896 = vector.shape_cast %add3A_888 : vector<16xf32> to vector<16xf32>
      tpu.vector_store %arg14[%swap3A_893], %swap3A_896 {strides = array<i32>} : memref<16384xf32, #tpu.memory_space<vmem>>, vector<16xf32>,
      %mul3A_897 = arith.mulf %select_n3A_711, %gather3A_544 : vector<16xf32>
      %mul3A_898 = arith.mulf %select_n3A_716, %gather3A_584 : vector<16xf32>
      %add3A_899 = arith.addf %mul3A_897, %mul3A_898 : vector<16xf32>
      %add3A_900 = arith.constant 384 : i32
      %add3A_901 = arith.addi %mul3A_695, %add3A_900 : i32
      %add3A_902 = arith.constant 0 : i32
      %add3A_903 = arith.addi %add3A_901, %add3A_902 : i32
      %swap3A_904 = arith.index_cast %add3A_903 : i32 to index
      %swap3A_905 = tpu.vector_load %arg14[%swap3A_904] {strides = array<i32>} : memref<16384xf32, #tpu.memory_space<vmem>>, vector<16xf32>,
      %swap3A_906 = vector.shape_cast %swap3A_905 : vector<16xf32> to vector<16xf32>
      %swap3A_907 = vector.shape_cast %add3A_899 : vector<16xf32> to vector<16xf32>
      tpu.vector_store %arg14[%swap3A_904], %swap3A_907 {strides = array<i32>} : memref<16384xf32, #tpu.memory_space<vmem>>, vector<16xf32>,
      %mul3A_908 = arith.mulf %select_n3A_711, %gather3A_549 : vector<16xf32>
      %mul3A_909 = arith.mulf %select_n3A_716, %gather3A_589 : vector<16xf32>
      %add3A_910 = arith.addf %mul3A_908, %mul3A_909 : vector<16xf32>
      %add3A_911 = arith.constant 512 : i32
      %add3A_912 = arith.addi %mul3A_695, %add3A_911 : i32
      %add3A_913 = arith.constant 0 : i32
      %add3A_914 = arith.addi %add3A_912, %add3A_913 : i32
      %swap3A_915 = arith.index_cast %add3A_914 : i32 to index
      %swap3A_916 = tpu.vector_load %arg14[%swap3A_915] {strides = array<i32>} : memref<16384xf32, #tpu.memory_space<vmem>>, vector<16xf32>,
      %swap3A_917 = vector.shape_cast %swap3A_916 : vector<16xf32> to vector<16xf32>
      %swap3A_918 = vector.shape_cast %add3A_910 : vector<16xf32> to vector<16xf32>
      tpu.vector_store %arg14[%swap3A_915], %swap3A_918 {strides = array<i32>} : memref<16384xf32, #tpu.memory_space<vmem>>, vector<16xf32>,
      %mul3A_919 = arith.mulf %select_n3A_711, %gather3A_554 : vector<16xf32>
      %mul3A_920 = arith.mulf %select_n3A_716, %gather3A_594 : vector<16xf32>
      %add3A_921 = arith.addf %mul3A_919, %mul3A_920 : vector<16xf32>
      %add3A_922 = arith.constant 640 : i32
      %add3A_923 = arith.addi %mul3A_695, %add3A_922 : i32
      %add3A_924 = arith.constant 0 : i32
      %add3A_925 = arith.addi %add3A_923, %add3A_924 : i32
      %swap3A_926 = arith.index_cast %add3A_925 : i32 to index
      %swap3A_927 = tpu.vector_load %arg14[%swap3A_926] {strides = array<i32>} : memref<16384xf32, #tpu.memory_space<vmem>>, vector<16xf32>,
      %swap3A_928 = vector.shape_cast %swap3A_927 : vector<16xf32> to vector<16xf32>
      %swap3A_929 = vector.shape_cast %add3A_921 : vector<16xf32> to vector<16xf32>
      tpu.vector_store %arg14[%swap3A_926], %swap3A_929 {strides = array<i32>} : memref<16384xf32, #tpu.memory_space<vmem>>, vector<16xf32>,
      %mul3A_930 = arith.mulf %select_n3A_711, %gather3A_559 : vector<16xf32>
      %mul3A_931 = arith.mulf %select_n3A_716, %gather3A_599 : vector<16xf32>
      %add3A_932 = arith.addf %mul3A_930, %mul3A_931 : vector<16xf32>
      %add3A_933 = arith.constant 768 : i32
      %add3A_934 = arith.addi %mul3A_695, %add3A_933 : i32
      %add3A_935 = arith.constant 0 : i32
      %add3A_936 = arith.addi %add3A_934, %add3A_935 : i32
      %swap3A_937 = arith.index_cast %add3A_936 : i32 to index
      %swap3A_938 = tpu.vector_load %arg14[%swap3A_937] {strides = array<i32>} : memref<16384xf32, #tpu.memory_space<vmem>>, vector<16xf32>,
      %swap3A_939 = vector.shape_cast %swap3A_938 : vector<16xf32> to vector<16xf32>
      %swap3A_940 = vector.shape_cast %add3A_932 : vector<16xf32> to vector<16xf32>
      tpu.vector_store %arg14[%swap3A_937], %swap3A_940 {strides = array<i32>} : memref<16384xf32, #tpu.memory_space<vmem>>, vector<16xf32>,
      %mul3A_941 = arith.mulf %select_n3A_711, %gather3A_564 : vector<16xf32>
      %mul3A_942 = arith.mulf %select_n3A_716, %gather3A_604 : vector<16xf32>
      %add3A_943 = arith.addf %mul3A_941, %mul3A_942 : vector<16xf32>
      %add3A_944 = arith.constant 896 : i32
      %add3A_945 = arith.addi %mul3A_695, %add3A_944 : i32
      %add3A_946 = arith.constant 0 : i32
      %add3A_947 = arith.addi %add3A_945, %add3A_946 : i32
      %swap3A_948 = arith.index_cast %add3A_947 : i32 to index
      %swap3A_949 = tpu.vector_load %arg14[%swap3A_948] {strides = array<i32>} : memref<16384xf32, #tpu.memory_space<vmem>>, vector<16xf32>,
      %swap3A_950 = vector.shape_cast %swap3A_949 : vector<16xf32> to vector<16xf32>
      %swap3A_951 = vector.shape_cast %add3A_943 : vector<16xf32> to vector<16xf32>
      tpu.vector_store %arg14[%swap3A_948], %swap3A_951 {strides = array<i32>} : memref<16384xf32, #tpu.memory_space<vmem>>, vector<16xf32>,
      %mul3A_952 = arith.mulf %select_n3A_732, %gather3A_529 : vector<16xf32>
      %mul3A_953 = arith.mulf %select_n3A_737, %gather3A_569 : vector<16xf32>
      %add3A_954 = arith.addf %mul3A_952, %mul3A_953 : vector<16xf32>
      %add3A_955 = arith.constant 0 : i32
      %add3A_956 = arith.addi %mul3A_695, %add3A_955 : i32
      %add3A_957 = arith.constant 16 : i32
      %add3A_958 = arith.addi %add3A_956, %add3A_957 : i32
      %swap3A_959 = arith.index_cast %add3A_958 : i32 to index
      %swap3A_960 = tpu.vector_load %arg14[%swap3A_959] {strides = array<i32>} : memref<16384xf32, #tpu.memory_space<vmem>>, vector<16xf32>,
      %swap3A_961 = vector.shape_cast %swap3A_960 : vector<16xf32> to vector<16xf32>
      %swap3A_962 = vector.shape_cast %add3A_954 : vector<16xf32> to vector<16xf32>
      tpu.vector_store %arg14[%swap3A_959], %swap3A_962 {strides = array<i32>} : memref<16384xf32, #tpu.memory_space<vmem>>, vector<16xf32>,
      %mul3A_963 = arith.mulf %select_n3A_732, %gather3A_534 : vector<16xf32>
      %mul3A_964 = arith.mulf %select_n3A_737, %gather3A_574 : vector<16xf32>
      %add3A_965 = arith.addf %mul3A_963, %mul3A_964 : vector<16xf32>
      %add3A_966 = arith.constant 128 : i32
      %add3A_967 = arith.addi %mul3A_695, %add3A_966 : i32
      %add3A_968 = arith.constant 16 : i32
      %add3A_969 = arith.addi %add3A_967, %add3A_968 : i32
      %swap3A_970 = arith.index_cast %add3A_969 : i32 to index
      %swap3A_971 = tpu.vector_load %arg14[%swap3A_970] {strides = array<i32>} : memref<16384xf32, #tpu.memory_space<vmem>>, vector<16xf32>,
      %swap3A_972 = vector.shape_cast %swap3A_971 : vector<16xf32> to vector<16xf32>
      %swap3A_973 = vector.shape_cast %add3A_965 : vector<16xf32> to vector<16xf32>
      tpu.vector_store %arg14[%swap3A_970], %swap3A_973 {strides = array<i32>} : memref<16384xf32, #tpu.memory_space<vmem>>, vector<16xf32>,
      %mul3A_974 = arith.mulf %select_n3A_732, %gather3A_539 : vector<16xf32>
      %mul3A_975 = arith.mulf %select_n3A_737, %gather3A_579 : vector<16xf32>
      %add3A_976 = arith.addf %mul3A_974, %mul3A_975 : vector<16xf32>
      %add3A_977 = arith.constant 256 : i32
      %add3A_978 = arith.addi %mul3A_695, %add3A_977 : i32
      %add3A_979 = arith.constant 16 : i32
      %add3A_980 = arith.addi %add3A_978, %add3A_979 : i32
      %swap3A_981 = arith.index_cast %add3A_980 : i32 to index
      %swap3A_982 = tpu.vector_load %arg14[%swap3A_981] {strides = array<i32>} : memref<16384xf32, #tpu.memory_space<vmem>>, vector<16xf32>,
      %swap3A_983 = vector.shape_cast %swap3A_982 : vector<16xf32> to vector<16xf32>
      %swap3A_984 = vector.shape_cast %add3A_976 : vector<16xf32> to vector<16xf32>
      tpu.vector_store %arg14[%swap3A_981], %swap3A_984 {strides = array<i32>} : memref<16384xf32, #tpu.memory_space<vmem>>, vector<16xf32>,
      %mul3A_985 = arith.mulf %select_n3A_732, %gather3A_544 : vector<16xf32>
      %mul3A_986 = arith.mulf %select_n3A_737, %gather3A_584 : vector<16xf32>
      %add3A_987 = arith.addf %mul3A_985, %mul3A_986 : vector<16xf32>
      %add3A_988 = arith.constant 384 : i32
      %add3A_989 = arith.addi %mul3A_695, %add3A_988 : i32
      %add3A_990 = arith.constant 16 : i32
      %add3A_991 = arith.addi %add3A_989, %add3A_990 : i32
      %swap3A_992 = arith.index_cast %add3A_991 : i32 to index
      %swap3A_993 = tpu.vector_load %arg14[%swap3A_992] {strides = array<i32>} : memref<16384xf32, #tpu.memory_space<vmem>>, vector<16xf32>,
      %swap3A_994 = vector.shape_cast %swap3A_993 : vector<16xf32> to vector<16xf32>
      %swap3A_995 = vector.shape_cast %add3A_987 : vector<16xf32> to vector<16xf32>
      tpu.vector_store %arg14[%swap3A_992], %swap3A_995 {strides = array<i32>} : memref<16384xf32, #tpu.memory_space<vmem>>, vector<16xf32>,
      %mul3A_996 = arith.mulf %select_n3A_732, %gather3A_549 : vector<16xf32>
      %mul3A_997 = arith.mulf %select_n3A_737, %gather3A_589 : vector<16xf32>
      %add3A_998 = arith.addf %mul3A_996, %mul3A_997 : vector<16xf32>
      %add3A_999 = arith.constant 512 : i32
      %add3A_1000 = arith.addi %mul3A_695, %add3A_999 : i32
      %add3A_1001 = arith.constant 16 : i32
      %add3A_1002 = arith.addi %add3A_1000, %add3A_1001 : i32
      %swap3A_1003 = arith.index_cast %add3A_1002 : i32 to index
      %swap3A_1004 = tpu.vector_load %arg14[%swap3A_1003] {strides = array<i32>} : memref<16384xf32, #tpu.memory_space<vmem>>, vector<16xf32>,
      %swap3A_1005 = vector.shape_cast %swap3A_1004 : vector<16xf32> to vector<16xf32>
      %swap3A_1006 = vector.shape_cast %add3A_998 : vector<16xf32> to vector<16xf32>
      tpu.vector_store %arg14[%swap3A_1003], %swap3A_1006 {strides = array<i32>} : memref<16384xf32, #tpu.memory_space<vmem>>, vector<16xf32>,
      %mul3A_1007 = arith.mulf %select_n3A_732, %gather3A_554 : vector<16xf32>
      %mul3A_1008 = arith.mulf %select_n3A_737, %gather3A_594 : vector<16xf32>
      %add3A_1009 = arith.addf %mul3A_1007, %mul3A_1008 : vector<16xf32>
      %add3A_1010 = arith.constant 640 : i32
      %add3A_1011 = arith.addi %mul3A_695, %add3A_1010 : i32
      %add3A_1012 = arith.constant 16 : i32
      %add3A_1013 = arith.addi %add3A_1011, %add3A_1012 : i32
      %swap3A_1014 = arith.index_cast %add3A_1013 : i32 to index
      %swap3A_1015 = tpu.vector_load %arg14[%swap3A_1014] {strides = array<i32>} : memref<16384xf32, #tpu.memory_space<vmem>>, vector<16xf32>,
      %swap3A_1016 = vector.shape_cast %swap3A_1015 : vector<16xf32> to vector<16xf32>
      %swap3A_1017 = vector.shape_cast %add3A_1009 : vector<16xf32> to vector<16xf32>
      tpu.vector_store %arg14[%swap3A_1014], %swap3A_1017 {strides = array<i32>} : memref<16384xf32, #tpu.memory_space<vmem>>, vector<16xf32>,
      %mul3A_1018 = arith.mulf %select_n3A_732, %gather3A_559 : vector<16xf32>
      %mul3A_1019 = arith.mulf %select_n3A_737, %gather3A_599 : vector<16xf32>
      %add3A_1020 = arith.addf %mul3A_1018, %mul3A_1019 : vector<16xf32>
      %add3A_1021 = arith.constant 768 : i32
      %add3A_1022 = arith.addi %mul3A_695, %add3A_1021 : i32
      %add3A_1023 = arith.constant 16 : i32
      %add3A_1024 = arith.addi %add3A_1022, %add3A_1023 : i32
      %swap3A_1025 = arith.index_cast %add3A_1024 : i32 to index
      %swap3A_1026 = tpu.vector_load %arg14[%swap3A_1025] {strides = array<i32>} : memref<16384xf32, #tpu.memory_space<vmem>>, vector<16xf32>,
      %swap3A_1027 = vector.shape_cast %swap3A_1026 : vector<16xf32> to vector<16xf32>
      %swap3A_1028 = vector.shape_cast %add3A_1020 : vector<16xf32> to vector<16xf32>
      tpu.vector_store %arg14[%swap3A_1025], %swap3A_1028 {strides = array<i32>} : memref<16384xf32, #tpu.memory_space<vmem>>, vector<16xf32>,
      %mul3A_1029 = arith.mulf %select_n3A_732, %gather3A_564 : vector<16xf32>
      %mul3A_1030 = arith.mulf %select_n3A_737, %gather3A_604 : vector<16xf32>
      %add3A_1031 = arith.addf %mul3A_1029, %mul3A_1030 : vector<16xf32>
      %add3A_1032 = arith.constant 896 : i32
      %add3A_1033 = arith.addi %mul3A_695, %add3A_1032 : i32
      %add3A_1034 = arith.constant 16 : i32
      %add3A_1035 = arith.addi %add3A_1033, %add3A_1034 : i32
      %swap3A_1036 = arith.index_cast %add3A_1035 : i32 to index
      %swap3A_1037 = tpu.vector_load %arg14[%swap3A_1036] {strides = array<i32>} : memref<16384xf32, #tpu.memory_space<vmem>>, vector<16xf32>,
      %swap3A_1038 = vector.shape_cast %swap3A_1037 : vector<16xf32> to vector<16xf32>
      %swap3A_1039 = vector.shape_cast %add3A_1031 : vector<16xf32> to vector<16xf32>
      tpu.vector_store %arg14[%swap3A_1036], %swap3A_1039 {strides = array<i32>} : memref<16384xf32, #tpu.memory_space<vmem>>, vector<16xf32>,
      %mul3A_1040 = arith.mulf %select_n3A_753, %gather3A_529 : vector<16xf32>
      %mul3A_1041 = arith.mulf %select_n3A_758, %gather3A_569 : vector<16xf32>
      %add3A_1042 = arith.addf %mul3A_1040, %mul3A_1041 : vector<16xf32>
      %add3A_1043 = arith.constant 0 : i32
      %add3A_1044 = arith.addi %mul3A_695, %add3A_1043 : i32
      %add3A_1045 = arith.constant 32 : i32
      %add3A_1046 = arith.addi %add3A_1044, %add3A_1045 : i32
      %swap3A_1047 = arith.index_cast %add3A_1046 : i32 to index
      %swap3A_1048 = tpu.vector_load %arg14[%swap3A_1047] {strides = array<i32>} : memref<16384xf32, #tpu.memory_space<vmem>>, vector<16xf32>,
      %swap3A_1049 = vector.shape_cast %swap3A_1048 : vector<16xf32> to vector<16xf32>
      %swap3A_1050 = vector.shape_cast %add3A_1042 : vector<16xf32> to vector<16xf32>
      tpu.vector_store %arg14[%swap3A_1047], %swap3A_1050 {strides = array<i32>} : memref<16384xf32, #tpu.memory_space<vmem>>, vector<16xf32>,
      %mul3A_1051 = arith.mulf %select_n3A_753, %gather3A_534 : vector<16xf32>
      %mul3A_1052 = arith.mulf %select_n3A_758, %gather3A_574 : vector<16xf32>
      %add3A_1053 = arith.addf %mul3A_1051, %mul3A_1052 : vector<16xf32>
      %add3A_1054 = arith.constant 128 : i32
      %add3A_1055 = arith.addi %mul3A_695, %add3A_1054 : i32
      %add3A_1056 = arith.constant 32 : i32
      %add3A_1057 = arith.addi %add3A_1055, %add3A_1056 : i32
      %swap3A_1058 = arith.index_cast %add3A_1057 : i32 to index
      %swap3A_1059 = tpu.vector_load %arg14[%swap3A_1058] {strides = array<i32>} : memref<16384xf32, #tpu.memory_space<vmem>>, vector<16xf32>,
      %swap3A_1060 = vector.shape_cast %swap3A_1059 : vector<16xf32> to vector<16xf32>
      %swap3A_1061 = vector.shape_cast %add3A_1053 : vector<16xf32> to vector<16xf32>
      tpu.vector_store %arg14[%swap3A_1058], %swap3A_1061 {strides = array<i32>} : memref<16384xf32, #tpu.memory_space<vmem>>, vector<16xf32>,
      %mul3A_1062 = arith.mulf %select_n3A_753, %gather3A_539 : vector<16xf32>
      %mul3A_1063 = arith.mulf %select_n3A_758, %gather3A_579 : vector<16xf32>
      %add3A_1064 = arith.addf %mul3A_1062, %mul3A_1063 : vector<16xf32>
      %add3A_1065 = arith.constant 256 : i32
      %add3A_1066 = arith.addi %mul3A_695, %add3A_1065 : i32
      %add3A_1067 = arith.constant 32 : i32
      %add3A_1068 = arith.addi %add3A_1066, %add3A_1067 : i32
      %swap3A_1069 = arith.index_cast %add3A_1068 : i32 to index
      %swap3A_1070 = tpu.vector_load %arg14[%swap3A_1069] {strides = array<i32>} : memref<16384xf32, #tpu.memory_space<vmem>>, vector<16xf32>,
      %swap3A_1071 = vector.shape_cast %swap3A_1070 : vector<16xf32> to vector<16xf32>
      %swap3A_1072 = vector.shape_cast %add3A_1064 : vector<16xf32> to vector<16xf32>
      tpu.vector_store %arg14[%swap3A_1069], %swap3A_1072 {strides = array<i32>} : memref<16384xf32, #tpu.memory_space<vmem>>, vector<16xf32>,
      %mul3A_1073 = arith.mulf %select_n3A_753, %gather3A_544 : vector<16xf32>
      %mul3A_1074 = arith.mulf %select_n3A_758, %gather3A_584 : vector<16xf32>
      %add3A_1075 = arith.addf %mul3A_1073, %mul3A_1074 : vector<16xf32>
      %add3A_1076 = arith.constant 384 : i32
      %add3A_1077 = arith.addi %mul3A_695, %add3A_1076 : i32
      %add3A_1078 = arith.constant 32 : i32
      %add3A_1079 = arith.addi %add3A_1077, %add3A_1078 : i32
      %swap3A_1080 = arith.index_cast %add3A_1079 : i32 to index
      %swap3A_1081 = tpu.vector_load %arg14[%swap3A_1080] {strides = array<i32>} : memref<16384xf32, #tpu.memory_space<vmem>>, vector<16xf32>,
      %swap3A_1082 = vector.shape_cast %swap3A_1081 : vector<16xf32> to vector<16xf32>
      %swap3A_1083 = vector.shape_cast %add3A_1075 : vector<16xf32> to vector<16xf32>
      tpu.vector_store %arg14[%swap3A_1080], %swap3A_1083 {strides = array<i32>} : memref<16384xf32, #tpu.memory_space<vmem>>, vector<16xf32>,
      %mul3A_1084 = arith.mulf %select_n3A_753, %gather3A_549 : vector<16xf32>
      %mul3A_1085 = arith.mulf %select_n3A_758, %gather3A_589 : vector<16xf32>
      %add3A_1086 = arith.addf %mul3A_1084, %mul3A_1085 : vector<16xf32>
      %add3A_1087 = arith.constant 512 : i32
      %add3A_1088 = arith.addi %mul3A_695, %add3A_1087 : i32
      %add3A_1089 = arith.constant 32 : i32
      %add3A_1090 = arith.addi %add3A_1088, %add3A_1089 : i32
      %swap3A_1091 = arith.index_cast %add3A_1090 : i32 to index
      %swap3A_1092 = tpu.vector_load %arg14[%swap3A_1091] {strides = array<i32>} : memref<16384xf32, #tpu.memory_space<vmem>>, vector<16xf32>,
      %swap3A_1093 = vector.shape_cast %swap3A_1092 : vector<16xf32> to vector<16xf32>
      %swap3A_1094 = vector.shape_cast %add3A_1086 : vector<16xf32> to vector<16xf32>
      tpu.vector_store %arg14[%swap3A_1091], %swap3A_1094 {strides = array<i32>} : memref<16384xf32, #tpu.memory_space<vmem>>, vector<16xf32>,
      %mul3A_1095 = arith.mulf %select_n3A_753, %gather3A_554 : vector<16xf32>
      %mul3A_1096 = arith.mulf %select_n3A_758, %gather3A_594 : vector<16xf32>
      %add3A_1097 = arith.addf %mul3A_1095, %mul3A_1096 : vector<16xf32>
      %add3A_1098 = arith.constant 640 : i32
      %add3A_1099 = arith.addi %mul3A_695, %add3A_1098 : i32
      %add3A_1100 = arith.constant 32 : i32
      %add3A_1101 = arith.addi %add3A_1099, %add3A_1100 : i32
      %swap3A_1102 = arith.index_cast %add3A_1101 : i32 to index
      %swap3A_1103 = tpu.vector_load %arg14[%swap3A_1102] {strides = array<i32>} : memref<16384xf32, #tpu.memory_space<vmem>>, vector<16xf32>,
      %swap3A_1104 = vector.shape_cast %swap3A_1103 : vector<16xf32> to vector<16xf32>
      %swap3A_1105 = vector.shape_cast %add3A_1097 : vector<16xf32> to vector<16xf32>
      tpu.vector_store %arg14[%swap3A_1102], %swap3A_1105 {strides = array<i32>} : memref<16384xf32, #tpu.memory_space<vmem>>, vector<16xf32>,
      %mul3A_1106 = arith.mulf %select_n3A_753, %gather3A_559 : vector<16xf32>
      %mul3A_1107 = arith.mulf %select_n3A_758, %gather3A_599 : vector<16xf32>
      %add3A_1108 = arith.addf %mul3A_1106, %mul3A_1107 : vector<16xf32>
      %add3A_1109 = arith.constant 768 : i32
      %add3A_1110 = arith.addi %mul3A_695, %add3A_1109 : i32
      %add3A_1111 = arith.constant 32 : i32
      %add3A_1112 = arith.addi %add3A_1110, %add3A_1111 : i32
      %swap3A_1113 = arith.index_cast %add3A_1112 : i32 to index
      %swap3A_1114 = tpu.vector_load %arg14[%swap3A_1113] {strides = array<i32>} : memref<16384xf32, #tpu.memory_space<vmem>>, vector<16xf32>,
      %swap3A_1115 = vector.shape_cast %swap3A_1114 : vector<16xf32> to vector<16xf32>
      %swap3A_1116 = vector.shape_cast %add3A_1108 : vector<16xf32> to vector<16xf32>
      tpu.vector_store %arg14[%swap3A_1113], %swap3A_1116 {strides = array<i32>} : memref<16384xf32, #tpu.memory_space<vmem>>, vector<16xf32>,
      %mul3A_1117 = arith.mulf %select_n3A_753, %gather3A_564 : vector<16xf32>
      %mul3A_1118 = arith.mulf %select_n3A_758, %gather3A_604 : vector<16xf32>
      %add3A_1119 = arith.addf %mul3A_1117, %mul3A_1118 : vector<16xf32>
      %add3A_1120 = arith.constant 896 : i32
      %add3A_1121 = arith.addi %mul3A_695, %add3A_1120 : i32
      %add3A_1122 = arith.constant 32 : i32
      %add3A_1123 = arith.addi %add3A_1121, %add3A_1122 : i32
      %swap3A_1124 = arith.index_cast %add3A_1123 : i32 to index
      %swap3A_1125 = tpu.vector_load %arg14[%swap3A_1124] {strides = array<i32>} : memref<16384xf32, #tpu.memory_space<vmem>>, vector<16xf32>,
      %swap3A_1126 = vector.shape_cast %swap3A_1125 : vector<16xf32> to vector<16xf32>
      %swap3A_1127 = vector.shape_cast %add3A_1119 : vector<16xf32> to vector<16xf32>
      tpu.vector_store %arg14[%swap3A_1124], %swap3A_1127 {strides = array<i32>} : memref<16384xf32, #tpu.memory_space<vmem>>, vector<16xf32>,
      %mul3A_1128 = arith.mulf %select_n3A_774, %gather3A_529 : vector<16xf32>
      %mul3A_1129 = arith.mulf %select_n3A_779, %gather3A_569 : vector<16xf32>
      %add3A_1130 = arith.addf %mul3A_1128, %mul3A_1129 : vector<16xf32>
      %add3A_1131 = arith.constant 0 : i32
      %add3A_1132 = arith.addi %mul3A_695, %add3A_1131 : i32
      %add3A_1133 = arith.constant 48 : i32
      %add3A_1134 = arith.addi %add3A_1132, %add3A_1133 : i32
      %swap3A_1135 = arith.index_cast %add3A_1134 : i32 to index
      %swap3A_1136 = tpu.vector_load %arg14[%swap3A_1135] {strides = array<i32>} : memref<16384xf32, #tpu.memory_space<vmem>>, vector<16xf32>,
      %swap3A_1137 = vector.shape_cast %swap3A_1136 : vector<16xf32> to vector<16xf32>
      %swap3A_1138 = vector.shape_cast %add3A_1130 : vector<16xf32> to vector<16xf32>
      tpu.vector_store %arg14[%swap3A_1135], %swap3A_1138 {strides = array<i32>} : memref<16384xf32, #tpu.memory_space<vmem>>, vector<16xf32>,
      %mul3A_1139 = arith.mulf %select_n3A_774, %gather3A_534 : vector<16xf32>
      %mul3A_1140 = arith.mulf %select_n3A_779, %gather3A_574 : vector<16xf32>
      %add3A_1141 = arith.addf %mul3A_1139, %mul3A_1140 : vector<16xf32>
      %add3A_1142 = arith.constant 128 : i32
      %add3A_1143 = arith.addi %mul3A_695, %add3A_1142 : i32
      %add3A_1144 = arith.constant 48 : i32
      %add3A_1145 = arith.addi %add3A_1143, %add3A_1144 : i32
      %swap3A_1146 = arith.index_cast %add3A_1145 : i32 to index
      %swap3A_1147 = tpu.vector_load %arg14[%swap3A_1146] {strides = array<i32>} : memref<16384xf32, #tpu.memory_space<vmem>>, vector<16xf32>,
      %swap3A_1148 = vector.shape_cast %swap3A_1147 : vector<16xf32> to vector<16xf32>
      %swap3A_1149 = vector.shape_cast %add3A_1141 : vector<16xf32> to vector<16xf32>
      tpu.vector_store %arg14[%swap3A_1146], %swap3A_1149 {strides = array<i32>} : memref<16384xf32, #tpu.memory_space<vmem>>, vector<16xf32>,
      %mul3A_1150 = arith.mulf %select_n3A_774, %gather3A_539 : vector<16xf32>
      %mul3A_1151 = arith.mulf %select_n3A_779, %gather3A_579 : vector<16xf32>
      %add3A_1152 = arith.addf %mul3A_1150, %mul3A_1151 : vector<16xf32>
      %add3A_1153 = arith.constant 256 : i32
      %add3A_1154 = arith.addi %mul3A_695, %add3A_1153 : i32
      %add3A_1155 = arith.constant 48 : i32
      %add3A_1156 = arith.addi %add3A_1154, %add3A_1155 : i32
      %swap3A_1157 = arith.index_cast %add3A_1156 : i32 to index
      %swap3A_1158 = tpu.vector_load %arg14[%swap3A_1157] {strides = array<i32>} : memref<16384xf32, #tpu.memory_space<vmem>>, vector<16xf32>,
      %swap3A_1159 = vector.shape_cast %swap3A_1158 : vector<16xf32> to vector<16xf32>
      %swap3A_1160 = vector.shape_cast %add3A_1152 : vector<16xf32> to vector<16xf32>
      tpu.vector_store %arg14[%swap3A_1157], %swap3A_1160 {strides = array<i32>} : memref<16384xf32, #tpu.memory_space<vmem>>, vector<16xf32>,
      %mul3A_1161 = arith.mulf %select_n3A_774, %gather3A_544 : vector<16xf32>
      %mul3A_1162 = arith.mulf %select_n3A_779, %gather3A_584 : vector<16xf32>
      %add3A_1163 = arith.addf %mul3A_1161, %mul3A_1162 : vector<16xf32>
      %add3A_1164 = arith.constant 384 : i32
      %add3A_1165 = arith.addi %mul3A_695, %add3A_1164 : i32
      %add3A_1166 = arith.constant 48 : i32
      %add3A_1167 = arith.addi %add3A_1165, %add3A_1166 : i32
      %swap3A_1168 = arith.index_cast %add3A_1167 : i32 to index
      %swap3A_1169 = tpu.vector_load %arg14[%swap3A_1168] {strides = array<i32>} : memref<16384xf32, #tpu.memory_space<vmem>>, vector<16xf32>,
      %swap3A_1170 = vector.shape_cast %swap3A_1169 : vector<16xf32> to vector<16xf32>
      %swap3A_1171 = vector.shape_cast %add3A_1163 : vector<16xf32> to vector<16xf32>
      tpu.vector_store %arg14[%swap3A_1168], %swap3A_1171 {strides = array<i32>} : memref<16384xf32, #tpu.memory_space<vmem>>, vector<16xf32>,
      %mul3A_1172 = arith.mulf %select_n3A_774, %gather3A_549 : vector<16xf32>
      %mul3A_1173 = arith.mulf %select_n3A_779, %gather3A_589 : vector<16xf32>
      %add3A_1174 = arith.addf %mul3A_1172, %mul3A_1173 : vector<16xf32>
      %add3A_1175 = arith.constant 512 : i32
      %add3A_1176 = arith.addi %mul3A_695, %add3A_1175 : i32
      %add3A_1177 = arith.constant 48 : i32
      %add3A_1178 = arith.addi %add3A_1176, %add3A_1177 : i32
      %swap3A_1179 = arith.index_cast %add3A_1178 : i32 to index
      %swap3A_1180 = tpu.vector_load %arg14[%swap3A_1179] {strides = array<i32>} : memref<16384xf32, #tpu.memory_space<vmem>>, vector<16xf32>,
      %swap3A_1181 = vector.shape_cast %swap3A_1180 : vector<16xf32> to vector<16xf32>
      %swap3A_1182 = vector.shape_cast %add3A_1174 : vector<16xf32> to vector<16xf32>
      tpu.vector_store %arg14[%swap3A_1179], %swap3A_1182 {strides = array<i32>} : memref<16384xf32, #tpu.memory_space<vmem>>, vector<16xf32>,
      %mul3A_1183 = arith.mulf %select_n3A_774, %gather3A_554 : vector<16xf32>
      %mul3A_1184 = arith.mulf %select_n3A_779, %gather3A_594 : vector<16xf32>
      %add3A_1185 = arith.addf %mul3A_1183, %mul3A_1184 : vector<16xf32>
      %add3A_1186 = arith.constant 640 : i32
      %add3A_1187 = arith.addi %mul3A_695, %add3A_1186 : i32
      %add3A_1188 = arith.constant 48 : i32
      %add3A_1189 = arith.addi %add3A_1187, %add3A_1188 : i32
      %swap3A_1190 = arith.index_cast %add3A_1189 : i32 to index
      %swap3A_1191 = tpu.vector_load %arg14[%swap3A_1190] {strides = array<i32>} : memref<16384xf32, #tpu.memory_space<vmem>>, vector<16xf32>,
      %swap3A_1192 = vector.shape_cast %swap3A_1191 : vector<16xf32> to vector<16xf32>
      %swap3A_1193 = vector.shape_cast %add3A_1185 : vector<16xf32> to vector<16xf32>
      tpu.vector_store %arg14[%swap3A_1190], %swap3A_1193 {strides = array<i32>} : memref<16384xf32, #tpu.memory_space<vmem>>, vector<16xf32>,
      %mul3A_1194 = arith.mulf %select_n3A_774, %gather3A_559 : vector<16xf32>
      %mul3A_1195 = arith.mulf %select_n3A_779, %gather3A_599 : vector<16xf32>
      %add3A_1196 = arith.addf %mul3A_1194, %mul3A_1195 : vector<16xf32>
      %add3A_1197 = arith.constant 768 : i32
      %add3A_1198 = arith.addi %mul3A_695, %add3A_1197 : i32
      %add3A_1199 = arith.constant 48 : i32
      %add3A_1200 = arith.addi %add3A_1198, %add3A_1199 : i32
      %swap3A_1201 = arith.index_cast %add3A_1200 : i32 to index
      %swap3A_1202 = tpu.vector_load %arg14[%swap3A_1201] {strides = array<i32>} : memref<16384xf32, #tpu.memory_space<vmem>>, vector<16xf32>,
      %swap3A_1203 = vector.shape_cast %swap3A_1202 : vector<16xf32> to vector<16xf32>
      %swap3A_1204 = vector.shape_cast %add3A_1196 : vector<16xf32> to vector<16xf32>
      tpu.vector_store %arg14[%swap3A_1201], %swap3A_1204 {strides = array<i32>} : memref<16384xf32, #tpu.memory_space<vmem>>, vector<16xf32>,
      %mul3A_1205 = arith.mulf %select_n3A_774, %gather3A_564 : vector<16xf32>
      %mul3A_1206 = arith.mulf %select_n3A_779, %gather3A_604 : vector<16xf32>
      %add3A_1207 = arith.addf %mul3A_1205, %mul3A_1206 : vector<16xf32>
      %add3A_1208 = arith.constant 896 : i32
      %add3A_1209 = arith.addi %mul3A_695, %add3A_1208 : i32
      %add3A_1210 = arith.constant 48 : i32
      %add3A_1211 = arith.addi %add3A_1209, %add3A_1210 : i32
      %swap3A_1212 = arith.index_cast %add3A_1211 : i32 to index
      %swap3A_1213 = tpu.vector_load %arg14[%swap3A_1212] {strides = array<i32>} : memref<16384xf32, #tpu.memory_space<vmem>>, vector<16xf32>,
      %swap3A_1214 = vector.shape_cast %swap3A_1213 : vector<16xf32> to vector<16xf32>
      %swap3A_1215 = vector.shape_cast %add3A_1207 : vector<16xf32> to vector<16xf32>
      tpu.vector_store %arg14[%swap3A_1212], %swap3A_1215 {strides = array<i32>} : memref<16384xf32, #tpu.memory_space<vmem>>, vector<16xf32>,
      %mul3A_1216 = arith.mulf %select_n3A_795, %gather3A_529 : vector<16xf32>
      %mul3A_1217 = arith.mulf %select_n3A_800, %gather3A_569 : vector<16xf32>
      %add3A_1218 = arith.addf %mul3A_1216, %mul3A_1217 : vector<16xf32>
      %add3A_1219 = arith.constant 0 : i32
      %add3A_1220 = arith.addi %mul3A_695, %add3A_1219 : i32
      %add3A_1221 = arith.constant 64 : i32
      %add3A_1222 = arith.addi %add3A_1220, %add3A_1221 : i32
      %swap3A_1223 = arith.index_cast %add3A_1222 : i32 to index
      %swap3A_1224 = tpu.vector_load %arg14[%swap3A_1223] {strides = array<i32>} : memref<16384xf32, #tpu.memory_space<vmem>>, vector<16xf32>,
      %swap3A_1225 = vector.shape_cast %swap3A_1224 : vector<16xf32> to vector<16xf32>
      %swap3A_1226 = vector.shape_cast %add3A_1218 : vector<16xf32> to vector<16xf32>
      tpu.vector_store %arg14[%swap3A_1223], %swap3A_1226 {strides = array<i32>} : memref<16384xf32, #tpu.memory_space<vmem>>, vector<16xf32>,
      %mul3A_1227 = arith.mulf %select_n3A_795, %gather3A_534 : vector<16xf32>
      %mul3A_1228 = arith.mulf %select_n3A_800, %gather3A_574 : vector<16xf32>
      %add3A_1229 = arith.addf %mul3A_1227, %mul3A_1228 : vector<16xf32>
      %add3A_1230 = arith.constant 128 : i32
      %add3A_1231 = arith.addi %mul3A_695, %add3A_1230 : i32
      %add3A_1232 = arith.constant 64 : i32
      %add3A_1233 = arith.addi %add3A_1231, %add3A_1232 : i32
      %swap3A_1234 = arith.index_cast %add3A_1233 : i32 to index
      %swap3A_1235 = tpu.vector_load %arg14[%swap3A_1234] {strides = array<i32>} : memref<16384xf32, #tpu.memory_space<vmem>>, vector<16xf32>,
      %swap3A_1236 = vector.shape_cast %swap3A_1235 : vector<16xf32> to vector<16xf32>
      %swap3A_1237 = vector.shape_cast %add3A_1229 : vector<16xf32> to vector<16xf32>
      tpu.vector_store %arg14[%swap3A_1234], %swap3A_1237 {strides = array<i32>} : memref<16384xf32, #tpu.memory_space<vmem>>, vector<16xf32>,
      %mul3A_1238 = arith.mulf %select_n3A_795, %gather3A_539 : vector<16xf32>
      %mul3A_1239 = arith.mulf %select_n3A_800, %gather3A_579 : vector<16xf32>
      %add3A_1240 = arith.addf %mul3A_1238, %mul3A_1239 : vector<16xf32>
      %add3A_1241 = arith.constant 256 : i32
      %add3A_1242 = arith.addi %mul3A_695, %add3A_1241 : i32
      %add3A_1243 = arith.constant 64 : i32
      %add3A_1244 = arith.addi %add3A_1242, %add3A_1243 : i32
      %swap3A_1245 = arith.index_cast %add3A_1244 : i32 to index
      %swap3A_1246 = tpu.vector_load %arg14[%swap3A_1245] {strides = array<i32>} : memref<16384xf32, #tpu.memory_space<vmem>>, vector<16xf32>,
      %swap3A_1247 = vector.shape_cast %swap3A_1246 : vector<16xf32> to vector<16xf32>
      %swap3A_1248 = vector.shape_cast %add3A_1240 : vector<16xf32> to vector<16xf32>
      tpu.vector_store %arg14[%swap3A_1245], %swap3A_1248 {strides = array<i32>} : memref<16384xf32, #tpu.memory_space<vmem>>, vector<16xf32>,
      %mul3A_1249 = arith.mulf %select_n3A_795, %gather3A_544 : vector<16xf32>
      %mul3A_1250 = arith.mulf %select_n3A_800, %gather3A_584 : vector<16xf32>
      %add3A_1251 = arith.addf %mul3A_1249, %mul3A_1250 : vector<16xf32>
      %add3A_1252 = arith.constant 384 : i32
      %add3A_1253 = arith.addi %mul3A_695, %add3A_1252 : i32
      %add3A_1254 = arith.constant 64 : i32
      %add3A_1255 = arith.addi %add3A_1253, %add3A_1254 : i32
      %swap3A_1256 = arith.index_cast %add3A_1255 : i32 to index
      %swap3A_1257 = tpu.vector_load %arg14[%swap3A_1256] {strides = array<i32>} : memref<16384xf32, #tpu.memory_space<vmem>>, vector<16xf32>,
      %swap3A_1258 = vector.shape_cast %swap3A_1257 : vector<16xf32> to vector<16xf32>
      %swap3A_1259 = vector.shape_cast %add3A_1251 : vector<16xf32> to vector<16xf32>
      tpu.vector_store %arg14[%swap3A_1256], %swap3A_1259 {strides = array<i32>} : memref<16384xf32, #tpu.memory_space<vmem>>, vector<16xf32>,
      %mul3A_1260 = arith.mulf %select_n3A_795, %gather3A_549 : vector<16xf32>
      %mul3A_1261 = arith.mulf %select_n3A_800, %gather3A_589 : vector<16xf32>
      %add3A_1262 = arith.addf %mul3A_1260, %mul3A_1261 : vector<16xf32>
      %add3A_1263 = arith.constant 512 : i32
      %add3A_1264 = arith.addi %mul3A_695, %add3A_1263 : i32
      %add3A_1265 = arith.constant 64 : i32
      %add3A_1266 = arith.addi %add3A_1264, %add3A_1265 : i32
      %swap3A_1267 = arith.index_cast %add3A_1266 : i32 to index
      %swap3A_1268 = tpu.vector_load %arg14[%swap3A_1267] {strides = array<i32>} : memref<16384xf32, #tpu.memory_space<vmem>>, vector<16xf32>,
      %swap3A_1269 = vector.shape_cast %swap3A_1268 : vector<16xf32> to vector<16xf32>
      %swap3A_1270 = vector.shape_cast %add3A_1262 : vector<16xf32> to vector<16xf32>
      tpu.vector_store %arg14[%swap3A_1267], %swap3A_1270 {strides = array<i32>} : memref<16384xf32, #tpu.memory_space<vmem>>, vector<16xf32>,
      %mul3A_1271 = arith.mulf %select_n3A_795, %gather3A_554 : vector<16xf32>
      %mul3A_1272 = arith.mulf %select_n3A_800, %gather3A_594 : vector<16xf32>
      %add3A_1273 = arith.addf %mul3A_1271, %mul3A_1272 : vector<16xf32>
      %add3A_1274 = arith.constant 640 : i32
      %add3A_1275 = arith.addi %mul3A_695, %add3A_1274 : i32
      %add3A_1276 = arith.constant 64 : i32
      %add3A_1277 = arith.addi %add3A_1275, %add3A_1276 : i32
      %swap3A_1278 = arith.index_cast %add3A_1277 : i32 to index
      %swap3A_1279 = tpu.vector_load %arg14[%swap3A_1278] {strides = array<i32>} : memref<16384xf32, #tpu.memory_space<vmem>>, vector<16xf32>,
      %swap3A_1280 = vector.shape_cast %swap3A_1279 : vector<16xf32> to vector<16xf32>
      %swap3A_1281 = vector.shape_cast %add3A_1273 : vector<16xf32> to vector<16xf32>
      tpu.vector_store %arg14[%swap3A_1278], %swap3A_1281 {strides = array<i32>} : memref<16384xf32, #tpu.memory_space<vmem>>, vector<16xf32>,
      %mul3A_1282 = arith.mulf %select_n3A_795, %gather3A_559 : vector<16xf32>
      %mul3A_1283 = arith.mulf %select_n3A_800, %gather3A_599 : vector<16xf32>
      %add3A_1284 = arith.addf %mul3A_1282, %mul3A_1283 : vector<16xf32>
      %add3A_1285 = arith.constant 768 : i32
      %add3A_1286 = arith.addi %mul3A_695, %add3A_1285 : i32
      %add3A_1287 = arith.constant 64 : i32
      %add3A_1288 = arith.addi %add3A_1286, %add3A_1287 : i32
      %swap3A_1289 = arith.index_cast %add3A_1288 : i32 to index
      %swap3A_1290 = tpu.vector_load %arg14[%swap3A_1289] {strides = array<i32>} : memref<16384xf32, #tpu.memory_space<vmem>>, vector<16xf32>,
      %swap3A_1291 = vector.shape_cast %swap3A_1290 : vector<16xf32> to vector<16xf32>
      %swap3A_1292 = vector.shape_cast %add3A_1284 : vector<16xf32> to vector<16xf32>
      tpu.vector_store %arg14[%swap3A_1289], %swap3A_1292 {strides = array<i32>} : memref<16384xf32, #tpu.memory_space<vmem>>, vector<16xf32>,
      %mul3A_1293 = arith.mulf %select_n3A_795, %gather3A_564 : vector<16xf32>
      %mul3A_1294 = arith.mulf %select_n3A_800, %gather3A_604 : vector<16xf32>
      %add3A_1295 = arith.addf %mul3A_1293, %mul3A_1294 : vector<16xf32>
      %add3A_1296 = arith.constant 896 : i32
      %add3A_1297 = arith.addi %mul3A_695, %add3A_1296 : i32
      %add3A_1298 = arith.constant 64 : i32
      %add3A_1299 = arith.addi %add3A_1297, %add3A_1298 : i32
      %swap3A_1300 = arith.index_cast %add3A_1299 : i32 to index
      %swap3A_1301 = tpu.vector_load %arg14[%swap3A_1300] {strides = array<i32>} : memref<16384xf32, #tpu.memory_space<vmem>>, vector<16xf32>,
      %swap3A_1302 = vector.shape_cast %swap3A_1301 : vector<16xf32> to vector<16xf32>
      %swap3A_1303 = vector.shape_cast %add3A_1295 : vector<16xf32> to vector<16xf32>
      tpu.vector_store %arg14[%swap3A_1300], %swap3A_1303 {strides = array<i32>} : memref<16384xf32, #tpu.memory_space<vmem>>, vector<16xf32>,
      %mul3A_1304 = arith.mulf %select_n3A_816, %gather3A_529 : vector<16xf32>
      %mul3A_1305 = arith.mulf %select_n3A_821, %gather3A_569 : vector<16xf32>
      %add3A_1306 = arith.addf %mul3A_1304, %mul3A_1305 : vector<16xf32>
      %add3A_1307 = arith.constant 0 : i32
      %add3A_1308 = arith.addi %mul3A_695, %add3A_1307 : i32
      %add3A_1309 = arith.constant 80 : i32
      %add3A_1310 = arith.addi %add3A_1308, %add3A_1309 : i32
      %swap3A_1311 = arith.index_cast %add3A_1310 : i32 to index
      %swap3A_1312 = tpu.vector_load %arg14[%swap3A_1311] {strides = array<i32>} : memref<16384xf32, #tpu.memory_space<vmem>>, vector<16xf32>,
      %swap3A_1313 = vector.shape_cast %swap3A_1312 : vector<16xf32> to vector<16xf32>
      %swap3A_1314 = vector.shape_cast %add3A_1306 : vector<16xf32> to vector<16xf32>
      tpu.vector_store %arg14[%swap3A_1311], %swap3A_1314 {strides = array<i32>} : memref<16384xf32, #tpu.memory_space<vmem>>, vector<16xf32>,
      %mul3A_1315 = arith.mulf %select_n3A_816, %gather3A_534 : vector<16xf32>
      %mul3A_1316 = arith.mulf %select_n3A_821, %gather3A_574 : vector<16xf32>
      %add3A_1317 = arith.addf %mul3A_1315, %mul3A_1316 : vector<16xf32>
      %add3A_1318 = arith.constant 128 : i32
      %add3A_1319 = arith.addi %mul3A_695, %add3A_1318 : i32
      %add3A_1320 = arith.constant 80 : i32
      %add3A_1321 = arith.addi %add3A_1319, %add3A_1320 : i32
      %swap3A_1322 = arith.index_cast %add3A_1321 : i32 to index
      %swap3A_1323 = tpu.vector_load %arg14[%swap3A_1322] {strides = array<i32>} : memref<16384xf32, #tpu.memory_space<vmem>>, vector<16xf32>,
      %swap3A_1324 = vector.shape_cast %swap3A_1323 : vector<16xf32> to vector<16xf32>
      %swap3A_1325 = vector.shape_cast %add3A_1317 : vector<16xf32> to vector<16xf32>
      tpu.vector_store %arg14[%swap3A_1322], %swap3A_1325 {strides = array<i32>} : memref<16384xf32, #tpu.memory_space<vmem>>, vector<16xf32>,
      %mul3A_1326 = arith.mulf %select_n3A_816, %gather3A_539 : vector<16xf32>
      %mul3A_1327 = arith.mulf %select_n3A_821, %gather3A_579 : vector<16xf32>
      %add3A_1328 = arith.addf %mul3A_1326, %mul3A_1327 : vector<16xf32>
      %add3A_1329 = arith.constant 256 : i32
      %add3A_1330 = arith.addi %mul3A_695, %add3A_1329 : i32
      %add3A_1331 = arith.constant 80 : i32
      %add3A_1332 = arith.addi %add3A_1330, %add3A_1331 : i32
      %swap3A_1333 = arith.index_cast %add3A_1332 : i32 to index
      %swap3A_1334 = tpu.vector_load %arg14[%swap3A_1333] {strides = array<i32>} : memref<16384xf32, #tpu.memory_space<vmem>>, vector<16xf32>,
      %swap3A_1335 = vector.shape_cast %swap3A_1334 : vector<16xf32> to vector<16xf32>
      %swap3A_1336 = vector.shape_cast %add3A_1328 : vector<16xf32> to vector<16xf32>
      tpu.vector_store %arg14[%swap3A_1333], %swap3A_1336 {strides = array<i32>} : memref<16384xf32, #tpu.memory_space<vmem>>, vector<16xf32>,
      %mul3A_1337 = arith.mulf %select_n3A_816, %gather3A_544 : vector<16xf32>
      %mul3A_1338 = arith.mulf %select_n3A_821, %gather3A_584 : vector<16xf32>
      %add3A_1339 = arith.addf %mul3A_1337, %mul3A_1338 : vector<16xf32>
      %add3A_1340 = arith.constant 384 : i32
      %add3A_1341 = arith.addi %mul3A_695, %add3A_1340 : i32
      %add3A_1342 = arith.constant 80 : i32
      %add3A_1343 = arith.addi %add3A_1341, %add3A_1342 : i32
      %swap3A_1344 = arith.index_cast %add3A_1343 : i32 to index
      %swap3A_1345 = tpu.vector_load %arg14[%swap3A_1344] {strides = array<i32>} : memref<16384xf32, #tpu.memory_space<vmem>>, vector<16xf32>,
      %swap3A_1346 = vector.shape_cast %swap3A_1345 : vector<16xf32> to vector<16xf32>
      %swap3A_1347 = vector.shape_cast %add3A_1339 : vector<16xf32> to vector<16xf32>
      tpu.vector_store %arg14[%swap3A_1344], %swap3A_1347 {strides = array<i32>} : memref<16384xf32, #tpu.memory_space<vmem>>, vector<16xf32>,
      %mul3A_1348 = arith.mulf %select_n3A_816, %gather3A_549 : vector<16xf32>
      %mul3A_1349 = arith.mulf %select_n3A_821, %gather3A_589 : vector<16xf32>
      %add3A_1350 = arith.addf %mul3A_1348, %mul3A_1349 : vector<16xf32>
      %add3A_1351 = arith.constant 512 : i32
      %add3A_1352 = arith.addi %mul3A_695, %add3A_1351 : i32
      %add3A_1353 = arith.constant 80 : i32
      %add3A_1354 = arith.addi %add3A_1352, %add3A_1353 : i32
      %swap3A_1355 = arith.index_cast %add3A_1354 : i32 to index
      %swap3A_1356 = tpu.vector_load %arg14[%swap3A_1355] {strides = array<i32>} : memref<16384xf32, #tpu.memory_space<vmem>>, vector<16xf32>,
      %swap3A_1357 = vector.shape_cast %swap3A_1356 : vector<16xf32> to vector<16xf32>
      %swap3A_1358 = vector.shape_cast %add3A_1350 : vector<16xf32> to vector<16xf32>
      tpu.vector_store %arg14[%swap3A_1355], %swap3A_1358 {strides = array<i32>} : memref<16384xf32, #tpu.memory_space<vmem>>, vector<16xf32>,
      %mul3A_1359 = arith.mulf %select_n3A_816, %gather3A_554 : vector<16xf32>
      %mul3A_1360 = arith.mulf %select_n3A_821, %gather3A_594 : vector<16xf32>
      %add3A_1361 = arith.addf %mul3A_1359, %mul3A_1360 : vector<16xf32>
      %add3A_1362 = arith.constant 640 : i32
      %add3A_1363 = arith.addi %mul3A_695, %add3A_1362 : i32
      %add3A_1364 = arith.constant 80 : i32
      %add3A_1365 = arith.addi %add3A_1363, %add3A_1364 : i32
      %swap3A_1366 = arith.index_cast %add3A_1365 : i32 to index
      %swap3A_1367 = tpu.vector_load %arg14[%swap3A_1366] {strides = array<i32>} : memref<16384xf32, #tpu.memory_space<vmem>>, vector<16xf32>,
      %swap3A_1368 = vector.shape_cast %swap3A_1367 : vector<16xf32> to vector<16xf32>
      %swap3A_1369 = vector.shape_cast %add3A_1361 : vector<16xf32> to vector<16xf32>
      tpu.vector_store %arg14[%swap3A_1366], %swap3A_1369 {strides = array<i32>} : memref<16384xf32, #tpu.memory_space<vmem>>, vector<16xf32>,
      %mul3A_1370 = arith.mulf %select_n3A_816, %gather3A_559 : vector<16xf32>
      %mul3A_1371 = arith.mulf %select_n3A_821, %gather3A_599 : vector<16xf32>
      %add3A_1372 = arith.addf %mul3A_1370, %mul3A_1371 : vector<16xf32>
      %add3A_1373 = arith.constant 768 : i32
      %add3A_1374 = arith.addi %mul3A_695, %add3A_1373 : i32
      %add3A_1375 = arith.constant 80 : i32
      %add3A_1376 = arith.addi %add3A_1374, %add3A_1375 : i32
      %swap3A_1377 = arith.index_cast %add3A_1376 : i32 to index
      %swap3A_1378 = tpu.vector_load %arg14[%swap3A_1377] {strides = array<i32>} : memref<16384xf32, #tpu.memory_space<vmem>>, vector<16xf32>,
      %swap3A_1379 = vector.shape_cast %swap3A_1378 : vector<16xf32> to vector<16xf32>
      %swap3A_1380 = vector.shape_cast %add3A_1372 : vector<16xf32> to vector<16xf32>
      tpu.vector_store %arg14[%swap3A_1377], %swap3A_1380 {strides = array<i32>} : memref<16384xf32, #tpu.memory_space<vmem>>, vector<16xf32>,
      %mul3A_1381 = arith.mulf %select_n3A_816, %gather3A_564 : vector<16xf32>
      %mul3A_1382 = arith.mulf %select_n3A_821, %gather3A_604 : vector<16xf32>
      %add3A_1383 = arith.addf %mul3A_1381, %mul3A_1382 : vector<16xf32>
      %add3A_1384 = arith.constant 896 : i32
      %add3A_1385 = arith.addi %mul3A_695, %add3A_1384 : i32
      %add3A_1386 = arith.constant 80 : i32
      %add3A_1387 = arith.addi %add3A_1385, %add3A_1386 : i32
      %swap3A_1388 = arith.index_cast %add3A_1387 : i32 to index
      %swap3A_1389 = tpu.vector_load %arg14[%swap3A_1388] {strides = array<i32>} : memref<16384xf32, #tpu.memory_space<vmem>>, vector<16xf32>,
      %swap3A_1390 = vector.shape_cast %swap3A_1389 : vector<16xf32> to vector<16xf32>
      %swap3A_1391 = vector.shape_cast %add3A_1383 : vector<16xf32> to vector<16xf32>
      tpu.vector_store %arg14[%swap3A_1388], %swap3A_1391 {strides = array<i32>} : memref<16384xf32, #tpu.memory_space<vmem>>, vector<16xf32>,
      %mul3A_1392 = arith.mulf %select_n3A_837, %gather3A_529 : vector<16xf32>
      %mul3A_1393 = arith.mulf %select_n3A_842, %gather3A_569 : vector<16xf32>
      %add3A_1394 = arith.addf %mul3A_1392, %mul3A_1393 : vector<16xf32>
      %add3A_1395 = arith.constant 0 : i32
      %add3A_1396 = arith.addi %mul3A_695, %add3A_1395 : i32
      %add3A_1397 = arith.constant 96 : i32
      %add3A_1398 = arith.addi %add3A_1396, %add3A_1397 : i32
      %swap3A_1399 = arith.index_cast %add3A_1398 : i32 to index
      %swap3A_1400 = tpu.vector_load %arg14[%swap3A_1399] {strides = array<i32>} : memref<16384xf32, #tpu.memory_space<vmem>>, vector<16xf32>,
      %swap3A_1401 = vector.shape_cast %swap3A_1400 : vector<16xf32> to vector<16xf32>
      %swap3A_1402 = vector.shape_cast %add3A_1394 : vector<16xf32> to vector<16xf32>
      tpu.vector_store %arg14[%swap3A_1399], %swap3A_1402 {strides = array<i32>} : memref<16384xf32, #tpu.memory_space<vmem>>, vector<16xf32>,
      %mul3A_1403 = arith.mulf %select_n3A_837, %gather3A_534 : vector<16xf32>
      %mul3A_1404 = arith.mulf %select_n3A_842, %gather3A_574 : vector<16xf32>
      %add3A_1405 = arith.addf %mul3A_1403, %mul3A_1404 : vector<16xf32>
      %add3A_1406 = arith.constant 128 : i32
      %add3A_1407 = arith.addi %mul3A_695, %add3A_1406 : i32
      %add3A_1408 = arith.constant 96 : i32
      %add3A_1409 = arith.addi %add3A_1407, %add3A_1408 : i32
      %swap3A_1410 = arith.index_cast %add3A_1409 : i32 to index
      %swap3A_1411 = tpu.vector_load %arg14[%swap3A_1410] {strides = array<i32>} : memref<16384xf32, #tpu.memory_space<vmem>>, vector<16xf32>,
      %swap3A_1412 = vector.shape_cast %swap3A_1411 : vector<16xf32> to vector<16xf32>
      %swap3A_1413 = vector.shape_cast %add3A_1405 : vector<16xf32> to vector<16xf32>
      tpu.vector_store %arg14[%swap3A_1410], %swap3A_1413 {strides = array<i32>} : memref<16384xf32, #tpu.memory_space<vmem>>, vector<16xf32>,
      %mul3A_1414 = arith.mulf %select_n3A_837, %gather3A_539 : vector<16xf32>
      %mul3A_1415 = arith.mulf %select_n3A_842, %gather3A_579 : vector<16xf32>
      %add3A_1416 = arith.addf %mul3A_1414, %mul3A_1415 : vector<16xf32>
      %add3A_1417 = arith.constant 256 : i32
      %add3A_1418 = arith.addi %mul3A_695, %add3A_1417 : i32
      %add3A_1419 = arith.constant 96 : i32
      %add3A_1420 = arith.addi %add3A_1418, %add3A_1419 : i32
      %swap3A_1421 = arith.index_cast %add3A_1420 : i32 to index
      %swap3A_1422 = tpu.vector_load %arg14[%swap3A_1421] {strides = array<i32>} : memref<16384xf32, #tpu.memory_space<vmem>>, vector<16xf32>,
      %swap3A_1423 = vector.shape_cast %swap3A_1422 : vector<16xf32> to vector<16xf32>
      %swap3A_1424 = vector.shape_cast %add3A_1416 : vector<16xf32> to vector<16xf32>
      tpu.vector_store %arg14[%swap3A_1421], %swap3A_1424 {strides = array<i32>} : memref<16384xf32, #tpu.memory_space<vmem>>, vector<16xf32>,
      %mul3A_1425 = arith.mulf %select_n3A_837, %gather3A_544 : vector<16xf32>
      %mul3A_1426 = arith.mulf %select_n3A_842, %gather3A_584 : vector<16xf32>
      %add3A_1427 = arith.addf %mul3A_1425, %mul3A_1426 : vector<16xf32>
      %add3A_1428 = arith.constant 384 : i32
      %add3A_1429 = arith.addi %mul3A_695, %add3A_1428 : i32
      %add3A_1430 = arith.constant 96 : i32
      %add3A_1431 = arith.addi %add3A_1429, %add3A_1430 : i32
      %swap3A_1432 = arith.index_cast %add3A_1431 : i32 to index
      %swap3A_1433 = tpu.vector_load %arg14[%swap3A_1432] {strides = array<i32>} : memref<16384xf32, #tpu.memory_space<vmem>>, vector<16xf32>,
      %swap3A_1434 = vector.shape_cast %swap3A_1433 : vector<16xf32> to vector<16xf32>
      %swap3A_1435 = vector.shape_cast %add3A_1427 : vector<16xf32> to vector<16xf32>
      tpu.vector_store %arg14[%swap3A_1432], %swap3A_1435 {strides = array<i32>} : memref<16384xf32, #tpu.memory_space<vmem>>, vector<16xf32>,
      %mul3A_1436 = arith.mulf %select_n3A_837, %gather3A_549 : vector<16xf32>
      %mul3A_1437 = arith.mulf %select_n3A_842, %gather3A_589 : vector<16xf32>
      %add3A_1438 = arith.addf %mul3A_1436, %mul3A_1437 : vector<16xf32>
      %add3A_1439 = arith.constant 512 : i32
      %add3A_1440 = arith.addi %mul3A_695, %add3A_1439 : i32
      %add3A_1441 = arith.constant 96 : i32
      %add3A_1442 = arith.addi %add3A_1440, %add3A_1441 : i32
      %swap3A_1443 = arith.index_cast %add3A_1442 : i32 to index
      %swap3A_1444 = tpu.vector_load %arg14[%swap3A_1443] {strides = array<i32>} : memref<16384xf32, #tpu.memory_space<vmem>>, vector<16xf32>,
      %swap3A_1445 = vector.shape_cast %swap3A_1444 : vector<16xf32> to vector<16xf32>
      %swap3A_1446 = vector.shape_cast %add3A_1438 : vector<16xf32> to vector<16xf32>
      tpu.vector_store %arg14[%swap3A_1443], %swap3A_1446 {strides = array<i32>} : memref<16384xf32, #tpu.memory_space<vmem>>, vector<16xf32>,
      %mul3A_1447 = arith.mulf %select_n3A_837, %gather3A_554 : vector<16xf32>
      %mul3A_1448 = arith.mulf %select_n3A_842, %gather3A_594 : vector<16xf32>
      %add3A_1449 = arith.addf %mul3A_1447, %mul3A_1448 : vector<16xf32>
      %add3A_1450 = arith.constant 640 : i32
      %add3A_1451 = arith.addi %mul3A_695, %add3A_1450 : i32
      %add3A_1452 = arith.constant 96 : i32
      %add3A_1453 = arith.addi %add3A_1451, %add3A_1452 : i32
      %swap3A_1454 = arith.index_cast %add3A_1453 : i32 to index
      %swap3A_1455 = tpu.vector_load %arg14[%swap3A_1454] {strides = array<i32>} : memref<16384xf32, #tpu.memory_space<vmem>>, vector<16xf32>,
      %swap3A_1456 = vector.shape_cast %swap3A_1455 : vector<16xf32> to vector<16xf32>
      %swap3A_1457 = vector.shape_cast %add3A_1449 : vector<16xf32> to vector<16xf32>
      tpu.vector_store %arg14[%swap3A_1454], %swap3A_1457 {strides = array<i32>} : memref<16384xf32, #tpu.memory_space<vmem>>, vector<16xf32>,
      %mul3A_1458 = arith.mulf %select_n3A_837, %gather3A_559 : vector<16xf32>
      %mul3A_1459 = arith.mulf %select_n3A_842, %gather3A_599 : vector<16xf32>
      %add3A_1460 = arith.addf %mul3A_1458, %mul3A_1459 : vector<16xf32>
      %add3A_1461 = arith.constant 768 : i32
      %add3A_1462 = arith.addi %mul3A_695, %add3A_1461 : i32
      %add3A_1463 = arith.constant 96 : i32
      %add3A_1464 = arith.addi %add3A_1462, %add3A_1463 : i32
      %swap3A_1465 = arith.index_cast %add3A_1464 : i32 to index
      %swap3A_1466 = tpu.vector_load %arg14[%swap3A_1465] {strides = array<i32>} : memref<16384xf32, #tpu.memory_space<vmem>>, vector<16xf32>,
      %swap3A_1467 = vector.shape_cast %swap3A_1466 : vector<16xf32> to vector<16xf32>
      %swap3A_1468 = vector.shape_cast %add3A_1460 : vector<16xf32> to vector<16xf32>
      tpu.vector_store %arg14[%swap3A_1465], %swap3A_1468 {strides = array<i32>} : memref<16384xf32, #tpu.memory_space<vmem>>, vector<16xf32>,
      %mul3A_1469 = arith.mulf %select_n3A_837, %gather3A_564 : vector<16xf32>
      %mul3A_1470 = arith.mulf %select_n3A_842, %gather3A_604 : vector<16xf32>
      %add3A_1471 = arith.addf %mul3A_1469, %mul3A_1470 : vector<16xf32>
      %add3A_1472 = arith.constant 896 : i32
      %add3A_1473 = arith.addi %mul3A_695, %add3A_1472 : i32
      %add3A_1474 = arith.constant 96 : i32
      %add3A_1475 = arith.addi %add3A_1473, %add3A_1474 : i32
      %swap3A_1476 = arith.index_cast %add3A_1475 : i32 to index
      %swap3A_1477 = tpu.vector_load %arg14[%swap3A_1476] {strides = array<i32>} : memref<16384xf32, #tpu.memory_space<vmem>>, vector<16xf32>,
      %swap3A_1478 = vector.shape_cast %swap3A_1477 : vector<16xf32> to vector<16xf32>
      %swap3A_1479 = vector.shape_cast %add3A_1471 : vector<16xf32> to vector<16xf32>
      tpu.vector_store %arg14[%swap3A_1476], %swap3A_1479 {strides = array<i32>} : memref<16384xf32, #tpu.memory_space<vmem>>, vector<16xf32>,
      %mul3A_1480 = arith.mulf %select_n3A_858, %gather3A_529 : vector<16xf32>
      %mul3A_1481 = arith.mulf %select_n3A_863, %gather3A_569 : vector<16xf32>
      %add3A_1482 = arith.addf %mul3A_1480, %mul3A_1481 : vector<16xf32>
      %add3A_1483 = arith.constant 0 : i32
      %add3A_1484 = arith.addi %mul3A_695, %add3A_1483 : i32
      %add3A_1485 = arith.constant 112 : i32
      %add3A_1486 = arith.addi %add3A_1484, %add3A_1485 : i32
      %swap3A_1487 = arith.index_cast %add3A_1486 : i32 to index
      %swap3A_1488 = tpu.vector_load %arg14[%swap3A_1487] {strides = array<i32>} : memref<16384xf32, #tpu.memory_space<vmem>>, vector<16xf32>,
      %swap3A_1489 = vector.shape_cast %swap3A_1488 : vector<16xf32> to vector<16xf32>
      %swap3A_1490 = vector.shape_cast %add3A_1482 : vector<16xf32> to vector<16xf32>
      tpu.vector_store %arg14[%swap3A_1487], %swap3A_1490 {strides = array<i32>} : memref<16384xf32, #tpu.memory_space<vmem>>, vector<16xf32>,
      %mul3A_1491 = arith.mulf %select_n3A_858, %gather3A_534 : vector<16xf32>
      %mul3A_1492 = arith.mulf %select_n3A_863, %gather3A_574 : vector<16xf32>
      %add3A_1493 = arith.addf %mul3A_1491, %mul3A_1492 : vector<16xf32>
      %add3A_1494 = arith.constant 128 : i32
      %add3A_1495 = arith.addi %mul3A_695, %add3A_1494 : i32
      %add3A_1496 = arith.constant 112 : i32
      %add3A_1497 = arith.addi %add3A_1495, %add3A_1496 : i32
      %swap3A_1498 = arith.index_cast %add3A_1497 : i32 to index
      %swap3A_1499 = tpu.vector_load %arg14[%swap3A_1498] {strides = array<i32>} : memref<16384xf32, #tpu.memory_space<vmem>>, vector<16xf32>,
      %swap3A_1500 = vector.shape_cast %swap3A_1499 : vector<16xf32> to vector<16xf32>
      %swap3A_1501 = vector.shape_cast %add3A_1493 : vector<16xf32> to vector<16xf32>
      tpu.vector_store %arg14[%swap3A_1498], %swap3A_1501 {strides = array<i32>} : memref<16384xf32, #tpu.memory_space<vmem>>, vector<16xf32>,
      %mul3A_1502 = arith.mulf %select_n3A_858, %gather3A_539 : vector<16xf32>
      %mul3A_1503 = arith.mulf %select_n3A_863, %gather3A_579 : vector<16xf32>
      %add3A_1504 = arith.addf %mul3A_1502, %mul3A_1503 : vector<16xf32>
      %add3A_1505 = arith.constant 256 : i32
      %add3A_1506 = arith.addi %mul3A_695, %add3A_1505 : i32
      %add3A_1507 = arith.constant 112 : i32
      %add3A_1508 = arith.addi %add3A_1506, %add3A_1507 : i32
      %swap3A_1509 = arith.index_cast %add3A_1508 : i32 to index
      %swap3A_1510 = tpu.vector_load %arg14[%swap3A_1509] {strides = array<i32>} : memref<16384xf32, #tpu.memory_space<vmem>>, vector<16xf32>,
      %swap3A_1511 = vector.shape_cast %swap3A_1510 : vector<16xf32> to vector<16xf32>
      %swap3A_1512 = vector.shape_cast %add3A_1504 : vector<16xf32> to vector<16xf32>
      tpu.vector_store %arg14[%swap3A_1509], %swap3A_1512 {strides = array<i32>} : memref<16384xf32, #tpu.memory_space<vmem>>, vector<16xf32>,
      %mul3A_1513 = arith.mulf %select_n3A_858, %gather3A_544 : vector<16xf32>
      %mul3A_1514 = arith.mulf %select_n3A_863, %gather3A_584 : vector<16xf32>
      %add3A_1515 = arith.addf %mul3A_1513, %mul3A_1514 : vector<16xf32>
      %add3A_1516 = arith.constant 384 : i32
      %add3A_1517 = arith.addi %mul3A_695, %add3A_1516 : i32
      %add3A_1518 = arith.constant 112 : i32
      %add3A_1519 = arith.addi %add3A_1517, %add3A_1518 : i32
      %swap3A_1520 = arith.index_cast %add3A_1519 : i32 to index
      %swap3A_1521 = tpu.vector_load %arg14[%swap3A_1520] {strides = array<i32>} : memref<16384xf32, #tpu.memory_space<vmem>>, vector<16xf32>,
      %swap3A_1522 = vector.shape_cast %swap3A_1521 : vector<16xf32> to vector<16xf32>
      %swap3A_1523 = vector.shape_cast %add3A_1515 : vector<16xf32> to vector<16xf32>
      tpu.vector_store %arg14[%swap3A_1520], %swap3A_1523 {strides = array<i32>} : memref<16384xf32, #tpu.memory_space<vmem>>, vector<16xf32>,
      %mul3A_1524 = arith.mulf %select_n3A_858, %gather3A_549 : vector<16xf32>
      %mul3A_1525 = arith.mulf %select_n3A_863, %gather3A_589 : vector<16xf32>
      %add3A_1526 = arith.addf %mul3A_1524, %mul3A_1525 : vector<16xf32>
      %add3A_1527 = arith.constant 512 : i32
      %add3A_1528 = arith.addi %mul3A_695, %add3A_1527 : i32
      %add3A_1529 = arith.constant 112 : i32
      %add3A_1530 = arith.addi %add3A_1528, %add3A_1529 : i32
      %swap3A_1531 = arith.index_cast %add3A_1530 : i32 to index
      %swap3A_1532 = tpu.vector_load %arg14[%swap3A_1531] {strides = array<i32>} : memref<16384xf32, #tpu.memory_space<vmem>>, vector<16xf32>,
      %swap3A_1533 = vector.shape_cast %swap3A_1532 : vector<16xf32> to vector<16xf32>
      %swap3A_1534 = vector.shape_cast %add3A_1526 : vector<16xf32> to vector<16xf32>
      tpu.vector_store %arg14[%swap3A_1531], %swap3A_1534 {strides = array<i32>} : memref<16384xf32, #tpu.memory_space<vmem>>, vector<16xf32>,
      %mul3A_1535 = arith.mulf %select_n3A_858, %gather3A_554 : vector<16xf32>
      %mul3A_1536 = arith.mulf %select_n3A_863, %gather3A_594 : vector<16xf32>
      %add3A_1537 = arith.addf %mul3A_1535, %mul3A_1536 : vector<16xf32>
      %add3A_1538 = arith.constant 640 : i32
      %add3A_1539 = arith.addi %mul3A_695, %add3A_1538 : i32
      %add3A_1540 = arith.constant 112 : i32
      %add3A_1541 = arith.addi %add3A_1539, %add3A_1540 : i32
      %swap3A_1542 = arith.index_cast %add3A_1541 : i32 to index
      %swap3A_1543 = tpu.vector_load %arg14[%swap3A_1542] {strides = array<i32>} : memref<16384xf32, #tpu.memory_space<vmem>>, vector<16xf32>,
      %swap3A_1544 = vector.shape_cast %swap3A_1543 : vector<16xf32> to vector<16xf32>
      %swap3A_1545 = vector.shape_cast %add3A_1537 : vector<16xf32> to vector<16xf32>
      tpu.vector_store %arg14[%swap3A_1542], %swap3A_1545 {strides = array<i32>} : memref<16384xf32, #tpu.memory_space<vmem>>, vector<16xf32>,
      %mul3A_1546 = arith.mulf %select_n3A_858, %gather3A_559 : vector<16xf32>
      %mul3A_1547 = arith.mulf %select_n3A_863, %gather3A_599 : vector<16xf32>
      %add3A_1548 = arith.addf %mul3A_1546, %mul3A_1547 : vector<16xf32>
      %add3A_1549 = arith.constant 768 : i32
      %add3A_1550 = arith.addi %mul3A_695, %add3A_1549 : i32
      %add3A_1551 = arith.constant 112 : i32
      %add3A_1552 = arith.addi %add3A_1550, %add3A_1551 : i32
      %swap3A_1553 = arith.index_cast %add3A_1552 : i32 to index
      %swap3A_1554 = tpu.vector_load %arg14[%swap3A_1553] {strides = array<i32>} : memref<16384xf32, #tpu.memory_space<vmem>>, vector<16xf32>,
      %swap3A_1555 = vector.shape_cast %swap3A_1554 : vector<16xf32> to vector<16xf32>
      %swap3A_1556 = vector.shape_cast %add3A_1548 : vector<16xf32> to vector<16xf32>
      tpu.vector_store %arg14[%swap3A_1553], %swap3A_1556 {strides = array<i32>} : memref<16384xf32, #tpu.memory_space<vmem>>, vector<16xf32>,
      %mul3A_1557 = arith.mulf %select_n3A_858, %gather3A_564 : vector<16xf32>
      %mul3A_1558 = arith.mulf %select_n3A_863, %gather3A_604 : vector<16xf32>
      %add3A_1559 = arith.addf %mul3A_1557, %mul3A_1558 : vector<16xf32>
      %add3A_1560 = arith.constant 896 : i32
      %add3A_1561 = arith.addi %mul3A_695, %add3A_1560 : i32
      %add3A_1562 = arith.constant 112 : i32
      %add3A_1563 = arith.addi %add3A_1561, %add3A_1562 : i32
      %swap3A_1564 = arith.index_cast %add3A_1563 : i32 to index
      %swap3A_1565 = tpu.vector_load %arg14[%swap3A_1564] {strides = array<i32>} : memref<16384xf32, #tpu.memory_space<vmem>>, vector<16xf32>,
      %swap3A_1566 = vector.shape_cast %swap3A_1565 : vector<16xf32> to vector<16xf32>
      %swap3A_1567 = vector.shape_cast %add3A_1559 : vector<16xf32> to vector<16xf32>
      tpu.vector_store %arg14[%swap3A_1564], %swap3A_1567 {strides = array<i32>} : memref<16384xf32, #tpu.memory_space<vmem>>, vector<16xf32>,
    }
    %scan3A_616 = arith.constant 4 : i32
    %add3A_617 = arith.constant 0 : i32
    %add3A_618 = arith.addi %mul3A_610, %add3A_617 : i32
    %dma_start3A_619 = arith.constant 0 : i32
    %dma_start3A_620 = tpu.memref_slice %arg14[%dma_start3A_619] : memref<16384xf32, #tpu.memory_space<vmem>> -> memref<4096xf32, #tpu.memory_space<vmem>>
    %dma_start3A_621 = tpu.memref_slice %arg6[%add3A_618] : memref<524288xf32, #tpu.memory_space<hbm>> -> memref<4096xf32, #tpu.memory_space<hbm>>
    %dma_start3A_622 = tpu.memref_slice %arg6[%add3A_618] : memref<524288xf32, #tpu.memory_space<hbm>> -> memref<4096xf32, #tpu.memory_space<hbm>>
    %dma_start3A_623 = arith.constant 0 : i32
    %dma_start3A_624 = tpu.memref_slice %arg14[%dma_start3A_623] : memref<16384xf32, #tpu.memory_space<vmem>> -> memref<4096xf32, #tpu.memory_space<vmem>>
    tpu.enqueue_dma source(%dma_start3A_624 : memref<4096xf32, #tpu.memory_space<vmem>>) target(%dma_start3A_622 : memref<4096xf32, #tpu.memory_space<hbm>>) target_semaphore(%arg16 : memref<!tpu.dma_semaphore, #tpu.memory_space<semaphore_mem>>)
    %scan3A_625 = arith.constant 0 : i32
    %scan3A_626 = arith.constant 4 : i32
    %scan3A_627 = arith.constant 4 : i32
    %scan3A_628 = arith.addi %scan3A_626, %scan3A_627 : i32
    %scan3A_629 = arith.constant 1 : i32
    scf.for %scan3A_691 = %scan3A_626 to %scan3A_628 step %scan3A_629  : i32 {
      %mul3A_692 = arith.constant 128 : i32
      %mul3A_693 = arith.muli %scan3A_691, %mul3A_692 : i32
      %mul3A_694 = arith.constant 1024 : i32
      %mul3A_695 = arith.muli %scan3A_691, %mul3A_694 : i32
      %add3A_696 = arith.constant 0 : i32
      %add3A_697 = arith.addi %mul3A_693, %add3A_696 : i32
      %get3A_698 = arith.index_cast %add3A_697 : i32 to index
      %get3A_699 = tpu.vector_load %arg8[%get3A_698] {strides = array<i32>} : memref<2048xf32, #tpu.memory_space<vmem>>, vector<16xf32>,
      %get3A_700 = vector.shape_cast %get3A_699 : vector<16xf32> to vector<16xf32>
      %sub3A_701 = arith.subf %get3A_700, %min3A_506 : vector<16xf32>
      %mul3A_702 = arith.mulf %sub3A_701, %div3A_514 : vector<16xf32>
      %add3A_703 = arith.addi %mul3A_606, %mul3A_693 : i32
      %add3A_704 = arith.constant 0 : i32
      %add3A_705 = arith.addi %add3A_703, %add3A_704 : i32
      %add3A_706 = vector.broadcast %add3A_705 : i32 to vector<16xi32>
      %add3A_707 = arith.addi %add3A_706, %iota3A : vector<16xi32>
      %lt3A_708 = arith.cmpi slt, %add3A_707, %gather3A_521 : vector<16xi32>
      %jit3A_709 = arith.constant 0.000000e+00 : f32
      %broadcast_in_dim3A_710 = vector.broadcast %jit3A_709 : f32 to vector<16xf32>
      %select_n3A_711 = arith.select %lt3A_708, %mul3A_702, %broadcast_in_dim3A_710 : vector<16xi1>, vector<16xf32>
      %jit3A_712 = arith.constant 1.000000e+00 : f32
      %jit3A_713 = arith.constant 0.000000e+00 : f32
      %broadcast_in_dim3A_714 = vector.broadcast %jit3A_712 : f32 to vector<16xf32>
      %broadcast_in_dim3A_715 = vector.broadcast %jit3A_713 : f32 to vector<16xf32>
      %select_n3A_716 = arith.select %lt3A_708, %broadcast_in_dim3A_714, %broadcast_in_dim3A_715 : vector<16xi1>, vector<16xf32>
      %add3A_717 = arith.constant 16 : i32
      %add3A_718 = arith.addi %mul3A_693, %add3A_717 : i32
      %get3A_719 = arith.index_cast %add3A_718 : i32 to index
      %get3A_720 = tpu.vector_load %arg8[%get3A_719] {strides = array<i32>} : memref<2048xf32, #tpu.memory_space<vmem>>, vector<16xf32>,
      %get3A_721 = vector.shape_cast %get3A_720 : vector<16xf32> to vector<16xf32>
      %sub3A_722 = arith.subf %get3A_721, %min3A_506 : vector<16xf32>
      %mul3A_723 = arith.mulf %sub3A_722, %div3A_514 : vector<16xf32>
      %add3A_724 = arith.addi %mul3A_606, %mul3A_693 : i32
      %add3A_725 = arith.constant 16 : i32
      %add3A_726 = arith.addi %add3A_724, %add3A_725 : i32
      %add3A_727 = vector.broadcast %add3A_726 : i32 to vector<16xi32>
      %add3A_728 = arith.addi %add3A_727, %iota3A : vector<16xi32>
      %lt3A_729 = arith.cmpi slt, %add3A_728, %gather3A_521 : vector<16xi32>
      %jit3A_730 = arith.constant 0.000000e+00 : f32
      %broadcast_in_dim3A_731 = vector.broadcast %jit3A_730 : f32 to vector<16xf32>
      %select_n3A_732 = arith.select %lt3A_729, %mul3A_723, %broadcast_in_dim3A_731 : vector<16xi1>, vector<16xf32>
      %jit3A_733 = arith.constant 1.000000e+00 : f32
      %jit3A_734 = arith.constant 0.000000e+00 : f32
      %broadcast_in_dim3A_735 = vector.broadcast %jit3A_733 : f32 to vector<16xf32>
      %broadcast_in_dim3A_736 = vector.broadcast %jit3A_734 : f32 to vector<16xf32>
      %select_n3A_737 = arith.select %lt3A_729, %broadcast_in_dim3A_735, %broadcast_in_dim3A_736 : vector<16xi1>, vector<16xf32>
      %add3A_738 = arith.constant 32 : i32
      %add3A_739 = arith.addi %mul3A_693, %add3A_738 : i32
      %get3A_740 = arith.index_cast %add3A_739 : i32 to index
      %get3A_741 = tpu.vector_load %arg8[%get3A_740] {strides = array<i32>} : memref<2048xf32, #tpu.memory_space<vmem>>, vector<16xf32>,
      %get3A_742 = vector.shape_cast %get3A_741 : vector<16xf32> to vector<16xf32>
      %sub3A_743 = arith.subf %get3A_742, %min3A_506 : vector<16xf32>
      %mul3A_744 = arith.mulf %sub3A_743, %div3A_514 : vector<16xf32>
      %add3A_745 = arith.addi %mul3A_606, %mul3A_693 : i32
      %add3A_746 = arith.constant 32 : i32
      %add3A_747 = arith.addi %add3A_745, %add3A_746 : i32
      %add3A_748 = vector.broadcast %add3A_747 : i32 to vector<16xi32>
      %add3A_749 = arith.addi %add3A_748, %iota3A : vector<16xi32>
      %lt3A_750 = arith.cmpi slt, %add3A_749, %gather3A_521 : vector<16xi32>
      %jit3A_751 = arith.constant 0.000000e+00 : f32
      %broadcast_in_dim3A_752 = vector.broadcast %jit3A_751 : f32 to vector<16xf32>
      %select_n3A_753 = arith.select %lt3A_750, %mul3A_744, %broadcast_in_dim3A_752 : vector<16xi1>, vector<16xf32>
      %jit3A_754 = arith.constant 1.000000e+00 : f32
      %jit3A_755 = arith.constant 0.000000e+00 : f32
      %broadcast_in_dim3A_756 = vector.broadcast %jit3A_754 : f32 to vector<16xf32>
      %broadcast_in_dim3A_757 = vector.broadcast %jit3A_755 : f32 to vector<16xf32>
      %select_n3A_758 = arith.select %lt3A_750, %broadcast_in_dim3A_756, %broadcast_in_dim3A_757 : vector<16xi1>, vector<16xf32>
      %add3A_759 = arith.constant 48 : i32
      %add3A_760 = arith.addi %mul3A_693, %add3A_759 : i32
      %get3A_761 = arith.index_cast %add3A_760 : i32 to index
      %get3A_762 = tpu.vector_load %arg8[%get3A_761] {strides = array<i32>} : memref<2048xf32, #tpu.memory_space<vmem>>, vector<16xf32>,
      %get3A_763 = vector.shape_cast %get3A_762 : vector<16xf32> to vector<16xf32>
      %sub3A_764 = arith.subf %get3A_763, %min3A_506 : vector<16xf32>
      %mul3A_765 = arith.mulf %sub3A_764, %div3A_514 : vector<16xf32>
      %add3A_766 = arith.addi %mul3A_606, %mul3A_693 : i32
      %add3A_767 = arith.constant 48 : i32
      %add3A_768 = arith.addi %add3A_766, %add3A_767 : i32
      %add3A_769 = vector.broadcast %add3A_768 : i32 to vector<16xi32>
      %add3A_770 = arith.addi %add3A_769, %iota3A : vector<16xi32>
      %lt3A_771 = arith.cmpi slt, %add3A_770, %gather3A_521 : vector<16xi32>
      %jit3A_772 = arith.constant 0.000000e+00 : f32
      %broadcast_in_dim3A_773 = vector.broadcast %jit3A_772 : f32 to vector<16xf32>
      %select_n3A_774 = arith.select %lt3A_771, %mul3A_765, %broadcast_in_dim3A_773 : vector<16xi1>, vector<16xf32>
      %jit3A_775 = arith.constant 1.000000e+00 : f32
      %jit3A_776 = arith.constant 0.000000e+00 : f32
      %broadcast_in_dim3A_777 = vector.broadcast %jit3A_775 : f32 to vector<16xf32>
      %broadcast_in_dim3A_778 = vector.broadcast %jit3A_776 : f32 to vector<16xf32>
      %select_n3A_779 = arith.select %lt3A_771, %broadcast_in_dim3A_777, %broadcast_in_dim3A_778 : vector<16xi1>, vector<16xf32>
      %add3A_780 = arith.constant 64 : i32
      %add3A_781 = arith.addi %mul3A_693, %add3A_780 : i32
      %get3A_782 = arith.index_cast %add3A_781 : i32 to index
      %get3A_783 = tpu.vector_load %arg8[%get3A_782] {strides = array<i32>} : memref<2048xf32, #tpu.memory_space<vmem>>, vector<16xf32>,
      %get3A_784 = vector.shape_cast %get3A_783 : vector<16xf32> to vector<16xf32>
      %sub3A_785 = arith.subf %get3A_784, %min3A_506 : vector<16xf32>
      %mul3A_786 = arith.mulf %sub3A_785, %div3A_514 : vector<16xf32>
      %add3A_787 = arith.addi %mul3A_606, %mul3A_693 : i32
      %add3A_788 = arith.constant 64 : i32
      %add3A_789 = arith.addi %add3A_787, %add3A_788 : i32
      %add3A_790 = vector.broadcast %add3A_789 : i32 to vector<16xi32>
      %add3A_791 = arith.addi %add3A_790, %iota3A : vector<16xi32>
      %lt3A_792 = arith.cmpi slt, %add3A_791, %gather3A_521 : vector<16xi32>
      %jit3A_793 = arith.constant 0.000000e+00 : f32
      %broadcast_in_dim3A_794 = vector.broadcast %jit3A_793 : f32 to vector<16xf32>
      %select_n3A_795 = arith.select %lt3A_792, %mul3A_786, %broadcast_in_dim3A_794 : vector<16xi1>, vector<16xf32>
      %jit3A_796 = arith.constant 1.000000e+00 : f32
      %jit3A_797 = arith.constant 0.000000e+00 : f32
      %broadcast_in_dim3A_798 = vector.broadcast %jit3A_796 : f32 to vector<16xf32>
      %broadcast_in_dim3A_799 = vector.broadcast %jit3A_797 : f32 to vector<16xf32>
      %select_n3A_800 = arith.select %lt3A_792, %broadcast_in_dim3A_798, %broadcast_in_dim3A_799 : vector<16xi1>, vector<16xf32>
      %add3A_801 = arith.constant 80 : i32
      %add3A_802 = arith.addi %mul3A_693, %add3A_801 : i32
      %get3A_803 = arith.index_cast %add3A_802 : i32 to index
      %get3A_804 = tpu.vector_load %arg8[%get3A_803] {strides = array<i32>} : memref<2048xf32, #tpu.memory_space<vmem>>, vector<16xf32>,
      %get3A_805 = vector.shape_cast %get3A_804 : vector<16xf32> to vector<16xf32>
      %sub3A_806 = arith.subf %get3A_805, %min3A_506 : vector<16xf32>
      %mul3A_807 = arith.mulf %sub3A_806, %div3A_514 : vector<16xf32>
      %add3A_808 = arith.addi %mul3A_606, %mul3A_693 : i32
      %add3A_809 = arith.constant 80 : i32
      %add3A_810 = arith.addi %add3A_808, %add3A_809 : i32
      %add3A_811 = vector.broadcast %add3A_810 : i32 to vector<16xi32>
      %add3A_812 = arith.addi %add3A_811, %iota3A : vector<16xi32>
      %lt3A_813 = arith.cmpi slt, %add3A_812, %gather3A_521 : vector<16xi32>
      %jit3A_814 = arith.constant 0.000000e+00 : f32
      %broadcast_in_dim3A_815 = vector.broadcast %jit3A_814 : f32 to vector<16xf32>
      %select_n3A_816 = arith.select %lt3A_813, %mul3A_807, %broadcast_in_dim3A_815 : vector<16xi1>, vector<16xf32>
      %jit3A_817 = arith.constant 1.000000e+00 : f32
      %jit3A_818 = arith.constant 0.000000e+00 : f32
      %broadcast_in_dim3A_819 = vector.broadcast %jit3A_817 : f32 to vector<16xf32>
      %broadcast_in_dim3A_820 = vector.broadcast %jit3A_818 : f32 to vector<16xf32>
      %select_n3A_821 = arith.select %lt3A_813, %broadcast_in_dim3A_819, %broadcast_in_dim3A_820 : vector<16xi1>, vector<16xf32>
      %add3A_822 = arith.constant 96 : i32
      %add3A_823 = arith.addi %mul3A_693, %add3A_822 : i32
      %get3A_824 = arith.index_cast %add3A_823 : i32 to index
      %get3A_825 = tpu.vector_load %arg8[%get3A_824] {strides = array<i32>} : memref<2048xf32, #tpu.memory_space<vmem>>, vector<16xf32>,
      %get3A_826 = vector.shape_cast %get3A_825 : vector<16xf32> to vector<16xf32>
      %sub3A_827 = arith.subf %get3A_826, %min3A_506 : vector<16xf32>
      %mul3A_828 = arith.mulf %sub3A_827, %div3A_514 : vector<16xf32>
      %add3A_829 = arith.addi %mul3A_606, %mul3A_693 : i32
      %add3A_830 = arith.constant 96 : i32
      %add3A_831 = arith.addi %add3A_829, %add3A_830 : i32
      %add3A_832 = vector.broadcast %add3A_831 : i32 to vector<16xi32>
      %add3A_833 = arith.addi %add3A_832, %iota3A : vector<16xi32>
      %lt3A_834 = arith.cmpi slt, %add3A_833, %gather3A_521 : vector<16xi32>
      %jit3A_835 = arith.constant 0.000000e+00 : f32
      %broadcast_in_dim3A_836 = vector.broadcast %jit3A_835 : f32 to vector<16xf32>
      %select_n3A_837 = arith.select %lt3A_834, %mul3A_828, %broadcast_in_dim3A_836 : vector<16xi1>, vector<16xf32>
      %jit3A_838 = arith.constant 1.000000e+00 : f32
      %jit3A_839 = arith.constant 0.000000e+00 : f32
      %broadcast_in_dim3A_840 = vector.broadcast %jit3A_838 : f32 to vector<16xf32>
      %broadcast_in_dim3A_841 = vector.broadcast %jit3A_839 : f32 to vector<16xf32>
      %select_n3A_842 = arith.select %lt3A_834, %broadcast_in_dim3A_840, %broadcast_in_dim3A_841 : vector<16xi1>, vector<16xf32>
      %add3A_843 = arith.constant 112 : i32
      %add3A_844 = arith.addi %mul3A_693, %add3A_843 : i32
      %get3A_845 = arith.index_cast %add3A_844 : i32 to index
      %get3A_846 = tpu.vector_load %arg8[%get3A_845] {strides = array<i32>} : memref<2048xf32, #tpu.memory_space<vmem>>, vector<16xf32>,
      %get3A_847 = vector.shape_cast %get3A_846 : vector<16xf32> to vector<16xf32>
      %sub3A_848 = arith.subf %get3A_847, %min3A_506 : vector<16xf32>
      %mul3A_849 = arith.mulf %sub3A_848, %div3A_514 : vector<16xf32>
      %add3A_850 = arith.addi %mul3A_606, %mul3A_693 : i32
      %add3A_851 = arith.constant 112 : i32
      %add3A_852 = arith.addi %add3A_850, %add3A_851 : i32
      %add3A_853 = vector.broadcast %add3A_852 : i32 to vector<16xi32>
      %add3A_854 = arith.addi %add3A_853, %iota3A : vector<16xi32>
      %lt3A_855 = arith.cmpi slt, %add3A_854, %gather3A_521 : vector<16xi32>
      %jit3A_856 = arith.constant 0.000000e+00 : f32
      %broadcast_in_dim3A_857 = vector.broadcast %jit3A_856 : f32 to vector<16xf32>
      %select_n3A_858 = arith.select %lt3A_855, %mul3A_849, %broadcast_in_dim3A_857 : vector<16xi1>, vector<16xf32>
      %jit3A_859 = arith.constant 1.000000e+00 : f32
      %jit3A_860 = arith.constant 0.000000e+00 : f32
      %broadcast_in_dim3A_861 = vector.broadcast %jit3A_859 : f32 to vector<16xf32>
      %broadcast_in_dim3A_862 = vector.broadcast %jit3A_860 : f32 to vector<16xf32>
      %select_n3A_863 = arith.select %lt3A_855, %broadcast_in_dim3A_861, %broadcast_in_dim3A_862 : vector<16xi1>, vector<16xf32>
      %mul3A_864 = arith.mulf %select_n3A_711, %gather3A_529 : vector<16xf32>
      %mul3A_865 = arith.mulf %select_n3A_716, %gather3A_569 : vector<16xf32>
      %add3A_866 = arith.addf %mul3A_864, %mul3A_865 : vector<16xf32>
      %add3A_867 = arith.constant 0 : i32
      %add3A_868 = arith.addi %mul3A_695, %add3A_867 : i32
      %add3A_869 = arith.constant 0 : i32
      %add3A_870 = arith.addi %add3A_868, %add3A_869 : i32
      %swap3A_871 = arith.index_cast %add3A_870 : i32 to index
      %swap3A_872 = tpu.vector_load %arg14[%swap3A_871] {strides = array<i32>} : memref<16384xf32, #tpu.memory_space<vmem>>, vector<16xf32>,
      %swap3A_873 = vector.shape_cast %swap3A_872 : vector<16xf32> to vector<16xf32>
      %swap3A_874 = vector.shape_cast %add3A_866 : vector<16xf32> to vector<16xf32>
      tpu.vector_store %arg14[%swap3A_871], %swap3A_874 {strides = array<i32>} : memref<16384xf32, #tpu.memory_space<vmem>>, vector<16xf32>,
      %mul3A_875 = arith.mulf %select_n3A_711, %gather3A_534 : vector<16xf32>
      %mul3A_876 = arith.mulf %select_n3A_716, %gather3A_574 : vector<16xf32>
      %add3A_877 = arith.addf %mul3A_875, %mul3A_876 : vector<16xf32>
      %add3A_878 = arith.constant 128 : i32
      %add3A_879 = arith.addi %mul3A_695, %add3A_878 : i32
      %add3A_880 = arith.constant 0 : i32
      %add3A_881 = arith.addi %add3A_879, %add3A_880 : i32
      %swap3A_882 = arith.index_cast %add3A_881 : i32 to index
      %swap3A_883 = tpu.vector_load %arg14[%swap3A_882] {strides = array<i32>} : memref<16384xf32, #tpu.memory_space<vmem>>, vector<16xf32>,
      %swap3A_884 = vector.shape_cast %swap3A_883 : vector<16xf32> to vector<16xf32>
      %swap3A_885 = vector.shape_cast %add3A_877 : vector<16xf32> to vector<16xf32>
      tpu.vector_store %arg14[%swap3A_882], %swap3A_885 {strides = array<i32>} : memref<16384xf32, #tpu.memory_space<vmem>>, vector<16xf32>,
      %mul3A_886 = arith.mulf %select_n3A_711, %gather3A_539 : vector<16xf32>
      %mul3A_887 = arith.mulf %select_n3A_716, %gather3A_579 : vector<16xf32>
      %add3A_888 = arith.addf %mul3A_886, %mul3A_887 : vector<16xf32>
      %add3A_889 = arith.constant 256 : i32
      %add3A_890 = arith.addi %mul3A_695, %add3A_889 : i32
      %add3A_891 = arith.constant 0 : i32
      %add3A_892 = arith.addi %add3A_890, %add3A_891 : i32
      %swap3A_893 = arith.index_cast %add3A_892 : i32 to index
      %swap3A_894 = tpu.vector_load %arg14[%swap3A_893] {strides = array<i32>} : memref<16384xf32, #tpu.memory_space<vmem>>, vector<16xf32>,
      %swap3A_895 = vector.shape_cast %swap3A_894 : vector<16xf32> to vector<16xf32>
      %swap3A_896 = vector.shape_cast %add3A_888 : vector<16xf32> to vector<16xf32>
      tpu.vector_store %arg14[%swap3A_893], %swap3A_896 {strides = array<i32>} : memref<16384xf32, #tpu.memory_space<vmem>>, vector<16xf32>,
      %mul3A_897 = arith.mulf %select_n3A_711, %gather3A_544 : vector<16xf32>
      %mul3A_898 = arith.mulf %select_n3A_716, %gather3A_584 : vector<16xf32>
      %add3A_899 = arith.addf %mul3A_897, %mul3A_898 : vector<16xf32>
      %add3A_900 = arith.constant 384 : i32
      %add3A_901 = arith.addi %mul3A_695, %add3A_900 : i32
      %add3A_902 = arith.constant 0 : i32
      %add3A_903 = arith.addi %add3A_901, %add3A_902 : i32
      %swap3A_904 = arith.index_cast %add3A_903 : i32 to index
      %swap3A_905 = tpu.vector_load %arg14[%swap3A_904] {strides = array<i32>} : memref<16384xf32, #tpu.memory_space<vmem>>, vector<16xf32>,
      %swap3A_906 = vector.shape_cast %swap3A_905 : vector<16xf32> to vector<16xf32>
      %swap3A_907 = vector.shape_cast %add3A_899 : vector<16xf32> to vector<16xf32>
      tpu.vector_store %arg14[%swap3A_904], %swap3A_907 {strides = array<i32>} : memref<16384xf32, #tpu.memory_space<vmem>>, vector<16xf32>,
      %mul3A_908 = arith.mulf %select_n3A_711, %gather3A_549 : vector<16xf32>
      %mul3A_909 = arith.mulf %select_n3A_716, %gather3A_589 : vector<16xf32>
      %add3A_910 = arith.addf %mul3A_908, %mul3A_909 : vector<16xf32>
      %add3A_911 = arith.constant 512 : i32
      %add3A_912 = arith.addi %mul3A_695, %add3A_911 : i32
      %add3A_913 = arith.constant 0 : i32
      %add3A_914 = arith.addi %add3A_912, %add3A_913 : i32
      %swap3A_915 = arith.index_cast %add3A_914 : i32 to index
      %swap3A_916 = tpu.vector_load %arg14[%swap3A_915] {strides = array<i32>} : memref<16384xf32, #tpu.memory_space<vmem>>, vector<16xf32>,
      %swap3A_917 = vector.shape_cast %swap3A_916 : vector<16xf32> to vector<16xf32>
      %swap3A_918 = vector.shape_cast %add3A_910 : vector<16xf32> to vector<16xf32>
      tpu.vector_store %arg14[%swap3A_915], %swap3A_918 {strides = array<i32>} : memref<16384xf32, #tpu.memory_space<vmem>>, vector<16xf32>,
      %mul3A_919 = arith.mulf %select_n3A_711, %gather3A_554 : vector<16xf32>
      %mul3A_920 = arith.mulf %select_n3A_716, %gather3A_594 : vector<16xf32>
      %add3A_921 = arith.addf %mul3A_919, %mul3A_920 : vector<16xf32>
      %add3A_922 = arith.constant 640 : i32
      %add3A_923 = arith.addi %mul3A_695, %add3A_922 : i32
      %add3A_924 = arith.constant 0 : i32
      %add3A_925 = arith.addi %add3A_923, %add3A_924 : i32
      %swap3A_926 = arith.index_cast %add3A_925 : i32 to index
      %swap3A_927 = tpu.vector_load %arg14[%swap3A_926] {strides = array<i32>} : memref<16384xf32, #tpu.memory_space<vmem>>, vector<16xf32>,
      %swap3A_928 = vector.shape_cast %swap3A_927 : vector<16xf32> to vector<16xf32>
      %swap3A_929 = vector.shape_cast %add3A_921 : vector<16xf32> to vector<16xf32>
      tpu.vector_store %arg14[%swap3A_926], %swap3A_929 {strides = array<i32>} : memref<16384xf32, #tpu.memory_space<vmem>>, vector<16xf32>,
      %mul3A_930 = arith.mulf %select_n3A_711, %gather3A_559 : vector<16xf32>
      %mul3A_931 = arith.mulf %select_n3A_716, %gather3A_599 : vector<16xf32>
      %add3A_932 = arith.addf %mul3A_930, %mul3A_931 : vector<16xf32>
      %add3A_933 = arith.constant 768 : i32
      %add3A_934 = arith.addi %mul3A_695, %add3A_933 : i32
      %add3A_935 = arith.constant 0 : i32
      %add3A_936 = arith.addi %add3A_934, %add3A_935 : i32
      %swap3A_937 = arith.index_cast %add3A_936 : i32 to index
      %swap3A_938 = tpu.vector_load %arg14[%swap3A_937] {strides = array<i32>} : memref<16384xf32, #tpu.memory_space<vmem>>, vector<16xf32>,
      %swap3A_939 = vector.shape_cast %swap3A_938 : vector<16xf32> to vector<16xf32>
      %swap3A_940 = vector.shape_cast %add3A_932 : vector<16xf32> to vector<16xf32>
      tpu.vector_store %arg14[%swap3A_937], %swap3A_940 {strides = array<i32>} : memref<16384xf32, #tpu.memory_space<vmem>>, vector<16xf32>,
      %mul3A_941 = arith.mulf %select_n3A_711, %gather3A_564 : vector<16xf32>
      %mul3A_942 = arith.mulf %select_n3A_716, %gather3A_604 : vector<16xf32>
      %add3A_943 = arith.addf %mul3A_941, %mul3A_942 : vector<16xf32>
      %add3A_944 = arith.constant 896 : i32
      %add3A_945 = arith.addi %mul3A_695, %add3A_944 : i32
      %add3A_946 = arith.constant 0 : i32
      %add3A_947 = arith.addi %add3A_945, %add3A_946 : i32
      %swap3A_948 = arith.index_cast %add3A_947 : i32 to index
      %swap3A_949 = tpu.vector_load %arg14[%swap3A_948] {strides = array<i32>} : memref<16384xf32, #tpu.memory_space<vmem>>, vector<16xf32>,
      %swap3A_950 = vector.shape_cast %swap3A_949 : vector<16xf32> to vector<16xf32>
      %swap3A_951 = vector.shape_cast %add3A_943 : vector<16xf32> to vector<16xf32>
      tpu.vector_store %arg14[%swap3A_948], %swap3A_951 {strides = array<i32>} : memref<16384xf32, #tpu.memory_space<vmem>>, vector<16xf32>,
      %mul3A_952 = arith.mulf %select_n3A_732, %gather3A_529 : vector<16xf32>
      %mul3A_953 = arith.mulf %select_n3A_737, %gather3A_569 : vector<16xf32>
      %add3A_954 = arith.addf %mul3A_952, %mul3A_953 : vector<16xf32>
      %add3A_955 = arith.constant 0 : i32
      %add3A_956 = arith.addi %mul3A_695, %add3A_955 : i32
      %add3A_957 = arith.constant 16 : i32
      %add3A_958 = arith.addi %add3A_956, %add3A_957 : i32
      %swap3A_959 = arith.index_cast %add3A_958 : i32 to index
      %swap3A_960 = tpu.vector_load %arg14[%swap3A_959] {strides = array<i32>} : memref<16384xf32, #tpu.memory_space<vmem>>, vector<16xf32>,
      %swap3A_961 = vector.shape_cast %swap3A_960 : vector<16xf32> to vector<16xf32>
      %swap3A_962 = vector.shape_cast %add3A_954 : vector<16xf32> to vector<16xf32>
      tpu.vector_store %arg14[%swap3A_959], %swap3A_962 {strides = array<i32>} : memref<16384xf32, #tpu.memory_space<vmem>>, vector<16xf32>,
      %mul3A_963 = arith.mulf %select_n3A_732, %gather3A_534 : vector<16xf32>
      %mul3A_964 = arith.mulf %select_n3A_737, %gather3A_574 : vector<16xf32>
      %add3A_965 = arith.addf %mul3A_963, %mul3A_964 : vector<16xf32>
      %add3A_966 = arith.constant 128 : i32
      %add3A_967 = arith.addi %mul3A_695, %add3A_966 : i32
      %add3A_968 = arith.constant 16 : i32
      %add3A_969 = arith.addi %add3A_967, %add3A_968 : i32
      %swap3A_970 = arith.index_cast %add3A_969 : i32 to index
      %swap3A_971 = tpu.vector_load %arg14[%swap3A_970] {strides = array<i32>} : memref<16384xf32, #tpu.memory_space<vmem>>, vector<16xf32>,
      %swap3A_972 = vector.shape_cast %swap3A_971 : vector<16xf32> to vector<16xf32>
      %swap3A_973 = vector.shape_cast %add3A_965 : vector<16xf32> to vector<16xf32>
      tpu.vector_store %arg14[%swap3A_970], %swap3A_973 {strides = array<i32>} : memref<16384xf32, #tpu.memory_space<vmem>>, vector<16xf32>,
      %mul3A_974 = arith.mulf %select_n3A_732, %gather3A_539 : vector<16xf32>
      %mul3A_975 = arith.mulf %select_n3A_737, %gather3A_579 : vector<16xf32>
      %add3A_976 = arith.addf %mul3A_974, %mul3A_975 : vector<16xf32>
      %add3A_977 = arith.constant 256 : i32
      %add3A_978 = arith.addi %mul3A_695, %add3A_977 : i32
      %add3A_979 = arith.constant 16 : i32
      %add3A_980 = arith.addi %add3A_978, %add3A_979 : i32
      %swap3A_981 = arith.index_cast %add3A_980 : i32 to index
      %swap3A_982 = tpu.vector_load %arg14[%swap3A_981] {strides = array<i32>} : memref<16384xf32, #tpu.memory_space<vmem>>, vector<16xf32>,
      %swap3A_983 = vector.shape_cast %swap3A_982 : vector<16xf32> to vector<16xf32>
      %swap3A_984 = vector.shape_cast %add3A_976 : vector<16xf32> to vector<16xf32>
      tpu.vector_store %arg14[%swap3A_981], %swap3A_984 {strides = array<i32>} : memref<16384xf32, #tpu.memory_space<vmem>>, vector<16xf32>,
      %mul3A_985 = arith.mulf %select_n3A_732, %gather3A_544 : vector<16xf32>
      %mul3A_986 = arith.mulf %select_n3A_737, %gather3A_584 : vector<16xf32>
      %add3A_987 = arith.addf %mul3A_985, %mul3A_986 : vector<16xf32>
      %add3A_988 = arith.constant 384 : i32
      %add3A_989 = arith.addi %mul3A_695, %add3A_988 : i32
      %add3A_990 = arith.constant 16 : i32
      %add3A_991 = arith.addi %add3A_989, %add3A_990 : i32
      %swap3A_992 = arith.index_cast %add3A_991 : i32 to index
      %swap3A_993 = tpu.vector_load %arg14[%swap3A_992] {strides = array<i32>} : memref<16384xf32, #tpu.memory_space<vmem>>, vector<16xf32>,
      %swap3A_994 = vector.shape_cast %swap3A_993 : vector<16xf32> to vector<16xf32>
      %swap3A_995 = vector.shape_cast %add3A_987 : vector<16xf32> to vector<16xf32>
      tpu.vector_store %arg14[%swap3A_992], %swap3A_995 {strides = array<i32>} : memref<16384xf32, #tpu.memory_space<vmem>>, vector<16xf32>,
      %mul3A_996 = arith.mulf %select_n3A_732, %gather3A_549 : vector<16xf32>
      %mul3A_997 = arith.mulf %select_n3A_737, %gather3A_589 : vector<16xf32>
      %add3A_998 = arith.addf %mul3A_996, %mul3A_997 : vector<16xf32>
      %add3A_999 = arith.constant 512 : i32
      %add3A_1000 = arith.addi %mul3A_695, %add3A_999 : i32
      %add3A_1001 = arith.constant 16 : i32
      %add3A_1002 = arith.addi %add3A_1000, %add3A_1001 : i32
      %swap3A_1003 = arith.index_cast %add3A_1002 : i32 to index
      %swap3A_1004 = tpu.vector_load %arg14[%swap3A_1003] {strides = array<i32>} : memref<16384xf32, #tpu.memory_space<vmem>>, vector<16xf32>,
      %swap3A_1005 = vector.shape_cast %swap3A_1004 : vector<16xf32> to vector<16xf32>
      %swap3A_1006 = vector.shape_cast %add3A_998 : vector<16xf32> to vector<16xf32>
      tpu.vector_store %arg14[%swap3A_1003], %swap3A_1006 {strides = array<i32>} : memref<16384xf32, #tpu.memory_space<vmem>>, vector<16xf32>,
      %mul3A_1007 = arith.mulf %select_n3A_732, %gather3A_554 : vector<16xf32>
      %mul3A_1008 = arith.mulf %select_n3A_737, %gather3A_594 : vector<16xf32>
      %add3A_1009 = arith.addf %mul3A_1007, %mul3A_1008 : vector<16xf32>
      %add3A_1010 = arith.constant 640 : i32
      %add3A_1011 = arith.addi %mul3A_695, %add3A_1010 : i32
      %add3A_1012 = arith.constant 16 : i32
      %add3A_1013 = arith.addi %add3A_1011, %add3A_1012 : i32
      %swap3A_1014 = arith.index_cast %add3A_1013 : i32 to index
      %swap3A_1015 = tpu.vector_load %arg14[%swap3A_1014] {strides = array<i32>} : memref<16384xf32, #tpu.memory_space<vmem>>, vector<16xf32>,
      %swap3A_1016 = vector.shape_cast %swap3A_1015 : vector<16xf32> to vector<16xf32>
      %swap3A_1017 = vector.shape_cast %add3A_1009 : vector<16xf32> to vector<16xf32>
      tpu.vector_store %arg14[%swap3A_1014], %swap3A_1017 {strides = array<i32>} : memref<16384xf32, #tpu.memory_space<vmem>>, vector<16xf32>,
      %mul3A_1018 = arith.mulf %select_n3A_732, %gather3A_559 : vector<16xf32>
      %mul3A_1019 = arith.mulf %select_n3A_737, %gather3A_599 : vector<16xf32>
      %add3A_1020 = arith.addf %mul3A_1018, %mul3A_1019 : vector<16xf32>
      %add3A_1021 = arith.constant 768 : i32
      %add3A_1022 = arith.addi %mul3A_695, %add3A_1021 : i32
      %add3A_1023 = arith.constant 16 : i32
      %add3A_1024 = arith.addi %add3A_1022, %add3A_1023 : i32
      %swap3A_1025 = arith.index_cast %add3A_1024 : i32 to index
      %swap3A_1026 = tpu.vector_load %arg14[%swap3A_1025] {strides = array<i32>} : memref<16384xf32, #tpu.memory_space<vmem>>, vector<16xf32>,
      %swap3A_1027 = vector.shape_cast %swap3A_1026 : vector<16xf32> to vector<16xf32>
      %swap3A_1028 = vector.shape_cast %add3A_1020 : vector<16xf32> to vector<16xf32>
      tpu.vector_store %arg14[%swap3A_1025], %swap3A_1028 {strides = array<i32>} : memref<16384xf32, #tpu.memory_space<vmem>>, vector<16xf32>,
      %mul3A_1029 = arith.mulf %select_n3A_732, %gather3A_564 : vector<16xf32>
      %mul3A_1030 = arith.mulf %select_n3A_737, %gather3A_604 : vector<16xf32>
      %add3A_1031 = arith.addf %mul3A_1029, %mul3A_1030 : vector<16xf32>
      %add3A_1032 = arith.constant 896 : i32
      %add3A_1033 = arith.addi %mul3A_695, %add3A_1032 : i32
      %add3A_1034 = arith.constant 16 : i32
      %add3A_1035 = arith.addi %add3A_1033, %add3A_1034 : i32
      %swap3A_1036 = arith.index_cast %add3A_1035 : i32 to index
      %swap3A_1037 = tpu.vector_load %arg14[%swap3A_1036] {strides = array<i32>} : memref<16384xf32, #tpu.memory_space<vmem>>, vector<16xf32>,
      %swap3A_1038 = vector.shape_cast %swap3A_1037 : vector<16xf32> to vector<16xf32>
      %swap3A_1039 = vector.shape_cast %add3A_1031 : vector<16xf32> to vector<16xf32>
      tpu.vector_store %arg14[%swap3A_1036], %swap3A_1039 {strides = array<i32>} : memref<16384xf32, #tpu.memory_space<vmem>>, vector<16xf32>,
      %mul3A_1040 = arith.mulf %select_n3A_753, %gather3A_529 : vector<16xf32>
      %mul3A_1041 = arith.mulf %select_n3A_758, %gather3A_569 : vector<16xf32>
      %add3A_1042 = arith.addf %mul3A_1040, %mul3A_1041 : vector<16xf32>
      %add3A_1043 = arith.constant 0 : i32
      %add3A_1044 = arith.addi %mul3A_695, %add3A_1043 : i32
      %add3A_1045 = arith.constant 32 : i32
      %add3A_1046 = arith.addi %add3A_1044, %add3A_1045 : i32
      %swap3A_1047 = arith.index_cast %add3A_1046 : i32 to index
      %swap3A_1048 = tpu.vector_load %arg14[%swap3A_1047] {strides = array<i32>} : memref<16384xf32, #tpu.memory_space<vmem>>, vector<16xf32>,
      %swap3A_1049 = vector.shape_cast %swap3A_1048 : vector<16xf32> to vector<16xf32>
      %swap3A_1050 = vector.shape_cast %add3A_1042 : vector<16xf32> to vector<16xf32>
      tpu.vector_store %arg14[%swap3A_1047], %swap3A_1050 {strides = array<i32>} : memref<16384xf32, #tpu.memory_space<vmem>>, vector<16xf32>,
      %mul3A_1051 = arith.mulf %select_n3A_753, %gather3A_534 : vector<16xf32>
      %mul3A_1052 = arith.mulf %select_n3A_758, %gather3A_574 : vector<16xf32>
      %add3A_1053 = arith.addf %mul3A_1051, %mul3A_1052 : vector<16xf32>
      %add3A_1054 = arith.constant 128 : i32
      %add3A_1055 = arith.addi %mul3A_695, %add3A_1054 : i32
      %add3A_1056 = arith.constant 32 : i32
      %add3A_1057 = arith.addi %add3A_1055, %add3A_1056 : i32
      %swap3A_1058 = arith.index_cast %add3A_1057 : i32 to index
      %swap3A_1059 = tpu.vector_load %arg14[%swap3A_1058] {strides = array<i32>} : memref<16384xf32, #tpu.memory_space<vmem>>, vector<16xf32>,
      %swap3A_1060 = vector.shape_cast %swap3A_1059 : vector<16xf32> to vector<16xf32>
      %swap3A_1061 = vector.shape_cast %add3A_1053 : vector<16xf32> to vector<16xf32>
      tpu.vector_store %arg14[%swap3A_1058], %swap3A_1061 {strides = array<i32>} : memref<16384xf32, #tpu.memory_space<vmem>>, vector<16xf32>,
      %mul3A_1062 = arith.mulf %select_n3A_753, %gather3A_539 : vector<16xf32>
      %mul3A_1063 = arith.mulf %select_n3A_758, %gather3A_579 : vector<16xf32>
      %add3A_1064 = arith.addf %mul3A_1062, %mul3A_1063 : vector<16xf32>
      %add3A_1065 = arith.constant 256 : i32
      %add3A_1066 = arith.addi %mul3A_695, %add3A_1065 : i32
      %add3A_1067 = arith.constant 32 : i32
      %add3A_1068 = arith.addi %add3A_1066, %add3A_1067 : i32
      %swap3A_1069 = arith.index_cast %add3A_1068 : i32 to index
      %swap3A_1070 = tpu.vector_load %arg14[%swap3A_1069] {strides = array<i32>} : memref<16384xf32, #tpu.memory_space<vmem>>, vector<16xf32>,
      %swap3A_1071 = vector.shape_cast %swap3A_1070 : vector<16xf32> to vector<16xf32>
      %swap3A_1072 = vector.shape_cast %add3A_1064 : vector<16xf32> to vector<16xf32>
      tpu.vector_store %arg14[%swap3A_1069], %swap3A_1072 {strides = array<i32>} : memref<16384xf32, #tpu.memory_space<vmem>>, vector<16xf32>,
      %mul3A_1073 = arith.mulf %select_n3A_753, %gather3A_544 : vector<16xf32>
      %mul3A_1074 = arith.mulf %select_n3A_758, %gather3A_584 : vector<16xf32>
      %add3A_1075 = arith.addf %mul3A_1073, %mul3A_1074 : vector<16xf32>
      %add3A_1076 = arith.constant 384 : i32
      %add3A_1077 = arith.addi %mul3A_695, %add3A_1076 : i32
      %add3A_1078 = arith.constant 32 : i32
      %add3A_1079 = arith.addi %add3A_1077, %add3A_1078 : i32
      %swap3A_1080 = arith.index_cast %add3A_1079 : i32 to index
      %swap3A_1081 = tpu.vector_load %arg14[%swap3A_1080] {strides = array<i32>} : memref<16384xf32, #tpu.memory_space<vmem>>, vector<16xf32>,
      %swap3A_1082 = vector.shape_cast %swap3A_1081 : vector<16xf32> to vector<16xf32>
      %swap3A_1083 = vector.shape_cast %add3A_1075 : vector<16xf32> to vector<16xf32>
      tpu.vector_store %arg14[%swap3A_1080], %swap3A_1083 {strides = array<i32>} : memref<16384xf32, #tpu.memory_space<vmem>>, vector<16xf32>,
      %mul3A_1084 = arith.mulf %select_n3A_753, %gather3A_549 : vector<16xf32>
      %mul3A_1085 = arith.mulf %select_n3A_758, %gather3A_589 : vector<16xf32>
      %add3A_1086 = arith.addf %mul3A_1084, %mul3A_1085 : vector<16xf32>
      %add3A_1087 = arith.constant 512 : i32
      %add3A_1088 = arith.addi %mul3A_695, %add3A_1087 : i32
      %add3A_1089 = arith.constant 32 : i32
      %add3A_1090 = arith.addi %add3A_1088, %add3A_1089 : i32
      %swap3A_1091 = arith.index_cast %add3A_1090 : i32 to index
      %swap3A_1092 = tpu.vector_load %arg14[%swap3A_1091] {strides = array<i32>} : memref<16384xf32, #tpu.memory_space<vmem>>, vector<16xf32>,
      %swap3A_1093 = vector.shape_cast %swap3A_1092 : vector<16xf32> to vector<16xf32>
      %swap3A_1094 = vector.shape_cast %add3A_1086 : vector<16xf32> to vector<16xf32>
      tpu.vector_store %arg14[%swap3A_1091], %swap3A_1094 {strides = array<i32>} : memref<16384xf32, #tpu.memory_space<vmem>>, vector<16xf32>,
      %mul3A_1095 = arith.mulf %select_n3A_753, %gather3A_554 : vector<16xf32>
      %mul3A_1096 = arith.mulf %select_n3A_758, %gather3A_594 : vector<16xf32>
      %add3A_1097 = arith.addf %mul3A_1095, %mul3A_1096 : vector<16xf32>
      %add3A_1098 = arith.constant 640 : i32
      %add3A_1099 = arith.addi %mul3A_695, %add3A_1098 : i32
      %add3A_1100 = arith.constant 32 : i32
      %add3A_1101 = arith.addi %add3A_1099, %add3A_1100 : i32
      %swap3A_1102 = arith.index_cast %add3A_1101 : i32 to index
      %swap3A_1103 = tpu.vector_load %arg14[%swap3A_1102] {strides = array<i32>} : memref<16384xf32, #tpu.memory_space<vmem>>, vector<16xf32>,
      %swap3A_1104 = vector.shape_cast %swap3A_1103 : vector<16xf32> to vector<16xf32>
      %swap3A_1105 = vector.shape_cast %add3A_1097 : vector<16xf32> to vector<16xf32>
      tpu.vector_store %arg14[%swap3A_1102], %swap3A_1105 {strides = array<i32>} : memref<16384xf32, #tpu.memory_space<vmem>>, vector<16xf32>,
      %mul3A_1106 = arith.mulf %select_n3A_753, %gather3A_559 : vector<16xf32>
      %mul3A_1107 = arith.mulf %select_n3A_758, %gather3A_599 : vector<16xf32>
      %add3A_1108 = arith.addf %mul3A_1106, %mul3A_1107 : vector<16xf32>
      %add3A_1109 = arith.constant 768 : i32
      %add3A_1110 = arith.addi %mul3A_695, %add3A_1109 : i32
      %add3A_1111 = arith.constant 32 : i32
      %add3A_1112 = arith.addi %add3A_1110, %add3A_1111 : i32
      %swap3A_1113 = arith.index_cast %add3A_1112 : i32 to index
      %swap3A_1114 = tpu.vector_load %arg14[%swap3A_1113] {strides = array<i32>} : memref<16384xf32, #tpu.memory_space<vmem>>, vector<16xf32>,
      %swap3A_1115 = vector.shape_cast %swap3A_1114 : vector<16xf32> to vector<16xf32>
      %swap3A_1116 = vector.shape_cast %add3A_1108 : vector<16xf32> to vector<16xf32>
      tpu.vector_store %arg14[%swap3A_1113], %swap3A_1116 {strides = array<i32>} : memref<16384xf32, #tpu.memory_space<vmem>>, vector<16xf32>,
      %mul3A_1117 = arith.mulf %select_n3A_753, %gather3A_564 : vector<16xf32>
      %mul3A_1118 = arith.mulf %select_n3A_758, %gather3A_604 : vector<16xf32>
      %add3A_1119 = arith.addf %mul3A_1117, %mul3A_1118 : vector<16xf32>
      %add3A_1120 = arith.constant 896 : i32
      %add3A_1121 = arith.addi %mul3A_695, %add3A_1120 : i32
      %add3A_1122 = arith.constant 32 : i32
      %add3A_1123 = arith.addi %add3A_1121, %add3A_1122 : i32
      %swap3A_1124 = arith.index_cast %add3A_1123 : i32 to index
      %swap3A_1125 = tpu.vector_load %arg14[%swap3A_1124] {strides = array<i32>} : memref<16384xf32, #tpu.memory_space<vmem>>, vector<16xf32>,
      %swap3A_1126 = vector.shape_cast %swap3A_1125 : vector<16xf32> to vector<16xf32>
      %swap3A_1127 = vector.shape_cast %add3A_1119 : vector<16xf32> to vector<16xf32>
      tpu.vector_store %arg14[%swap3A_1124], %swap3A_1127 {strides = array<i32>} : memref<16384xf32, #tpu.memory_space<vmem>>, vector<16xf32>,
      %mul3A_1128 = arith.mulf %select_n3A_774, %gather3A_529 : vector<16xf32>
      %mul3A_1129 = arith.mulf %select_n3A_779, %gather3A_569 : vector<16xf32>
      %add3A_1130 = arith.addf %mul3A_1128, %mul3A_1129 : vector<16xf32>
      %add3A_1131 = arith.constant 0 : i32
      %add3A_1132 = arith.addi %mul3A_695, %add3A_1131 : i32
      %add3A_1133 = arith.constant 48 : i32
      %add3A_1134 = arith.addi %add3A_1132, %add3A_1133 : i32
      %swap3A_1135 = arith.index_cast %add3A_1134 : i32 to index
      %swap3A_1136 = tpu.vector_load %arg14[%swap3A_1135] {strides = array<i32>} : memref<16384xf32, #tpu.memory_space<vmem>>, vector<16xf32>,
      %swap3A_1137 = vector.shape_cast %swap3A_1136 : vector<16xf32> to vector<16xf32>
      %swap3A_1138 = vector.shape_cast %add3A_1130 : vector<16xf32> to vector<16xf32>
      tpu.vector_store %arg14[%swap3A_1135], %swap3A_1138 {strides = array<i32>} : memref<16384xf32, #tpu.memory_space<vmem>>, vector<16xf32>,
      %mul3A_1139 = arith.mulf %select_n3A_774, %gather3A_534 : vector<16xf32>
      %mul3A_1140 = arith.mulf %select_n3A_779, %gather3A_574 : vector<16xf32>
      %add3A_1141 = arith.addf %mul3A_1139, %mul3A_1140 : vector<16xf32>
      %add3A_1142 = arith.constant 128 : i32
      %add3A_1143 = arith.addi %mul3A_695, %add3A_1142 : i32
      %add3A_1144 = arith.constant 48 : i32
      %add3A_1145 = arith.addi %add3A_1143, %add3A_1144 : i32
      %swap3A_1146 = arith.index_cast %add3A_1145 : i32 to index
      %swap3A_1147 = tpu.vector_load %arg14[%swap3A_1146] {strides = array<i32>} : memref<16384xf32, #tpu.memory_space<vmem>>, vector<16xf32>,
      %swap3A_1148 = vector.shape_cast %swap3A_1147 : vector<16xf32> to vector<16xf32>
      %swap3A_1149 = vector.shape_cast %add3A_1141 : vector<16xf32> to vector<16xf32>
      tpu.vector_store %arg14[%swap3A_1146], %swap3A_1149 {strides = array<i32>} : memref<16384xf32, #tpu.memory_space<vmem>>, vector<16xf32>,
      %mul3A_1150 = arith.mulf %select_n3A_774, %gather3A_539 : vector<16xf32>
      %mul3A_1151 = arith.mulf %select_n3A_779, %gather3A_579 : vector<16xf32>
      %add3A_1152 = arith.addf %mul3A_1150, %mul3A_1151 : vector<16xf32>
      %add3A_1153 = arith.constant 256 : i32
      %add3A_1154 = arith.addi %mul3A_695, %add3A_1153 : i32
      %add3A_1155 = arith.constant 48 : i32
      %add3A_1156 = arith.addi %add3A_1154, %add3A_1155 : i32
      %swap3A_1157 = arith.index_cast %add3A_1156 : i32 to index
      %swap3A_1158 = tpu.vector_load %arg14[%swap3A_1157] {strides = array<i32>} : memref<16384xf32, #tpu.memory_space<vmem>>, vector<16xf32>,
      %swap3A_1159 = vector.shape_cast %swap3A_1158 : vector<16xf32> to vector<16xf32>
      %swap3A_1160 = vector.shape_cast %add3A_1152 : vector<16xf32> to vector<16xf32>
      tpu.vector_store %arg14[%swap3A_1157], %swap3A_1160 {strides = array<i32>} : memref<16384xf32, #tpu.memory_space<vmem>>, vector<16xf32>,
      %mul3A_1161 = arith.mulf %select_n3A_774, %gather3A_544 : vector<16xf32>
      %mul3A_1162 = arith.mulf %select_n3A_779, %gather3A_584 : vector<16xf32>
      %add3A_1163 = arith.addf %mul3A_1161, %mul3A_1162 : vector<16xf32>
      %add3A_1164 = arith.constant 384 : i32
      %add3A_1165 = arith.addi %mul3A_695, %add3A_1164 : i32
      %add3A_1166 = arith.constant 48 : i32
      %add3A_1167 = arith.addi %add3A_1165, %add3A_1166 : i32
      %swap3A_1168 = arith.index_cast %add3A_1167 : i32 to index
      %swap3A_1169 = tpu.vector_load %arg14[%swap3A_1168] {strides = array<i32>} : memref<16384xf32, #tpu.memory_space<vmem>>, vector<16xf32>,
      %swap3A_1170 = vector.shape_cast %swap3A_1169 : vector<16xf32> to vector<16xf32>
      %swap3A_1171 = vector.shape_cast %add3A_1163 : vector<16xf32> to vector<16xf32>
      tpu.vector_store %arg14[%swap3A_1168], %swap3A_1171 {strides = array<i32>} : memref<16384xf32, #tpu.memory_space<vmem>>, vector<16xf32>,
      %mul3A_1172 = arith.mulf %select_n3A_774, %gather3A_549 : vector<16xf32>
      %mul3A_1173 = arith.mulf %select_n3A_779, %gather3A_589 : vector<16xf32>
      %add3A_1174 = arith.addf %mul3A_1172, %mul3A_1173 : vector<16xf32>
      %add3A_1175 = arith.constant 512 : i32
      %add3A_1176 = arith.addi %mul3A_695, %add3A_1175 : i32
      %add3A_1177 = arith.constant 48 : i32
      %add3A_1178 = arith.addi %add3A_1176, %add3A_1177 : i32
      %swap3A_1179 = arith.index_cast %add3A_1178 : i32 to index
      %swap3A_1180 = tpu.vector_load %arg14[%swap3A_1179] {strides = array<i32>} : memref<16384xf32, #tpu.memory_space<vmem>>, vector<16xf32>,
      %swap3A_1181 = vector.shape_cast %swap3A_1180 : vector<16xf32> to vector<16xf32>
      %swap3A_1182 = vector.shape_cast %add3A_1174 : vector<16xf32> to vector<16xf32>
      tpu.vector_store %arg14[%swap3A_1179], %swap3A_1182 {strides = array<i32>} : memref<16384xf32, #tpu.memory_space<vmem>>, vector<16xf32>,
      %mul3A_1183 = arith.mulf %select_n3A_774, %gather3A_554 : vector<16xf32>
      %mul3A_1184 = arith.mulf %select_n3A_779, %gather3A_594 : vector<16xf32>
      %add3A_1185 = arith.addf %mul3A_1183, %mul3A_1184 : vector<16xf32>
      %add3A_1186 = arith.constant 640 : i32
      %add3A_1187 = arith.addi %mul3A_695, %add3A_1186 : i32
      %add3A_1188 = arith.constant 48 : i32
      %add3A_1189 = arith.addi %add3A_1187, %add3A_1188 : i32
      %swap3A_1190 = arith.index_cast %add3A_1189 : i32 to index
      %swap3A_1191 = tpu.vector_load %arg14[%swap3A_1190] {strides = array<i32>} : memref<16384xf32, #tpu.memory_space<vmem>>, vector<16xf32>,
      %swap3A_1192 = vector.shape_cast %swap3A_1191 : vector<16xf32> to vector<16xf32>
      %swap3A_1193 = vector.shape_cast %add3A_1185 : vector<16xf32> to vector<16xf32>
      tpu.vector_store %arg14[%swap3A_1190], %swap3A_1193 {strides = array<i32>} : memref<16384xf32, #tpu.memory_space<vmem>>, vector<16xf32>,
      %mul3A_1194 = arith.mulf %select_n3A_774, %gather3A_559 : vector<16xf32>
      %mul3A_1195 = arith.mulf %select_n3A_779, %gather3A_599 : vector<16xf32>
      %add3A_1196 = arith.addf %mul3A_1194, %mul3A_1195 : vector<16xf32>
      %add3A_1197 = arith.constant 768 : i32
      %add3A_1198 = arith.addi %mul3A_695, %add3A_1197 : i32
      %add3A_1199 = arith.constant 48 : i32
      %add3A_1200 = arith.addi %add3A_1198, %add3A_1199 : i32
      %swap3A_1201 = arith.index_cast %add3A_1200 : i32 to index
      %swap3A_1202 = tpu.vector_load %arg14[%swap3A_1201] {strides = array<i32>} : memref<16384xf32, #tpu.memory_space<vmem>>, vector<16xf32>,
      %swap3A_1203 = vector.shape_cast %swap3A_1202 : vector<16xf32> to vector<16xf32>
      %swap3A_1204 = vector.shape_cast %add3A_1196 : vector<16xf32> to vector<16xf32>
      tpu.vector_store %arg14[%swap3A_1201], %swap3A_1204 {strides = array<i32>} : memref<16384xf32, #tpu.memory_space<vmem>>, vector<16xf32>,
      %mul3A_1205 = arith.mulf %select_n3A_774, %gather3A_564 : vector<16xf32>
      %mul3A_1206 = arith.mulf %select_n3A_779, %gather3A_604 : vector<16xf32>
      %add3A_1207 = arith.addf %mul3A_1205, %mul3A_1206 : vector<16xf32>
      %add3A_1208 = arith.constant 896 : i32
      %add3A_1209 = arith.addi %mul3A_695, %add3A_1208 : i32
      %add3A_1210 = arith.constant 48 : i32
      %add3A_1211 = arith.addi %add3A_1209, %add3A_1210 : i32
      %swap3A_1212 = arith.index_cast %add3A_1211 : i32 to index
      %swap3A_1213 = tpu.vector_load %arg14[%swap3A_1212] {strides = array<i32>} : memref<16384xf32, #tpu.memory_space<vmem>>, vector<16xf32>,
      %swap3A_1214 = vector.shape_cast %swap3A_1213 : vector<16xf32> to vector<16xf32>
      %swap3A_1215 = vector.shape_cast %add3A_1207 : vector<16xf32> to vector<16xf32>
      tpu.vector_store %arg14[%swap3A_1212], %swap3A_1215 {strides = array<i32>} : memref<16384xf32, #tpu.memory_space<vmem>>, vector<16xf32>,
      %mul3A_1216 = arith.mulf %select_n3A_795, %gather3A_529 : vector<16xf32>
      %mul3A_1217 = arith.mulf %select_n3A_800, %gather3A_569 : vector<16xf32>
      %add3A_1218 = arith.addf %mul3A_1216, %mul3A_1217 : vector<16xf32>
      %add3A_1219 = arith.constant 0 : i32
      %add3A_1220 = arith.addi %mul3A_695, %add3A_1219 : i32
      %add3A_1221 = arith.constant 64 : i32
      %add3A_1222 = arith.addi %add3A_1220, %add3A_1221 : i32
      %swap3A_1223 = arith.index_cast %add3A_1222 : i32 to index
      %swap3A_1224 = tpu.vector_load %arg14[%swap3A_1223] {strides = array<i32>} : memref<16384xf32, #tpu.memory_space<vmem>>, vector<16xf32>,
      %swap3A_1225 = vector.shape_cast %swap3A_1224 : vector<16xf32> to vector<16xf32>
      %swap3A_1226 = vector.shape_cast %add3A_1218 : vector<16xf32> to vector<16xf32>
      tpu.vector_store %arg14[%swap3A_1223], %swap3A_1226 {strides = array<i32>} : memref<16384xf32, #tpu.memory_space<vmem>>, vector<16xf32>,
      %mul3A_1227 = arith.mulf %select_n3A_795, %gather3A_534 : vector<16xf32>
      %mul3A_1228 = arith.mulf %select_n3A_800, %gather3A_574 : vector<16xf32>
      %add3A_1229 = arith.addf %mul3A_1227, %mul3A_1228 : vector<16xf32>
      %add3A_1230 = arith.constant 128 : i32
      %add3A_1231 = arith.addi %mul3A_695, %add3A_1230 : i32
      %add3A_1232 = arith.constant 64 : i32
      %add3A_1233 = arith.addi %add3A_1231, %add3A_1232 : i32
      %swap3A_1234 = arith.index_cast %add3A_1233 : i32 to index
      %swap3A_1235 = tpu.vector_load %arg14[%swap3A_1234] {strides = array<i32>} : memref<16384xf32, #tpu.memory_space<vmem>>, vector<16xf32>,
      %swap3A_1236 = vector.shape_cast %swap3A_1235 : vector<16xf32> to vector<16xf32>
      %swap3A_1237 = vector.shape_cast %add3A_1229 : vector<16xf32> to vector<16xf32>
      tpu.vector_store %arg14[%swap3A_1234], %swap3A_1237 {strides = array<i32>} : memref<16384xf32, #tpu.memory_space<vmem>>, vector<16xf32>,
      %mul3A_1238 = arith.mulf %select_n3A_795, %gather3A_539 : vector<16xf32>
      %mul3A_1239 = arith.mulf %select_n3A_800, %gather3A_579 : vector<16xf32>
      %add3A_1240 = arith.addf %mul3A_1238, %mul3A_1239 : vector<16xf32>
      %add3A_1241 = arith.constant 256 : i32
      %add3A_1242 = arith.addi %mul3A_695, %add3A_1241 : i32
      %add3A_1243 = arith.constant 64 : i32
      %add3A_1244 = arith.addi %add3A_1242, %add3A_1243 : i32
      %swap3A_1245 = arith.index_cast %add3A_1244 : i32 to index
      %swap3A_1246 = tpu.vector_load %arg14[%swap3A_1245] {strides = array<i32>} : memref<16384xf32, #tpu.memory_space<vmem>>, vector<16xf32>,
      %swap3A_1247 = vector.shape_cast %swap3A_1246 : vector<16xf32> to vector<16xf32>
      %swap3A_1248 = vector.shape_cast %add3A_1240 : vector<16xf32> to vector<16xf32>
      tpu.vector_store %arg14[%swap3A_1245], %swap3A_1248 {strides = array<i32>} : memref<16384xf32, #tpu.memory_space<vmem>>, vector<16xf32>,
      %mul3A_1249 = arith.mulf %select_n3A_795, %gather3A_544 : vector<16xf32>
      %mul3A_1250 = arith.mulf %select_n3A_800, %gather3A_584 : vector<16xf32>
      %add3A_1251 = arith.addf %mul3A_1249, %mul3A_1250 : vector<16xf32>
      %add3A_1252 = arith.constant 384 : i32
      %add3A_1253 = arith.addi %mul3A_695, %add3A_1252 : i32
      %add3A_1254 = arith.constant 64 : i32
      %add3A_1255 = arith.addi %add3A_1253, %add3A_1254 : i32
      %swap3A_1256 = arith.index_cast %add3A_1255 : i32 to index
      %swap3A_1257 = tpu.vector_load %arg14[%swap3A_1256] {strides = array<i32>} : memref<16384xf32, #tpu.memory_space<vmem>>, vector<16xf32>,
      %swap3A_1258 = vector.shape_cast %swap3A_1257 : vector<16xf32> to vector<16xf32>
      %swap3A_1259 = vector.shape_cast %add3A_1251 : vector<16xf32> to vector<16xf32>
      tpu.vector_store %arg14[%swap3A_1256], %swap3A_1259 {strides = array<i32>} : memref<16384xf32, #tpu.memory_space<vmem>>, vector<16xf32>,
      %mul3A_1260 = arith.mulf %select_n3A_795, %gather3A_549 : vector<16xf32>
      %mul3A_1261 = arith.mulf %select_n3A_800, %gather3A_589 : vector<16xf32>
      %add3A_1262 = arith.addf %mul3A_1260, %mul3A_1261 : vector<16xf32>
      %add3A_1263 = arith.constant 512 : i32
      %add3A_1264 = arith.addi %mul3A_695, %add3A_1263 : i32
      %add3A_1265 = arith.constant 64 : i32
      %add3A_1266 = arith.addi %add3A_1264, %add3A_1265 : i32
      %swap3A_1267 = arith.index_cast %add3A_1266 : i32 to index
      %swap3A_1268 = tpu.vector_load %arg14[%swap3A_1267] {strides = array<i32>} : memref<16384xf32, #tpu.memory_space<vmem>>, vector<16xf32>,
      %swap3A_1269 = vector.shape_cast %swap3A_1268 : vector<16xf32> to vector<16xf32>
      %swap3A_1270 = vector.shape_cast %add3A_1262 : vector<16xf32> to vector<16xf32>
      tpu.vector_store %arg14[%swap3A_1267], %swap3A_1270 {strides = array<i32>} : memref<16384xf32, #tpu.memory_space<vmem>>, vector<16xf32>,
      %mul3A_1271 = arith.mulf %select_n3A_795, %gather3A_554 : vector<16xf32>
      %mul3A_1272 = arith.mulf %select_n3A_800, %gather3A_594 : vector<16xf32>
      %add3A_1273 = arith.addf %mul3A_1271, %mul3A_1272 : vector<16xf32>
      %add3A_1274 = arith.constant 640 : i32
      %add3A_1275 = arith.addi %mul3A_695, %add3A_1274 : i32
      %add3A_1276 = arith.constant 64 : i32
      %add3A_1277 = arith.addi %add3A_1275, %add3A_1276 : i32
      %swap3A_1278 = arith.index_cast %add3A_1277 : i32 to index
      %swap3A_1279 = tpu.vector_load %arg14[%swap3A_1278] {strides = array<i32>} : memref<16384xf32, #tpu.memory_space<vmem>>, vector<16xf32>,
      %swap3A_1280 = vector.shape_cast %swap3A_1279 : vector<16xf32> to vector<16xf32>
      %swap3A_1281 = vector.shape_cast %add3A_1273 : vector<16xf32> to vector<16xf32>
      tpu.vector_store %arg14[%swap3A_1278], %swap3A_1281 {strides = array<i32>} : memref<16384xf32, #tpu.memory_space<vmem>>, vector<16xf32>,
      %mul3A_1282 = arith.mulf %select_n3A_795, %gather3A_559 : vector<16xf32>
      %mul3A_1283 = arith.mulf %select_n3A_800, %gather3A_599 : vector<16xf32>
      %add3A_1284 = arith.addf %mul3A_1282, %mul3A_1283 : vector<16xf32>
      %add3A_1285 = arith.constant 768 : i32
      %add3A_1286 = arith.addi %mul3A_695, %add3A_1285 : i32
      %add3A_1287 = arith.constant 64 : i32
      %add3A_1288 = arith.addi %add3A_1286, %add3A_1287 : i32
      %swap3A_1289 = arith.index_cast %add3A_1288 : i32 to index
      %swap3A_1290 = tpu.vector_load %arg14[%swap3A_1289] {strides = array<i32>} : memref<16384xf32, #tpu.memory_space<vmem>>, vector<16xf32>,
      %swap3A_1291 = vector.shape_cast %swap3A_1290 : vector<16xf32> to vector<16xf32>
      %swap3A_1292 = vector.shape_cast %add3A_1284 : vector<16xf32> to vector<16xf32>
      tpu.vector_store %arg14[%swap3A_1289], %swap3A_1292 {strides = array<i32>} : memref<16384xf32, #tpu.memory_space<vmem>>, vector<16xf32>,
      %mul3A_1293 = arith.mulf %select_n3A_795, %gather3A_564 : vector<16xf32>
      %mul3A_1294 = arith.mulf %select_n3A_800, %gather3A_604 : vector<16xf32>
      %add3A_1295 = arith.addf %mul3A_1293, %mul3A_1294 : vector<16xf32>
      %add3A_1296 = arith.constant 896 : i32
      %add3A_1297 = arith.addi %mul3A_695, %add3A_1296 : i32
      %add3A_1298 = arith.constant 64 : i32
      %add3A_1299 = arith.addi %add3A_1297, %add3A_1298 : i32
      %swap3A_1300 = arith.index_cast %add3A_1299 : i32 to index
      %swap3A_1301 = tpu.vector_load %arg14[%swap3A_1300] {strides = array<i32>} : memref<16384xf32, #tpu.memory_space<vmem>>, vector<16xf32>,
      %swap3A_1302 = vector.shape_cast %swap3A_1301 : vector<16xf32> to vector<16xf32>
      %swap3A_1303 = vector.shape_cast %add3A_1295 : vector<16xf32> to vector<16xf32>
      tpu.vector_store %arg14[%swap3A_1300], %swap3A_1303 {strides = array<i32>} : memref<16384xf32, #tpu.memory_space<vmem>>, vector<16xf32>,
      %mul3A_1304 = arith.mulf %select_n3A_816, %gather3A_529 : vector<16xf32>
      %mul3A_1305 = arith.mulf %select_n3A_821, %gather3A_569 : vector<16xf32>
      %add3A_1306 = arith.addf %mul3A_1304, %mul3A_1305 : vector<16xf32>
      %add3A_1307 = arith.constant 0 : i32
      %add3A_1308 = arith.addi %mul3A_695, %add3A_1307 : i32
      %add3A_1309 = arith.constant 80 : i32
      %add3A_1310 = arith.addi %add3A_1308, %add3A_1309 : i32
      %swap3A_1311 = arith.index_cast %add3A_1310 : i32 to index
      %swap3A_1312 = tpu.vector_load %arg14[%swap3A_1311] {strides = array<i32>} : memref<16384xf32, #tpu.memory_space<vmem>>, vector<16xf32>,
      %swap3A_1313 = vector.shape_cast %swap3A_1312 : vector<16xf32> to vector<16xf32>
      %swap3A_1314 = vector.shape_cast %add3A_1306 : vector<16xf32> to vector<16xf32>
      tpu.vector_store %arg14[%swap3A_1311], %swap3A_1314 {strides = array<i32>} : memref<16384xf32, #tpu.memory_space<vmem>>, vector<16xf32>,
      %mul3A_1315 = arith.mulf %select_n3A_816, %gather3A_534 : vector<16xf32>
      %mul3A_1316 = arith.mulf %select_n3A_821, %gather3A_574 : vector<16xf32>
      %add3A_1317 = arith.addf %mul3A_1315, %mul3A_1316 : vector<16xf32>
      %add3A_1318 = arith.constant 128 : i32
      %add3A_1319 = arith.addi %mul3A_695, %add3A_1318 : i32
      %add3A_1320 = arith.constant 80 : i32
      %add3A_1321 = arith.addi %add3A_1319, %add3A_1320 : i32
      %swap3A_1322 = arith.index_cast %add3A_1321 : i32 to index
      %swap3A_1323 = tpu.vector_load %arg14[%swap3A_1322] {strides = array<i32>} : memref<16384xf32, #tpu.memory_space<vmem>>, vector<16xf32>,
      %swap3A_1324 = vector.shape_cast %swap3A_1323 : vector<16xf32> to vector<16xf32>
      %swap3A_1325 = vector.shape_cast %add3A_1317 : vector<16xf32> to vector<16xf32>
      tpu.vector_store %arg14[%swap3A_1322], %swap3A_1325 {strides = array<i32>} : memref<16384xf32, #tpu.memory_space<vmem>>, vector<16xf32>,
      %mul3A_1326 = arith.mulf %select_n3A_816, %gather3A_539 : vector<16xf32>
      %mul3A_1327 = arith.mulf %select_n3A_821, %gather3A_579 : vector<16xf32>
      %add3A_1328 = arith.addf %mul3A_1326, %mul3A_1327 : vector<16xf32>
      %add3A_1329 = arith.constant 256 : i32
      %add3A_1330 = arith.addi %mul3A_695, %add3A_1329 : i32
      %add3A_1331 = arith.constant 80 : i32
      %add3A_1332 = arith.addi %add3A_1330, %add3A_1331 : i32
      %swap3A_1333 = arith.index_cast %add3A_1332 : i32 to index
      %swap3A_1334 = tpu.vector_load %arg14[%swap3A_1333] {strides = array<i32>} : memref<16384xf32, #tpu.memory_space<vmem>>, vector<16xf32>,
      %swap3A_1335 = vector.shape_cast %swap3A_1334 : vector<16xf32> to vector<16xf32>
      %swap3A_1336 = vector.shape_cast %add3A_1328 : vector<16xf32> to vector<16xf32>
      tpu.vector_store %arg14[%swap3A_1333], %swap3A_1336 {strides = array<i32>} : memref<16384xf32, #tpu.memory_space<vmem>>, vector<16xf32>,
      %mul3A_1337 = arith.mulf %select_n3A_816, %gather3A_544 : vector<16xf32>
      %mul3A_1338 = arith.mulf %select_n3A_821, %gather3A_584 : vector<16xf32>
      %add3A_1339 = arith.addf %mul3A_1337, %mul3A_1338 : vector<16xf32>
      %add3A_1340 = arith.constant 384 : i32
      %add3A_1341 = arith.addi %mul3A_695, %add3A_1340 : i32
      %add3A_1342 = arith.constant 80 : i32
      %add3A_1343 = arith.addi %add3A_1341, %add3A_1342 : i32
      %swap3A_1344 = arith.index_cast %add3A_1343 : i32 to index
      %swap3A_1345 = tpu.vector_load %arg14[%swap3A_1344] {strides = array<i32>} : memref<16384xf32, #tpu.memory_space<vmem>>, vector<16xf32>,
      %swap3A_1346 = vector.shape_cast %swap3A_1345 : vector<16xf32> to vector<16xf32>
      %swap3A_1347 = vector.shape_cast %add3A_1339 : vector<16xf32> to vector<16xf32>
      tpu.vector_store %arg14[%swap3A_1344], %swap3A_1347 {strides = array<i32>} : memref<16384xf32, #tpu.memory_space<vmem>>, vector<16xf32>,
      %mul3A_1348 = arith.mulf %select_n3A_816, %gather3A_549 : vector<16xf32>
      %mul3A_1349 = arith.mulf %select_n3A_821, %gather3A_589 : vector<16xf32>
      %add3A_1350 = arith.addf %mul3A_1348, %mul3A_1349 : vector<16xf32>
      %add3A_1351 = arith.constant 512 : i32
      %add3A_1352 = arith.addi %mul3A_695, %add3A_1351 : i32
      %add3A_1353 = arith.constant 80 : i32
      %add3A_1354 = arith.addi %add3A_1352, %add3A_1353 : i32
      %swap3A_1355 = arith.index_cast %add3A_1354 : i32 to index
      %swap3A_1356 = tpu.vector_load %arg14[%swap3A_1355] {strides = array<i32>} : memref<16384xf32, #tpu.memory_space<vmem>>, vector<16xf32>,
      %swap3A_1357 = vector.shape_cast %swap3A_1356 : vector<16xf32> to vector<16xf32>
      %swap3A_1358 = vector.shape_cast %add3A_1350 : vector<16xf32> to vector<16xf32>
      tpu.vector_store %arg14[%swap3A_1355], %swap3A_1358 {strides = array<i32>} : memref<16384xf32, #tpu.memory_space<vmem>>, vector<16xf32>,
      %mul3A_1359 = arith.mulf %select_n3A_816, %gather3A_554 : vector<16xf32>
      %mul3A_1360 = arith.mulf %select_n3A_821, %gather3A_594 : vector<16xf32>
      %add3A_1361 = arith.addf %mul3A_1359, %mul3A_1360 : vector<16xf32>
      %add3A_1362 = arith.constant 640 : i32
      %add3A_1363 = arith.addi %mul3A_695, %add3A_1362 : i32
      %add3A_1364 = arith.constant 80 : i32
      %add3A_1365 = arith.addi %add3A_1363, %add3A_1364 : i32
      %swap3A_1366 = arith.index_cast %add3A_1365 : i32 to index
      %swap3A_1367 = tpu.vector_load %arg14[%swap3A_1366] {strides = array<i32>} : memref<16384xf32, #tpu.memory_space<vmem>>, vector<16xf32>,
      %swap3A_1368 = vector.shape_cast %swap3A_1367 : vector<16xf32> to vector<16xf32>
      %swap3A_1369 = vector.shape_cast %add3A_1361 : vector<16xf32> to vector<16xf32>
      tpu.vector_store %arg14[%swap3A_1366], %swap3A_1369 {strides = array<i32>} : memref<16384xf32, #tpu.memory_space<vmem>>, vector<16xf32>,
      %mul3A_1370 = arith.mulf %select_n3A_816, %gather3A_559 : vector<16xf32>
      %mul3A_1371 = arith.mulf %select_n3A_821, %gather3A_599 : vector<16xf32>
      %add3A_1372 = arith.addf %mul3A_1370, %mul3A_1371 : vector<16xf32>
      %add3A_1373 = arith.constant 768 : i32
      %add3A_1374 = arith.addi %mul3A_695, %add3A_1373 : i32
      %add3A_1375 = arith.constant 80 : i32
      %add3A_1376 = arith.addi %add3A_1374, %add3A_1375 : i32
      %swap3A_1377 = arith.index_cast %add3A_1376 : i32 to index
      %swap3A_1378 = tpu.vector_load %arg14[%swap3A_1377] {strides = array<i32>} : memref<16384xf32, #tpu.memory_space<vmem>>, vector<16xf32>,
      %swap3A_1379 = vector.shape_cast %swap3A_1378 : vector<16xf32> to vector<16xf32>
      %swap3A_1380 = vector.shape_cast %add3A_1372 : vector<16xf32> to vector<16xf32>
      tpu.vector_store %arg14[%swap3A_1377], %swap3A_1380 {strides = array<i32>} : memref<16384xf32, #tpu.memory_space<vmem>>, vector<16xf32>,
      %mul3A_1381 = arith.mulf %select_n3A_816, %gather3A_564 : vector<16xf32>
      %mul3A_1382 = arith.mulf %select_n3A_821, %gather3A_604 : vector<16xf32>
      %add3A_1383 = arith.addf %mul3A_1381, %mul3A_1382 : vector<16xf32>
      %add3A_1384 = arith.constant 896 : i32
      %add3A_1385 = arith.addi %mul3A_695, %add3A_1384 : i32
      %add3A_1386 = arith.constant 80 : i32
      %add3A_1387 = arith.addi %add3A_1385, %add3A_1386 : i32
      %swap3A_1388 = arith.index_cast %add3A_1387 : i32 to index
      %swap3A_1389 = tpu.vector_load %arg14[%swap3A_1388] {strides = array<i32>} : memref<16384xf32, #tpu.memory_space<vmem>>, vector<16xf32>,
      %swap3A_1390 = vector.shape_cast %swap3A_1389 : vector<16xf32> to vector<16xf32>
      %swap3A_1391 = vector.shape_cast %add3A_1383 : vector<16xf32> to vector<16xf32>
      tpu.vector_store %arg14[%swap3A_1388], %swap3A_1391 {strides = array<i32>} : memref<16384xf32, #tpu.memory_space<vmem>>, vector<16xf32>,
      %mul3A_1392 = arith.mulf %select_n3A_837, %gather3A_529 : vector<16xf32>
      %mul3A_1393 = arith.mulf %select_n3A_842, %gather3A_569 : vector<16xf32>
      %add3A_1394 = arith.addf %mul3A_1392, %mul3A_1393 : vector<16xf32>
      %add3A_1395 = arith.constant 0 : i32
      %add3A_1396 = arith.addi %mul3A_695, %add3A_1395 : i32
      %add3A_1397 = arith.constant 96 : i32
      %add3A_1398 = arith.addi %add3A_1396, %add3A_1397 : i32
      %swap3A_1399 = arith.index_cast %add3A_1398 : i32 to index
      %swap3A_1400 = tpu.vector_load %arg14[%swap3A_1399] {strides = array<i32>} : memref<16384xf32, #tpu.memory_space<vmem>>, vector<16xf32>,
      %swap3A_1401 = vector.shape_cast %swap3A_1400 : vector<16xf32> to vector<16xf32>
      %swap3A_1402 = vector.shape_cast %add3A_1394 : vector<16xf32> to vector<16xf32>
      tpu.vector_store %arg14[%swap3A_1399], %swap3A_1402 {strides = array<i32>} : memref<16384xf32, #tpu.memory_space<vmem>>, vector<16xf32>,
      %mul3A_1403 = arith.mulf %select_n3A_837, %gather3A_534 : vector<16xf32>
      %mul3A_1404 = arith.mulf %select_n3A_842, %gather3A_574 : vector<16xf32>
      %add3A_1405 = arith.addf %mul3A_1403, %mul3A_1404 : vector<16xf32>
      %add3A_1406 = arith.constant 128 : i32
      %add3A_1407 = arith.addi %mul3A_695, %add3A_1406 : i32
      %add3A_1408 = arith.constant 96 : i32
      %add3A_1409 = arith.addi %add3A_1407, %add3A_1408 : i32
      %swap3A_1410 = arith.index_cast %add3A_1409 : i32 to index
      %swap3A_1411 = tpu.vector_load %arg14[%swap3A_1410] {strides = array<i32>} : memref<16384xf32, #tpu.memory_space<vmem>>, vector<16xf32>,
      %swap3A_1412 = vector.shape_cast %swap3A_1411 : vector<16xf32> to vector<16xf32>
      %swap3A_1413 = vector.shape_cast %add3A_1405 : vector<16xf32> to vector<16xf32>
      tpu.vector_store %arg14[%swap3A_1410], %swap3A_1413 {strides = array<i32>} : memref<16384xf32, #tpu.memory_space<vmem>>, vector<16xf32>,
      %mul3A_1414 = arith.mulf %select_n3A_837, %gather3A_539 : vector<16xf32>
      %mul3A_1415 = arith.mulf %select_n3A_842, %gather3A_579 : vector<16xf32>
      %add3A_1416 = arith.addf %mul3A_1414, %mul3A_1415 : vector<16xf32>
      %add3A_1417 = arith.constant 256 : i32
      %add3A_1418 = arith.addi %mul3A_695, %add3A_1417 : i32
      %add3A_1419 = arith.constant 96 : i32
      %add3A_1420 = arith.addi %add3A_1418, %add3A_1419 : i32
      %swap3A_1421 = arith.index_cast %add3A_1420 : i32 to index
      %swap3A_1422 = tpu.vector_load %arg14[%swap3A_1421] {strides = array<i32>} : memref<16384xf32, #tpu.memory_space<vmem>>, vector<16xf32>,
      %swap3A_1423 = vector.shape_cast %swap3A_1422 : vector<16xf32> to vector<16xf32>
      %swap3A_1424 = vector.shape_cast %add3A_1416 : vector<16xf32> to vector<16xf32>
      tpu.vector_store %arg14[%swap3A_1421], %swap3A_1424 {strides = array<i32>} : memref<16384xf32, #tpu.memory_space<vmem>>, vector<16xf32>,
      %mul3A_1425 = arith.mulf %select_n3A_837, %gather3A_544 : vector<16xf32>
      %mul3A_1426 = arith.mulf %select_n3A_842, %gather3A_584 : vector<16xf32>
      %add3A_1427 = arith.addf %mul3A_1425, %mul3A_1426 : vector<16xf32>
      %add3A_1428 = arith.constant 384 : i32
      %add3A_1429 = arith.addi %mul3A_695, %add3A_1428 : i32
      %add3A_1430 = arith.constant 96 : i32
      %add3A_1431 = arith.addi %add3A_1429, %add3A_1430 : i32
      %swap3A_1432 = arith.index_cast %add3A_1431 : i32 to index
      %swap3A_1433 = tpu.vector_load %arg14[%swap3A_1432] {strides = array<i32>} : memref<16384xf32, #tpu.memory_space<vmem>>, vector<16xf32>,
      %swap3A_1434 = vector.shape_cast %swap3A_1433 : vector<16xf32> to vector<16xf32>
      %swap3A_1435 = vector.shape_cast %add3A_1427 : vector<16xf32> to vector<16xf32>
      tpu.vector_store %arg14[%swap3A_1432], %swap3A_1435 {strides = array<i32>} : memref<16384xf32, #tpu.memory_space<vmem>>, vector<16xf32>,
      %mul3A_1436 = arith.mulf %select_n3A_837, %gather3A_549 : vector<16xf32>
      %mul3A_1437 = arith.mulf %select_n3A_842, %gather3A_589 : vector<16xf32>
      %add3A_1438 = arith.addf %mul3A_1436, %mul3A_1437 : vector<16xf32>
      %add3A_1439 = arith.constant 512 : i32
      %add3A_1440 = arith.addi %mul3A_695, %add3A_1439 : i32
      %add3A_1441 = arith.constant 96 : i32
      %add3A_1442 = arith.addi %add3A_1440, %add3A_1441 : i32
      %swap3A_1443 = arith.index_cast %add3A_1442 : i32 to index
      %swap3A_1444 = tpu.vector_load %arg14[%swap3A_1443] {strides = array<i32>} : memref<16384xf32, #tpu.memory_space<vmem>>, vector<16xf32>,
      %swap3A_1445 = vector.shape_cast %swap3A_1444 : vector<16xf32> to vector<16xf32>
      %swap3A_1446 = vector.shape_cast %add3A_1438 : vector<16xf32> to vector<16xf32>
      tpu.vector_store %arg14[%swap3A_1443], %swap3A_1446 {strides = array<i32>} : memref<16384xf32, #tpu.memory_space<vmem>>, vector<16xf32>,
      %mul3A_1447 = arith.mulf %select_n3A_837, %gather3A_554 : vector<16xf32>
      %mul3A_1448 = arith.mulf %select_n3A_842, %gather3A_594 : vector<16xf32>
      %add3A_1449 = arith.addf %mul3A_1447, %mul3A_1448 : vector<16xf32>
      %add3A_1450 = arith.constant 640 : i32
      %add3A_1451 = arith.addi %mul3A_695, %add3A_1450 : i32
      %add3A_1452 = arith.constant 96 : i32
      %add3A_1453 = arith.addi %add3A_1451, %add3A_1452 : i32
      %swap3A_1454 = arith.index_cast %add3A_1453 : i32 to index
      %swap3A_1455 = tpu.vector_load %arg14[%swap3A_1454] {strides = array<i32>} : memref<16384xf32, #tpu.memory_space<vmem>>, vector<16xf32>,
      %swap3A_1456 = vector.shape_cast %swap3A_1455 : vector<16xf32> to vector<16xf32>
      %swap3A_1457 = vector.shape_cast %add3A_1449 : vector<16xf32> to vector<16xf32>
      tpu.vector_store %arg14[%swap3A_1454], %swap3A_1457 {strides = array<i32>} : memref<16384xf32, #tpu.memory_space<vmem>>, vector<16xf32>,
      %mul3A_1458 = arith.mulf %select_n3A_837, %gather3A_559 : vector<16xf32>
      %mul3A_1459 = arith.mulf %select_n3A_842, %gather3A_599 : vector<16xf32>
      %add3A_1460 = arith.addf %mul3A_1458, %mul3A_1459 : vector<16xf32>
      %add3A_1461 = arith.constant 768 : i32
      %add3A_1462 = arith.addi %mul3A_695, %add3A_1461 : i32
      %add3A_1463 = arith.constant 96 : i32
      %add3A_1464 = arith.addi %add3A_1462, %add3A_1463 : i32
      %swap3A_1465 = arith.index_cast %add3A_1464 : i32 to index
      %swap3A_1466 = tpu.vector_load %arg14[%swap3A_1465] {strides = array<i32>} : memref<16384xf32, #tpu.memory_space<vmem>>, vector<16xf32>,
      %swap3A_1467 = vector.shape_cast %swap3A_1466 : vector<16xf32> to vector<16xf32>
      %swap3A_1468 = vector.shape_cast %add3A_1460 : vector<16xf32> to vector<16xf32>
      tpu.vector_store %arg14[%swap3A_1465], %swap3A_1468 {strides = array<i32>} : memref<16384xf32, #tpu.memory_space<vmem>>, vector<16xf32>,
      %mul3A_1469 = arith.mulf %select_n3A_837, %gather3A_564 : vector<16xf32>
      %mul3A_1470 = arith.mulf %select_n3A_842, %gather3A_604 : vector<16xf32>
      %add3A_1471 = arith.addf %mul3A_1469, %mul3A_1470 : vector<16xf32>
      %add3A_1472 = arith.constant 896 : i32
      %add3A_1473 = arith.addi %mul3A_695, %add3A_1472 : i32
      %add3A_1474 = arith.constant 96 : i32
      %add3A_1475 = arith.addi %add3A_1473, %add3A_1474 : i32
      %swap3A_1476 = arith.index_cast %add3A_1475 : i32 to index
      %swap3A_1477 = tpu.vector_load %arg14[%swap3A_1476] {strides = array<i32>} : memref<16384xf32, #tpu.memory_space<vmem>>, vector<16xf32>,
      %swap3A_1478 = vector.shape_cast %swap3A_1477 : vector<16xf32> to vector<16xf32>
      %swap3A_1479 = vector.shape_cast %add3A_1471 : vector<16xf32> to vector<16xf32>
      tpu.vector_store %arg14[%swap3A_1476], %swap3A_1479 {strides = array<i32>} : memref<16384xf32, #tpu.memory_space<vmem>>, vector<16xf32>,
      %mul3A_1480 = arith.mulf %select_n3A_858, %gather3A_529 : vector<16xf32>
      %mul3A_1481 = arith.mulf %select_n3A_863, %gather3A_569 : vector<16xf32>
      %add3A_1482 = arith.addf %mul3A_1480, %mul3A_1481 : vector<16xf32>
      %add3A_1483 = arith.constant 0 : i32
      %add3A_1484 = arith.addi %mul3A_695, %add3A_1483 : i32
      %add3A_1485 = arith.constant 112 : i32
      %add3A_1486 = arith.addi %add3A_1484, %add3A_1485 : i32
      %swap3A_1487 = arith.index_cast %add3A_1486 : i32 to index
      %swap3A_1488 = tpu.vector_load %arg14[%swap3A_1487] {strides = array<i32>} : memref<16384xf32, #tpu.memory_space<vmem>>, vector<16xf32>,
      %swap3A_1489 = vector.shape_cast %swap3A_1488 : vector<16xf32> to vector<16xf32>
      %swap3A_1490 = vector.shape_cast %add3A_1482 : vector<16xf32> to vector<16xf32>
      tpu.vector_store %arg14[%swap3A_1487], %swap3A_1490 {strides = array<i32>} : memref<16384xf32, #tpu.memory_space<vmem>>, vector<16xf32>,
      %mul3A_1491 = arith.mulf %select_n3A_858, %gather3A_534 : vector<16xf32>
      %mul3A_1492 = arith.mulf %select_n3A_863, %gather3A_574 : vector<16xf32>
      %add3A_1493 = arith.addf %mul3A_1491, %mul3A_1492 : vector<16xf32>
      %add3A_1494 = arith.constant 128 : i32
      %add3A_1495 = arith.addi %mul3A_695, %add3A_1494 : i32
      %add3A_1496 = arith.constant 112 : i32
      %add3A_1497 = arith.addi %add3A_1495, %add3A_1496 : i32
      %swap3A_1498 = arith.index_cast %add3A_1497 : i32 to index
      %swap3A_1499 = tpu.vector_load %arg14[%swap3A_1498] {strides = array<i32>} : memref<16384xf32, #tpu.memory_space<vmem>>, vector<16xf32>,
      %swap3A_1500 = vector.shape_cast %swap3A_1499 : vector<16xf32> to vector<16xf32>
      %swap3A_1501 = vector.shape_cast %add3A_1493 : vector<16xf32> to vector<16xf32>
      tpu.vector_store %arg14[%swap3A_1498], %swap3A_1501 {strides = array<i32>} : memref<16384xf32, #tpu.memory_space<vmem>>, vector<16xf32>,
      %mul3A_1502 = arith.mulf %select_n3A_858, %gather3A_539 : vector<16xf32>
      %mul3A_1503 = arith.mulf %select_n3A_863, %gather3A_579 : vector<16xf32>
      %add3A_1504 = arith.addf %mul3A_1502, %mul3A_1503 : vector<16xf32>
      %add3A_1505 = arith.constant 256 : i32
      %add3A_1506 = arith.addi %mul3A_695, %add3A_1505 : i32
      %add3A_1507 = arith.constant 112 : i32
      %add3A_1508 = arith.addi %add3A_1506, %add3A_1507 : i32
      %swap3A_1509 = arith.index_cast %add3A_1508 : i32 to index
      %swap3A_1510 = tpu.vector_load %arg14[%swap3A_1509] {strides = array<i32>} : memref<16384xf32, #tpu.memory_space<vmem>>, vector<16xf32>,
      %swap3A_1511 = vector.shape_cast %swap3A_1510 : vector<16xf32> to vector<16xf32>
      %swap3A_1512 = vector.shape_cast %add3A_1504 : vector<16xf32> to vector<16xf32>
      tpu.vector_store %arg14[%swap3A_1509], %swap3A_1512 {strides = array<i32>} : memref<16384xf32, #tpu.memory_space<vmem>>, vector<16xf32>,
      %mul3A_1513 = arith.mulf %select_n3A_858, %gather3A_544 : vector<16xf32>
      %mul3A_1514 = arith.mulf %select_n3A_863, %gather3A_584 : vector<16xf32>
      %add3A_1515 = arith.addf %mul3A_1513, %mul3A_1514 : vector<16xf32>
      %add3A_1516 = arith.constant 384 : i32
      %add3A_1517 = arith.addi %mul3A_695, %add3A_1516 : i32
      %add3A_1518 = arith.constant 112 : i32
      %add3A_1519 = arith.addi %add3A_1517, %add3A_1518 : i32
      %swap3A_1520 = arith.index_cast %add3A_1519 : i32 to index
      %swap3A_1521 = tpu.vector_load %arg14[%swap3A_1520] {strides = array<i32>} : memref<16384xf32, #tpu.memory_space<vmem>>, vector<16xf32>,
      %swap3A_1522 = vector.shape_cast %swap3A_1521 : vector<16xf32> to vector<16xf32>
      %swap3A_1523 = vector.shape_cast %add3A_1515 : vector<16xf32> to vector<16xf32>
      tpu.vector_store %arg14[%swap3A_1520], %swap3A_1523 {strides = array<i32>} : memref<16384xf32, #tpu.memory_space<vmem>>, vector<16xf32>,
      %mul3A_1524 = arith.mulf %select_n3A_858, %gather3A_549 : vector<16xf32>
      %mul3A_1525 = arith.mulf %select_n3A_863, %gather3A_589 : vector<16xf32>
      %add3A_1526 = arith.addf %mul3A_1524, %mul3A_1525 : vector<16xf32>
      %add3A_1527 = arith.constant 512 : i32
      %add3A_1528 = arith.addi %mul3A_695, %add3A_1527 : i32
      %add3A_1529 = arith.constant 112 : i32
      %add3A_1530 = arith.addi %add3A_1528, %add3A_1529 : i32
      %swap3A_1531 = arith.index_cast %add3A_1530 : i32 to index
      %swap3A_1532 = tpu.vector_load %arg14[%swap3A_1531] {strides = array<i32>} : memref<16384xf32, #tpu.memory_space<vmem>>, vector<16xf32>,
      %swap3A_1533 = vector.shape_cast %swap3A_1532 : vector<16xf32> to vector<16xf32>
      %swap3A_1534 = vector.shape_cast %add3A_1526 : vector<16xf32> to vector<16xf32>
      tpu.vector_store %arg14[%swap3A_1531], %swap3A_1534 {strides = array<i32>} : memref<16384xf32, #tpu.memory_space<vmem>>, vector<16xf32>,
      %mul3A_1535 = arith.mulf %select_n3A_858, %gather3A_554 : vector<16xf32>
      %mul3A_1536 = arith.mulf %select_n3A_863, %gather3A_594 : vector<16xf32>
      %add3A_1537 = arith.addf %mul3A_1535, %mul3A_1536 : vector<16xf32>
      %add3A_1538 = arith.constant 640 : i32
      %add3A_1539 = arith.addi %mul3A_695, %add3A_1538 : i32
      %add3A_1540 = arith.constant 112 : i32
      %add3A_1541 = arith.addi %add3A_1539, %add3A_1540 : i32
      %swap3A_1542 = arith.index_cast %add3A_1541 : i32 to index
      %swap3A_1543 = tpu.vector_load %arg14[%swap3A_1542] {strides = array<i32>} : memref<16384xf32, #tpu.memory_space<vmem>>, vector<16xf32>,
      %swap3A_1544 = vector.shape_cast %swap3A_1543 : vector<16xf32> to vector<16xf32>
      %swap3A_1545 = vector.shape_cast %add3A_1537 : vector<16xf32> to vector<16xf32>
      tpu.vector_store %arg14[%swap3A_1542], %swap3A_1545 {strides = array<i32>} : memref<16384xf32, #tpu.memory_space<vmem>>, vector<16xf32>,
      %mul3A_1546 = arith.mulf %select_n3A_858, %gather3A_559 : vector<16xf32>
      %mul3A_1547 = arith.mulf %select_n3A_863, %gather3A_599 : vector<16xf32>
      %add3A_1548 = arith.addf %mul3A_1546, %mul3A_1547 : vector<16xf32>
      %add3A_1549 = arith.constant 768 : i32
      %add3A_1550 = arith.addi %mul3A_695, %add3A_1549 : i32
      %add3A_1551 = arith.constant 112 : i32
      %add3A_1552 = arith.addi %add3A_1550, %add3A_1551 : i32
      %swap3A_1553 = arith.index_cast %add3A_1552 : i32 to index
      %swap3A_1554 = tpu.vector_load %arg14[%swap3A_1553] {strides = array<i32>} : memref<16384xf32, #tpu.memory_space<vmem>>, vector<16xf32>,
      %swap3A_1555 = vector.shape_cast %swap3A_1554 : vector<16xf32> to vector<16xf32>
      %swap3A_1556 = vector.shape_cast %add3A_1548 : vector<16xf32> to vector<16xf32>
      tpu.vector_store %arg14[%swap3A_1553], %swap3A_1556 {strides = array<i32>} : memref<16384xf32, #tpu.memory_space<vmem>>, vector<16xf32>,
      %mul3A_1557 = arith.mulf %select_n3A_858, %gather3A_564 : vector<16xf32>
      %mul3A_1558 = arith.mulf %select_n3A_863, %gather3A_604 : vector<16xf32>
      %add3A_1559 = arith.addf %mul3A_1557, %mul3A_1558 : vector<16xf32>
      %add3A_1560 = arith.constant 896 : i32
      %add3A_1561 = arith.addi %mul3A_695, %add3A_1560 : i32
      %add3A_1562 = arith.constant 112 : i32
      %add3A_1563 = arith.addi %add3A_1561, %add3A_1562 : i32
      %swap3A_1564 = arith.index_cast %add3A_1563 : i32 to index
      %swap3A_1565 = tpu.vector_load %arg14[%swap3A_1564] {strides = array<i32>} : memref<16384xf32, #tpu.memory_space<vmem>>, vector<16xf32>,
      %swap3A_1566 = vector.shape_cast %swap3A_1565 : vector<16xf32> to vector<16xf32>
      %swap3A_1567 = vector.shape_cast %add3A_1559 : vector<16xf32> to vector<16xf32>
      tpu.vector_store %arg14[%swap3A_1564], %swap3A_1567 {strides = array<i32>} : memref<16384xf32, #tpu.memory_space<vmem>>, vector<16xf32>,
    }
    %scan3A_630 = arith.constant 4 : i32
    %add3A_631 = arith.constant 4096 : i32
    %add3A_632 = arith.addi %mul3A_610, %add3A_631 : i32
    %dma_start3A_633 = arith.constant 4096 : i32
    %dma_start3A_634 = tpu.memref_slice %arg14[%dma_start3A_633] : memref<16384xf32, #tpu.memory_space<vmem>> -> memref<4096xf32, #tpu.memory_space<vmem>>
    %dma_start3A_635 = tpu.memref_slice %arg6[%add3A_632] : memref<524288xf32, #tpu.memory_space<hbm>> -> memref<4096xf32, #tpu.memory_space<hbm>>
    %dma_start3A_636 = tpu.memref_slice %arg6[%add3A_632] : memref<524288xf32, #tpu.memory_space<hbm>> -> memref<4096xf32, #tpu.memory_space<hbm>>
    %dma_start3A_637 = arith.constant 4096 : i32
    %dma_start3A_638 = tpu.memref_slice %arg14[%dma_start3A_637] : memref<16384xf32, #tpu.memory_space<vmem>> -> memref<4096xf32, #tpu.memory_space<vmem>>
    tpu.enqueue_dma source(%dma_start3A_638 : memref<4096xf32, #tpu.memory_space<vmem>>) target(%dma_start3A_636 : memref<4096xf32, #tpu.memory_space<hbm>>) target_semaphore(%arg16 : memref<!tpu.dma_semaphore, #tpu.memory_space<semaphore_mem>>)
    %scan3A_639 = arith.constant 0 : i32
    %scan3A_640 = arith.constant 8 : i32
    %scan3A_641 = arith.constant 4 : i32
    %scan3A_642 = arith.addi %scan3A_640, %scan3A_641 : i32
    %scan3A_643 = arith.constant 1 : i32
    scf.for %scan3A_691 = %scan3A_640 to %scan3A_642 step %scan3A_643  : i32 {
      %mul3A_692 = arith.constant 128 : i32
      %mul3A_693 = arith.muli %scan3A_691, %mul3A_692 : i32
      %mul3A_694 = arith.constant 1024 : i32
      %mul3A_695 = arith.muli %scan3A_691, %mul3A_694 : i32
      %add3A_696 = arith.constant 0 : i32
      %add3A_697 = arith.addi %mul3A_693, %add3A_696 : i32
      %get3A_698 = arith.index_cast %add3A_697 : i32 to index
      %get3A_699 = tpu.vector_load %arg8[%get3A_698] {strides = array<i32>} : memref<2048xf32, #tpu.memory_space<vmem>>, vector<16xf32>,
      %get3A_700 = vector.shape_cast %get3A_699 : vector<16xf32> to vector<16xf32>
      %sub3A_701 = arith.subf %get3A_700, %min3A_506 : vector<16xf32>
      %mul3A_702 = arith.mulf %sub3A_701, %div3A_514 : vector<16xf32>
      %add3A_703 = arith.addi %mul3A_606, %mul3A_693 : i32
      %add3A_704 = arith.constant 0 : i32
      %add3A_705 = arith.addi %add3A_703, %add3A_704 : i32
      %add3A_706 = vector.broadcast %add3A_705 : i32 to vector<16xi32>
      %add3A_707 = arith.addi %add3A_706, %iota3A : vector<16xi32>
      %lt3A_708 = arith.cmpi slt, %add3A_707, %gather3A_521 : vector<16xi32>
      %jit3A_709 = arith.constant 0.000000e+00 : f32
      %broadcast_in_dim3A_710 = vector.broadcast %jit3A_709 : f32 to vector<16xf32>
      %select_n3A_711 = arith.select %lt3A_708, %mul3A_702, %broadcast_in_dim3A_710 : vector<16xi1>, vector<16xf32>
      %jit3A_712 = arith.constant 1.000000e+00 : f32
      %jit3A_713 = arith.constant 0.000000e+00 : f32
      %broadcast_in_dim3A_714 = vector.broadcast %jit3A_712 : f32 to vector<16xf32>
      %broadcast_in_dim3A_715 = vector.broadcast %jit3A_713 : f32 to vector<16xf32>
      %select_n3A_716 = arith.select %lt3A_708, %broadcast_in_dim3A_714, %broadcast_in_dim3A_715 : vector<16xi1>, vector<16xf32>
      %add3A_717 = arith.constant 16 : i32
      %add3A_718 = arith.addi %mul3A_693, %add3A_717 : i32
      %get3A_719 = arith.index_cast %add3A_718 : i32 to index
      %get3A_720 = tpu.vector_load %arg8[%get3A_719] {strides = array<i32>} : memref<2048xf32, #tpu.memory_space<vmem>>, vector<16xf32>,
      %get3A_721 = vector.shape_cast %get3A_720 : vector<16xf32> to vector<16xf32>
      %sub3A_722 = arith.subf %get3A_721, %min3A_506 : vector<16xf32>
      %mul3A_723 = arith.mulf %sub3A_722, %div3A_514 : vector<16xf32>
      %add3A_724 = arith.addi %mul3A_606, %mul3A_693 : i32
      %add3A_725 = arith.constant 16 : i32
      %add3A_726 = arith.addi %add3A_724, %add3A_725 : i32
      %add3A_727 = vector.broadcast %add3A_726 : i32 to vector<16xi32>
      %add3A_728 = arith.addi %add3A_727, %iota3A : vector<16xi32>
      %lt3A_729 = arith.cmpi slt, %add3A_728, %gather3A_521 : vector<16xi32>
      %jit3A_730 = arith.constant 0.000000e+00 : f32
      %broadcast_in_dim3A_731 = vector.broadcast %jit3A_730 : f32 to vector<16xf32>
      %select_n3A_732 = arith.select %lt3A_729, %mul3A_723, %broadcast_in_dim3A_731 : vector<16xi1>, vector<16xf32>
      %jit3A_733 = arith.constant 1.000000e+00 : f32
      %jit3A_734 = arith.constant 0.000000e+00 : f32
      %broadcast_in_dim3A_735 = vector.broadcast %jit3A_733 : f32 to vector<16xf32>
      %broadcast_in_dim3A_736 = vector.broadcast %jit3A_734 : f32 to vector<16xf32>
      %select_n3A_737 = arith.select %lt3A_729, %broadcast_in_dim3A_735, %broadcast_in_dim3A_736 : vector<16xi1>, vector<16xf32>
      %add3A_738 = arith.constant 32 : i32
      %add3A_739 = arith.addi %mul3A_693, %add3A_738 : i32
      %get3A_740 = arith.index_cast %add3A_739 : i32 to index
      %get3A_741 = tpu.vector_load %arg8[%get3A_740] {strides = array<i32>} : memref<2048xf32, #tpu.memory_space<vmem>>, vector<16xf32>,
      %get3A_742 = vector.shape_cast %get3A_741 : vector<16xf32> to vector<16xf32>
      %sub3A_743 = arith.subf %get3A_742, %min3A_506 : vector<16xf32>
      %mul3A_744 = arith.mulf %sub3A_743, %div3A_514 : vector<16xf32>
      %add3A_745 = arith.addi %mul3A_606, %mul3A_693 : i32
      %add3A_746 = arith.constant 32 : i32
      %add3A_747 = arith.addi %add3A_745, %add3A_746 : i32
      %add3A_748 = vector.broadcast %add3A_747 : i32 to vector<16xi32>
      %add3A_749 = arith.addi %add3A_748, %iota3A : vector<16xi32>
      %lt3A_750 = arith.cmpi slt, %add3A_749, %gather3A_521 : vector<16xi32>
      %jit3A_751 = arith.constant 0.000000e+00 : f32
      %broadcast_in_dim3A_752 = vector.broadcast %jit3A_751 : f32 to vector<16xf32>
      %select_n3A_753 = arith.select %lt3A_750, %mul3A_744, %broadcast_in_dim3A_752 : vector<16xi1>, vector<16xf32>
      %jit3A_754 = arith.constant 1.000000e+00 : f32
      %jit3A_755 = arith.constant 0.000000e+00 : f32
      %broadcast_in_dim3A_756 = vector.broadcast %jit3A_754 : f32 to vector<16xf32>
      %broadcast_in_dim3A_757 = vector.broadcast %jit3A_755 : f32 to vector<16xf32>
      %select_n3A_758 = arith.select %lt3A_750, %broadcast_in_dim3A_756, %broadcast_in_dim3A_757 : vector<16xi1>, vector<16xf32>
      %add3A_759 = arith.constant 48 : i32
      %add3A_760 = arith.addi %mul3A_693, %add3A_759 : i32
      %get3A_761 = arith.index_cast %add3A_760 : i32 to index
      %get3A_762 = tpu.vector_load %arg8[%get3A_761] {strides = array<i32>} : memref<2048xf32, #tpu.memory_space<vmem>>, vector<16xf32>,
      %get3A_763 = vector.shape_cast %get3A_762 : vector<16xf32> to vector<16xf32>
      %sub3A_764 = arith.subf %get3A_763, %min3A_506 : vector<16xf32>
      %mul3A_765 = arith.mulf %sub3A_764, %div3A_514 : vector<16xf32>
      %add3A_766 = arith.addi %mul3A_606, %mul3A_693 : i32
      %add3A_767 = arith.constant 48 : i32
      %add3A_768 = arith.addi %add3A_766, %add3A_767 : i32
      %add3A_769 = vector.broadcast %add3A_768 : i32 to vector<16xi32>
      %add3A_770 = arith.addi %add3A_769, %iota3A : vector<16xi32>
      %lt3A_771 = arith.cmpi slt, %add3A_770, %gather3A_521 : vector<16xi32>
      %jit3A_772 = arith.constant 0.000000e+00 : f32
      %broadcast_in_dim3A_773 = vector.broadcast %jit3A_772 : f32 to vector<16xf32>
      %select_n3A_774 = arith.select %lt3A_771, %mul3A_765, %broadcast_in_dim3A_773 : vector<16xi1>, vector<16xf32>
      %jit3A_775 = arith.constant 1.000000e+00 : f32
      %jit3A_776 = arith.constant 0.000000e+00 : f32
      %broadcast_in_dim3A_777 = vector.broadcast %jit3A_775 : f32 to vector<16xf32>
      %broadcast_in_dim3A_778 = vector.broadcast %jit3A_776 : f32 to vector<16xf32>
      %select_n3A_779 = arith.select %lt3A_771, %broadcast_in_dim3A_777, %broadcast_in_dim3A_778 : vector<16xi1>, vector<16xf32>
      %add3A_780 = arith.constant 64 : i32
      %add3A_781 = arith.addi %mul3A_693, %add3A_780 : i32
      %get3A_782 = arith.index_cast %add3A_781 : i32 to index
      %get3A_783 = tpu.vector_load %arg8[%get3A_782] {strides = array<i32>} : memref<2048xf32, #tpu.memory_space<vmem>>, vector<16xf32>,
      %get3A_784 = vector.shape_cast %get3A_783 : vector<16xf32> to vector<16xf32>
      %sub3A_785 = arith.subf %get3A_784, %min3A_506 : vector<16xf32>
      %mul3A_786 = arith.mulf %sub3A_785, %div3A_514 : vector<16xf32>
      %add3A_787 = arith.addi %mul3A_606, %mul3A_693 : i32
      %add3A_788 = arith.constant 64 : i32
      %add3A_789 = arith.addi %add3A_787, %add3A_788 : i32
      %add3A_790 = vector.broadcast %add3A_789 : i32 to vector<16xi32>
      %add3A_791 = arith.addi %add3A_790, %iota3A : vector<16xi32>
      %lt3A_792 = arith.cmpi slt, %add3A_791, %gather3A_521 : vector<16xi32>
      %jit3A_793 = arith.constant 0.000000e+00 : f32
      %broadcast_in_dim3A_794 = vector.broadcast %jit3A_793 : f32 to vector<16xf32>
      %select_n3A_795 = arith.select %lt3A_792, %mul3A_786, %broadcast_in_dim3A_794 : vector<16xi1>, vector<16xf32>
      %jit3A_796 = arith.constant 1.000000e+00 : f32
      %jit3A_797 = arith.constant 0.000000e+00 : f32
      %broadcast_in_dim3A_798 = vector.broadcast %jit3A_796 : f32 to vector<16xf32>
      %broadcast_in_dim3A_799 = vector.broadcast %jit3A_797 : f32 to vector<16xf32>
      %select_n3A_800 = arith.select %lt3A_792, %broadcast_in_dim3A_798, %broadcast_in_dim3A_799 : vector<16xi1>, vector<16xf32>
      %add3A_801 = arith.constant 80 : i32
      %add3A_802 = arith.addi %mul3A_693, %add3A_801 : i32
      %get3A_803 = arith.index_cast %add3A_802 : i32 to index
      %get3A_804 = tpu.vector_load %arg8[%get3A_803] {strides = array<i32>} : memref<2048xf32, #tpu.memory_space<vmem>>, vector<16xf32>,
      %get3A_805 = vector.shape_cast %get3A_804 : vector<16xf32> to vector<16xf32>
      %sub3A_806 = arith.subf %get3A_805, %min3A_506 : vector<16xf32>
      %mul3A_807 = arith.mulf %sub3A_806, %div3A_514 : vector<16xf32>
      %add3A_808 = arith.addi %mul3A_606, %mul3A_693 : i32
      %add3A_809 = arith.constant 80 : i32
      %add3A_810 = arith.addi %add3A_808, %add3A_809 : i32
      %add3A_811 = vector.broadcast %add3A_810 : i32 to vector<16xi32>
      %add3A_812 = arith.addi %add3A_811, %iota3A : vector<16xi32>
      %lt3A_813 = arith.cmpi slt, %add3A_812, %gather3A_521 : vector<16xi32>
      %jit3A_814 = arith.constant 0.000000e+00 : f32
      %broadcast_in_dim3A_815 = vector.broadcast %jit3A_814 : f32 to vector<16xf32>
      %select_n3A_816 = arith.select %lt3A_813, %mul3A_807, %broadcast_in_dim3A_815 : vector<16xi1>, vector<16xf32>
      %jit3A_817 = arith.constant 1.000000e+00 : f32
      %jit3A_818 = arith.constant 0.000000e+00 : f32
      %broadcast_in_dim3A_819 = vector.broadcast %jit3A_817 : f32 to vector<16xf32>
      %broadcast_in_dim3A_820 = vector.broadcast %jit3A_818 : f32 to vector<16xf32>
      %select_n3A_821 = arith.select %lt3A_813, %broadcast_in_dim3A_819, %broadcast_in_dim3A_820 : vector<16xi1>, vector<16xf32>
      %add3A_822 = arith.constant 96 : i32
      %add3A_823 = arith.addi %mul3A_693, %add3A_822 : i32
      %get3A_824 = arith.index_cast %add3A_823 : i32 to index
      %get3A_825 = tpu.vector_load %arg8[%get3A_824] {strides = array<i32>} : memref<2048xf32, #tpu.memory_space<vmem>>, vector<16xf32>,
      %get3A_826 = vector.shape_cast %get3A_825 : vector<16xf32> to vector<16xf32>
      %sub3A_827 = arith.subf %get3A_826, %min3A_506 : vector<16xf32>
      %mul3A_828 = arith.mulf %sub3A_827, %div3A_514 : vector<16xf32>
      %add3A_829 = arith.addi %mul3A_606, %mul3A_693 : i32
      %add3A_830 = arith.constant 96 : i32
      %add3A_831 = arith.addi %add3A_829, %add3A_830 : i32
      %add3A_832 = vector.broadcast %add3A_831 : i32 to vector<16xi32>
      %add3A_833 = arith.addi %add3A_832, %iota3A : vector<16xi32>
      %lt3A_834 = arith.cmpi slt, %add3A_833, %gather3A_521 : vector<16xi32>
      %jit3A_835 = arith.constant 0.000000e+00 : f32
      %broadcast_in_dim3A_836 = vector.broadcast %jit3A_835 : f32 to vector<16xf32>
      %select_n3A_837 = arith.select %lt3A_834, %mul3A_828, %broadcast_in_dim3A_836 : vector<16xi1>, vector<16xf32>
      %jit3A_838 = arith.constant 1.000000e+00 : f32
      %jit3A_839 = arith.constant 0.000000e+00 : f32
      %broadcast_in_dim3A_840 = vector.broadcast %jit3A_838 : f32 to vector<16xf32>
      %broadcast_in_dim3A_841 = vector.broadcast %jit3A_839 : f32 to vector<16xf32>
      %select_n3A_842 = arith.select %lt3A_834, %broadcast_in_dim3A_840, %broadcast_in_dim3A_841 : vector<16xi1>, vector<16xf32>
      %add3A_843 = arith.constant 112 : i32
      %add3A_844 = arith.addi %mul3A_693, %add3A_843 : i32
      %get3A_845 = arith.index_cast %add3A_844 : i32 to index
      %get3A_846 = tpu.vector_load %arg8[%get3A_845] {strides = array<i32>} : memref<2048xf32, #tpu.memory_space<vmem>>, vector<16xf32>,
      %get3A_847 = vector.shape_cast %get3A_846 : vector<16xf32> to vector<16xf32>
      %sub3A_848 = arith.subf %get3A_847, %min3A_506 : vector<16xf32>
      %mul3A_849 = arith.mulf %sub3A_848, %div3A_514 : vector<16xf32>
      %add3A_850 = arith.addi %mul3A_606, %mul3A_693 : i32
      %add3A_851 = arith.constant 112 : i32
      %add3A_852 = arith.addi %add3A_850, %add3A_851 : i32
      %add3A_853 = vector.broadcast %add3A_852 : i32 to vector<16xi32>
      %add3A_854 = arith.addi %add3A_853, %iota3A : vector<16xi32>
      %lt3A_855 = arith.cmpi slt, %add3A_854, %gather3A_521 : vector<16xi32>
      %jit3A_856 = arith.constant 0.000000e+00 : f32
      %broadcast_in_dim3A_857 = vector.broadcast %jit3A_856 : f32 to vector<16xf32>
      %select_n3A_858 = arith.select %lt3A_855, %mul3A_849, %broadcast_in_dim3A_857 : vector<16xi1>, vector<16xf32>
      %jit3A_859 = arith.constant 1.000000e+00 : f32
      %jit3A_860 = arith.constant 0.000000e+00 : f32
      %broadcast_in_dim3A_861 = vector.broadcast %jit3A_859 : f32 to vector<16xf32>
      %broadcast_in_dim3A_862 = vector.broadcast %jit3A_860 : f32 to vector<16xf32>
      %select_n3A_863 = arith.select %lt3A_855, %broadcast_in_dim3A_861, %broadcast_in_dim3A_862 : vector<16xi1>, vector<16xf32>
      %mul3A_864 = arith.mulf %select_n3A_711, %gather3A_529 : vector<16xf32>
      %mul3A_865 = arith.mulf %select_n3A_716, %gather3A_569 : vector<16xf32>
      %add3A_866 = arith.addf %mul3A_864, %mul3A_865 : vector<16xf32>
      %add3A_867 = arith.constant 0 : i32
      %add3A_868 = arith.addi %mul3A_695, %add3A_867 : i32
      %add3A_869 = arith.constant 0 : i32
      %add3A_870 = arith.addi %add3A_868, %add3A_869 : i32
      %swap3A_871 = arith.index_cast %add3A_870 : i32 to index
      %swap3A_872 = tpu.vector_load %arg14[%swap3A_871] {strides = array<i32>} : memref<16384xf32, #tpu.memory_space<vmem>>, vector<16xf32>,
      %swap3A_873 = vector.shape_cast %swap3A_872 : vector<16xf32> to vector<16xf32>
      %swap3A_874 = vector.shape_cast %add3A_866 : vector<16xf32> to vector<16xf32>
      tpu.vector_store %arg14[%swap3A_871], %swap3A_874 {strides = array<i32>} : memref<16384xf32, #tpu.memory_space<vmem>>, vector<16xf32>,
      %mul3A_875 = arith.mulf %select_n3A_711, %gather3A_534 : vector<16xf32>
      %mul3A_876 = arith.mulf %select_n3A_716, %gather3A_574 : vector<16xf32>
      %add3A_877 = arith.addf %mul3A_875, %mul3A_876 : vector<16xf32>
      %add3A_878 = arith.constant 128 : i32
      %add3A_879 = arith.addi %mul3A_695, %add3A_878 : i32
      %add3A_880 = arith.constant 0 : i32
      %add3A_881 = arith.addi %add3A_879, %add3A_880 : i32
      %swap3A_882 = arith.index_cast %add3A_881 : i32 to index
      %swap3A_883 = tpu.vector_load %arg14[%swap3A_882] {strides = array<i32>} : memref<16384xf32, #tpu.memory_space<vmem>>, vector<16xf32>,
      %swap3A_884 = vector.shape_cast %swap3A_883 : vector<16xf32> to vector<16xf32>
      %swap3A_885 = vector.shape_cast %add3A_877 : vector<16xf32> to vector<16xf32>
      tpu.vector_store %arg14[%swap3A_882], %swap3A_885 {strides = array<i32>} : memref<16384xf32, #tpu.memory_space<vmem>>, vector<16xf32>,
      %mul3A_886 = arith.mulf %select_n3A_711, %gather3A_539 : vector<16xf32>
      %mul3A_887 = arith.mulf %select_n3A_716, %gather3A_579 : vector<16xf32>
      %add3A_888 = arith.addf %mul3A_886, %mul3A_887 : vector<16xf32>
      %add3A_889 = arith.constant 256 : i32
      %add3A_890 = arith.addi %mul3A_695, %add3A_889 : i32
      %add3A_891 = arith.constant 0 : i32
      %add3A_892 = arith.addi %add3A_890, %add3A_891 : i32
      %swap3A_893 = arith.index_cast %add3A_892 : i32 to index
      %swap3A_894 = tpu.vector_load %arg14[%swap3A_893] {strides = array<i32>} : memref<16384xf32, #tpu.memory_space<vmem>>, vector<16xf32>,
      %swap3A_895 = vector.shape_cast %swap3A_894 : vector<16xf32> to vector<16xf32>
      %swap3A_896 = vector.shape_cast %add3A_888 : vector<16xf32> to vector<16xf32>
      tpu.vector_store %arg14[%swap3A_893], %swap3A_896 {strides = array<i32>} : memref<16384xf32, #tpu.memory_space<vmem>>, vector<16xf32>,
      %mul3A_897 = arith.mulf %select_n3A_711, %gather3A_544 : vector<16xf32>
      %mul3A_898 = arith.mulf %select_n3A_716, %gather3A_584 : vector<16xf32>
      %add3A_899 = arith.addf %mul3A_897, %mul3A_898 : vector<16xf32>
      %add3A_900 = arith.constant 384 : i32
      %add3A_901 = arith.addi %mul3A_695, %add3A_900 : i32
      %add3A_902 = arith.constant 0 : i32
      %add3A_903 = arith.addi %add3A_901, %add3A_902 : i32
      %swap3A_904 = arith.index_cast %add3A_903 : i32 to index
      %swap3A_905 = tpu.vector_load %arg14[%swap3A_904] {strides = array<i32>} : memref<16384xf32, #tpu.memory_space<vmem>>, vector<16xf32>,
      %swap3A_906 = vector.shape_cast %swap3A_905 : vector<16xf32> to vector<16xf32>
      %swap3A_907 = vector.shape_cast %add3A_899 : vector<16xf32> to vector<16xf32>
      tpu.vector_store %arg14[%swap3A_904], %swap3A_907 {strides = array<i32>} : memref<16384xf32, #tpu.memory_space<vmem>>, vector<16xf32>,
      %mul3A_908 = arith.mulf %select_n3A_711, %gather3A_549 : vector<16xf32>
      %mul3A_909 = arith.mulf %select_n3A_716, %gather3A_589 : vector<16xf32>
      %add3A_910 = arith.addf %mul3A_908, %mul3A_909 : vector<16xf32>
      %add3A_911 = arith.constant 512 : i32
      %add3A_912 = arith.addi %mul3A_695, %add3A_911 : i32
      %add3A_913 = arith.constant 0 : i32
      %add3A_914 = arith.addi %add3A_912, %add3A_913 : i32
      %swap3A_915 = arith.index_cast %add3A_914 : i32 to index
      %swap3A_916 = tpu.vector_load %arg14[%swap3A_915] {strides = array<i32>} : memref<16384xf32, #tpu.memory_space<vmem>>, vector<16xf32>,
      %swap3A_917 = vector.shape_cast %swap3A_916 : vector<16xf32> to vector<16xf32>
      %swap3A_918 = vector.shape_cast %add3A_910 : vector<16xf32> to vector<16xf32>
      tpu.vector_store %arg14[%swap3A_915], %swap3A_918 {strides = array<i32>} : memref<16384xf32, #tpu.memory_space<vmem>>, vector<16xf32>,
      %mul3A_919 = arith.mulf %select_n3A_711, %gather3A_554 : vector<16xf32>
      %mul3A_920 = arith.mulf %select_n3A_716, %gather3A_594 : vector<16xf32>
      %add3A_921 = arith.addf %mul3A_919, %mul3A_920 : vector<16xf32>
      %add3A_922 = arith.constant 640 : i32
      %add3A_923 = arith.addi %mul3A_695, %add3A_922 : i32
      %add3A_924 = arith.constant 0 : i32
      %add3A_925 = arith.addi %add3A_923, %add3A_924 : i32
      %swap3A_926 = arith.index_cast %add3A_925 : i32 to index
      %swap3A_927 = tpu.vector_load %arg14[%swap3A_926] {strides = array<i32>} : memref<16384xf32, #tpu.memory_space<vmem>>, vector<16xf32>,
      %swap3A_928 = vector.shape_cast %swap3A_927 : vector<16xf32> to vector<16xf32>
      %swap3A_929 = vector.shape_cast %add3A_921 : vector<16xf32> to vector<16xf32>
      tpu.vector_store %arg14[%swap3A_926], %swap3A_929 {strides = array<i32>} : memref<16384xf32, #tpu.memory_space<vmem>>, vector<16xf32>,
      %mul3A_930 = arith.mulf %select_n3A_711, %gather3A_559 : vector<16xf32>
      %mul3A_931 = arith.mulf %select_n3A_716, %gather3A_599 : vector<16xf32>
      %add3A_932 = arith.addf %mul3A_930, %mul3A_931 : vector<16xf32>
      %add3A_933 = arith.constant 768 : i32
      %add3A_934 = arith.addi %mul3A_695, %add3A_933 : i32
      %add3A_935 = arith.constant 0 : i32
      %add3A_936 = arith.addi %add3A_934, %add3A_935 : i32
      %swap3A_937 = arith.index_cast %add3A_936 : i32 to index
      %swap3A_938 = tpu.vector_load %arg14[%swap3A_937] {strides = array<i32>} : memref<16384xf32, #tpu.memory_space<vmem>>, vector<16xf32>,
      %swap3A_939 = vector.shape_cast %swap3A_938 : vector<16xf32> to vector<16xf32>
      %swap3A_940 = vector.shape_cast %add3A_932 : vector<16xf32> to vector<16xf32>
      tpu.vector_store %arg14[%swap3A_937], %swap3A_940 {strides = array<i32>} : memref<16384xf32, #tpu.memory_space<vmem>>, vector<16xf32>,
      %mul3A_941 = arith.mulf %select_n3A_711, %gather3A_564 : vector<16xf32>
      %mul3A_942 = arith.mulf %select_n3A_716, %gather3A_604 : vector<16xf32>
      %add3A_943 = arith.addf %mul3A_941, %mul3A_942 : vector<16xf32>
      %add3A_944 = arith.constant 896 : i32
      %add3A_945 = arith.addi %mul3A_695, %add3A_944 : i32
      %add3A_946 = arith.constant 0 : i32
      %add3A_947 = arith.addi %add3A_945, %add3A_946 : i32
      %swap3A_948 = arith.index_cast %add3A_947 : i32 to index
      %swap3A_949 = tpu.vector_load %arg14[%swap3A_948] {strides = array<i32>} : memref<16384xf32, #tpu.memory_space<vmem>>, vector<16xf32>,
      %swap3A_950 = vector.shape_cast %swap3A_949 : vector<16xf32> to vector<16xf32>
      %swap3A_951 = vector.shape_cast %add3A_943 : vector<16xf32> to vector<16xf32>
      tpu.vector_store %arg14[%swap3A_948], %swap3A_951 {strides = array<i32>} : memref<16384xf32, #tpu.memory_space<vmem>>, vector<16xf32>,
      %mul3A_952 = arith.mulf %select_n3A_732, %gather3A_529 : vector<16xf32>
      %mul3A_953 = arith.mulf %select_n3A_737, %gather3A_569 : vector<16xf32>
      %add3A_954 = arith.addf %mul3A_952, %mul3A_953 : vector<16xf32>
      %add3A_955 = arith.constant 0 : i32
      %add3A_956 = arith.addi %mul3A_695, %add3A_955 : i32
      %add3A_957 = arith.constant 16 : i32
      %add3A_958 = arith.addi %add3A_956, %add3A_957 : i32
      %swap3A_959 = arith.index_cast %add3A_958 : i32 to index
      %swap3A_960 = tpu.vector_load %arg14[%swap3A_959] {strides = array<i32>} : memref<16384xf32, #tpu.memory_space<vmem>>, vector<16xf32>,
      %swap3A_961 = vector.shape_cast %swap3A_960 : vector<16xf32> to vector<16xf32>
      %swap3A_962 = vector.shape_cast %add3A_954 : vector<16xf32> to vector<16xf32>
      tpu.vector_store %arg14[%swap3A_959], %swap3A_962 {strides = array<i32>} : memref<16384xf32, #tpu.memory_space<vmem>>, vector<16xf32>,
      %mul3A_963 = arith.mulf %select_n3A_732, %gather3A_534 : vector<16xf32>
      %mul3A_964 = arith.mulf %select_n3A_737, %gather3A_574 : vector<16xf32>
      %add3A_965 = arith.addf %mul3A_963, %mul3A_964 : vector<16xf32>
      %add3A_966 = arith.constant 128 : i32
      %add3A_967 = arith.addi %mul3A_695, %add3A_966 : i32
      %add3A_968 = arith.constant 16 : i32
      %add3A_969 = arith.addi %add3A_967, %add3A_968 : i32
      %swap3A_970 = arith.index_cast %add3A_969 : i32 to index
      %swap3A_971 = tpu.vector_load %arg14[%swap3A_970] {strides = array<i32>} : memref<16384xf32, #tpu.memory_space<vmem>>, vector<16xf32>,
      %swap3A_972 = vector.shape_cast %swap3A_971 : vector<16xf32> to vector<16xf32>
      %swap3A_973 = vector.shape_cast %add3A_965 : vector<16xf32> to vector<16xf32>
      tpu.vector_store %arg14[%swap3A_970], %swap3A_973 {strides = array<i32>} : memref<16384xf32, #tpu.memory_space<vmem>>, vector<16xf32>,
      %mul3A_974 = arith.mulf %select_n3A_732, %gather3A_539 : vector<16xf32>
      %mul3A_975 = arith.mulf %select_n3A_737, %gather3A_579 : vector<16xf32>
      %add3A_976 = arith.addf %mul3A_974, %mul3A_975 : vector<16xf32>
      %add3A_977 = arith.constant 256 : i32
      %add3A_978 = arith.addi %mul3A_695, %add3A_977 : i32
      %add3A_979 = arith.constant 16 : i32
      %add3A_980 = arith.addi %add3A_978, %add3A_979 : i32
      %swap3A_981 = arith.index_cast %add3A_980 : i32 to index
      %swap3A_982 = tpu.vector_load %arg14[%swap3A_981] {strides = array<i32>} : memref<16384xf32, #tpu.memory_space<vmem>>, vector<16xf32>,
      %swap3A_983 = vector.shape_cast %swap3A_982 : vector<16xf32> to vector<16xf32>
      %swap3A_984 = vector.shape_cast %add3A_976 : vector<16xf32> to vector<16xf32>
      tpu.vector_store %arg14[%swap3A_981], %swap3A_984 {strides = array<i32>} : memref<16384xf32, #tpu.memory_space<vmem>>, vector<16xf32>,
      %mul3A_985 = arith.mulf %select_n3A_732, %gather3A_544 : vector<16xf32>
      %mul3A_986 = arith.mulf %select_n3A_737, %gather3A_584 : vector<16xf32>
      %add3A_987 = arith.addf %mul3A_985, %mul3A_986 : vector<16xf32>
      %add3A_988 = arith.constant 384 : i32
      %add3A_989 = arith.addi %mul3A_695, %add3A_988 : i32
      %add3A_990 = arith.constant 16 : i32
      %add3A_991 = arith.addi %add3A_989, %add3A_990 : i32
      %swap3A_992 = arith.index_cast %add3A_991 : i32 to index
      %swap3A_993 = tpu.vector_load %arg14[%swap3A_992] {strides = array<i32>} : memref<16384xf32, #tpu.memory_space<vmem>>, vector<16xf32>,
      %swap3A_994 = vector.shape_cast %swap3A_993 : vector<16xf32> to vector<16xf32>
      %swap3A_995 = vector.shape_cast %add3A_987 : vector<16xf32> to vector<16xf32>
      tpu.vector_store %arg14[%swap3A_992], %swap3A_995 {strides = array<i32>} : memref<16384xf32, #tpu.memory_space<vmem>>, vector<16xf32>,
      %mul3A_996 = arith.mulf %select_n3A_732, %gather3A_549 : vector<16xf32>
      %mul3A_997 = arith.mulf %select_n3A_737, %gather3A_589 : vector<16xf32>
      %add3A_998 = arith.addf %mul3A_996, %mul3A_997 : vector<16xf32>
      %add3A_999 = arith.constant 512 : i32
      %add3A_1000 = arith.addi %mul3A_695, %add3A_999 : i32
      %add3A_1001 = arith.constant 16 : i32
      %add3A_1002 = arith.addi %add3A_1000, %add3A_1001 : i32
      %swap3A_1003 = arith.index_cast %add3A_1002 : i32 to index
      %swap3A_1004 = tpu.vector_load %arg14[%swap3A_1003] {strides = array<i32>} : memref<16384xf32, #tpu.memory_space<vmem>>, vector<16xf32>,
      %swap3A_1005 = vector.shape_cast %swap3A_1004 : vector<16xf32> to vector<16xf32>
      %swap3A_1006 = vector.shape_cast %add3A_998 : vector<16xf32> to vector<16xf32>
      tpu.vector_store %arg14[%swap3A_1003], %swap3A_1006 {strides = array<i32>} : memref<16384xf32, #tpu.memory_space<vmem>>, vector<16xf32>,
      %mul3A_1007 = arith.mulf %select_n3A_732, %gather3A_554 : vector<16xf32>
      %mul3A_1008 = arith.mulf %select_n3A_737, %gather3A_594 : vector<16xf32>
      %add3A_1009 = arith.addf %mul3A_1007, %mul3A_1008 : vector<16xf32>
      %add3A_1010 = arith.constant 640 : i32
      %add3A_1011 = arith.addi %mul3A_695, %add3A_1010 : i32
      %add3A_1012 = arith.constant 16 : i32
      %add3A_1013 = arith.addi %add3A_1011, %add3A_1012 : i32
      %swap3A_1014 = arith.index_cast %add3A_1013 : i32 to index
      %swap3A_1015 = tpu.vector_load %arg14[%swap3A_1014] {strides = array<i32>} : memref<16384xf32, #tpu.memory_space<vmem>>, vector<16xf32>,
      %swap3A_1016 = vector.shape_cast %swap3A_1015 : vector<16xf32> to vector<16xf32>
      %swap3A_1017 = vector.shape_cast %add3A_1009 : vector<16xf32> to vector<16xf32>
      tpu.vector_store %arg14[%swap3A_1014], %swap3A_1017 {strides = array<i32>} : memref<16384xf32, #tpu.memory_space<vmem>>, vector<16xf32>,
      %mul3A_1018 = arith.mulf %select_n3A_732, %gather3A_559 : vector<16xf32>
      %mul3A_1019 = arith.mulf %select_n3A_737, %gather3A_599 : vector<16xf32>
      %add3A_1020 = arith.addf %mul3A_1018, %mul3A_1019 : vector<16xf32>
      %add3A_1021 = arith.constant 768 : i32
      %add3A_1022 = arith.addi %mul3A_695, %add3A_1021 : i32
      %add3A_1023 = arith.constant 16 : i32
      %add3A_1024 = arith.addi %add3A_1022, %add3A_1023 : i32
      %swap3A_1025 = arith.index_cast %add3A_1024 : i32 to index
      %swap3A_1026 = tpu.vector_load %arg14[%swap3A_1025] {strides = array<i32>} : memref<16384xf32, #tpu.memory_space<vmem>>, vector<16xf32>,
      %swap3A_1027 = vector.shape_cast %swap3A_1026 : vector<16xf32> to vector<16xf32>
      %swap3A_1028 = vector.shape_cast %add3A_1020 : vector<16xf32> to vector<16xf32>
      tpu.vector_store %arg14[%swap3A_1025], %swap3A_1028 {strides = array<i32>} : memref<16384xf32, #tpu.memory_space<vmem>>, vector<16xf32>,
      %mul3A_1029 = arith.mulf %select_n3A_732, %gather3A_564 : vector<16xf32>
      %mul3A_1030 = arith.mulf %select_n3A_737, %gather3A_604 : vector<16xf32>
      %add3A_1031 = arith.addf %mul3A_1029, %mul3A_1030 : vector<16xf32>
      %add3A_1032 = arith.constant 896 : i32
      %add3A_1033 = arith.addi %mul3A_695, %add3A_1032 : i32
      %add3A_1034 = arith.constant 16 : i32
      %add3A_1035 = arith.addi %add3A_1033, %add3A_1034 : i32
      %swap3A_1036 = arith.index_cast %add3A_1035 : i32 to index
      %swap3A_1037 = tpu.vector_load %arg14[%swap3A_1036] {strides = array<i32>} : memref<16384xf32, #tpu.memory_space<vmem>>, vector<16xf32>,
      %swap3A_1038 = vector.shape_cast %swap3A_1037 : vector<16xf32> to vector<16xf32>
      %swap3A_1039 = vector.shape_cast %add3A_1031 : vector<16xf32> to vector<16xf32>
      tpu.vector_store %arg14[%swap3A_1036], %swap3A_1039 {strides = array<i32>} : memref<16384xf32, #tpu.memory_space<vmem>>, vector<16xf32>,
      %mul3A_1040 = arith.mulf %select_n3A_753, %gather3A_529 : vector<16xf32>
      %mul3A_1041 = arith.mulf %select_n3A_758, %gather3A_569 : vector<16xf32>
      %add3A_1042 = arith.addf %mul3A_1040, %mul3A_1041 : vector<16xf32>
      %add3A_1043 = arith.constant 0 : i32
      %add3A_1044 = arith.addi %mul3A_695, %add3A_1043 : i32
      %add3A_1045 = arith.constant 32 : i32
      %add3A_1046 = arith.addi %add3A_1044, %add3A_1045 : i32
      %swap3A_1047 = arith.index_cast %add3A_1046 : i32 to index
      %swap3A_1048 = tpu.vector_load %arg14[%swap3A_1047] {strides = array<i32>} : memref<16384xf32, #tpu.memory_space<vmem>>, vector<16xf32>,
      %swap3A_1049 = vector.shape_cast %swap3A_1048 : vector<16xf32> to vector<16xf32>
      %swap3A_1050 = vector.shape_cast %add3A_1042 : vector<16xf32> to vector<16xf32>
      tpu.vector_store %arg14[%swap3A_1047], %swap3A_1050 {strides = array<i32>} : memref<16384xf32, #tpu.memory_space<vmem>>, vector<16xf32>,
      %mul3A_1051 = arith.mulf %select_n3A_753, %gather3A_534 : vector<16xf32>
      %mul3A_1052 = arith.mulf %select_n3A_758, %gather3A_574 : vector<16xf32>
      %add3A_1053 = arith.addf %mul3A_1051, %mul3A_1052 : vector<16xf32>
      %add3A_1054 = arith.constant 128 : i32
      %add3A_1055 = arith.addi %mul3A_695, %add3A_1054 : i32
      %add3A_1056 = arith.constant 32 : i32
      %add3A_1057 = arith.addi %add3A_1055, %add3A_1056 : i32
      %swap3A_1058 = arith.index_cast %add3A_1057 : i32 to index
      %swap3A_1059 = tpu.vector_load %arg14[%swap3A_1058] {strides = array<i32>} : memref<16384xf32, #tpu.memory_space<vmem>>, vector<16xf32>,
      %swap3A_1060 = vector.shape_cast %swap3A_1059 : vector<16xf32> to vector<16xf32>
      %swap3A_1061 = vector.shape_cast %add3A_1053 : vector<16xf32> to vector<16xf32>
      tpu.vector_store %arg14[%swap3A_1058], %swap3A_1061 {strides = array<i32>} : memref<16384xf32, #tpu.memory_space<vmem>>, vector<16xf32>,
      %mul3A_1062 = arith.mulf %select_n3A_753, %gather3A_539 : vector<16xf32>
      %mul3A_1063 = arith.mulf %select_n3A_758, %gather3A_579 : vector<16xf32>
      %add3A_1064 = arith.addf %mul3A_1062, %mul3A_1063 : vector<16xf32>
      %add3A_1065 = arith.constant 256 : i32
      %add3A_1066 = arith.addi %mul3A_695, %add3A_1065 : i32
      %add3A_1067 = arith.constant 32 : i32
      %add3A_1068 = arith.addi %add3A_1066, %add3A_1067 : i32
      %swap3A_1069 = arith.index_cast %add3A_1068 : i32 to index
      %swap3A_1070 = tpu.vector_load %arg14[%swap3A_1069] {strides = array<i32>} : memref<16384xf32, #tpu.memory_space<vmem>>, vector<16xf32>,
      %swap3A_1071 = vector.shape_cast %swap3A_1070 : vector<16xf32> to vector<16xf32>
      %swap3A_1072 = vector.shape_cast %add3A_1064 : vector<16xf32> to vector<16xf32>
      tpu.vector_store %arg14[%swap3A_1069], %swap3A_1072 {strides = array<i32>} : memref<16384xf32, #tpu.memory_space<vmem>>, vector<16xf32>,
      %mul3A_1073 = arith.mulf %select_n3A_753, %gather3A_544 : vector<16xf32>
      %mul3A_1074 = arith.mulf %select_n3A_758, %gather3A_584 : vector<16xf32>
      %add3A_1075 = arith.addf %mul3A_1073, %mul3A_1074 : vector<16xf32>
      %add3A_1076 = arith.constant 384 : i32
      %add3A_1077 = arith.addi %mul3A_695, %add3A_1076 : i32
      %add3A_1078 = arith.constant 32 : i32
      %add3A_1079 = arith.addi %add3A_1077, %add3A_1078 : i32
      %swap3A_1080 = arith.index_cast %add3A_1079 : i32 to index
      %swap3A_1081 = tpu.vector_load %arg14[%swap3A_1080] {strides = array<i32>} : memref<16384xf32, #tpu.memory_space<vmem>>, vector<16xf32>,
      %swap3A_1082 = vector.shape_cast %swap3A_1081 : vector<16xf32> to vector<16xf32>
      %swap3A_1083 = vector.shape_cast %add3A_1075 : vector<16xf32> to vector<16xf32>
      tpu.vector_store %arg14[%swap3A_1080], %swap3A_1083 {strides = array<i32>} : memref<16384xf32, #tpu.memory_space<vmem>>, vector<16xf32>,
      %mul3A_1084 = arith.mulf %select_n3A_753, %gather3A_549 : vector<16xf32>
      %mul3A_1085 = arith.mulf %select_n3A_758, %gather3A_589 : vector<16xf32>
      %add3A_1086 = arith.addf %mul3A_1084, %mul3A_1085 : vector<16xf32>
      %add3A_1087 = arith.constant 512 : i32
      %add3A_1088 = arith.addi %mul3A_695, %add3A_1087 : i32
      %add3A_1089 = arith.constant 32 : i32
      %add3A_1090 = arith.addi %add3A_1088, %add3A_1089 : i32
      %swap3A_1091 = arith.index_cast %add3A_1090 : i32 to index
      %swap3A_1092 = tpu.vector_load %arg14[%swap3A_1091] {strides = array<i32>} : memref<16384xf32, #tpu.memory_space<vmem>>, vector<16xf32>,
      %swap3A_1093 = vector.shape_cast %swap3A_1092 : vector<16xf32> to vector<16xf32>
      %swap3A_1094 = vector.shape_cast %add3A_1086 : vector<16xf32> to vector<16xf32>
      tpu.vector_store %arg14[%swap3A_1091], %swap3A_1094 {strides = array<i32>} : memref<16384xf32, #tpu.memory_space<vmem>>, vector<16xf32>,
      %mul3A_1095 = arith.mulf %select_n3A_753, %gather3A_554 : vector<16xf32>
      %mul3A_1096 = arith.mulf %select_n3A_758, %gather3A_594 : vector<16xf32>
      %add3A_1097 = arith.addf %mul3A_1095, %mul3A_1096 : vector<16xf32>
      %add3A_1098 = arith.constant 640 : i32
      %add3A_1099 = arith.addi %mul3A_695, %add3A_1098 : i32
      %add3A_1100 = arith.constant 32 : i32
      %add3A_1101 = arith.addi %add3A_1099, %add3A_1100 : i32
      %swap3A_1102 = arith.index_cast %add3A_1101 : i32 to index
      %swap3A_1103 = tpu.vector_load %arg14[%swap3A_1102] {strides = array<i32>} : memref<16384xf32, #tpu.memory_space<vmem>>, vector<16xf32>,
      %swap3A_1104 = vector.shape_cast %swap3A_1103 : vector<16xf32> to vector<16xf32>
      %swap3A_1105 = vector.shape_cast %add3A_1097 : vector<16xf32> to vector<16xf32>
      tpu.vector_store %arg14[%swap3A_1102], %swap3A_1105 {strides = array<i32>} : memref<16384xf32, #tpu.memory_space<vmem>>, vector<16xf32>,
      %mul3A_1106 = arith.mulf %select_n3A_753, %gather3A_559 : vector<16xf32>
      %mul3A_1107 = arith.mulf %select_n3A_758, %gather3A_599 : vector<16xf32>
      %add3A_1108 = arith.addf %mul3A_1106, %mul3A_1107 : vector<16xf32>
      %add3A_1109 = arith.constant 768 : i32
      %add3A_1110 = arith.addi %mul3A_695, %add3A_1109 : i32
      %add3A_1111 = arith.constant 32 : i32
      %add3A_1112 = arith.addi %add3A_1110, %add3A_1111 : i32
      %swap3A_1113 = arith.index_cast %add3A_1112 : i32 to index
      %swap3A_1114 = tpu.vector_load %arg14[%swap3A_1113] {strides = array<i32>} : memref<16384xf32, #tpu.memory_space<vmem>>, vector<16xf32>,
      %swap3A_1115 = vector.shape_cast %swap3A_1114 : vector<16xf32> to vector<16xf32>
      %swap3A_1116 = vector.shape_cast %add3A_1108 : vector<16xf32> to vector<16xf32>
      tpu.vector_store %arg14[%swap3A_1113], %swap3A_1116 {strides = array<i32>} : memref<16384xf32, #tpu.memory_space<vmem>>, vector<16xf32>,
      %mul3A_1117 = arith.mulf %select_n3A_753, %gather3A_564 : vector<16xf32>
      %mul3A_1118 = arith.mulf %select_n3A_758, %gather3A_604 : vector<16xf32>
      %add3A_1119 = arith.addf %mul3A_1117, %mul3A_1118 : vector<16xf32>
      %add3A_1120 = arith.constant 896 : i32
      %add3A_1121 = arith.addi %mul3A_695, %add3A_1120 : i32
      %add3A_1122 = arith.constant 32 : i32
      %add3A_1123 = arith.addi %add3A_1121, %add3A_1122 : i32
      %swap3A_1124 = arith.index_cast %add3A_1123 : i32 to index
      %swap3A_1125 = tpu.vector_load %arg14[%swap3A_1124] {strides = array<i32>} : memref<16384xf32, #tpu.memory_space<vmem>>, vector<16xf32>,
      %swap3A_1126 = vector.shape_cast %swap3A_1125 : vector<16xf32> to vector<16xf32>
      %swap3A_1127 = vector.shape_cast %add3A_1119 : vector<16xf32> to vector<16xf32>
      tpu.vector_store %arg14[%swap3A_1124], %swap3A_1127 {strides = array<i32>} : memref<16384xf32, #tpu.memory_space<vmem>>, vector<16xf32>,
      %mul3A_1128 = arith.mulf %select_n3A_774, %gather3A_529 : vector<16xf32>
      %mul3A_1129 = arith.mulf %select_n3A_779, %gather3A_569 : vector<16xf32>
      %add3A_1130 = arith.addf %mul3A_1128, %mul3A_1129 : vector<16xf32>
      %add3A_1131 = arith.constant 0 : i32
      %add3A_1132 = arith.addi %mul3A_695, %add3A_1131 : i32
      %add3A_1133 = arith.constant 48 : i32
      %add3A_1134 = arith.addi %add3A_1132, %add3A_1133 : i32
      %swap3A_1135 = arith.index_cast %add3A_1134 : i32 to index
      %swap3A_1136 = tpu.vector_load %arg14[%swap3A_1135] {strides = array<i32>} : memref<16384xf32, #tpu.memory_space<vmem>>, vector<16xf32>,
      %swap3A_1137 = vector.shape_cast %swap3A_1136 : vector<16xf32> to vector<16xf32>
      %swap3A_1138 = vector.shape_cast %add3A_1130 : vector<16xf32> to vector<16xf32>
      tpu.vector_store %arg14[%swap3A_1135], %swap3A_1138 {strides = array<i32>} : memref<16384xf32, #tpu.memory_space<vmem>>, vector<16xf32>,
      %mul3A_1139 = arith.mulf %select_n3A_774, %gather3A_534 : vector<16xf32>
      %mul3A_1140 = arith.mulf %select_n3A_779, %gather3A_574 : vector<16xf32>
      %add3A_1141 = arith.addf %mul3A_1139, %mul3A_1140 : vector<16xf32>
      %add3A_1142 = arith.constant 128 : i32
      %add3A_1143 = arith.addi %mul3A_695, %add3A_1142 : i32
      %add3A_1144 = arith.constant 48 : i32
      %add3A_1145 = arith.addi %add3A_1143, %add3A_1144 : i32
      %swap3A_1146 = arith.index_cast %add3A_1145 : i32 to index
      %swap3A_1147 = tpu.vector_load %arg14[%swap3A_1146] {strides = array<i32>} : memref<16384xf32, #tpu.memory_space<vmem>>, vector<16xf32>,
      %swap3A_1148 = vector.shape_cast %swap3A_1147 : vector<16xf32> to vector<16xf32>
      %swap3A_1149 = vector.shape_cast %add3A_1141 : vector<16xf32> to vector<16xf32>
      tpu.vector_store %arg14[%swap3A_1146], %swap3A_1149 {strides = array<i32>} : memref<16384xf32, #tpu.memory_space<vmem>>, vector<16xf32>,
      %mul3A_1150 = arith.mulf %select_n3A_774, %gather3A_539 : vector<16xf32>
      %mul3A_1151 = arith.mulf %select_n3A_779, %gather3A_579 : vector<16xf32>
      %add3A_1152 = arith.addf %mul3A_1150, %mul3A_1151 : vector<16xf32>
      %add3A_1153 = arith.constant 256 : i32
      %add3A_1154 = arith.addi %mul3A_695, %add3A_1153 : i32
      %add3A_1155 = arith.constant 48 : i32
      %add3A_1156 = arith.addi %add3A_1154, %add3A_1155 : i32
      %swap3A_1157 = arith.index_cast %add3A_1156 : i32 to index
      %swap3A_1158 = tpu.vector_load %arg14[%swap3A_1157] {strides = array<i32>} : memref<16384xf32, #tpu.memory_space<vmem>>, vector<16xf32>,
      %swap3A_1159 = vector.shape_cast %swap3A_1158 : vector<16xf32> to vector<16xf32>
      %swap3A_1160 = vector.shape_cast %add3A_1152 : vector<16xf32> to vector<16xf32>
      tpu.vector_store %arg14[%swap3A_1157], %swap3A_1160 {strides = array<i32>} : memref<16384xf32, #tpu.memory_space<vmem>>, vector<16xf32>,
      %mul3A_1161 = arith.mulf %select_n3A_774, %gather3A_544 : vector<16xf32>
      %mul3A_1162 = arith.mulf %select_n3A_779, %gather3A_584 : vector<16xf32>
      %add3A_1163 = arith.addf %mul3A_1161, %mul3A_1162 : vector<16xf32>
      %add3A_1164 = arith.constant 384 : i32
      %add3A_1165 = arith.addi %mul3A_695, %add3A_1164 : i32
      %add3A_1166 = arith.constant 48 : i32
      %add3A_1167 = arith.addi %add3A_1165, %add3A_1166 : i32
      %swap3A_1168 = arith.index_cast %add3A_1167 : i32 to index
      %swap3A_1169 = tpu.vector_load %arg14[%swap3A_1168] {strides = array<i32>} : memref<16384xf32, #tpu.memory_space<vmem>>, vector<16xf32>,
      %swap3A_1170 = vector.shape_cast %swap3A_1169 : vector<16xf32> to vector<16xf32>
      %swap3A_1171 = vector.shape_cast %add3A_1163 : vector<16xf32> to vector<16xf32>
      tpu.vector_store %arg14[%swap3A_1168], %swap3A_1171 {strides = array<i32>} : memref<16384xf32, #tpu.memory_space<vmem>>, vector<16xf32>,
      %mul3A_1172 = arith.mulf %select_n3A_774, %gather3A_549 : vector<16xf32>
      %mul3A_1173 = arith.mulf %select_n3A_779, %gather3A_589 : vector<16xf32>
      %add3A_1174 = arith.addf %mul3A_1172, %mul3A_1173 : vector<16xf32>
      %add3A_1175 = arith.constant 512 : i32
      %add3A_1176 = arith.addi %mul3A_695, %add3A_1175 : i32
      %add3A_1177 = arith.constant 48 : i32
      %add3A_1178 = arith.addi %add3A_1176, %add3A_1177 : i32
      %swap3A_1179 = arith.index_cast %add3A_1178 : i32 to index
      %swap3A_1180 = tpu.vector_load %arg14[%swap3A_1179] {strides = array<i32>} : memref<16384xf32, #tpu.memory_space<vmem>>, vector<16xf32>,
      %swap3A_1181 = vector.shape_cast %swap3A_1180 : vector<16xf32> to vector<16xf32>
      %swap3A_1182 = vector.shape_cast %add3A_1174 : vector<16xf32> to vector<16xf32>
      tpu.vector_store %arg14[%swap3A_1179], %swap3A_1182 {strides = array<i32>} : memref<16384xf32, #tpu.memory_space<vmem>>, vector<16xf32>,
      %mul3A_1183 = arith.mulf %select_n3A_774, %gather3A_554 : vector<16xf32>
      %mul3A_1184 = arith.mulf %select_n3A_779, %gather3A_594 : vector<16xf32>
      %add3A_1185 = arith.addf %mul3A_1183, %mul3A_1184 : vector<16xf32>
      %add3A_1186 = arith.constant 640 : i32
      %add3A_1187 = arith.addi %mul3A_695, %add3A_1186 : i32
      %add3A_1188 = arith.constant 48 : i32
      %add3A_1189 = arith.addi %add3A_1187, %add3A_1188 : i32
      %swap3A_1190 = arith.index_cast %add3A_1189 : i32 to index
      %swap3A_1191 = tpu.vector_load %arg14[%swap3A_1190] {strides = array<i32>} : memref<16384xf32, #tpu.memory_space<vmem>>, vector<16xf32>,
      %swap3A_1192 = vector.shape_cast %swap3A_1191 : vector<16xf32> to vector<16xf32>
      %swap3A_1193 = vector.shape_cast %add3A_1185 : vector<16xf32> to vector<16xf32>
      tpu.vector_store %arg14[%swap3A_1190], %swap3A_1193 {strides = array<i32>} : memref<16384xf32, #tpu.memory_space<vmem>>, vector<16xf32>,
      %mul3A_1194 = arith.mulf %select_n3A_774, %gather3A_559 : vector<16xf32>
      %mul3A_1195 = arith.mulf %select_n3A_779, %gather3A_599 : vector<16xf32>
      %add3A_1196 = arith.addf %mul3A_1194, %mul3A_1195 : vector<16xf32>
      %add3A_1197 = arith.constant 768 : i32
      %add3A_1198 = arith.addi %mul3A_695, %add3A_1197 : i32
      %add3A_1199 = arith.constant 48 : i32
      %add3A_1200 = arith.addi %add3A_1198, %add3A_1199 : i32
      %swap3A_1201 = arith.index_cast %add3A_1200 : i32 to index
      %swap3A_1202 = tpu.vector_load %arg14[%swap3A_1201] {strides = array<i32>} : memref<16384xf32, #tpu.memory_space<vmem>>, vector<16xf32>,
      %swap3A_1203 = vector.shape_cast %swap3A_1202 : vector<16xf32> to vector<16xf32>
      %swap3A_1204 = vector.shape_cast %add3A_1196 : vector<16xf32> to vector<16xf32>
      tpu.vector_store %arg14[%swap3A_1201], %swap3A_1204 {strides = array<i32>} : memref<16384xf32, #tpu.memory_space<vmem>>, vector<16xf32>,
      %mul3A_1205 = arith.mulf %select_n3A_774, %gather3A_564 : vector<16xf32>
      %mul3A_1206 = arith.mulf %select_n3A_779, %gather3A_604 : vector<16xf32>
      %add3A_1207 = arith.addf %mul3A_1205, %mul3A_1206 : vector<16xf32>
      %add3A_1208 = arith.constant 896 : i32
      %add3A_1209 = arith.addi %mul3A_695, %add3A_1208 : i32
      %add3A_1210 = arith.constant 48 : i32
      %add3A_1211 = arith.addi %add3A_1209, %add3A_1210 : i32
      %swap3A_1212 = arith.index_cast %add3A_1211 : i32 to index
      %swap3A_1213 = tpu.vector_load %arg14[%swap3A_1212] {strides = array<i32>} : memref<16384xf32, #tpu.memory_space<vmem>>, vector<16xf32>,
      %swap3A_1214 = vector.shape_cast %swap3A_1213 : vector<16xf32> to vector<16xf32>
      %swap3A_1215 = vector.shape_cast %add3A_1207 : vector<16xf32> to vector<16xf32>
      tpu.vector_store %arg14[%swap3A_1212], %swap3A_1215 {strides = array<i32>} : memref<16384xf32, #tpu.memory_space<vmem>>, vector<16xf32>,
      %mul3A_1216 = arith.mulf %select_n3A_795, %gather3A_529 : vector<16xf32>
      %mul3A_1217 = arith.mulf %select_n3A_800, %gather3A_569 : vector<16xf32>
      %add3A_1218 = arith.addf %mul3A_1216, %mul3A_1217 : vector<16xf32>
      %add3A_1219 = arith.constant 0 : i32
      %add3A_1220 = arith.addi %mul3A_695, %add3A_1219 : i32
      %add3A_1221 = arith.constant 64 : i32
      %add3A_1222 = arith.addi %add3A_1220, %add3A_1221 : i32
      %swap3A_1223 = arith.index_cast %add3A_1222 : i32 to index
      %swap3A_1224 = tpu.vector_load %arg14[%swap3A_1223] {strides = array<i32>} : memref<16384xf32, #tpu.memory_space<vmem>>, vector<16xf32>,
      %swap3A_1225 = vector.shape_cast %swap3A_1224 : vector<16xf32> to vector<16xf32>
      %swap3A_1226 = vector.shape_cast %add3A_1218 : vector<16xf32> to vector<16xf32>
      tpu.vector_store %arg14[%swap3A_1223], %swap3A_1226 {strides = array<i32>} : memref<16384xf32, #tpu.memory_space<vmem>>, vector<16xf32>,
      %mul3A_1227 = arith.mulf %select_n3A_795, %gather3A_534 : vector<16xf32>
      %mul3A_1228 = arith.mulf %select_n3A_800, %gather3A_574 : vector<16xf32>
      %add3A_1229 = arith.addf %mul3A_1227, %mul3A_1228 : vector<16xf32>
      %add3A_1230 = arith.constant 128 : i32
      %add3A_1231 = arith.addi %mul3A_695, %add3A_1230 : i32
      %add3A_1232 = arith.constant 64 : i32
      %add3A_1233 = arith.addi %add3A_1231, %add3A_1232 : i32
      %swap3A_1234 = arith.index_cast %add3A_1233 : i32 to index
      %swap3A_1235 = tpu.vector_load %arg14[%swap3A_1234] {strides = array<i32>} : memref<16384xf32, #tpu.memory_space<vmem>>, vector<16xf32>,
      %swap3A_1236 = vector.shape_cast %swap3A_1235 : vector<16xf32> to vector<16xf32>
      %swap3A_1237 = vector.shape_cast %add3A_1229 : vector<16xf32> to vector<16xf32>
      tpu.vector_store %arg14[%swap3A_1234], %swap3A_1237 {strides = array<i32>} : memref<16384xf32, #tpu.memory_space<vmem>>, vector<16xf32>,
      %mul3A_1238 = arith.mulf %select_n3A_795, %gather3A_539 : vector<16xf32>
      %mul3A_1239 = arith.mulf %select_n3A_800, %gather3A_579 : vector<16xf32>
      %add3A_1240 = arith.addf %mul3A_1238, %mul3A_1239 : vector<16xf32>
      %add3A_1241 = arith.constant 256 : i32
      %add3A_1242 = arith.addi %mul3A_695, %add3A_1241 : i32
      %add3A_1243 = arith.constant 64 : i32
      %add3A_1244 = arith.addi %add3A_1242, %add3A_1243 : i32
      %swap3A_1245 = arith.index_cast %add3A_1244 : i32 to index
      %swap3A_1246 = tpu.vector_load %arg14[%swap3A_1245] {strides = array<i32>} : memref<16384xf32, #tpu.memory_space<vmem>>, vector<16xf32>,
      %swap3A_1247 = vector.shape_cast %swap3A_1246 : vector<16xf32> to vector<16xf32>
      %swap3A_1248 = vector.shape_cast %add3A_1240 : vector<16xf32> to vector<16xf32>
      tpu.vector_store %arg14[%swap3A_1245], %swap3A_1248 {strides = array<i32>} : memref<16384xf32, #tpu.memory_space<vmem>>, vector<16xf32>,
      %mul3A_1249 = arith.mulf %select_n3A_795, %gather3A_544 : vector<16xf32>
      %mul3A_1250 = arith.mulf %select_n3A_800, %gather3A_584 : vector<16xf32>
      %add3A_1251 = arith.addf %mul3A_1249, %mul3A_1250 : vector<16xf32>
      %add3A_1252 = arith.constant 384 : i32
      %add3A_1253 = arith.addi %mul3A_695, %add3A_1252 : i32
      %add3A_1254 = arith.constant 64 : i32
      %add3A_1255 = arith.addi %add3A_1253, %add3A_1254 : i32
      %swap3A_1256 = arith.index_cast %add3A_1255 : i32 to index
      %swap3A_1257 = tpu.vector_load %arg14[%swap3A_1256] {strides = array<i32>} : memref<16384xf32, #tpu.memory_space<vmem>>, vector<16xf32>,
      %swap3A_1258 = vector.shape_cast %swap3A_1257 : vector<16xf32> to vector<16xf32>
      %swap3A_1259 = vector.shape_cast %add3A_1251 : vector<16xf32> to vector<16xf32>
      tpu.vector_store %arg14[%swap3A_1256], %swap3A_1259 {strides = array<i32>} : memref<16384xf32, #tpu.memory_space<vmem>>, vector<16xf32>,
      %mul3A_1260 = arith.mulf %select_n3A_795, %gather3A_549 : vector<16xf32>
      %mul3A_1261 = arith.mulf %select_n3A_800, %gather3A_589 : vector<16xf32>
      %add3A_1262 = arith.addf %mul3A_1260, %mul3A_1261 : vector<16xf32>
      %add3A_1263 = arith.constant 512 : i32
      %add3A_1264 = arith.addi %mul3A_695, %add3A_1263 : i32
      %add3A_1265 = arith.constant 64 : i32
      %add3A_1266 = arith.addi %add3A_1264, %add3A_1265 : i32
      %swap3A_1267 = arith.index_cast %add3A_1266 : i32 to index
      %swap3A_1268 = tpu.vector_load %arg14[%swap3A_1267] {strides = array<i32>} : memref<16384xf32, #tpu.memory_space<vmem>>, vector<16xf32>,
      %swap3A_1269 = vector.shape_cast %swap3A_1268 : vector<16xf32> to vector<16xf32>
      %swap3A_1270 = vector.shape_cast %add3A_1262 : vector<16xf32> to vector<16xf32>
      tpu.vector_store %arg14[%swap3A_1267], %swap3A_1270 {strides = array<i32>} : memref<16384xf32, #tpu.memory_space<vmem>>, vector<16xf32>,
      %mul3A_1271 = arith.mulf %select_n3A_795, %gather3A_554 : vector<16xf32>
      %mul3A_1272 = arith.mulf %select_n3A_800, %gather3A_594 : vector<16xf32>
      %add3A_1273 = arith.addf %mul3A_1271, %mul3A_1272 : vector<16xf32>
      %add3A_1274 = arith.constant 640 : i32
      %add3A_1275 = arith.addi %mul3A_695, %add3A_1274 : i32
      %add3A_1276 = arith.constant 64 : i32
      %add3A_1277 = arith.addi %add3A_1275, %add3A_1276 : i32
      %swap3A_1278 = arith.index_cast %add3A_1277 : i32 to index
      %swap3A_1279 = tpu.vector_load %arg14[%swap3A_1278] {strides = array<i32>} : memref<16384xf32, #tpu.memory_space<vmem>>, vector<16xf32>,
      %swap3A_1280 = vector.shape_cast %swap3A_1279 : vector<16xf32> to vector<16xf32>
      %swap3A_1281 = vector.shape_cast %add3A_1273 : vector<16xf32> to vector<16xf32>
      tpu.vector_store %arg14[%swap3A_1278], %swap3A_1281 {strides = array<i32>} : memref<16384xf32, #tpu.memory_space<vmem>>, vector<16xf32>,
      %mul3A_1282 = arith.mulf %select_n3A_795, %gather3A_559 : vector<16xf32>
      %mul3A_1283 = arith.mulf %select_n3A_800, %gather3A_599 : vector<16xf32>
      %add3A_1284 = arith.addf %mul3A_1282, %mul3A_1283 : vector<16xf32>
      %add3A_1285 = arith.constant 768 : i32
      %add3A_1286 = arith.addi %mul3A_695, %add3A_1285 : i32
      %add3A_1287 = arith.constant 64 : i32
      %add3A_1288 = arith.addi %add3A_1286, %add3A_1287 : i32
      %swap3A_1289 = arith.index_cast %add3A_1288 : i32 to index
      %swap3A_1290 = tpu.vector_load %arg14[%swap3A_1289] {strides = array<i32>} : memref<16384xf32, #tpu.memory_space<vmem>>, vector<16xf32>,
      %swap3A_1291 = vector.shape_cast %swap3A_1290 : vector<16xf32> to vector<16xf32>
      %swap3A_1292 = vector.shape_cast %add3A_1284 : vector<16xf32> to vector<16xf32>
      tpu.vector_store %arg14[%swap3A_1289], %swap3A_1292 {strides = array<i32>} : memref<16384xf32, #tpu.memory_space<vmem>>, vector<16xf32>,
      %mul3A_1293 = arith.mulf %select_n3A_795, %gather3A_564 : vector<16xf32>
      %mul3A_1294 = arith.mulf %select_n3A_800, %gather3A_604 : vector<16xf32>
      %add3A_1295 = arith.addf %mul3A_1293, %mul3A_1294 : vector<16xf32>
      %add3A_1296 = arith.constant 896 : i32
      %add3A_1297 = arith.addi %mul3A_695, %add3A_1296 : i32
      %add3A_1298 = arith.constant 64 : i32
      %add3A_1299 = arith.addi %add3A_1297, %add3A_1298 : i32
      %swap3A_1300 = arith.index_cast %add3A_1299 : i32 to index
      %swap3A_1301 = tpu.vector_load %arg14[%swap3A_1300] {strides = array<i32>} : memref<16384xf32, #tpu.memory_space<vmem>>, vector<16xf32>,
      %swap3A_1302 = vector.shape_cast %swap3A_1301 : vector<16xf32> to vector<16xf32>
      %swap3A_1303 = vector.shape_cast %add3A_1295 : vector<16xf32> to vector<16xf32>
      tpu.vector_store %arg14[%swap3A_1300], %swap3A_1303 {strides = array<i32>} : memref<16384xf32, #tpu.memory_space<vmem>>, vector<16xf32>,
      %mul3A_1304 = arith.mulf %select_n3A_816, %gather3A_529 : vector<16xf32>
      %mul3A_1305 = arith.mulf %select_n3A_821, %gather3A_569 : vector<16xf32>
      %add3A_1306 = arith.addf %mul3A_1304, %mul3A_1305 : vector<16xf32>
      %add3A_1307 = arith.constant 0 : i32
      %add3A_1308 = arith.addi %mul3A_695, %add3A_1307 : i32
      %add3A_1309 = arith.constant 80 : i32
      %add3A_1310 = arith.addi %add3A_1308, %add3A_1309 : i32
      %swap3A_1311 = arith.index_cast %add3A_1310 : i32 to index
      %swap3A_1312 = tpu.vector_load %arg14[%swap3A_1311] {strides = array<i32>} : memref<16384xf32, #tpu.memory_space<vmem>>, vector<16xf32>,
      %swap3A_1313 = vector.shape_cast %swap3A_1312 : vector<16xf32> to vector<16xf32>
      %swap3A_1314 = vector.shape_cast %add3A_1306 : vector<16xf32> to vector<16xf32>
      tpu.vector_store %arg14[%swap3A_1311], %swap3A_1314 {strides = array<i32>} : memref<16384xf32, #tpu.memory_space<vmem>>, vector<16xf32>,
      %mul3A_1315 = arith.mulf %select_n3A_816, %gather3A_534 : vector<16xf32>
      %mul3A_1316 = arith.mulf %select_n3A_821, %gather3A_574 : vector<16xf32>
      %add3A_1317 = arith.addf %mul3A_1315, %mul3A_1316 : vector<16xf32>
      %add3A_1318 = arith.constant 128 : i32
      %add3A_1319 = arith.addi %mul3A_695, %add3A_1318 : i32
      %add3A_1320 = arith.constant 80 : i32
      %add3A_1321 = arith.addi %add3A_1319, %add3A_1320 : i32
      %swap3A_1322 = arith.index_cast %add3A_1321 : i32 to index
      %swap3A_1323 = tpu.vector_load %arg14[%swap3A_1322] {strides = array<i32>} : memref<16384xf32, #tpu.memory_space<vmem>>, vector<16xf32>,
      %swap3A_1324 = vector.shape_cast %swap3A_1323 : vector<16xf32> to vector<16xf32>
      %swap3A_1325 = vector.shape_cast %add3A_1317 : vector<16xf32> to vector<16xf32>
      tpu.vector_store %arg14[%swap3A_1322], %swap3A_1325 {strides = array<i32>} : memref<16384xf32, #tpu.memory_space<vmem>>, vector<16xf32>,
      %mul3A_1326 = arith.mulf %select_n3A_816, %gather3A_539 : vector<16xf32>
      %mul3A_1327 = arith.mulf %select_n3A_821, %gather3A_579 : vector<16xf32>
      %add3A_1328 = arith.addf %mul3A_1326, %mul3A_1327 : vector<16xf32>
      %add3A_1329 = arith.constant 256 : i32
      %add3A_1330 = arith.addi %mul3A_695, %add3A_1329 : i32
      %add3A_1331 = arith.constant 80 : i32
      %add3A_1332 = arith.addi %add3A_1330, %add3A_1331 : i32
      %swap3A_1333 = arith.index_cast %add3A_1332 : i32 to index
      %swap3A_1334 = tpu.vector_load %arg14[%swap3A_1333] {strides = array<i32>} : memref<16384xf32, #tpu.memory_space<vmem>>, vector<16xf32>,
      %swap3A_1335 = vector.shape_cast %swap3A_1334 : vector<16xf32> to vector<16xf32>
      %swap3A_1336 = vector.shape_cast %add3A_1328 : vector<16xf32> to vector<16xf32>
      tpu.vector_store %arg14[%swap3A_1333], %swap3A_1336 {strides = array<i32>} : memref<16384xf32, #tpu.memory_space<vmem>>, vector<16xf32>,
      %mul3A_1337 = arith.mulf %select_n3A_816, %gather3A_544 : vector<16xf32>
      %mul3A_1338 = arith.mulf %select_n3A_821, %gather3A_584 : vector<16xf32>
      %add3A_1339 = arith.addf %mul3A_1337, %mul3A_1338 : vector<16xf32>
      %add3A_1340 = arith.constant 384 : i32
      %add3A_1341 = arith.addi %mul3A_695, %add3A_1340 : i32
      %add3A_1342 = arith.constant 80 : i32
      %add3A_1343 = arith.addi %add3A_1341, %add3A_1342 : i32
      %swap3A_1344 = arith.index_cast %add3A_1343 : i32 to index
      %swap3A_1345 = tpu.vector_load %arg14[%swap3A_1344] {strides = array<i32>} : memref<16384xf32, #tpu.memory_space<vmem>>, vector<16xf32>,
      %swap3A_1346 = vector.shape_cast %swap3A_1345 : vector<16xf32> to vector<16xf32>
      %swap3A_1347 = vector.shape_cast %add3A_1339 : vector<16xf32> to vector<16xf32>
      tpu.vector_store %arg14[%swap3A_1344], %swap3A_1347 {strides = array<i32>} : memref<16384xf32, #tpu.memory_space<vmem>>, vector<16xf32>,
      %mul3A_1348 = arith.mulf %select_n3A_816, %gather3A_549 : vector<16xf32>
      %mul3A_1349 = arith.mulf %select_n3A_821, %gather3A_589 : vector<16xf32>
      %add3A_1350 = arith.addf %mul3A_1348, %mul3A_1349 : vector<16xf32>
      %add3A_1351 = arith.constant 512 : i32
      %add3A_1352 = arith.addi %mul3A_695, %add3A_1351 : i32
      %add3A_1353 = arith.constant 80 : i32
      %add3A_1354 = arith.addi %add3A_1352, %add3A_1353 : i32
      %swap3A_1355 = arith.index_cast %add3A_1354 : i32 to index
      %swap3A_1356 = tpu.vector_load %arg14[%swap3A_1355] {strides = array<i32>} : memref<16384xf32, #tpu.memory_space<vmem>>, vector<16xf32>,
      %swap3A_1357 = vector.shape_cast %swap3A_1356 : vector<16xf32> to vector<16xf32>
      %swap3A_1358 = vector.shape_cast %add3A_1350 : vector<16xf32> to vector<16xf32>
      tpu.vector_store %arg14[%swap3A_1355], %swap3A_1358 {strides = array<i32>} : memref<16384xf32, #tpu.memory_space<vmem>>, vector<16xf32>,
      %mul3A_1359 = arith.mulf %select_n3A_816, %gather3A_554 : vector<16xf32>
      %mul3A_1360 = arith.mulf %select_n3A_821, %gather3A_594 : vector<16xf32>
      %add3A_1361 = arith.addf %mul3A_1359, %mul3A_1360 : vector<16xf32>
      %add3A_1362 = arith.constant 640 : i32
      %add3A_1363 = arith.addi %mul3A_695, %add3A_1362 : i32
      %add3A_1364 = arith.constant 80 : i32
      %add3A_1365 = arith.addi %add3A_1363, %add3A_1364 : i32
      %swap3A_1366 = arith.index_cast %add3A_1365 : i32 to index
      %swap3A_1367 = tpu.vector_load %arg14[%swap3A_1366] {strides = array<i32>} : memref<16384xf32, #tpu.memory_space<vmem>>, vector<16xf32>,
      %swap3A_1368 = vector.shape_cast %swap3A_1367 : vector<16xf32> to vector<16xf32>
      %swap3A_1369 = vector.shape_cast %add3A_1361 : vector<16xf32> to vector<16xf32>
      tpu.vector_store %arg14[%swap3A_1366], %swap3A_1369 {strides = array<i32>} : memref<16384xf32, #tpu.memory_space<vmem>>, vector<16xf32>,
      %mul3A_1370 = arith.mulf %select_n3A_816, %gather3A_559 : vector<16xf32>
      %mul3A_1371 = arith.mulf %select_n3A_821, %gather3A_599 : vector<16xf32>
      %add3A_1372 = arith.addf %mul3A_1370, %mul3A_1371 : vector<16xf32>
      %add3A_1373 = arith.constant 768 : i32
      %add3A_1374 = arith.addi %mul3A_695, %add3A_1373 : i32
      %add3A_1375 = arith.constant 80 : i32
      %add3A_1376 = arith.addi %add3A_1374, %add3A_1375 : i32
      %swap3A_1377 = arith.index_cast %add3A_1376 : i32 to index
      %swap3A_1378 = tpu.vector_load %arg14[%swap3A_1377] {strides = array<i32>} : memref<16384xf32, #tpu.memory_space<vmem>>, vector<16xf32>,
      %swap3A_1379 = vector.shape_cast %swap3A_1378 : vector<16xf32> to vector<16xf32>
      %swap3A_1380 = vector.shape_cast %add3A_1372 : vector<16xf32> to vector<16xf32>
      tpu.vector_store %arg14[%swap3A_1377], %swap3A_1380 {strides = array<i32>} : memref<16384xf32, #tpu.memory_space<vmem>>, vector<16xf32>,
      %mul3A_1381 = arith.mulf %select_n3A_816, %gather3A_564 : vector<16xf32>
      %mul3A_1382 = arith.mulf %select_n3A_821, %gather3A_604 : vector<16xf32>
      %add3A_1383 = arith.addf %mul3A_1381, %mul3A_1382 : vector<16xf32>
      %add3A_1384 = arith.constant 896 : i32
      %add3A_1385 = arith.addi %mul3A_695, %add3A_1384 : i32
      %add3A_1386 = arith.constant 80 : i32
      %add3A_1387 = arith.addi %add3A_1385, %add3A_1386 : i32
      %swap3A_1388 = arith.index_cast %add3A_1387 : i32 to index
      %swap3A_1389 = tpu.vector_load %arg14[%swap3A_1388] {strides = array<i32>} : memref<16384xf32, #tpu.memory_space<vmem>>, vector<16xf32>,
      %swap3A_1390 = vector.shape_cast %swap3A_1389 : vector<16xf32> to vector<16xf32>
      %swap3A_1391 = vector.shape_cast %add3A_1383 : vector<16xf32> to vector<16xf32>
      tpu.vector_store %arg14[%swap3A_1388], %swap3A_1391 {strides = array<i32>} : memref<16384xf32, #tpu.memory_space<vmem>>, vector<16xf32>,
      %mul3A_1392 = arith.mulf %select_n3A_837, %gather3A_529 : vector<16xf32>
      %mul3A_1393 = arith.mulf %select_n3A_842, %gather3A_569 : vector<16xf32>
      %add3A_1394 = arith.addf %mul3A_1392, %mul3A_1393 : vector<16xf32>
      %add3A_1395 = arith.constant 0 : i32
      %add3A_1396 = arith.addi %mul3A_695, %add3A_1395 : i32
      %add3A_1397 = arith.constant 96 : i32
      %add3A_1398 = arith.addi %add3A_1396, %add3A_1397 : i32
      %swap3A_1399 = arith.index_cast %add3A_1398 : i32 to index
      %swap3A_1400 = tpu.vector_load %arg14[%swap3A_1399] {strides = array<i32>} : memref<16384xf32, #tpu.memory_space<vmem>>, vector<16xf32>,
      %swap3A_1401 = vector.shape_cast %swap3A_1400 : vector<16xf32> to vector<16xf32>
      %swap3A_1402 = vector.shape_cast %add3A_1394 : vector<16xf32> to vector<16xf32>
      tpu.vector_store %arg14[%swap3A_1399], %swap3A_1402 {strides = array<i32>} : memref<16384xf32, #tpu.memory_space<vmem>>, vector<16xf32>,
      %mul3A_1403 = arith.mulf %select_n3A_837, %gather3A_534 : vector<16xf32>
      %mul3A_1404 = arith.mulf %select_n3A_842, %gather3A_574 : vector<16xf32>
      %add3A_1405 = arith.addf %mul3A_1403, %mul3A_1404 : vector<16xf32>
      %add3A_1406 = arith.constant 128 : i32
      %add3A_1407 = arith.addi %mul3A_695, %add3A_1406 : i32
      %add3A_1408 = arith.constant 96 : i32
      %add3A_1409 = arith.addi %add3A_1407, %add3A_1408 : i32
      %swap3A_1410 = arith.index_cast %add3A_1409 : i32 to index
      %swap3A_1411 = tpu.vector_load %arg14[%swap3A_1410] {strides = array<i32>} : memref<16384xf32, #tpu.memory_space<vmem>>, vector<16xf32>,
      %swap3A_1412 = vector.shape_cast %swap3A_1411 : vector<16xf32> to vector<16xf32>
      %swap3A_1413 = vector.shape_cast %add3A_1405 : vector<16xf32> to vector<16xf32>
      tpu.vector_store %arg14[%swap3A_1410], %swap3A_1413 {strides = array<i32>} : memref<16384xf32, #tpu.memory_space<vmem>>, vector<16xf32>,
      %mul3A_1414 = arith.mulf %select_n3A_837, %gather3A_539 : vector<16xf32>
      %mul3A_1415 = arith.mulf %select_n3A_842, %gather3A_579 : vector<16xf32>
      %add3A_1416 = arith.addf %mul3A_1414, %mul3A_1415 : vector<16xf32>
      %add3A_1417 = arith.constant 256 : i32
      %add3A_1418 = arith.addi %mul3A_695, %add3A_1417 : i32
      %add3A_1419 = arith.constant 96 : i32
      %add3A_1420 = arith.addi %add3A_1418, %add3A_1419 : i32
      %swap3A_1421 = arith.index_cast %add3A_1420 : i32 to index
      %swap3A_1422 = tpu.vector_load %arg14[%swap3A_1421] {strides = array<i32>} : memref<16384xf32, #tpu.memory_space<vmem>>, vector<16xf32>,
      %swap3A_1423 = vector.shape_cast %swap3A_1422 : vector<16xf32> to vector<16xf32>
      %swap3A_1424 = vector.shape_cast %add3A_1416 : vector<16xf32> to vector<16xf32>
      tpu.vector_store %arg14[%swap3A_1421], %swap3A_1424 {strides = array<i32>} : memref<16384xf32, #tpu.memory_space<vmem>>, vector<16xf32>,
      %mul3A_1425 = arith.mulf %select_n3A_837, %gather3A_544 : vector<16xf32>
      %mul3A_1426 = arith.mulf %select_n3A_842, %gather3A_584 : vector<16xf32>
      %add3A_1427 = arith.addf %mul3A_1425, %mul3A_1426 : vector<16xf32>
      %add3A_1428 = arith.constant 384 : i32
      %add3A_1429 = arith.addi %mul3A_695, %add3A_1428 : i32
      %add3A_1430 = arith.constant 96 : i32
      %add3A_1431 = arith.addi %add3A_1429, %add3A_1430 : i32
      %swap3A_1432 = arith.index_cast %add3A_1431 : i32 to index
      %swap3A_1433 = tpu.vector_load %arg14[%swap3A_1432] {strides = array<i32>} : memref<16384xf32, #tpu.memory_space<vmem>>, vector<16xf32>,
      %swap3A_1434 = vector.shape_cast %swap3A_1433 : vector<16xf32> to vector<16xf32>
      %swap3A_1435 = vector.shape_cast %add3A_1427 : vector<16xf32> to vector<16xf32>
      tpu.vector_store %arg14[%swap3A_1432], %swap3A_1435 {strides = array<i32>} : memref<16384xf32, #tpu.memory_space<vmem>>, vector<16xf32>,
      %mul3A_1436 = arith.mulf %select_n3A_837, %gather3A_549 : vector<16xf32>
      %mul3A_1437 = arith.mulf %select_n3A_842, %gather3A_589 : vector<16xf32>
      %add3A_1438 = arith.addf %mul3A_1436, %mul3A_1437 : vector<16xf32>
      %add3A_1439 = arith.constant 512 : i32
      %add3A_1440 = arith.addi %mul3A_695, %add3A_1439 : i32
      %add3A_1441 = arith.constant 96 : i32
      %add3A_1442 = arith.addi %add3A_1440, %add3A_1441 : i32
      %swap3A_1443 = arith.index_cast %add3A_1442 : i32 to index
      %swap3A_1444 = tpu.vector_load %arg14[%swap3A_1443] {strides = array<i32>} : memref<16384xf32, #tpu.memory_space<vmem>>, vector<16xf32>,
      %swap3A_1445 = vector.shape_cast %swap3A_1444 : vector<16xf32> to vector<16xf32>
      %swap3A_1446 = vector.shape_cast %add3A_1438 : vector<16xf32> to vector<16xf32>
      tpu.vector_store %arg14[%swap3A_1443], %swap3A_1446 {strides = array<i32>} : memref<16384xf32, #tpu.memory_space<vmem>>, vector<16xf32>,
      %mul3A_1447 = arith.mulf %select_n3A_837, %gather3A_554 : vector<16xf32>
      %mul3A_1448 = arith.mulf %select_n3A_842, %gather3A_594 : vector<16xf32>
      %add3A_1449 = arith.addf %mul3A_1447, %mul3A_1448 : vector<16xf32>
      %add3A_1450 = arith.constant 640 : i32
      %add3A_1451 = arith.addi %mul3A_695, %add3A_1450 : i32
      %add3A_1452 = arith.constant 96 : i32
      %add3A_1453 = arith.addi %add3A_1451, %add3A_1452 : i32
      %swap3A_1454 = arith.index_cast %add3A_1453 : i32 to index
      %swap3A_1455 = tpu.vector_load %arg14[%swap3A_1454] {strides = array<i32>} : memref<16384xf32, #tpu.memory_space<vmem>>, vector<16xf32>,
      %swap3A_1456 = vector.shape_cast %swap3A_1455 : vector<16xf32> to vector<16xf32>
      %swap3A_1457 = vector.shape_cast %add3A_1449 : vector<16xf32> to vector<16xf32>
      tpu.vector_store %arg14[%swap3A_1454], %swap3A_1457 {strides = array<i32>} : memref<16384xf32, #tpu.memory_space<vmem>>, vector<16xf32>,
      %mul3A_1458 = arith.mulf %select_n3A_837, %gather3A_559 : vector<16xf32>
      %mul3A_1459 = arith.mulf %select_n3A_842, %gather3A_599 : vector<16xf32>
      %add3A_1460 = arith.addf %mul3A_1458, %mul3A_1459 : vector<16xf32>
      %add3A_1461 = arith.constant 768 : i32
      %add3A_1462 = arith.addi %mul3A_695, %add3A_1461 : i32
      %add3A_1463 = arith.constant 96 : i32
      %add3A_1464 = arith.addi %add3A_1462, %add3A_1463 : i32
      %swap3A_1465 = arith.index_cast %add3A_1464 : i32 to index
      %swap3A_1466 = tpu.vector_load %arg14[%swap3A_1465] {strides = array<i32>} : memref<16384xf32, #tpu.memory_space<vmem>>, vector<16xf32>,
      %swap3A_1467 = vector.shape_cast %swap3A_1466 : vector<16xf32> to vector<16xf32>
      %swap3A_1468 = vector.shape_cast %add3A_1460 : vector<16xf32> to vector<16xf32>
      tpu.vector_store %arg14[%swap3A_1465], %swap3A_1468 {strides = array<i32>} : memref<16384xf32, #tpu.memory_space<vmem>>, vector<16xf32>,
      %mul3A_1469 = arith.mulf %select_n3A_837, %gather3A_564 : vector<16xf32>
      %mul3A_1470 = arith.mulf %select_n3A_842, %gather3A_604 : vector<16xf32>
      %add3A_1471 = arith.addf %mul3A_1469, %mul3A_1470 : vector<16xf32>
      %add3A_1472 = arith.constant 896 : i32
      %add3A_1473 = arith.addi %mul3A_695, %add3A_1472 : i32
      %add3A_1474 = arith.constant 96 : i32
      %add3A_1475 = arith.addi %add3A_1473, %add3A_1474 : i32
      %swap3A_1476 = arith.index_cast %add3A_1475 : i32 to index
      %swap3A_1477 = tpu.vector_load %arg14[%swap3A_1476] {strides = array<i32>} : memref<16384xf32, #tpu.memory_space<vmem>>, vector<16xf32>,
      %swap3A_1478 = vector.shape_cast %swap3A_1477 : vector<16xf32> to vector<16xf32>
      %swap3A_1479 = vector.shape_cast %add3A_1471 : vector<16xf32> to vector<16xf32>
      tpu.vector_store %arg14[%swap3A_1476], %swap3A_1479 {strides = array<i32>} : memref<16384xf32, #tpu.memory_space<vmem>>, vector<16xf32>,
      %mul3A_1480 = arith.mulf %select_n3A_858, %gather3A_529 : vector<16xf32>
      %mul3A_1481 = arith.mulf %select_n3A_863, %gather3A_569 : vector<16xf32>
      %add3A_1482 = arith.addf %mul3A_1480, %mul3A_1481 : vector<16xf32>
      %add3A_1483 = arith.constant 0 : i32
      %add3A_1484 = arith.addi %mul3A_695, %add3A_1483 : i32
      %add3A_1485 = arith.constant 112 : i32
      %add3A_1486 = arith.addi %add3A_1484, %add3A_1485 : i32
      %swap3A_1487 = arith.index_cast %add3A_1486 : i32 to index
      %swap3A_1488 = tpu.vector_load %arg14[%swap3A_1487] {strides = array<i32>} : memref<16384xf32, #tpu.memory_space<vmem>>, vector<16xf32>,
      %swap3A_1489 = vector.shape_cast %swap3A_1488 : vector<16xf32> to vector<16xf32>
      %swap3A_1490 = vector.shape_cast %add3A_1482 : vector<16xf32> to vector<16xf32>
      tpu.vector_store %arg14[%swap3A_1487], %swap3A_1490 {strides = array<i32>} : memref<16384xf32, #tpu.memory_space<vmem>>, vector<16xf32>,
      %mul3A_1491 = arith.mulf %select_n3A_858, %gather3A_534 : vector<16xf32>
      %mul3A_1492 = arith.mulf %select_n3A_863, %gather3A_574 : vector<16xf32>
      %add3A_1493 = arith.addf %mul3A_1491, %mul3A_1492 : vector<16xf32>
      %add3A_1494 = arith.constant 128 : i32
      %add3A_1495 = arith.addi %mul3A_695, %add3A_1494 : i32
      %add3A_1496 = arith.constant 112 : i32
      %add3A_1497 = arith.addi %add3A_1495, %add3A_1496 : i32
      %swap3A_1498 = arith.index_cast %add3A_1497 : i32 to index
      %swap3A_1499 = tpu.vector_load %arg14[%swap3A_1498] {strides = array<i32>} : memref<16384xf32, #tpu.memory_space<vmem>>, vector<16xf32>,
      %swap3A_1500 = vector.shape_cast %swap3A_1499 : vector<16xf32> to vector<16xf32>
      %swap3A_1501 = vector.shape_cast %add3A_1493 : vector<16xf32> to vector<16xf32>
      tpu.vector_store %arg14[%swap3A_1498], %swap3A_1501 {strides = array<i32>} : memref<16384xf32, #tpu.memory_space<vmem>>, vector<16xf32>,
      %mul3A_1502 = arith.mulf %select_n3A_858, %gather3A_539 : vector<16xf32>
      %mul3A_1503 = arith.mulf %select_n3A_863, %gather3A_579 : vector<16xf32>
      %add3A_1504 = arith.addf %mul3A_1502, %mul3A_1503 : vector<16xf32>
      %add3A_1505 = arith.constant 256 : i32
      %add3A_1506 = arith.addi %mul3A_695, %add3A_1505 : i32
      %add3A_1507 = arith.constant 112 : i32
      %add3A_1508 = arith.addi %add3A_1506, %add3A_1507 : i32
      %swap3A_1509 = arith.index_cast %add3A_1508 : i32 to index
      %swap3A_1510 = tpu.vector_load %arg14[%swap3A_1509] {strides = array<i32>} : memref<16384xf32, #tpu.memory_space<vmem>>, vector<16xf32>,
      %swap3A_1511 = vector.shape_cast %swap3A_1510 : vector<16xf32> to vector<16xf32>
      %swap3A_1512 = vector.shape_cast %add3A_1504 : vector<16xf32> to vector<16xf32>
      tpu.vector_store %arg14[%swap3A_1509], %swap3A_1512 {strides = array<i32>} : memref<16384xf32, #tpu.memory_space<vmem>>, vector<16xf32>,
      %mul3A_1513 = arith.mulf %select_n3A_858, %gather3A_544 : vector<16xf32>
      %mul3A_1514 = arith.mulf %select_n3A_863, %gather3A_584 : vector<16xf32>
      %add3A_1515 = arith.addf %mul3A_1513, %mul3A_1514 : vector<16xf32>
      %add3A_1516 = arith.constant 384 : i32
      %add3A_1517 = arith.addi %mul3A_695, %add3A_1516 : i32
      %add3A_1518 = arith.constant 112 : i32
      %add3A_1519 = arith.addi %add3A_1517, %add3A_1518 : i32
      %swap3A_1520 = arith.index_cast %add3A_1519 : i32 to index
      %swap3A_1521 = tpu.vector_load %arg14[%swap3A_1520] {strides = array<i32>} : memref<16384xf32, #tpu.memory_space<vmem>>, vector<16xf32>,
      %swap3A_1522 = vector.shape_cast %swap3A_1521 : vector<16xf32> to vector<16xf32>
      %swap3A_1523 = vector.shape_cast %add3A_1515 : vector<16xf32> to vector<16xf32>
      tpu.vector_store %arg14[%swap3A_1520], %swap3A_1523 {strides = array<i32>} : memref<16384xf32, #tpu.memory_space<vmem>>, vector<16xf32>,
      %mul3A_1524 = arith.mulf %select_n3A_858, %gather3A_549 : vector<16xf32>
      %mul3A_1525 = arith.mulf %select_n3A_863, %gather3A_589 : vector<16xf32>
      %add3A_1526 = arith.addf %mul3A_1524, %mul3A_1525 : vector<16xf32>
      %add3A_1527 = arith.constant 512 : i32
      %add3A_1528 = arith.addi %mul3A_695, %add3A_1527 : i32
      %add3A_1529 = arith.constant 112 : i32
      %add3A_1530 = arith.addi %add3A_1528, %add3A_1529 : i32
      %swap3A_1531 = arith.index_cast %add3A_1530 : i32 to index
      %swap3A_1532 = tpu.vector_load %arg14[%swap3A_1531] {strides = array<i32>} : memref<16384xf32, #tpu.memory_space<vmem>>, vector<16xf32>,
      %swap3A_1533 = vector.shape_cast %swap3A_1532 : vector<16xf32> to vector<16xf32>
      %swap3A_1534 = vector.shape_cast %add3A_1526 : vector<16xf32> to vector<16xf32>
      tpu.vector_store %arg14[%swap3A_1531], %swap3A_1534 {strides = array<i32>} : memref<16384xf32, #tpu.memory_space<vmem>>, vector<16xf32>,
      %mul3A_1535 = arith.mulf %select_n3A_858, %gather3A_554 : vector<16xf32>
      %mul3A_1536 = arith.mulf %select_n3A_863, %gather3A_594 : vector<16xf32>
      %add3A_1537 = arith.addf %mul3A_1535, %mul3A_1536 : vector<16xf32>
      %add3A_1538 = arith.constant 640 : i32
      %add3A_1539 = arith.addi %mul3A_695, %add3A_1538 : i32
      %add3A_1540 = arith.constant 112 : i32
      %add3A_1541 = arith.addi %add3A_1539, %add3A_1540 : i32
      %swap3A_1542 = arith.index_cast %add3A_1541 : i32 to index
      %swap3A_1543 = tpu.vector_load %arg14[%swap3A_1542] {strides = array<i32>} : memref<16384xf32, #tpu.memory_space<vmem>>, vector<16xf32>,
      %swap3A_1544 = vector.shape_cast %swap3A_1543 : vector<16xf32> to vector<16xf32>
      %swap3A_1545 = vector.shape_cast %add3A_1537 : vector<16xf32> to vector<16xf32>
      tpu.vector_store %arg14[%swap3A_1542], %swap3A_1545 {strides = array<i32>} : memref<16384xf32, #tpu.memory_space<vmem>>, vector<16xf32>,
      %mul3A_1546 = arith.mulf %select_n3A_858, %gather3A_559 : vector<16xf32>
      %mul3A_1547 = arith.mulf %select_n3A_863, %gather3A_599 : vector<16xf32>
      %add3A_1548 = arith.addf %mul3A_1546, %mul3A_1547 : vector<16xf32>
      %add3A_1549 = arith.constant 768 : i32
      %add3A_1550 = arith.addi %mul3A_695, %add3A_1549 : i32
      %add3A_1551 = arith.constant 112 : i32
      %add3A_1552 = arith.addi %add3A_1550, %add3A_1551 : i32
      %swap3A_1553 = arith.index_cast %add3A_1552 : i32 to index
      %swap3A_1554 = tpu.vector_load %arg14[%swap3A_1553] {strides = array<i32>} : memref<16384xf32, #tpu.memory_space<vmem>>, vector<16xf32>,
      %swap3A_1555 = vector.shape_cast %swap3A_1554 : vector<16xf32> to vector<16xf32>
      %swap3A_1556 = vector.shape_cast %add3A_1548 : vector<16xf32> to vector<16xf32>
      tpu.vector_store %arg14[%swap3A_1553], %swap3A_1556 {strides = array<i32>} : memref<16384xf32, #tpu.memory_space<vmem>>, vector<16xf32>,
      %mul3A_1557 = arith.mulf %select_n3A_858, %gather3A_564 : vector<16xf32>
      %mul3A_1558 = arith.mulf %select_n3A_863, %gather3A_604 : vector<16xf32>
      %add3A_1559 = arith.addf %mul3A_1557, %mul3A_1558 : vector<16xf32>
      %add3A_1560 = arith.constant 896 : i32
      %add3A_1561 = arith.addi %mul3A_695, %add3A_1560 : i32
      %add3A_1562 = arith.constant 112 : i32
      %add3A_1563 = arith.addi %add3A_1561, %add3A_1562 : i32
      %swap3A_1564 = arith.index_cast %add3A_1563 : i32 to index
      %swap3A_1565 = tpu.vector_load %arg14[%swap3A_1564] {strides = array<i32>} : memref<16384xf32, #tpu.memory_space<vmem>>, vector<16xf32>,
      %swap3A_1566 = vector.shape_cast %swap3A_1565 : vector<16xf32> to vector<16xf32>
      %swap3A_1567 = vector.shape_cast %add3A_1559 : vector<16xf32> to vector<16xf32>
      tpu.vector_store %arg14[%swap3A_1564], %swap3A_1567 {strides = array<i32>} : memref<16384xf32, #tpu.memory_space<vmem>>, vector<16xf32>,
    }
    %scan3A_644 = arith.constant 4 : i32
    %add3A_645 = arith.constant 8192 : i32
    %add3A_646 = arith.addi %mul3A_610, %add3A_645 : i32
    %dma_start3A_647 = arith.constant 8192 : i32
    %dma_start3A_648 = tpu.memref_slice %arg14[%dma_start3A_647] : memref<16384xf32, #tpu.memory_space<vmem>> -> memref<4096xf32, #tpu.memory_space<vmem>>
    %dma_start3A_649 = tpu.memref_slice %arg6[%add3A_646] : memref<524288xf32, #tpu.memory_space<hbm>> -> memref<4096xf32, #tpu.memory_space<hbm>>
    %dma_start3A_650 = tpu.memref_slice %arg6[%add3A_646] : memref<524288xf32, #tpu.memory_space<hbm>> -> memref<4096xf32, #tpu.memory_space<hbm>>
    %dma_start3A_651 = arith.constant 8192 : i32
    %dma_start3A_652 = tpu.memref_slice %arg14[%dma_start3A_651] : memref<16384xf32, #tpu.memory_space<vmem>> -> memref<4096xf32, #tpu.memory_space<vmem>>
    tpu.enqueue_dma source(%dma_start3A_652 : memref<4096xf32, #tpu.memory_space<vmem>>) target(%dma_start3A_650 : memref<4096xf32, #tpu.memory_space<hbm>>) target_semaphore(%arg16 : memref<!tpu.dma_semaphore, #tpu.memory_space<semaphore_mem>>)
    %scan3A_653 = arith.constant 0 : i32
    %scan3A_654 = arith.constant 12 : i32
    %scan3A_655 = arith.constant 4 : i32
    %scan3A_656 = arith.addi %scan3A_654, %scan3A_655 : i32
    %scan3A_657 = arith.constant 1 : i32
    scf.for %scan3A_691 = %scan3A_654 to %scan3A_656 step %scan3A_657  : i32 {
      %mul3A_692 = arith.constant 128 : i32
      %mul3A_693 = arith.muli %scan3A_691, %mul3A_692 : i32
      %mul3A_694 = arith.constant 1024 : i32
      %mul3A_695 = arith.muli %scan3A_691, %mul3A_694 : i32
      %add3A_696 = arith.constant 0 : i32
      %add3A_697 = arith.addi %mul3A_693, %add3A_696 : i32
      %get3A_698 = arith.index_cast %add3A_697 : i32 to index
      %get3A_699 = tpu.vector_load %arg8[%get3A_698] {strides = array<i32>} : memref<2048xf32, #tpu.memory_space<vmem>>, vector<16xf32>,
      %get3A_700 = vector.shape_cast %get3A_699 : vector<16xf32> to vector<16xf32>
      %sub3A_701 = arith.subf %get3A_700, %min3A_506 : vector<16xf32>
      %mul3A_702 = arith.mulf %sub3A_701, %div3A_514 : vector<16xf32>
      %add3A_703 = arith.addi %mul3A_606, %mul3A_693 : i32
      %add3A_704 = arith.constant 0 : i32
      %add3A_705 = arith.addi %add3A_703, %add3A_704 : i32
      %add3A_706 = vector.broadcast %add3A_705 : i32 to vector<16xi32>
      %add3A_707 = arith.addi %add3A_706, %iota3A : vector<16xi32>
      %lt3A_708 = arith.cmpi slt, %add3A_707, %gather3A_521 : vector<16xi32>
      %jit3A_709 = arith.constant 0.000000e+00 : f32
      %broadcast_in_dim3A_710 = vector.broadcast %jit3A_709 : f32 to vector<16xf32>
      %select_n3A_711 = arith.select %lt3A_708, %mul3A_702, %broadcast_in_dim3A_710 : vector<16xi1>, vector<16xf32>
      %jit3A_712 = arith.constant 1.000000e+00 : f32
      %jit3A_713 = arith.constant 0.000000e+00 : f32
      %broadcast_in_dim3A_714 = vector.broadcast %jit3A_712 : f32 to vector<16xf32>
      %broadcast_in_dim3A_715 = vector.broadcast %jit3A_713 : f32 to vector<16xf32>
      %select_n3A_716 = arith.select %lt3A_708, %broadcast_in_dim3A_714, %broadcast_in_dim3A_715 : vector<16xi1>, vector<16xf32>
      %add3A_717 = arith.constant 16 : i32
      %add3A_718 = arith.addi %mul3A_693, %add3A_717 : i32
      %get3A_719 = arith.index_cast %add3A_718 : i32 to index
      %get3A_720 = tpu.vector_load %arg8[%get3A_719] {strides = array<i32>} : memref<2048xf32, #tpu.memory_space<vmem>>, vector<16xf32>,
      %get3A_721 = vector.shape_cast %get3A_720 : vector<16xf32> to vector<16xf32>
      %sub3A_722 = arith.subf %get3A_721, %min3A_506 : vector<16xf32>
      %mul3A_723 = arith.mulf %sub3A_722, %div3A_514 : vector<16xf32>
      %add3A_724 = arith.addi %mul3A_606, %mul3A_693 : i32
      %add3A_725 = arith.constant 16 : i32
      %add3A_726 = arith.addi %add3A_724, %add3A_725 : i32
      %add3A_727 = vector.broadcast %add3A_726 : i32 to vector<16xi32>
      %add3A_728 = arith.addi %add3A_727, %iota3A : vector<16xi32>
      %lt3A_729 = arith.cmpi slt, %add3A_728, %gather3A_521 : vector<16xi32>
      %jit3A_730 = arith.constant 0.000000e+00 : f32
      %broadcast_in_dim3A_731 = vector.broadcast %jit3A_730 : f32 to vector<16xf32>
      %select_n3A_732 = arith.select %lt3A_729, %mul3A_723, %broadcast_in_dim3A_731 : vector<16xi1>, vector<16xf32>
      %jit3A_733 = arith.constant 1.000000e+00 : f32
      %jit3A_734 = arith.constant 0.000000e+00 : f32
      %broadcast_in_dim3A_735 = vector.broadcast %jit3A_733 : f32 to vector<16xf32>
      %broadcast_in_dim3A_736 = vector.broadcast %jit3A_734 : f32 to vector<16xf32>
      %select_n3A_737 = arith.select %lt3A_729, %broadcast_in_dim3A_735, %broadcast_in_dim3A_736 : vector<16xi1>, vector<16xf32>
      %add3A_738 = arith.constant 32 : i32
      %add3A_739 = arith.addi %mul3A_693, %add3A_738 : i32
      %get3A_740 = arith.index_cast %add3A_739 : i32 to index
      %get3A_741 = tpu.vector_load %arg8[%get3A_740] {strides = array<i32>} : memref<2048xf32, #tpu.memory_space<vmem>>, vector<16xf32>,
      %get3A_742 = vector.shape_cast %get3A_741 : vector<16xf32> to vector<16xf32>
      %sub3A_743 = arith.subf %get3A_742, %min3A_506 : vector<16xf32>
      %mul3A_744 = arith.mulf %sub3A_743, %div3A_514 : vector<16xf32>
      %add3A_745 = arith.addi %mul3A_606, %mul3A_693 : i32
      %add3A_746 = arith.constant 32 : i32
      %add3A_747 = arith.addi %add3A_745, %add3A_746 : i32
      %add3A_748 = vector.broadcast %add3A_747 : i32 to vector<16xi32>
      %add3A_749 = arith.addi %add3A_748, %iota3A : vector<16xi32>
      %lt3A_750 = arith.cmpi slt, %add3A_749, %gather3A_521 : vector<16xi32>
      %jit3A_751 = arith.constant 0.000000e+00 : f32
      %broadcast_in_dim3A_752 = vector.broadcast %jit3A_751 : f32 to vector<16xf32>
      %select_n3A_753 = arith.select %lt3A_750, %mul3A_744, %broadcast_in_dim3A_752 : vector<16xi1>, vector<16xf32>
      %jit3A_754 = arith.constant 1.000000e+00 : f32
      %jit3A_755 = arith.constant 0.000000e+00 : f32
      %broadcast_in_dim3A_756 = vector.broadcast %jit3A_754 : f32 to vector<16xf32>
      %broadcast_in_dim3A_757 = vector.broadcast %jit3A_755 : f32 to vector<16xf32>
      %select_n3A_758 = arith.select %lt3A_750, %broadcast_in_dim3A_756, %broadcast_in_dim3A_757 : vector<16xi1>, vector<16xf32>
      %add3A_759 = arith.constant 48 : i32
      %add3A_760 = arith.addi %mul3A_693, %add3A_759 : i32
      %get3A_761 = arith.index_cast %add3A_760 : i32 to index
      %get3A_762 = tpu.vector_load %arg8[%get3A_761] {strides = array<i32>} : memref<2048xf32, #tpu.memory_space<vmem>>, vector<16xf32>,
      %get3A_763 = vector.shape_cast %get3A_762 : vector<16xf32> to vector<16xf32>
      %sub3A_764 = arith.subf %get3A_763, %min3A_506 : vector<16xf32>
      %mul3A_765 = arith.mulf %sub3A_764, %div3A_514 : vector<16xf32>
      %add3A_766 = arith.addi %mul3A_606, %mul3A_693 : i32
      %add3A_767 = arith.constant 48 : i32
      %add3A_768 = arith.addi %add3A_766, %add3A_767 : i32
      %add3A_769 = vector.broadcast %add3A_768 : i32 to vector<16xi32>
      %add3A_770 = arith.addi %add3A_769, %iota3A : vector<16xi32>
      %lt3A_771 = arith.cmpi slt, %add3A_770, %gather3A_521 : vector<16xi32>
      %jit3A_772 = arith.constant 0.000000e+00 : f32
      %broadcast_in_dim3A_773 = vector.broadcast %jit3A_772 : f32 to vector<16xf32>
      %select_n3A_774 = arith.select %lt3A_771, %mul3A_765, %broadcast_in_dim3A_773 : vector<16xi1>, vector<16xf32>
      %jit3A_775 = arith.constant 1.000000e+00 : f32
      %jit3A_776 = arith.constant 0.000000e+00 : f32
      %broadcast_in_dim3A_777 = vector.broadcast %jit3A_775 : f32 to vector<16xf32>
      %broadcast_in_dim3A_778 = vector.broadcast %jit3A_776 : f32 to vector<16xf32>
      %select_n3A_779 = arith.select %lt3A_771, %broadcast_in_dim3A_777, %broadcast_in_dim3A_778 : vector<16xi1>, vector<16xf32>
      %add3A_780 = arith.constant 64 : i32
      %add3A_781 = arith.addi %mul3A_693, %add3A_780 : i32
      %get3A_782 = arith.index_cast %add3A_781 : i32 to index
      %get3A_783 = tpu.vector_load %arg8[%get3A_782] {strides = array<i32>} : memref<2048xf32, #tpu.memory_space<vmem>>, vector<16xf32>,
      %get3A_784 = vector.shape_cast %get3A_783 : vector<16xf32> to vector<16xf32>
      %sub3A_785 = arith.subf %get3A_784, %min3A_506 : vector<16xf32>
      %mul3A_786 = arith.mulf %sub3A_785, %div3A_514 : vector<16xf32>
      %add3A_787 = arith.addi %mul3A_606, %mul3A_693 : i32
      %add3A_788 = arith.constant 64 : i32
      %add3A_789 = arith.addi %add3A_787, %add3A_788 : i32
      %add3A_790 = vector.broadcast %add3A_789 : i32 to vector<16xi32>
      %add3A_791 = arith.addi %add3A_790, %iota3A : vector<16xi32>
      %lt3A_792 = arith.cmpi slt, %add3A_791, %gather3A_521 : vector<16xi32>
      %jit3A_793 = arith.constant 0.000000e+00 : f32
      %broadcast_in_dim3A_794 = vector.broadcast %jit3A_793 : f32 to vector<16xf32>
      %select_n3A_795 = arith.select %lt3A_792, %mul3A_786, %broadcast_in_dim3A_794 : vector<16xi1>, vector<16xf32>
      %jit3A_796 = arith.constant 1.000000e+00 : f32
      %jit3A_797 = arith.constant 0.000000e+00 : f32
      %broadcast_in_dim3A_798 = vector.broadcast %jit3A_796 : f32 to vector<16xf32>
      %broadcast_in_dim3A_799 = vector.broadcast %jit3A_797 : f32 to vector<16xf32>
      %select_n3A_800 = arith.select %lt3A_792, %broadcast_in_dim3A_798, %broadcast_in_dim3A_799 : vector<16xi1>, vector<16xf32>
      %add3A_801 = arith.constant 80 : i32
      %add3A_802 = arith.addi %mul3A_693, %add3A_801 : i32
      %get3A_803 = arith.index_cast %add3A_802 : i32 to index
      %get3A_804 = tpu.vector_load %arg8[%get3A_803] {strides = array<i32>} : memref<2048xf32, #tpu.memory_space<vmem>>, vector<16xf32>,
      %get3A_805 = vector.shape_cast %get3A_804 : vector<16xf32> to vector<16xf32>
      %sub3A_806 = arith.subf %get3A_805, %min3A_506 : vector<16xf32>
      %mul3A_807 = arith.mulf %sub3A_806, %div3A_514 : vector<16xf32>
      %add3A_808 = arith.addi %mul3A_606, %mul3A_693 : i32
      %add3A_809 = arith.constant 80 : i32
      %add3A_810 = arith.addi %add3A_808, %add3A_809 : i32
      %add3A_811 = vector.broadcast %add3A_810 : i32 to vector<16xi32>
      %add3A_812 = arith.addi %add3A_811, %iota3A : vector<16xi32>
      %lt3A_813 = arith.cmpi slt, %add3A_812, %gather3A_521 : vector<16xi32>
      %jit3A_814 = arith.constant 0.000000e+00 : f32
      %broadcast_in_dim3A_815 = vector.broadcast %jit3A_814 : f32 to vector<16xf32>
      %select_n3A_816 = arith.select %lt3A_813, %mul3A_807, %broadcast_in_dim3A_815 : vector<16xi1>, vector<16xf32>
      %jit3A_817 = arith.constant 1.000000e+00 : f32
      %jit3A_818 = arith.constant 0.000000e+00 : f32
      %broadcast_in_dim3A_819 = vector.broadcast %jit3A_817 : f32 to vector<16xf32>
      %broadcast_in_dim3A_820 = vector.broadcast %jit3A_818 : f32 to vector<16xf32>
      %select_n3A_821 = arith.select %lt3A_813, %broadcast_in_dim3A_819, %broadcast_in_dim3A_820 : vector<16xi1>, vector<16xf32>
      %add3A_822 = arith.constant 96 : i32
      %add3A_823 = arith.addi %mul3A_693, %add3A_822 : i32
      %get3A_824 = arith.index_cast %add3A_823 : i32 to index
      %get3A_825 = tpu.vector_load %arg8[%get3A_824] {strides = array<i32>} : memref<2048xf32, #tpu.memory_space<vmem>>, vector<16xf32>,
      %get3A_826 = vector.shape_cast %get3A_825 : vector<16xf32> to vector<16xf32>
      %sub3A_827 = arith.subf %get3A_826, %min3A_506 : vector<16xf32>
      %mul3A_828 = arith.mulf %sub3A_827, %div3A_514 : vector<16xf32>
      %add3A_829 = arith.addi %mul3A_606, %mul3A_693 : i32
      %add3A_830 = arith.constant 96 : i32
      %add3A_831 = arith.addi %add3A_829, %add3A_830 : i32
      %add3A_832 = vector.broadcast %add3A_831 : i32 to vector<16xi32>
      %add3A_833 = arith.addi %add3A_832, %iota3A : vector<16xi32>
      %lt3A_834 = arith.cmpi slt, %add3A_833, %gather3A_521 : vector<16xi32>
      %jit3A_835 = arith.constant 0.000000e+00 : f32
      %broadcast_in_dim3A_836 = vector.broadcast %jit3A_835 : f32 to vector<16xf32>
      %select_n3A_837 = arith.select %lt3A_834, %mul3A_828, %broadcast_in_dim3A_836 : vector<16xi1>, vector<16xf32>
      %jit3A_838 = arith.constant 1.000000e+00 : f32
      %jit3A_839 = arith.constant 0.000000e+00 : f32
      %broadcast_in_dim3A_840 = vector.broadcast %jit3A_838 : f32 to vector<16xf32>
      %broadcast_in_dim3A_841 = vector.broadcast %jit3A_839 : f32 to vector<16xf32>
      %select_n3A_842 = arith.select %lt3A_834, %broadcast_in_dim3A_840, %broadcast_in_dim3A_841 : vector<16xi1>, vector<16xf32>
      %add3A_843 = arith.constant 112 : i32
      %add3A_844 = arith.addi %mul3A_693, %add3A_843 : i32
      %get3A_845 = arith.index_cast %add3A_844 : i32 to index
      %get3A_846 = tpu.vector_load %arg8[%get3A_845] {strides = array<i32>} : memref<2048xf32, #tpu.memory_space<vmem>>, vector<16xf32>,
      %get3A_847 = vector.shape_cast %get3A_846 : vector<16xf32> to vector<16xf32>
      %sub3A_848 = arith.subf %get3A_847, %min3A_506 : vector<16xf32>
      %mul3A_849 = arith.mulf %sub3A_848, %div3A_514 : vector<16xf32>
      %add3A_850 = arith.addi %mul3A_606, %mul3A_693 : i32
      %add3A_851 = arith.constant 112 : i32
      %add3A_852 = arith.addi %add3A_850, %add3A_851 : i32
      %add3A_853 = vector.broadcast %add3A_852 : i32 to vector<16xi32>
      %add3A_854 = arith.addi %add3A_853, %iota3A : vector<16xi32>
      %lt3A_855 = arith.cmpi slt, %add3A_854, %gather3A_521 : vector<16xi32>
      %jit3A_856 = arith.constant 0.000000e+00 : f32
      %broadcast_in_dim3A_857 = vector.broadcast %jit3A_856 : f32 to vector<16xf32>
      %select_n3A_858 = arith.select %lt3A_855, %mul3A_849, %broadcast_in_dim3A_857 : vector<16xi1>, vector<16xf32>
      %jit3A_859 = arith.constant 1.000000e+00 : f32
      %jit3A_860 = arith.constant 0.000000e+00 : f32
      %broadcast_in_dim3A_861 = vector.broadcast %jit3A_859 : f32 to vector<16xf32>
      %broadcast_in_dim3A_862 = vector.broadcast %jit3A_860 : f32 to vector<16xf32>
      %select_n3A_863 = arith.select %lt3A_855, %broadcast_in_dim3A_861, %broadcast_in_dim3A_862 : vector<16xi1>, vector<16xf32>
      %mul3A_864 = arith.mulf %select_n3A_711, %gather3A_529 : vector<16xf32>
      %mul3A_865 = arith.mulf %select_n3A_716, %gather3A_569 : vector<16xf32>
      %add3A_866 = arith.addf %mul3A_864, %mul3A_865 : vector<16xf32>
      %add3A_867 = arith.constant 0 : i32
      %add3A_868 = arith.addi %mul3A_695, %add3A_867 : i32
      %add3A_869 = arith.constant 0 : i32
      %add3A_870 = arith.addi %add3A_868, %add3A_869 : i32
      %swap3A_871 = arith.index_cast %add3A_870 : i32 to index
      %swap3A_872 = tpu.vector_load %arg14[%swap3A_871] {strides = array<i32>} : memref<16384xf32, #tpu.memory_space<vmem>>, vector<16xf32>,
      %swap3A_873 = vector.shape_cast %swap3A_872 : vector<16xf32> to vector<16xf32>
      %swap3A_874 = vector.shape_cast %add3A_866 : vector<16xf32> to vector<16xf32>
      tpu.vector_store %arg14[%swap3A_871], %swap3A_874 {strides = array<i32>} : memref<16384xf32, #tpu.memory_space<vmem>>, vector<16xf32>,
      %mul3A_875 = arith.mulf %select_n3A_711, %gather3A_534 : vector<16xf32>
      %mul3A_876 = arith.mulf %select_n3A_716, %gather3A_574 : vector<16xf32>
      %add3A_877 = arith.addf %mul3A_875, %mul3A_876 : vector<16xf32>
      %add3A_878 = arith.constant 128 : i32
      %add3A_879 = arith.addi %mul3A_695, %add3A_878 : i32
      %add3A_880 = arith.constant 0 : i32
      %add3A_881 = arith.addi %add3A_879, %add3A_880 : i32
      %swap3A_882 = arith.index_cast %add3A_881 : i32 to index
      %swap3A_883 = tpu.vector_load %arg14[%swap3A_882] {strides = array<i32>} : memref<16384xf32, #tpu.memory_space<vmem>>, vector<16xf32>,
      %swap3A_884 = vector.shape_cast %swap3A_883 : vector<16xf32> to vector<16xf32>
      %swap3A_885 = vector.shape_cast %add3A_877 : vector<16xf32> to vector<16xf32>
      tpu.vector_store %arg14[%swap3A_882], %swap3A_885 {strides = array<i32>} : memref<16384xf32, #tpu.memory_space<vmem>>, vector<16xf32>,
      %mul3A_886 = arith.mulf %select_n3A_711, %gather3A_539 : vector<16xf32>
      %mul3A_887 = arith.mulf %select_n3A_716, %gather3A_579 : vector<16xf32>
      %add3A_888 = arith.addf %mul3A_886, %mul3A_887 : vector<16xf32>
      %add3A_889 = arith.constant 256 : i32
      %add3A_890 = arith.addi %mul3A_695, %add3A_889 : i32
      %add3A_891 = arith.constant 0 : i32
      %add3A_892 = arith.addi %add3A_890, %add3A_891 : i32
      %swap3A_893 = arith.index_cast %add3A_892 : i32 to index
      %swap3A_894 = tpu.vector_load %arg14[%swap3A_893] {strides = array<i32>} : memref<16384xf32, #tpu.memory_space<vmem>>, vector<16xf32>,
      %swap3A_895 = vector.shape_cast %swap3A_894 : vector<16xf32> to vector<16xf32>
      %swap3A_896 = vector.shape_cast %add3A_888 : vector<16xf32> to vector<16xf32>
      tpu.vector_store %arg14[%swap3A_893], %swap3A_896 {strides = array<i32>} : memref<16384xf32, #tpu.memory_space<vmem>>, vector<16xf32>,
      %mul3A_897 = arith.mulf %select_n3A_711, %gather3A_544 : vector<16xf32>
      %mul3A_898 = arith.mulf %select_n3A_716, %gather3A_584 : vector<16xf32>
      %add3A_899 = arith.addf %mul3A_897, %mul3A_898 : vector<16xf32>
      %add3A_900 = arith.constant 384 : i32
      %add3A_901 = arith.addi %mul3A_695, %add3A_900 : i32
      %add3A_902 = arith.constant 0 : i32
      %add3A_903 = arith.addi %add3A_901, %add3A_902 : i32
      %swap3A_904 = arith.index_cast %add3A_903 : i32 to index
      %swap3A_905 = tpu.vector_load %arg14[%swap3A_904] {strides = array<i32>} : memref<16384xf32, #tpu.memory_space<vmem>>, vector<16xf32>,
      %swap3A_906 = vector.shape_cast %swap3A_905 : vector<16xf32> to vector<16xf32>
      %swap3A_907 = vector.shape_cast %add3A_899 : vector<16xf32> to vector<16xf32>
      tpu.vector_store %arg14[%swap3A_904], %swap3A_907 {strides = array<i32>} : memref<16384xf32, #tpu.memory_space<vmem>>, vector<16xf32>,
      %mul3A_908 = arith.mulf %select_n3A_711, %gather3A_549 : vector<16xf32>
      %mul3A_909 = arith.mulf %select_n3A_716, %gather3A_589 : vector<16xf32>
      %add3A_910 = arith.addf %mul3A_908, %mul3A_909 : vector<16xf32>
      %add3A_911 = arith.constant 512 : i32
      %add3A_912 = arith.addi %mul3A_695, %add3A_911 : i32
      %add3A_913 = arith.constant 0 : i32
      %add3A_914 = arith.addi %add3A_912, %add3A_913 : i32
      %swap3A_915 = arith.index_cast %add3A_914 : i32 to index
      %swap3A_916 = tpu.vector_load %arg14[%swap3A_915] {strides = array<i32>} : memref<16384xf32, #tpu.memory_space<vmem>>, vector<16xf32>,
      %swap3A_917 = vector.shape_cast %swap3A_916 : vector<16xf32> to vector<16xf32>
      %swap3A_918 = vector.shape_cast %add3A_910 : vector<16xf32> to vector<16xf32>
      tpu.vector_store %arg14[%swap3A_915], %swap3A_918 {strides = array<i32>} : memref<16384xf32, #tpu.memory_space<vmem>>, vector<16xf32>,
      %mul3A_919 = arith.mulf %select_n3A_711, %gather3A_554 : vector<16xf32>
      %mul3A_920 = arith.mulf %select_n3A_716, %gather3A_594 : vector<16xf32>
      %add3A_921 = arith.addf %mul3A_919, %mul3A_920 : vector<16xf32>
      %add3A_922 = arith.constant 640 : i32
      %add3A_923 = arith.addi %mul3A_695, %add3A_922 : i32
      %add3A_924 = arith.constant 0 : i32
      %add3A_925 = arith.addi %add3A_923, %add3A_924 : i32
      %swap3A_926 = arith.index_cast %add3A_925 : i32 to index
      %swap3A_927 = tpu.vector_load %arg14[%swap3A_926] {strides = array<i32>} : memref<16384xf32, #tpu.memory_space<vmem>>, vector<16xf32>,
      %swap3A_928 = vector.shape_cast %swap3A_927 : vector<16xf32> to vector<16xf32>
      %swap3A_929 = vector.shape_cast %add3A_921 : vector<16xf32> to vector<16xf32>
      tpu.vector_store %arg14[%swap3A_926], %swap3A_929 {strides = array<i32>} : memref<16384xf32, #tpu.memory_space<vmem>>, vector<16xf32>,
      %mul3A_930 = arith.mulf %select_n3A_711, %gather3A_559 : vector<16xf32>
      %mul3A_931 = arith.mulf %select_n3A_716, %gather3A_599 : vector<16xf32>
      %add3A_932 = arith.addf %mul3A_930, %mul3A_931 : vector<16xf32>
      %add3A_933 = arith.constant 768 : i32
      %add3A_934 = arith.addi %mul3A_695, %add3A_933 : i32
      %add3A_935 = arith.constant 0 : i32
      %add3A_936 = arith.addi %add3A_934, %add3A_935 : i32
      %swap3A_937 = arith.index_cast %add3A_936 : i32 to index
      %swap3A_938 = tpu.vector_load %arg14[%swap3A_937] {strides = array<i32>} : memref<16384xf32, #tpu.memory_space<vmem>>, vector<16xf32>,
      %swap3A_939 = vector.shape_cast %swap3A_938 : vector<16xf32> to vector<16xf32>
      %swap3A_940 = vector.shape_cast %add3A_932 : vector<16xf32> to vector<16xf32>
      tpu.vector_store %arg14[%swap3A_937], %swap3A_940 {strides = array<i32>} : memref<16384xf32, #tpu.memory_space<vmem>>, vector<16xf32>,
      %mul3A_941 = arith.mulf %select_n3A_711, %gather3A_564 : vector<16xf32>
      %mul3A_942 = arith.mulf %select_n3A_716, %gather3A_604 : vector<16xf32>
      %add3A_943 = arith.addf %mul3A_941, %mul3A_942 : vector<16xf32>
      %add3A_944 = arith.constant 896 : i32
      %add3A_945 = arith.addi %mul3A_695, %add3A_944 : i32
      %add3A_946 = arith.constant 0 : i32
      %add3A_947 = arith.addi %add3A_945, %add3A_946 : i32
      %swap3A_948 = arith.index_cast %add3A_947 : i32 to index
      %swap3A_949 = tpu.vector_load %arg14[%swap3A_948] {strides = array<i32>} : memref<16384xf32, #tpu.memory_space<vmem>>, vector<16xf32>,
      %swap3A_950 = vector.shape_cast %swap3A_949 : vector<16xf32> to vector<16xf32>
      %swap3A_951 = vector.shape_cast %add3A_943 : vector<16xf32> to vector<16xf32>
      tpu.vector_store %arg14[%swap3A_948], %swap3A_951 {strides = array<i32>} : memref<16384xf32, #tpu.memory_space<vmem>>, vector<16xf32>,
      %mul3A_952 = arith.mulf %select_n3A_732, %gather3A_529 : vector<16xf32>
      %mul3A_953 = arith.mulf %select_n3A_737, %gather3A_569 : vector<16xf32>
      %add3A_954 = arith.addf %mul3A_952, %mul3A_953 : vector<16xf32>
      %add3A_955 = arith.constant 0 : i32
      %add3A_956 = arith.addi %mul3A_695, %add3A_955 : i32
      %add3A_957 = arith.constant 16 : i32
      %add3A_958 = arith.addi %add3A_956, %add3A_957 : i32
      %swap3A_959 = arith.index_cast %add3A_958 : i32 to index
      %swap3A_960 = tpu.vector_load %arg14[%swap3A_959] {strides = array<i32>} : memref<16384xf32, #tpu.memory_space<vmem>>, vector<16xf32>,
      %swap3A_961 = vector.shape_cast %swap3A_960 : vector<16xf32> to vector<16xf32>
      %swap3A_962 = vector.shape_cast %add3A_954 : vector<16xf32> to vector<16xf32>
      tpu.vector_store %arg14[%swap3A_959], %swap3A_962 {strides = array<i32>} : memref<16384xf32, #tpu.memory_space<vmem>>, vector<16xf32>,
      %mul3A_963 = arith.mulf %select_n3A_732, %gather3A_534 : vector<16xf32>
      %mul3A_964 = arith.mulf %select_n3A_737, %gather3A_574 : vector<16xf32>
      %add3A_965 = arith.addf %mul3A_963, %mul3A_964 : vector<16xf32>
      %add3A_966 = arith.constant 128 : i32
      %add3A_967 = arith.addi %mul3A_695, %add3A_966 : i32
      %add3A_968 = arith.constant 16 : i32
      %add3A_969 = arith.addi %add3A_967, %add3A_968 : i32
      %swap3A_970 = arith.index_cast %add3A_969 : i32 to index
      %swap3A_971 = tpu.vector_load %arg14[%swap3A_970] {strides = array<i32>} : memref<16384xf32, #tpu.memory_space<vmem>>, vector<16xf32>,
      %swap3A_972 = vector.shape_cast %swap3A_971 : vector<16xf32> to vector<16xf32>
      %swap3A_973 = vector.shape_cast %add3A_965 : vector<16xf32> to vector<16xf32>
      tpu.vector_store %arg14[%swap3A_970], %swap3A_973 {strides = array<i32>} : memref<16384xf32, #tpu.memory_space<vmem>>, vector<16xf32>,
      %mul3A_974 = arith.mulf %select_n3A_732, %gather3A_539 : vector<16xf32>
      %mul3A_975 = arith.mulf %select_n3A_737, %gather3A_579 : vector<16xf32>
      %add3A_976 = arith.addf %mul3A_974, %mul3A_975 : vector<16xf32>
      %add3A_977 = arith.constant 256 : i32
      %add3A_978 = arith.addi %mul3A_695, %add3A_977 : i32
      %add3A_979 = arith.constant 16 : i32
      %add3A_980 = arith.addi %add3A_978, %add3A_979 : i32
      %swap3A_981 = arith.index_cast %add3A_980 : i32 to index
      %swap3A_982 = tpu.vector_load %arg14[%swap3A_981] {strides = array<i32>} : memref<16384xf32, #tpu.memory_space<vmem>>, vector<16xf32>,
      %swap3A_983 = vector.shape_cast %swap3A_982 : vector<16xf32> to vector<16xf32>
      %swap3A_984 = vector.shape_cast %add3A_976 : vector<16xf32> to vector<16xf32>
      tpu.vector_store %arg14[%swap3A_981], %swap3A_984 {strides = array<i32>} : memref<16384xf32, #tpu.memory_space<vmem>>, vector<16xf32>,
      %mul3A_985 = arith.mulf %select_n3A_732, %gather3A_544 : vector<16xf32>
      %mul3A_986 = arith.mulf %select_n3A_737, %gather3A_584 : vector<16xf32>
      %add3A_987 = arith.addf %mul3A_985, %mul3A_986 : vector<16xf32>
      %add3A_988 = arith.constant 384 : i32
      %add3A_989 = arith.addi %mul3A_695, %add3A_988 : i32
      %add3A_990 = arith.constant 16 : i32
      %add3A_991 = arith.addi %add3A_989, %add3A_990 : i32
      %swap3A_992 = arith.index_cast %add3A_991 : i32 to index
      %swap3A_993 = tpu.vector_load %arg14[%swap3A_992] {strides = array<i32>} : memref<16384xf32, #tpu.memory_space<vmem>>, vector<16xf32>,
      %swap3A_994 = vector.shape_cast %swap3A_993 : vector<16xf32> to vector<16xf32>
      %swap3A_995 = vector.shape_cast %add3A_987 : vector<16xf32> to vector<16xf32>
      tpu.vector_store %arg14[%swap3A_992], %swap3A_995 {strides = array<i32>} : memref<16384xf32, #tpu.memory_space<vmem>>, vector<16xf32>,
      %mul3A_996 = arith.mulf %select_n3A_732, %gather3A_549 : vector<16xf32>
      %mul3A_997 = arith.mulf %select_n3A_737, %gather3A_589 : vector<16xf32>
      %add3A_998 = arith.addf %mul3A_996, %mul3A_997 : vector<16xf32>
      %add3A_999 = arith.constant 512 : i32
      %add3A_1000 = arith.addi %mul3A_695, %add3A_999 : i32
      %add3A_1001 = arith.constant 16 : i32
      %add3A_1002 = arith.addi %add3A_1000, %add3A_1001 : i32
      %swap3A_1003 = arith.index_cast %add3A_1002 : i32 to index
      %swap3A_1004 = tpu.vector_load %arg14[%swap3A_1003] {strides = array<i32>} : memref<16384xf32, #tpu.memory_space<vmem>>, vector<16xf32>,
      %swap3A_1005 = vector.shape_cast %swap3A_1004 : vector<16xf32> to vector<16xf32>
      %swap3A_1006 = vector.shape_cast %add3A_998 : vector<16xf32> to vector<16xf32>
      tpu.vector_store %arg14[%swap3A_1003], %swap3A_1006 {strides = array<i32>} : memref<16384xf32, #tpu.memory_space<vmem>>, vector<16xf32>,
      %mul3A_1007 = arith.mulf %select_n3A_732, %gather3A_554 : vector<16xf32>
      %mul3A_1008 = arith.mulf %select_n3A_737, %gather3A_594 : vector<16xf32>
      %add3A_1009 = arith.addf %mul3A_1007, %mul3A_1008 : vector<16xf32>
      %add3A_1010 = arith.constant 640 : i32
      %add3A_1011 = arith.addi %mul3A_695, %add3A_1010 : i32
      %add3A_1012 = arith.constant 16 : i32
      %add3A_1013 = arith.addi %add3A_1011, %add3A_1012 : i32
      %swap3A_1014 = arith.index_cast %add3A_1013 : i32 to index
      %swap3A_1015 = tpu.vector_load %arg14[%swap3A_1014] {strides = array<i32>} : memref<16384xf32, #tpu.memory_space<vmem>>, vector<16xf32>,
      %swap3A_1016 = vector.shape_cast %swap3A_1015 : vector<16xf32> to vector<16xf32>
      %swap3A_1017 = vector.shape_cast %add3A_1009 : vector<16xf32> to vector<16xf32>
      tpu.vector_store %arg14[%swap3A_1014], %swap3A_1017 {strides = array<i32>} : memref<16384xf32, #tpu.memory_space<vmem>>, vector<16xf32>,
      %mul3A_1018 = arith.mulf %select_n3A_732, %gather3A_559 : vector<16xf32>
      %mul3A_1019 = arith.mulf %select_n3A_737, %gather3A_599 : vector<16xf32>
      %add3A_1020 = arith.addf %mul3A_1018, %mul3A_1019 : vector<16xf32>
      %add3A_1021 = arith.constant 768 : i32
      %add3A_1022 = arith.addi %mul3A_695, %add3A_1021 : i32
      %add3A_1023 = arith.constant 16 : i32
      %add3A_1024 = arith.addi %add3A_1022, %add3A_1023 : i32
      %swap3A_1025 = arith.index_cast %add3A_1024 : i32 to index
      %swap3A_1026 = tpu.vector_load %arg14[%swap3A_1025] {strides = array<i32>} : memref<16384xf32, #tpu.memory_space<vmem>>, vector<16xf32>,
      %swap3A_1027 = vector.shape_cast %swap3A_1026 : vector<16xf32> to vector<16xf32>
      %swap3A_1028 = vector.shape_cast %add3A_1020 : vector<16xf32> to vector<16xf32>
      tpu.vector_store %arg14[%swap3A_1025], %swap3A_1028 {strides = array<i32>} : memref<16384xf32, #tpu.memory_space<vmem>>, vector<16xf32>,
      %mul3A_1029 = arith.mulf %select_n3A_732, %gather3A_564 : vector<16xf32>
      %mul3A_1030 = arith.mulf %select_n3A_737, %gather3A_604 : vector<16xf32>
      %add3A_1031 = arith.addf %mul3A_1029, %mul3A_1030 : vector<16xf32>
      %add3A_1032 = arith.constant 896 : i32
      %add3A_1033 = arith.addi %mul3A_695, %add3A_1032 : i32
      %add3A_1034 = arith.constant 16 : i32
      %add3A_1035 = arith.addi %add3A_1033, %add3A_1034 : i32
      %swap3A_1036 = arith.index_cast %add3A_1035 : i32 to index
      %swap3A_1037 = tpu.vector_load %arg14[%swap3A_1036] {strides = array<i32>} : memref<16384xf32, #tpu.memory_space<vmem>>, vector<16xf32>,
      %swap3A_1038 = vector.shape_cast %swap3A_1037 : vector<16xf32> to vector<16xf32>
      %swap3A_1039 = vector.shape_cast %add3A_1031 : vector<16xf32> to vector<16xf32>
      tpu.vector_store %arg14[%swap3A_1036], %swap3A_1039 {strides = array<i32>} : memref<16384xf32, #tpu.memory_space<vmem>>, vector<16xf32>,
      %mul3A_1040 = arith.mulf %select_n3A_753, %gather3A_529 : vector<16xf32>
      %mul3A_1041 = arith.mulf %select_n3A_758, %gather3A_569 : vector<16xf32>
      %add3A_1042 = arith.addf %mul3A_1040, %mul3A_1041 : vector<16xf32>
      %add3A_1043 = arith.constant 0 : i32
      %add3A_1044 = arith.addi %mul3A_695, %add3A_1043 : i32
      %add3A_1045 = arith.constant 32 : i32
      %add3A_1046 = arith.addi %add3A_1044, %add3A_1045 : i32
      %swap3A_1047 = arith.index_cast %add3A_1046 : i32 to index
      %swap3A_1048 = tpu.vector_load %arg14[%swap3A_1047] {strides = array<i32>} : memref<16384xf32, #tpu.memory_space<vmem>>, vector<16xf32>,
      %swap3A_1049 = vector.shape_cast %swap3A_1048 : vector<16xf32> to vector<16xf32>
      %swap3A_1050 = vector.shape_cast %add3A_1042 : vector<16xf32> to vector<16xf32>
      tpu.vector_store %arg14[%swap3A_1047], %swap3A_1050 {strides = array<i32>} : memref<16384xf32, #tpu.memory_space<vmem>>, vector<16xf32>,
      %mul3A_1051 = arith.mulf %select_n3A_753, %gather3A_534 : vector<16xf32>
      %mul3A_1052 = arith.mulf %select_n3A_758, %gather3A_574 : vector<16xf32>
      %add3A_1053 = arith.addf %mul3A_1051, %mul3A_1052 : vector<16xf32>
      %add3A_1054 = arith.constant 128 : i32
      %add3A_1055 = arith.addi %mul3A_695, %add3A_1054 : i32
      %add3A_1056 = arith.constant 32 : i32
      %add3A_1057 = arith.addi %add3A_1055, %add3A_1056 : i32
      %swap3A_1058 = arith.index_cast %add3A_1057 : i32 to index
      %swap3A_1059 = tpu.vector_load %arg14[%swap3A_1058] {strides = array<i32>} : memref<16384xf32, #tpu.memory_space<vmem>>, vector<16xf32>,
      %swap3A_1060 = vector.shape_cast %swap3A_1059 : vector<16xf32> to vector<16xf32>
      %swap3A_1061 = vector.shape_cast %add3A_1053 : vector<16xf32> to vector<16xf32>
      tpu.vector_store %arg14[%swap3A_1058], %swap3A_1061 {strides = array<i32>} : memref<16384xf32, #tpu.memory_space<vmem>>, vector<16xf32>,
      %mul3A_1062 = arith.mulf %select_n3A_753, %gather3A_539 : vector<16xf32>
      %mul3A_1063 = arith.mulf %select_n3A_758, %gather3A_579 : vector<16xf32>
      %add3A_1064 = arith.addf %mul3A_1062, %mul3A_1063 : vector<16xf32>
      %add3A_1065 = arith.constant 256 : i32
      %add3A_1066 = arith.addi %mul3A_695, %add3A_1065 : i32
      %add3A_1067 = arith.constant 32 : i32
      %add3A_1068 = arith.addi %add3A_1066, %add3A_1067 : i32
      %swap3A_1069 = arith.index_cast %add3A_1068 : i32 to index
      %swap3A_1070 = tpu.vector_load %arg14[%swap3A_1069] {strides = array<i32>} : memref<16384xf32, #tpu.memory_space<vmem>>, vector<16xf32>,
      %swap3A_1071 = vector.shape_cast %swap3A_1070 : vector<16xf32> to vector<16xf32>
      %swap3A_1072 = vector.shape_cast %add3A_1064 : vector<16xf32> to vector<16xf32>
      tpu.vector_store %arg14[%swap3A_1069], %swap3A_1072 {strides = array<i32>} : memref<16384xf32, #tpu.memory_space<vmem>>, vector<16xf32>,
      %mul3A_1073 = arith.mulf %select_n3A_753, %gather3A_544 : vector<16xf32>
      %mul3A_1074 = arith.mulf %select_n3A_758, %gather3A_584 : vector<16xf32>
      %add3A_1075 = arith.addf %mul3A_1073, %mul3A_1074 : vector<16xf32>
      %add3A_1076 = arith.constant 384 : i32
      %add3A_1077 = arith.addi %mul3A_695, %add3A_1076 : i32
      %add3A_1078 = arith.constant 32 : i32
      %add3A_1079 = arith.addi %add3A_1077, %add3A_1078 : i32
      %swap3A_1080 = arith.index_cast %add3A_1079 : i32 to index
      %swap3A_1081 = tpu.vector_load %arg14[%swap3A_1080] {strides = array<i32>} : memref<16384xf32, #tpu.memory_space<vmem>>, vector<16xf32>,
      %swap3A_1082 = vector.shape_cast %swap3A_1081 : vector<16xf32> to vector<16xf32>
      %swap3A_1083 = vector.shape_cast %add3A_1075 : vector<16xf32> to vector<16xf32>
      tpu.vector_store %arg14[%swap3A_1080], %swap3A_1083 {strides = array<i32>} : memref<16384xf32, #tpu.memory_space<vmem>>, vector<16xf32>,
      %mul3A_1084 = arith.mulf %select_n3A_753, %gather3A_549 : vector<16xf32>
      %mul3A_1085 = arith.mulf %select_n3A_758, %gather3A_589 : vector<16xf32>
      %add3A_1086 = arith.addf %mul3A_1084, %mul3A_1085 : vector<16xf32>
      %add3A_1087 = arith.constant 512 : i32
      %add3A_1088 = arith.addi %mul3A_695, %add3A_1087 : i32
      %add3A_1089 = arith.constant 32 : i32
      %add3A_1090 = arith.addi %add3A_1088, %add3A_1089 : i32
      %swap3A_1091 = arith.index_cast %add3A_1090 : i32 to index
      %swap3A_1092 = tpu.vector_load %arg14[%swap3A_1091] {strides = array<i32>} : memref<16384xf32, #tpu.memory_space<vmem>>, vector<16xf32>,
      %swap3A_1093 = vector.shape_cast %swap3A_1092 : vector<16xf32> to vector<16xf32>
      %swap3A_1094 = vector.shape_cast %add3A_1086 : vector<16xf32> to vector<16xf32>
      tpu.vector_store %arg14[%swap3A_1091], %swap3A_1094 {strides = array<i32>} : memref<16384xf32, #tpu.memory_space<vmem>>, vector<16xf32>,
      %mul3A_1095 = arith.mulf %select_n3A_753, %gather3A_554 : vector<16xf32>
      %mul3A_1096 = arith.mulf %select_n3A_758, %gather3A_594 : vector<16xf32>
      %add3A_1097 = arith.addf %mul3A_1095, %mul3A_1096 : vector<16xf32>
      %add3A_1098 = arith.constant 640 : i32
      %add3A_1099 = arith.addi %mul3A_695, %add3A_1098 : i32
      %add3A_1100 = arith.constant 32 : i32
      %add3A_1101 = arith.addi %add3A_1099, %add3A_1100 : i32
      %swap3A_1102 = arith.index_cast %add3A_1101 : i32 to index
      %swap3A_1103 = tpu.vector_load %arg14[%swap3A_1102] {strides = array<i32>} : memref<16384xf32, #tpu.memory_space<vmem>>, vector<16xf32>,
      %swap3A_1104 = vector.shape_cast %swap3A_1103 : vector<16xf32> to vector<16xf32>
      %swap3A_1105 = vector.shape_cast %add3A_1097 : vector<16xf32> to vector<16xf32>
      tpu.vector_store %arg14[%swap3A_1102], %swap3A_1105 {strides = array<i32>} : memref<16384xf32, #tpu.memory_space<vmem>>, vector<16xf32>,
      %mul3A_1106 = arith.mulf %select_n3A_753, %gather3A_559 : vector<16xf32>
      %mul3A_1107 = arith.mulf %select_n3A_758, %gather3A_599 : vector<16xf32>
      %add3A_1108 = arith.addf %mul3A_1106, %mul3A_1107 : vector<16xf32>
      %add3A_1109 = arith.constant 768 : i32
      %add3A_1110 = arith.addi %mul3A_695, %add3A_1109 : i32
      %add3A_1111 = arith.constant 32 : i32
      %add3A_1112 = arith.addi %add3A_1110, %add3A_1111 : i32
      %swap3A_1113 = arith.index_cast %add3A_1112 : i32 to index
      %swap3A_1114 = tpu.vector_load %arg14[%swap3A_1113] {strides = array<i32>} : memref<16384xf32, #tpu.memory_space<vmem>>, vector<16xf32>,
      %swap3A_1115 = vector.shape_cast %swap3A_1114 : vector<16xf32> to vector<16xf32>
      %swap3A_1116 = vector.shape_cast %add3A_1108 : vector<16xf32> to vector<16xf32>
      tpu.vector_store %arg14[%swap3A_1113], %swap3A_1116 {strides = array<i32>} : memref<16384xf32, #tpu.memory_space<vmem>>, vector<16xf32>,
      %mul3A_1117 = arith.mulf %select_n3A_753, %gather3A_564 : vector<16xf32>
      %mul3A_1118 = arith.mulf %select_n3A_758, %gather3A_604 : vector<16xf32>
      %add3A_1119 = arith.addf %mul3A_1117, %mul3A_1118 : vector<16xf32>
      %add3A_1120 = arith.constant 896 : i32
      %add3A_1121 = arith.addi %mul3A_695, %add3A_1120 : i32
      %add3A_1122 = arith.constant 32 : i32
      %add3A_1123 = arith.addi %add3A_1121, %add3A_1122 : i32
      %swap3A_1124 = arith.index_cast %add3A_1123 : i32 to index
      %swap3A_1125 = tpu.vector_load %arg14[%swap3A_1124] {strides = array<i32>} : memref<16384xf32, #tpu.memory_space<vmem>>, vector<16xf32>,
      %swap3A_1126 = vector.shape_cast %swap3A_1125 : vector<16xf32> to vector<16xf32>
      %swap3A_1127 = vector.shape_cast %add3A_1119 : vector<16xf32> to vector<16xf32>
      tpu.vector_store %arg14[%swap3A_1124], %swap3A_1127 {strides = array<i32>} : memref<16384xf32, #tpu.memory_space<vmem>>, vector<16xf32>,
      %mul3A_1128 = arith.mulf %select_n3A_774, %gather3A_529 : vector<16xf32>
      %mul3A_1129 = arith.mulf %select_n3A_779, %gather3A_569 : vector<16xf32>
      %add3A_1130 = arith.addf %mul3A_1128, %mul3A_1129 : vector<16xf32>
      %add3A_1131 = arith.constant 0 : i32
      %add3A_1132 = arith.addi %mul3A_695, %add3A_1131 : i32
      %add3A_1133 = arith.constant 48 : i32
      %add3A_1134 = arith.addi %add3A_1132, %add3A_1133 : i32
      %swap3A_1135 = arith.index_cast %add3A_1134 : i32 to index
      %swap3A_1136 = tpu.vector_load %arg14[%swap3A_1135] {strides = array<i32>} : memref<16384xf32, #tpu.memory_space<vmem>>, vector<16xf32>,
      %swap3A_1137 = vector.shape_cast %swap3A_1136 : vector<16xf32> to vector<16xf32>
      %swap3A_1138 = vector.shape_cast %add3A_1130 : vector<16xf32> to vector<16xf32>
      tpu.vector_store %arg14[%swap3A_1135], %swap3A_1138 {strides = array<i32>} : memref<16384xf32, #tpu.memory_space<vmem>>, vector<16xf32>,
      %mul3A_1139 = arith.mulf %select_n3A_774, %gather3A_534 : vector<16xf32>
      %mul3A_1140 = arith.mulf %select_n3A_779, %gather3A_574 : vector<16xf32>
      %add3A_1141 = arith.addf %mul3A_1139, %mul3A_1140 : vector<16xf32>
      %add3A_1142 = arith.constant 128 : i32
      %add3A_1143 = arith.addi %mul3A_695, %add3A_1142 : i32
      %add3A_1144 = arith.constant 48 : i32
      %add3A_1145 = arith.addi %add3A_1143, %add3A_1144 : i32
      %swap3A_1146 = arith.index_cast %add3A_1145 : i32 to index
      %swap3A_1147 = tpu.vector_load %arg14[%swap3A_1146] {strides = array<i32>} : memref<16384xf32, #tpu.memory_space<vmem>>, vector<16xf32>,
      %swap3A_1148 = vector.shape_cast %swap3A_1147 : vector<16xf32> to vector<16xf32>
      %swap3A_1149 = vector.shape_cast %add3A_1141 : vector<16xf32> to vector<16xf32>
      tpu.vector_store %arg14[%swap3A_1146], %swap3A_1149 {strides = array<i32>} : memref<16384xf32, #tpu.memory_space<vmem>>, vector<16xf32>,
      %mul3A_1150 = arith.mulf %select_n3A_774, %gather3A_539 : vector<16xf32>
      %mul3A_1151 = arith.mulf %select_n3A_779, %gather3A_579 : vector<16xf32>
      %add3A_1152 = arith.addf %mul3A_1150, %mul3A_1151 : vector<16xf32>
      %add3A_1153 = arith.constant 256 : i32
      %add3A_1154 = arith.addi %mul3A_695, %add3A_1153 : i32
      %add3A_1155 = arith.constant 48 : i32
      %add3A_1156 = arith.addi %add3A_1154, %add3A_1155 : i32
      %swap3A_1157 = arith.index_cast %add3A_1156 : i32 to index
      %swap3A_1158 = tpu.vector_load %arg14[%swap3A_1157] {strides = array<i32>} : memref<16384xf32, #tpu.memory_space<vmem>>, vector<16xf32>,
      %swap3A_1159 = vector.shape_cast %swap3A_1158 : vector<16xf32> to vector<16xf32>
      %swap3A_1160 = vector.shape_cast %add3A_1152 : vector<16xf32> to vector<16xf32>
      tpu.vector_store %arg14[%swap3A_1157], %swap3A_1160 {strides = array<i32>} : memref<16384xf32, #tpu.memory_space<vmem>>, vector<16xf32>,
      %mul3A_1161 = arith.mulf %select_n3A_774, %gather3A_544 : vector<16xf32>
      %mul3A_1162 = arith.mulf %select_n3A_779, %gather3A_584 : vector<16xf32>
      %add3A_1163 = arith.addf %mul3A_1161, %mul3A_1162 : vector<16xf32>
      %add3A_1164 = arith.constant 384 : i32
      %add3A_1165 = arith.addi %mul3A_695, %add3A_1164 : i32
      %add3A_1166 = arith.constant 48 : i32
      %add3A_1167 = arith.addi %add3A_1165, %add3A_1166 : i32
      %swap3A_1168 = arith.index_cast %add3A_1167 : i32 to index
      %swap3A_1169 = tpu.vector_load %arg14[%swap3A_1168] {strides = array<i32>} : memref<16384xf32, #tpu.memory_space<vmem>>, vector<16xf32>,
      %swap3A_1170 = vector.shape_cast %swap3A_1169 : vector<16xf32> to vector<16xf32>
      %swap3A_1171 = vector.shape_cast %add3A_1163 : vector<16xf32> to vector<16xf32>
      tpu.vector_store %arg14[%swap3A_1168], %swap3A_1171 {strides = array<i32>} : memref<16384xf32, #tpu.memory_space<vmem>>, vector<16xf32>,
      %mul3A_1172 = arith.mulf %select_n3A_774, %gather3A_549 : vector<16xf32>
      %mul3A_1173 = arith.mulf %select_n3A_779, %gather3A_589 : vector<16xf32>
      %add3A_1174 = arith.addf %mul3A_1172, %mul3A_1173 : vector<16xf32>
      %add3A_1175 = arith.constant 512 : i32
      %add3A_1176 = arith.addi %mul3A_695, %add3A_1175 : i32
      %add3A_1177 = arith.constant 48 : i32
      %add3A_1178 = arith.addi %add3A_1176, %add3A_1177 : i32
      %swap3A_1179 = arith.index_cast %add3A_1178 : i32 to index
      %swap3A_1180 = tpu.vector_load %arg14[%swap3A_1179] {strides = array<i32>} : memref<16384xf32, #tpu.memory_space<vmem>>, vector<16xf32>,
      %swap3A_1181 = vector.shape_cast %swap3A_1180 : vector<16xf32> to vector<16xf32>
      %swap3A_1182 = vector.shape_cast %add3A_1174 : vector<16xf32> to vector<16xf32>
      tpu.vector_store %arg14[%swap3A_1179], %swap3A_1182 {strides = array<i32>} : memref<16384xf32, #tpu.memory_space<vmem>>, vector<16xf32>,
      %mul3A_1183 = arith.mulf %select_n3A_774, %gather3A_554 : vector<16xf32>
      %mul3A_1184 = arith.mulf %select_n3A_779, %gather3A_594 : vector<16xf32>
      %add3A_1185 = arith.addf %mul3A_1183, %mul3A_1184 : vector<16xf32>
      %add3A_1186 = arith.constant 640 : i32
      %add3A_1187 = arith.addi %mul3A_695, %add3A_1186 : i32
      %add3A_1188 = arith.constant 48 : i32
      %add3A_1189 = arith.addi %add3A_1187, %add3A_1188 : i32
      %swap3A_1190 = arith.index_cast %add3A_1189 : i32 to index
      %swap3A_1191 = tpu.vector_load %arg14[%swap3A_1190] {strides = array<i32>} : memref<16384xf32, #tpu.memory_space<vmem>>, vector<16xf32>,
      %swap3A_1192 = vector.shape_cast %swap3A_1191 : vector<16xf32> to vector<16xf32>
      %swap3A_1193 = vector.shape_cast %add3A_1185 : vector<16xf32> to vector<16xf32>
      tpu.vector_store %arg14[%swap3A_1190], %swap3A_1193 {strides = array<i32>} : memref<16384xf32, #tpu.memory_space<vmem>>, vector<16xf32>,
      %mul3A_1194 = arith.mulf %select_n3A_774, %gather3A_559 : vector<16xf32>
      %mul3A_1195 = arith.mulf %select_n3A_779, %gather3A_599 : vector<16xf32>
      %add3A_1196 = arith.addf %mul3A_1194, %mul3A_1195 : vector<16xf32>
      %add3A_1197 = arith.constant 768 : i32
      %add3A_1198 = arith.addi %mul3A_695, %add3A_1197 : i32
      %add3A_1199 = arith.constant 48 : i32
      %add3A_1200 = arith.addi %add3A_1198, %add3A_1199 : i32
      %swap3A_1201 = arith.index_cast %add3A_1200 : i32 to index
      %swap3A_1202 = tpu.vector_load %arg14[%swap3A_1201] {strides = array<i32>} : memref<16384xf32, #tpu.memory_space<vmem>>, vector<16xf32>,
      %swap3A_1203 = vector.shape_cast %swap3A_1202 : vector<16xf32> to vector<16xf32>
      %swap3A_1204 = vector.shape_cast %add3A_1196 : vector<16xf32> to vector<16xf32>
      tpu.vector_store %arg14[%swap3A_1201], %swap3A_1204 {strides = array<i32>} : memref<16384xf32, #tpu.memory_space<vmem>>, vector<16xf32>,
      %mul3A_1205 = arith.mulf %select_n3A_774, %gather3A_564 : vector<16xf32>
      %mul3A_1206 = arith.mulf %select_n3A_779, %gather3A_604 : vector<16xf32>
      %add3A_1207 = arith.addf %mul3A_1205, %mul3A_1206 : vector<16xf32>
      %add3A_1208 = arith.constant 896 : i32
      %add3A_1209 = arith.addi %mul3A_695, %add3A_1208 : i32
      %add3A_1210 = arith.constant 48 : i32
      %add3A_1211 = arith.addi %add3A_1209, %add3A_1210 : i32
      %swap3A_1212 = arith.index_cast %add3A_1211 : i32 to index
      %swap3A_1213 = tpu.vector_load %arg14[%swap3A_1212] {strides = array<i32>} : memref<16384xf32, #tpu.memory_space<vmem>>, vector<16xf32>,
      %swap3A_1214 = vector.shape_cast %swap3A_1213 : vector<16xf32> to vector<16xf32>
      %swap3A_1215 = vector.shape_cast %add3A_1207 : vector<16xf32> to vector<16xf32>
      tpu.vector_store %arg14[%swap3A_1212], %swap3A_1215 {strides = array<i32>} : memref<16384xf32, #tpu.memory_space<vmem>>, vector<16xf32>,
      %mul3A_1216 = arith.mulf %select_n3A_795, %gather3A_529 : vector<16xf32>
      %mul3A_1217 = arith.mulf %select_n3A_800, %gather3A_569 : vector<16xf32>
      %add3A_1218 = arith.addf %mul3A_1216, %mul3A_1217 : vector<16xf32>
      %add3A_1219 = arith.constant 0 : i32
      %add3A_1220 = arith.addi %mul3A_695, %add3A_1219 : i32
      %add3A_1221 = arith.constant 64 : i32
      %add3A_1222 = arith.addi %add3A_1220, %add3A_1221 : i32
      %swap3A_1223 = arith.index_cast %add3A_1222 : i32 to index
      %swap3A_1224 = tpu.vector_load %arg14[%swap3A_1223] {strides = array<i32>} : memref<16384xf32, #tpu.memory_space<vmem>>, vector<16xf32>,
      %swap3A_1225 = vector.shape_cast %swap3A_1224 : vector<16xf32> to vector<16xf32>
      %swap3A_1226 = vector.shape_cast %add3A_1218 : vector<16xf32> to vector<16xf32>
      tpu.vector_store %arg14[%swap3A_1223], %swap3A_1226 {strides = array<i32>} : memref<16384xf32, #tpu.memory_space<vmem>>, vector<16xf32>,
      %mul3A_1227 = arith.mulf %select_n3A_795, %gather3A_534 : vector<16xf32>
      %mul3A_1228 = arith.mulf %select_n3A_800, %gather3A_574 : vector<16xf32>
      %add3A_1229 = arith.addf %mul3A_1227, %mul3A_1228 : vector<16xf32>
      %add3A_1230 = arith.constant 128 : i32
      %add3A_1231 = arith.addi %mul3A_695, %add3A_1230 : i32
      %add3A_1232 = arith.constant 64 : i32
      %add3A_1233 = arith.addi %add3A_1231, %add3A_1232 : i32
      %swap3A_1234 = arith.index_cast %add3A_1233 : i32 to index
      %swap3A_1235 = tpu.vector_load %arg14[%swap3A_1234] {strides = array<i32>} : memref<16384xf32, #tpu.memory_space<vmem>>, vector<16xf32>,
      %swap3A_1236 = vector.shape_cast %swap3A_1235 : vector<16xf32> to vector<16xf32>
      %swap3A_1237 = vector.shape_cast %add3A_1229 : vector<16xf32> to vector<16xf32>
      tpu.vector_store %arg14[%swap3A_1234], %swap3A_1237 {strides = array<i32>} : memref<16384xf32, #tpu.memory_space<vmem>>, vector<16xf32>,
      %mul3A_1238 = arith.mulf %select_n3A_795, %gather3A_539 : vector<16xf32>
      %mul3A_1239 = arith.mulf %select_n3A_800, %gather3A_579 : vector<16xf32>
      %add3A_1240 = arith.addf %mul3A_1238, %mul3A_1239 : vector<16xf32>
      %add3A_1241 = arith.constant 256 : i32
      %add3A_1242 = arith.addi %mul3A_695, %add3A_1241 : i32
      %add3A_1243 = arith.constant 64 : i32
      %add3A_1244 = arith.addi %add3A_1242, %add3A_1243 : i32
      %swap3A_1245 = arith.index_cast %add3A_1244 : i32 to index
      %swap3A_1246 = tpu.vector_load %arg14[%swap3A_1245] {strides = array<i32>} : memref<16384xf32, #tpu.memory_space<vmem>>, vector<16xf32>,
      %swap3A_1247 = vector.shape_cast %swap3A_1246 : vector<16xf32> to vector<16xf32>
      %swap3A_1248 = vector.shape_cast %add3A_1240 : vector<16xf32> to vector<16xf32>
      tpu.vector_store %arg14[%swap3A_1245], %swap3A_1248 {strides = array<i32>} : memref<16384xf32, #tpu.memory_space<vmem>>, vector<16xf32>,
      %mul3A_1249 = arith.mulf %select_n3A_795, %gather3A_544 : vector<16xf32>
      %mul3A_1250 = arith.mulf %select_n3A_800, %gather3A_584 : vector<16xf32>
      %add3A_1251 = arith.addf %mul3A_1249, %mul3A_1250 : vector<16xf32>
      %add3A_1252 = arith.constant 384 : i32
      %add3A_1253 = arith.addi %mul3A_695, %add3A_1252 : i32
      %add3A_1254 = arith.constant 64 : i32
      %add3A_1255 = arith.addi %add3A_1253, %add3A_1254 : i32
      %swap3A_1256 = arith.index_cast %add3A_1255 : i32 to index
      %swap3A_1257 = tpu.vector_load %arg14[%swap3A_1256] {strides = array<i32>} : memref<16384xf32, #tpu.memory_space<vmem>>, vector<16xf32>,
      %swap3A_1258 = vector.shape_cast %swap3A_1257 : vector<16xf32> to vector<16xf32>
      %swap3A_1259 = vector.shape_cast %add3A_1251 : vector<16xf32> to vector<16xf32>
      tpu.vector_store %arg14[%swap3A_1256], %swap3A_1259 {strides = array<i32>} : memref<16384xf32, #tpu.memory_space<vmem>>, vector<16xf32>,
      %mul3A_1260 = arith.mulf %select_n3A_795, %gather3A_549 : vector<16xf32>
      %mul3A_1261 = arith.mulf %select_n3A_800, %gather3A_589 : vector<16xf32>
      %add3A_1262 = arith.addf %mul3A_1260, %mul3A_1261 : vector<16xf32>
      %add3A_1263 = arith.constant 512 : i32
      %add3A_1264 = arith.addi %mul3A_695, %add3A_1263 : i32
      %add3A_1265 = arith.constant 64 : i32
      %add3A_1266 = arith.addi %add3A_1264, %add3A_1265 : i32
      %swap3A_1267 = arith.index_cast %add3A_1266 : i32 to index
      %swap3A_1268 = tpu.vector_load %arg14[%swap3A_1267] {strides = array<i32>} : memref<16384xf32, #tpu.memory_space<vmem>>, vector<16xf32>,
      %swap3A_1269 = vector.shape_cast %swap3A_1268 : vector<16xf32> to vector<16xf32>
      %swap3A_1270 = vector.shape_cast %add3A_1262 : vector<16xf32> to vector<16xf32>
      tpu.vector_store %arg14[%swap3A_1267], %swap3A_1270 {strides = array<i32>} : memref<16384xf32, #tpu.memory_space<vmem>>, vector<16xf32>,
      %mul3A_1271 = arith.mulf %select_n3A_795, %gather3A_554 : vector<16xf32>
      %mul3A_1272 = arith.mulf %select_n3A_800, %gather3A_594 : vector<16xf32>
      %add3A_1273 = arith.addf %mul3A_1271, %mul3A_1272 : vector<16xf32>
      %add3A_1274 = arith.constant 640 : i32
      %add3A_1275 = arith.addi %mul3A_695, %add3A_1274 : i32
      %add3A_1276 = arith.constant 64 : i32
      %add3A_1277 = arith.addi %add3A_1275, %add3A_1276 : i32
      %swap3A_1278 = arith.index_cast %add3A_1277 : i32 to index
      %swap3A_1279 = tpu.vector_load %arg14[%swap3A_1278] {strides = array<i32>} : memref<16384xf32, #tpu.memory_space<vmem>>, vector<16xf32>,
      %swap3A_1280 = vector.shape_cast %swap3A_1279 : vector<16xf32> to vector<16xf32>
      %swap3A_1281 = vector.shape_cast %add3A_1273 : vector<16xf32> to vector<16xf32>
      tpu.vector_store %arg14[%swap3A_1278], %swap3A_1281 {strides = array<i32>} : memref<16384xf32, #tpu.memory_space<vmem>>, vector<16xf32>,
      %mul3A_1282 = arith.mulf %select_n3A_795, %gather3A_559 : vector<16xf32>
      %mul3A_1283 = arith.mulf %select_n3A_800, %gather3A_599 : vector<16xf32>
      %add3A_1284 = arith.addf %mul3A_1282, %mul3A_1283 : vector<16xf32>
      %add3A_1285 = arith.constant 768 : i32
      %add3A_1286 = arith.addi %mul3A_695, %add3A_1285 : i32
      %add3A_1287 = arith.constant 64 : i32
      %add3A_1288 = arith.addi %add3A_1286, %add3A_1287 : i32
      %swap3A_1289 = arith.index_cast %add3A_1288 : i32 to index
      %swap3A_1290 = tpu.vector_load %arg14[%swap3A_1289] {strides = array<i32>} : memref<16384xf32, #tpu.memory_space<vmem>>, vector<16xf32>,
      %swap3A_1291 = vector.shape_cast %swap3A_1290 : vector<16xf32> to vector<16xf32>
      %swap3A_1292 = vector.shape_cast %add3A_1284 : vector<16xf32> to vector<16xf32>
      tpu.vector_store %arg14[%swap3A_1289], %swap3A_1292 {strides = array<i32>} : memref<16384xf32, #tpu.memory_space<vmem>>, vector<16xf32>,
      %mul3A_1293 = arith.mulf %select_n3A_795, %gather3A_564 : vector<16xf32>
      %mul3A_1294 = arith.mulf %select_n3A_800, %gather3A_604 : vector<16xf32>
      %add3A_1295 = arith.addf %mul3A_1293, %mul3A_1294 : vector<16xf32>
      %add3A_1296 = arith.constant 896 : i32
      %add3A_1297 = arith.addi %mul3A_695, %add3A_1296 : i32
      %add3A_1298 = arith.constant 64 : i32
      %add3A_1299 = arith.addi %add3A_1297, %add3A_1298 : i32
      %swap3A_1300 = arith.index_cast %add3A_1299 : i32 to index
      %swap3A_1301 = tpu.vector_load %arg14[%swap3A_1300] {strides = array<i32>} : memref<16384xf32, #tpu.memory_space<vmem>>, vector<16xf32>,
      %swap3A_1302 = vector.shape_cast %swap3A_1301 : vector<16xf32> to vector<16xf32>
      %swap3A_1303 = vector.shape_cast %add3A_1295 : vector<16xf32> to vector<16xf32>
      tpu.vector_store %arg14[%swap3A_1300], %swap3A_1303 {strides = array<i32>} : memref<16384xf32, #tpu.memory_space<vmem>>, vector<16xf32>,
      %mul3A_1304 = arith.mulf %select_n3A_816, %gather3A_529 : vector<16xf32>
      %mul3A_1305 = arith.mulf %select_n3A_821, %gather3A_569 : vector<16xf32>
      %add3A_1306 = arith.addf %mul3A_1304, %mul3A_1305 : vector<16xf32>
      %add3A_1307 = arith.constant 0 : i32
      %add3A_1308 = arith.addi %mul3A_695, %add3A_1307 : i32
      %add3A_1309 = arith.constant 80 : i32
      %add3A_1310 = arith.addi %add3A_1308, %add3A_1309 : i32
      %swap3A_1311 = arith.index_cast %add3A_1310 : i32 to index
      %swap3A_1312 = tpu.vector_load %arg14[%swap3A_1311] {strides = array<i32>} : memref<16384xf32, #tpu.memory_space<vmem>>, vector<16xf32>,
      %swap3A_1313 = vector.shape_cast %swap3A_1312 : vector<16xf32> to vector<16xf32>
      %swap3A_1314 = vector.shape_cast %add3A_1306 : vector<16xf32> to vector<16xf32>
      tpu.vector_store %arg14[%swap3A_1311], %swap3A_1314 {strides = array<i32>} : memref<16384xf32, #tpu.memory_space<vmem>>, vector<16xf32>,
      %mul3A_1315 = arith.mulf %select_n3A_816, %gather3A_534 : vector<16xf32>
      %mul3A_1316 = arith.mulf %select_n3A_821, %gather3A_574 : vector<16xf32>
      %add3A_1317 = arith.addf %mul3A_1315, %mul3A_1316 : vector<16xf32>
      %add3A_1318 = arith.constant 128 : i32
      %add3A_1319 = arith.addi %mul3A_695, %add3A_1318 : i32
      %add3A_1320 = arith.constant 80 : i32
      %add3A_1321 = arith.addi %add3A_1319, %add3A_1320 : i32
      %swap3A_1322 = arith.index_cast %add3A_1321 : i32 to index
      %swap3A_1323 = tpu.vector_load %arg14[%swap3A_1322] {strides = array<i32>} : memref<16384xf32, #tpu.memory_space<vmem>>, vector<16xf32>,
      %swap3A_1324 = vector.shape_cast %swap3A_1323 : vector<16xf32> to vector<16xf32>
      %swap3A_1325 = vector.shape_cast %add3A_1317 : vector<16xf32> to vector<16xf32>
      tpu.vector_store %arg14[%swap3A_1322], %swap3A_1325 {strides = array<i32>} : memref<16384xf32, #tpu.memory_space<vmem>>, vector<16xf32>,
      %mul3A_1326 = arith.mulf %select_n3A_816, %gather3A_539 : vector<16xf32>
      %mul3A_1327 = arith.mulf %select_n3A_821, %gather3A_579 : vector<16xf32>
      %add3A_1328 = arith.addf %mul3A_1326, %mul3A_1327 : vector<16xf32>
      %add3A_1329 = arith.constant 256 : i32
      %add3A_1330 = arith.addi %mul3A_695, %add3A_1329 : i32
      %add3A_1331 = arith.constant 80 : i32
      %add3A_1332 = arith.addi %add3A_1330, %add3A_1331 : i32
      %swap3A_1333 = arith.index_cast %add3A_1332 : i32 to index
      %swap3A_1334 = tpu.vector_load %arg14[%swap3A_1333] {strides = array<i32>} : memref<16384xf32, #tpu.memory_space<vmem>>, vector<16xf32>,
      %swap3A_1335 = vector.shape_cast %swap3A_1334 : vector<16xf32> to vector<16xf32>
      %swap3A_1336 = vector.shape_cast %add3A_1328 : vector<16xf32> to vector<16xf32>
      tpu.vector_store %arg14[%swap3A_1333], %swap3A_1336 {strides = array<i32>} : memref<16384xf32, #tpu.memory_space<vmem>>, vector<16xf32>,
      %mul3A_1337 = arith.mulf %select_n3A_816, %gather3A_544 : vector<16xf32>
      %mul3A_1338 = arith.mulf %select_n3A_821, %gather3A_584 : vector<16xf32>
      %add3A_1339 = arith.addf %mul3A_1337, %mul3A_1338 : vector<16xf32>
      %add3A_1340 = arith.constant 384 : i32
      %add3A_1341 = arith.addi %mul3A_695, %add3A_1340 : i32
      %add3A_1342 = arith.constant 80 : i32
      %add3A_1343 = arith.addi %add3A_1341, %add3A_1342 : i32
      %swap3A_1344 = arith.index_cast %add3A_1343 : i32 to index
      %swap3A_1345 = tpu.vector_load %arg14[%swap3A_1344] {strides = array<i32>} : memref<16384xf32, #tpu.memory_space<vmem>>, vector<16xf32>,
      %swap3A_1346 = vector.shape_cast %swap3A_1345 : vector<16xf32> to vector<16xf32>
      %swap3A_1347 = vector.shape_cast %add3A_1339 : vector<16xf32> to vector<16xf32>
      tpu.vector_store %arg14[%swap3A_1344], %swap3A_1347 {strides = array<i32>} : memref<16384xf32, #tpu.memory_space<vmem>>, vector<16xf32>,
      %mul3A_1348 = arith.mulf %select_n3A_816, %gather3A_549 : vector<16xf32>
      %mul3A_1349 = arith.mulf %select_n3A_821, %gather3A_589 : vector<16xf32>
      %add3A_1350 = arith.addf %mul3A_1348, %mul3A_1349 : vector<16xf32>
      %add3A_1351 = arith.constant 512 : i32
      %add3A_1352 = arith.addi %mul3A_695, %add3A_1351 : i32
      %add3A_1353 = arith.constant 80 : i32
      %add3A_1354 = arith.addi %add3A_1352, %add3A_1353 : i32
      %swap3A_1355 = arith.index_cast %add3A_1354 : i32 to index
      %swap3A_1356 = tpu.vector_load %arg14[%swap3A_1355] {strides = array<i32>} : memref<16384xf32, #tpu.memory_space<vmem>>, vector<16xf32>,
      %swap3A_1357 = vector.shape_cast %swap3A_1356 : vector<16xf32> to vector<16xf32>
      %swap3A_1358 = vector.shape_cast %add3A_1350 : vector<16xf32> to vector<16xf32>
      tpu.vector_store %arg14[%swap3A_1355], %swap3A_1358 {strides = array<i32>} : memref<16384xf32, #tpu.memory_space<vmem>>, vector<16xf32>,
      %mul3A_1359 = arith.mulf %select_n3A_816, %gather3A_554 : vector<16xf32>
      %mul3A_1360 = arith.mulf %select_n3A_821, %gather3A_594 : vector<16xf32>
      %add3A_1361 = arith.addf %mul3A_1359, %mul3A_1360 : vector<16xf32>
      %add3A_1362 = arith.constant 640 : i32
      %add3A_1363 = arith.addi %mul3A_695, %add3A_1362 : i32
      %add3A_1364 = arith.constant 80 : i32
      %add3A_1365 = arith.addi %add3A_1363, %add3A_1364 : i32
      %swap3A_1366 = arith.index_cast %add3A_1365 : i32 to index
      %swap3A_1367 = tpu.vector_load %arg14[%swap3A_1366] {strides = array<i32>} : memref<16384xf32, #tpu.memory_space<vmem>>, vector<16xf32>,
      %swap3A_1368 = vector.shape_cast %swap3A_1367 : vector<16xf32> to vector<16xf32>
      %swap3A_1369 = vector.shape_cast %add3A_1361 : vector<16xf32> to vector<16xf32>
      tpu.vector_store %arg14[%swap3A_1366], %swap3A_1369 {strides = array<i32>} : memref<16384xf32, #tpu.memory_space<vmem>>, vector<16xf32>,
      %mul3A_1370 = arith.mulf %select_n3A_816, %gather3A_559 : vector<16xf32>
      %mul3A_1371 = arith.mulf %select_n3A_821, %gather3A_599 : vector<16xf32>
      %add3A_1372 = arith.addf %mul3A_1370, %mul3A_1371 : vector<16xf32>
      %add3A_1373 = arith.constant 768 : i32
      %add3A_1374 = arith.addi %mul3A_695, %add3A_1373 : i32
      %add3A_1375 = arith.constant 80 : i32
      %add3A_1376 = arith.addi %add3A_1374, %add3A_1375 : i32
      %swap3A_1377 = arith.index_cast %add3A_1376 : i32 to index
      %swap3A_1378 = tpu.vector_load %arg14[%swap3A_1377] {strides = array<i32>} : memref<16384xf32, #tpu.memory_space<vmem>>, vector<16xf32>,
      %swap3A_1379 = vector.shape_cast %swap3A_1378 : vector<16xf32> to vector<16xf32>
      %swap3A_1380 = vector.shape_cast %add3A_1372 : vector<16xf32> to vector<16xf32>
      tpu.vector_store %arg14[%swap3A_1377], %swap3A_1380 {strides = array<i32>} : memref<16384xf32, #tpu.memory_space<vmem>>, vector<16xf32>,
      %mul3A_1381 = arith.mulf %select_n3A_816, %gather3A_564 : vector<16xf32>
      %mul3A_1382 = arith.mulf %select_n3A_821, %gather3A_604 : vector<16xf32>
      %add3A_1383 = arith.addf %mul3A_1381, %mul3A_1382 : vector<16xf32>
      %add3A_1384 = arith.constant 896 : i32
      %add3A_1385 = arith.addi %mul3A_695, %add3A_1384 : i32
      %add3A_1386 = arith.constant 80 : i32
      %add3A_1387 = arith.addi %add3A_1385, %add3A_1386 : i32
      %swap3A_1388 = arith.index_cast %add3A_1387 : i32 to index
      %swap3A_1389 = tpu.vector_load %arg14[%swap3A_1388] {strides = array<i32>} : memref<16384xf32, #tpu.memory_space<vmem>>, vector<16xf32>,
      %swap3A_1390 = vector.shape_cast %swap3A_1389 : vector<16xf32> to vector<16xf32>
      %swap3A_1391 = vector.shape_cast %add3A_1383 : vector<16xf32> to vector<16xf32>
      tpu.vector_store %arg14[%swap3A_1388], %swap3A_1391 {strides = array<i32>} : memref<16384xf32, #tpu.memory_space<vmem>>, vector<16xf32>,
      %mul3A_1392 = arith.mulf %select_n3A_837, %gather3A_529 : vector<16xf32>
      %mul3A_1393 = arith.mulf %select_n3A_842, %gather3A_569 : vector<16xf32>
      %add3A_1394 = arith.addf %mul3A_1392, %mul3A_1393 : vector<16xf32>
      %add3A_1395 = arith.constant 0 : i32
      %add3A_1396 = arith.addi %mul3A_695, %add3A_1395 : i32
      %add3A_1397 = arith.constant 96 : i32
      %add3A_1398 = arith.addi %add3A_1396, %add3A_1397 : i32
      %swap3A_1399 = arith.index_cast %add3A_1398 : i32 to index
      %swap3A_1400 = tpu.vector_load %arg14[%swap3A_1399] {strides = array<i32>} : memref<16384xf32, #tpu.memory_space<vmem>>, vector<16xf32>,
      %swap3A_1401 = vector.shape_cast %swap3A_1400 : vector<16xf32> to vector<16xf32>
      %swap3A_1402 = vector.shape_cast %add3A_1394 : vector<16xf32> to vector<16xf32>
      tpu.vector_store %arg14[%swap3A_1399], %swap3A_1402 {strides = array<i32>} : memref<16384xf32, #tpu.memory_space<vmem>>, vector<16xf32>,
      %mul3A_1403 = arith.mulf %select_n3A_837, %gather3A_534 : vector<16xf32>
      %mul3A_1404 = arith.mulf %select_n3A_842, %gather3A_574 : vector<16xf32>
      %add3A_1405 = arith.addf %mul3A_1403, %mul3A_1404 : vector<16xf32>
      %add3A_1406 = arith.constant 128 : i32
      %add3A_1407 = arith.addi %mul3A_695, %add3A_1406 : i32
      %add3A_1408 = arith.constant 96 : i32
      %add3A_1409 = arith.addi %add3A_1407, %add3A_1408 : i32
      %swap3A_1410 = arith.index_cast %add3A_1409 : i32 to index
      %swap3A_1411 = tpu.vector_load %arg14[%swap3A_1410] {strides = array<i32>} : memref<16384xf32, #tpu.memory_space<vmem>>, vector<16xf32>,
      %swap3A_1412 = vector.shape_cast %swap3A_1411 : vector<16xf32> to vector<16xf32>
      %swap3A_1413 = vector.shape_cast %add3A_1405 : vector<16xf32> to vector<16xf32>
      tpu.vector_store %arg14[%swap3A_1410], %swap3A_1413 {strides = array<i32>} : memref<16384xf32, #tpu.memory_space<vmem>>, vector<16xf32>,
      %mul3A_1414 = arith.mulf %select_n3A_837, %gather3A_539 : vector<16xf32>
      %mul3A_1415 = arith.mulf %select_n3A_842, %gather3A_579 : vector<16xf32>
      %add3A_1416 = arith.addf %mul3A_1414, %mul3A_1415 : vector<16xf32>
      %add3A_1417 = arith.constant 256 : i32
      %add3A_1418 = arith.addi %mul3A_695, %add3A_1417 : i32
      %add3A_1419 = arith.constant 96 : i32
      %add3A_1420 = arith.addi %add3A_1418, %add3A_1419 : i32
      %swap3A_1421 = arith.index_cast %add3A_1420 : i32 to index
      %swap3A_1422 = tpu.vector_load %arg14[%swap3A_1421] {strides = array<i32>} : memref<16384xf32, #tpu.memory_space<vmem>>, vector<16xf32>,
      %swap3A_1423 = vector.shape_cast %swap3A_1422 : vector<16xf32> to vector<16xf32>
      %swap3A_1424 = vector.shape_cast %add3A_1416 : vector<16xf32> to vector<16xf32>
      tpu.vector_store %arg14[%swap3A_1421], %swap3A_1424 {strides = array<i32>} : memref<16384xf32, #tpu.memory_space<vmem>>, vector<16xf32>,
      %mul3A_1425 = arith.mulf %select_n3A_837, %gather3A_544 : vector<16xf32>
      %mul3A_1426 = arith.mulf %select_n3A_842, %gather3A_584 : vector<16xf32>
      %add3A_1427 = arith.addf %mul3A_1425, %mul3A_1426 : vector<16xf32>
      %add3A_1428 = arith.constant 384 : i32
      %add3A_1429 = arith.addi %mul3A_695, %add3A_1428 : i32
      %add3A_1430 = arith.constant 96 : i32
      %add3A_1431 = arith.addi %add3A_1429, %add3A_1430 : i32
      %swap3A_1432 = arith.index_cast %add3A_1431 : i32 to index
      %swap3A_1433 = tpu.vector_load %arg14[%swap3A_1432] {strides = array<i32>} : memref<16384xf32, #tpu.memory_space<vmem>>, vector<16xf32>,
      %swap3A_1434 = vector.shape_cast %swap3A_1433 : vector<16xf32> to vector<16xf32>
      %swap3A_1435 = vector.shape_cast %add3A_1427 : vector<16xf32> to vector<16xf32>
      tpu.vector_store %arg14[%swap3A_1432], %swap3A_1435 {strides = array<i32>} : memref<16384xf32, #tpu.memory_space<vmem>>, vector<16xf32>,
      %mul3A_1436 = arith.mulf %select_n3A_837, %gather3A_549 : vector<16xf32>
      %mul3A_1437 = arith.mulf %select_n3A_842, %gather3A_589 : vector<16xf32>
      %add3A_1438 = arith.addf %mul3A_1436, %mul3A_1437 : vector<16xf32>
      %add3A_1439 = arith.constant 512 : i32
      %add3A_1440 = arith.addi %mul3A_695, %add3A_1439 : i32
      %add3A_1441 = arith.constant 96 : i32
      %add3A_1442 = arith.addi %add3A_1440, %add3A_1441 : i32
      %swap3A_1443 = arith.index_cast %add3A_1442 : i32 to index
      %swap3A_1444 = tpu.vector_load %arg14[%swap3A_1443] {strides = array<i32>} : memref<16384xf32, #tpu.memory_space<vmem>>, vector<16xf32>,
      %swap3A_1445 = vector.shape_cast %swap3A_1444 : vector<16xf32> to vector<16xf32>
      %swap3A_1446 = vector.shape_cast %add3A_1438 : vector<16xf32> to vector<16xf32>
      tpu.vector_store %arg14[%swap3A_1443], %swap3A_1446 {strides = array<i32>} : memref<16384xf32, #tpu.memory_space<vmem>>, vector<16xf32>,
      %mul3A_1447 = arith.mulf %select_n3A_837, %gather3A_554 : vector<16xf32>
      %mul3A_1448 = arith.mulf %select_n3A_842, %gather3A_594 : vector<16xf32>
      %add3A_1449 = arith.addf %mul3A_1447, %mul3A_1448 : vector<16xf32>
      %add3A_1450 = arith.constant 640 : i32
      %add3A_1451 = arith.addi %mul3A_695, %add3A_1450 : i32
      %add3A_1452 = arith.constant 96 : i32
      %add3A_1453 = arith.addi %add3A_1451, %add3A_1452 : i32
      %swap3A_1454 = arith.index_cast %add3A_1453 : i32 to index
      %swap3A_1455 = tpu.vector_load %arg14[%swap3A_1454] {strides = array<i32>} : memref<16384xf32, #tpu.memory_space<vmem>>, vector<16xf32>,
      %swap3A_1456 = vector.shape_cast %swap3A_1455 : vector<16xf32> to vector<16xf32>
      %swap3A_1457 = vector.shape_cast %add3A_1449 : vector<16xf32> to vector<16xf32>
      tpu.vector_store %arg14[%swap3A_1454], %swap3A_1457 {strides = array<i32>} : memref<16384xf32, #tpu.memory_space<vmem>>, vector<16xf32>,
      %mul3A_1458 = arith.mulf %select_n3A_837, %gather3A_559 : vector<16xf32>
      %mul3A_1459 = arith.mulf %select_n3A_842, %gather3A_599 : vector<16xf32>
      %add3A_1460 = arith.addf %mul3A_1458, %mul3A_1459 : vector<16xf32>
      %add3A_1461 = arith.constant 768 : i32
      %add3A_1462 = arith.addi %mul3A_695, %add3A_1461 : i32
      %add3A_1463 = arith.constant 96 : i32
      %add3A_1464 = arith.addi %add3A_1462, %add3A_1463 : i32
      %swap3A_1465 = arith.index_cast %add3A_1464 : i32 to index
      %swap3A_1466 = tpu.vector_load %arg14[%swap3A_1465] {strides = array<i32>} : memref<16384xf32, #tpu.memory_space<vmem>>, vector<16xf32>,
      %swap3A_1467 = vector.shape_cast %swap3A_1466 : vector<16xf32> to vector<16xf32>
      %swap3A_1468 = vector.shape_cast %add3A_1460 : vector<16xf32> to vector<16xf32>
      tpu.vector_store %arg14[%swap3A_1465], %swap3A_1468 {strides = array<i32>} : memref<16384xf32, #tpu.memory_space<vmem>>, vector<16xf32>,
      %mul3A_1469 = arith.mulf %select_n3A_837, %gather3A_564 : vector<16xf32>
      %mul3A_1470 = arith.mulf %select_n3A_842, %gather3A_604 : vector<16xf32>
      %add3A_1471 = arith.addf %mul3A_1469, %mul3A_1470 : vector<16xf32>
      %add3A_1472 = arith.constant 896 : i32
      %add3A_1473 = arith.addi %mul3A_695, %add3A_1472 : i32
      %add3A_1474 = arith.constant 96 : i32
      %add3A_1475 = arith.addi %add3A_1473, %add3A_1474 : i32
      %swap3A_1476 = arith.index_cast %add3A_1475 : i32 to index
      %swap3A_1477 = tpu.vector_load %arg14[%swap3A_1476] {strides = array<i32>} : memref<16384xf32, #tpu.memory_space<vmem>>, vector<16xf32>,
      %swap3A_1478 = vector.shape_cast %swap3A_1477 : vector<16xf32> to vector<16xf32>
      %swap3A_1479 = vector.shape_cast %add3A_1471 : vector<16xf32> to vector<16xf32>
      tpu.vector_store %arg14[%swap3A_1476], %swap3A_1479 {strides = array<i32>} : memref<16384xf32, #tpu.memory_space<vmem>>, vector<16xf32>,
      %mul3A_1480 = arith.mulf %select_n3A_858, %gather3A_529 : vector<16xf32>
      %mul3A_1481 = arith.mulf %select_n3A_863, %gather3A_569 : vector<16xf32>
      %add3A_1482 = arith.addf %mul3A_1480, %mul3A_1481 : vector<16xf32>
      %add3A_1483 = arith.constant 0 : i32
      %add3A_1484 = arith.addi %mul3A_695, %add3A_1483 : i32
      %add3A_1485 = arith.constant 112 : i32
      %add3A_1486 = arith.addi %add3A_1484, %add3A_1485 : i32
      %swap3A_1487 = arith.index_cast %add3A_1486 : i32 to index
      %swap3A_1488 = tpu.vector_load %arg14[%swap3A_1487] {strides = array<i32>} : memref<16384xf32, #tpu.memory_space<vmem>>, vector<16xf32>,
      %swap3A_1489 = vector.shape_cast %swap3A_1488 : vector<16xf32> to vector<16xf32>
      %swap3A_1490 = vector.shape_cast %add3A_1482 : vector<16xf32> to vector<16xf32>
      tpu.vector_store %arg14[%swap3A_1487], %swap3A_1490 {strides = array<i32>} : memref<16384xf32, #tpu.memory_space<vmem>>, vector<16xf32>,
      %mul3A_1491 = arith.mulf %select_n3A_858, %gather3A_534 : vector<16xf32>
      %mul3A_1492 = arith.mulf %select_n3A_863, %gather3A_574 : vector<16xf32>
      %add3A_1493 = arith.addf %mul3A_1491, %mul3A_1492 : vector<16xf32>
      %add3A_1494 = arith.constant 128 : i32
      %add3A_1495 = arith.addi %mul3A_695, %add3A_1494 : i32
      %add3A_1496 = arith.constant 112 : i32
      %add3A_1497 = arith.addi %add3A_1495, %add3A_1496 : i32
      %swap3A_1498 = arith.index_cast %add3A_1497 : i32 to index
      %swap3A_1499 = tpu.vector_load %arg14[%swap3A_1498] {strides = array<i32>} : memref<16384xf32, #tpu.memory_space<vmem>>, vector<16xf32>,
      %swap3A_1500 = vector.shape_cast %swap3A_1499 : vector<16xf32> to vector<16xf32>
      %swap3A_1501 = vector.shape_cast %add3A_1493 : vector<16xf32> to vector<16xf32>
      tpu.vector_store %arg14[%swap3A_1498], %swap3A_1501 {strides = array<i32>} : memref<16384xf32, #tpu.memory_space<vmem>>, vector<16xf32>,
      %mul3A_1502 = arith.mulf %select_n3A_858, %gather3A_539 : vector<16xf32>
      %mul3A_1503 = arith.mulf %select_n3A_863, %gather3A_579 : vector<16xf32>
      %add3A_1504 = arith.addf %mul3A_1502, %mul3A_1503 : vector<16xf32>
      %add3A_1505 = arith.constant 256 : i32
      %add3A_1506 = arith.addi %mul3A_695, %add3A_1505 : i32
      %add3A_1507 = arith.constant 112 : i32
      %add3A_1508 = arith.addi %add3A_1506, %add3A_1507 : i32
      %swap3A_1509 = arith.index_cast %add3A_1508 : i32 to index
      %swap3A_1510 = tpu.vector_load %arg14[%swap3A_1509] {strides = array<i32>} : memref<16384xf32, #tpu.memory_space<vmem>>, vector<16xf32>,
      %swap3A_1511 = vector.shape_cast %swap3A_1510 : vector<16xf32> to vector<16xf32>
      %swap3A_1512 = vector.shape_cast %add3A_1504 : vector<16xf32> to vector<16xf32>
      tpu.vector_store %arg14[%swap3A_1509], %swap3A_1512 {strides = array<i32>} : memref<16384xf32, #tpu.memory_space<vmem>>, vector<16xf32>,
      %mul3A_1513 = arith.mulf %select_n3A_858, %gather3A_544 : vector<16xf32>
      %mul3A_1514 = arith.mulf %select_n3A_863, %gather3A_584 : vector<16xf32>
      %add3A_1515 = arith.addf %mul3A_1513, %mul3A_1514 : vector<16xf32>
      %add3A_1516 = arith.constant 384 : i32
      %add3A_1517 = arith.addi %mul3A_695, %add3A_1516 : i32
      %add3A_1518 = arith.constant 112 : i32
      %add3A_1519 = arith.addi %add3A_1517, %add3A_1518 : i32
      %swap3A_1520 = arith.index_cast %add3A_1519 : i32 to index
      %swap3A_1521 = tpu.vector_load %arg14[%swap3A_1520] {strides = array<i32>} : memref<16384xf32, #tpu.memory_space<vmem>>, vector<16xf32>,
      %swap3A_1522 = vector.shape_cast %swap3A_1521 : vector<16xf32> to vector<16xf32>
      %swap3A_1523 = vector.shape_cast %add3A_1515 : vector<16xf32> to vector<16xf32>
      tpu.vector_store %arg14[%swap3A_1520], %swap3A_1523 {strides = array<i32>} : memref<16384xf32, #tpu.memory_space<vmem>>, vector<16xf32>,
      %mul3A_1524 = arith.mulf %select_n3A_858, %gather3A_549 : vector<16xf32>
      %mul3A_1525 = arith.mulf %select_n3A_863, %gather3A_589 : vector<16xf32>
      %add3A_1526 = arith.addf %mul3A_1524, %mul3A_1525 : vector<16xf32>
      %add3A_1527 = arith.constant 512 : i32
      %add3A_1528 = arith.addi %mul3A_695, %add3A_1527 : i32
      %add3A_1529 = arith.constant 112 : i32
      %add3A_1530 = arith.addi %add3A_1528, %add3A_1529 : i32
      %swap3A_1531 = arith.index_cast %add3A_1530 : i32 to index
      %swap3A_1532 = tpu.vector_load %arg14[%swap3A_1531] {strides = array<i32>} : memref<16384xf32, #tpu.memory_space<vmem>>, vector<16xf32>,
      %swap3A_1533 = vector.shape_cast %swap3A_1532 : vector<16xf32> to vector<16xf32>
      %swap3A_1534 = vector.shape_cast %add3A_1526 : vector<16xf32> to vector<16xf32>
      tpu.vector_store %arg14[%swap3A_1531], %swap3A_1534 {strides = array<i32>} : memref<16384xf32, #tpu.memory_space<vmem>>, vector<16xf32>,
      %mul3A_1535 = arith.mulf %select_n3A_858, %gather3A_554 : vector<16xf32>
      %mul3A_1536 = arith.mulf %select_n3A_863, %gather3A_594 : vector<16xf32>
      %add3A_1537 = arith.addf %mul3A_1535, %mul3A_1536 : vector<16xf32>
      %add3A_1538 = arith.constant 640 : i32
      %add3A_1539 = arith.addi %mul3A_695, %add3A_1538 : i32
      %add3A_1540 = arith.constant 112 : i32
      %add3A_1541 = arith.addi %add3A_1539, %add3A_1540 : i32
      %swap3A_1542 = arith.index_cast %add3A_1541 : i32 to index
      %swap3A_1543 = tpu.vector_load %arg14[%swap3A_1542] {strides = array<i32>} : memref<16384xf32, #tpu.memory_space<vmem>>, vector<16xf32>,
      %swap3A_1544 = vector.shape_cast %swap3A_1543 : vector<16xf32> to vector<16xf32>
      %swap3A_1545 = vector.shape_cast %add3A_1537 : vector<16xf32> to vector<16xf32>
      tpu.vector_store %arg14[%swap3A_1542], %swap3A_1545 {strides = array<i32>} : memref<16384xf32, #tpu.memory_space<vmem>>, vector<16xf32>,
      %mul3A_1546 = arith.mulf %select_n3A_858, %gather3A_559 : vector<16xf32>
      %mul3A_1547 = arith.mulf %select_n3A_863, %gather3A_599 : vector<16xf32>
      %add3A_1548 = arith.addf %mul3A_1546, %mul3A_1547 : vector<16xf32>
      %add3A_1549 = arith.constant 768 : i32
      %add3A_1550 = arith.addi %mul3A_695, %add3A_1549 : i32
      %add3A_1551 = arith.constant 112 : i32
      %add3A_1552 = arith.addi %add3A_1550, %add3A_1551 : i32
      %swap3A_1553 = arith.index_cast %add3A_1552 : i32 to index
      %swap3A_1554 = tpu.vector_load %arg14[%swap3A_1553] {strides = array<i32>} : memref<16384xf32, #tpu.memory_space<vmem>>, vector<16xf32>,
      %swap3A_1555 = vector.shape_cast %swap3A_1554 : vector<16xf32> to vector<16xf32>
      %swap3A_1556 = vector.shape_cast %add3A_1548 : vector<16xf32> to vector<16xf32>
      tpu.vector_store %arg14[%swap3A_1553], %swap3A_1556 {strides = array<i32>} : memref<16384xf32, #tpu.memory_space<vmem>>, vector<16xf32>,
      %mul3A_1557 = arith.mulf %select_n3A_858, %gather3A_564 : vector<16xf32>
      %mul3A_1558 = arith.mulf %select_n3A_863, %gather3A_604 : vector<16xf32>
      %add3A_1559 = arith.addf %mul3A_1557, %mul3A_1558 : vector<16xf32>
      %add3A_1560 = arith.constant 896 : i32
      %add3A_1561 = arith.addi %mul3A_695, %add3A_1560 : i32
      %add3A_1562 = arith.constant 112 : i32
      %add3A_1563 = arith.addi %add3A_1561, %add3A_1562 : i32
      %swap3A_1564 = arith.index_cast %add3A_1563 : i32 to index
      %swap3A_1565 = tpu.vector_load %arg14[%swap3A_1564] {strides = array<i32>} : memref<16384xf32, #tpu.memory_space<vmem>>, vector<16xf32>,
      %swap3A_1566 = vector.shape_cast %swap3A_1565 : vector<16xf32> to vector<16xf32>
      %swap3A_1567 = vector.shape_cast %add3A_1559 : vector<16xf32> to vector<16xf32>
      tpu.vector_store %arg14[%swap3A_1564], %swap3A_1567 {strides = array<i32>} : memref<16384xf32, #tpu.memory_space<vmem>>, vector<16xf32>,
    }
    %scan3A_658 = arith.constant 4 : i32
    %add3A_659 = arith.constant 12288 : i32
    %add3A_660 = arith.addi %mul3A_610, %add3A_659 : i32
    %dma_start3A_661 = arith.constant 12288 : i32
    %dma_start3A_662 = tpu.memref_slice %arg14[%dma_start3A_661] : memref<16384xf32, #tpu.memory_space<vmem>> -> memref<4096xf32, #tpu.memory_space<vmem>>
    %dma_start3A_663 = tpu.memref_slice %arg6[%add3A_660] : memref<524288xf32, #tpu.memory_space<hbm>> -> memref<4096xf32, #tpu.memory_space<hbm>>
    %dma_start3A_664 = tpu.memref_slice %arg6[%add3A_660] : memref<524288xf32, #tpu.memory_space<hbm>> -> memref<4096xf32, #tpu.memory_space<hbm>>
    %dma_start3A_665 = arith.constant 12288 : i32
    %dma_start3A_666 = tpu.memref_slice %arg14[%dma_start3A_665] : memref<16384xf32, #tpu.memory_space<vmem>> -> memref<4096xf32, #tpu.memory_space<vmem>>
    tpu.enqueue_dma source(%dma_start3A_666 : memref<4096xf32, #tpu.memory_space<vmem>>) target(%dma_start3A_664 : memref<4096xf32, #tpu.memory_space<hbm>>) target_semaphore(%arg16 : memref<!tpu.dma_semaphore, #tpu.memory_space<semaphore_mem>>)
    %dma_wait3A_667 = arith.constant 0 : i32
    %dma_wait3A_668 = tpu.memref_slice %arg14[%dma_wait3A_667] : memref<16384xf32, #tpu.memory_space<vmem>> -> memref<4096xf32, #tpu.memory_space<vmem>>
    %dma_wait3A_669 = tpu.memref_slice %arg6[%add3A_618] : memref<524288xf32, #tpu.memory_space<hbm>> -> memref<4096xf32, #tpu.memory_space<hbm>>
    %dma_wait3A_670 = tpu.memref_slice %arg6[%add3A_618] : memref<524288xf32, #tpu.memory_space<hbm>> -> memref<4096xf32, #tpu.memory_space<hbm>>
    %dma_wait3A_671 = arith.constant 0 : i32
    %dma_wait3A_672 = tpu.memref_slice %arg14[%dma_wait3A_671] : memref<16384xf32, #tpu.memory_space<vmem>> -> memref<4096xf32, #tpu.memory_space<vmem>>
    tpu.wait_dma2 semaphore(%arg16 : memref<!tpu.dma_semaphore, #tpu.memory_space<semaphore_mem>>) src(%dma_wait3A_672 : memref<4096xf32, #tpu.memory_space<vmem>>) dst(%dma_wait3A_670 : memref<4096xf32, #tpu.memory_space<hbm>>)
    %dma_wait3A_673 = arith.constant 4096 : i32
    %dma_wait3A_674 = tpu.memref_slice %arg14[%dma_wait3A_673] : memref<16384xf32, #tpu.memory_space<vmem>> -> memref<4096xf32, #tpu.memory_space<vmem>>
    %dma_wait3A_675 = tpu.memref_slice %arg6[%add3A_632] : memref<524288xf32, #tpu.memory_space<hbm>> -> memref<4096xf32, #tpu.memory_space<hbm>>
    %dma_wait3A_676 = tpu.memref_slice %arg6[%add3A_632] : memref<524288xf32, #tpu.memory_space<hbm>> -> memref<4096xf32, #tpu.memory_space<hbm>>
    %dma_wait3A_677 = arith.constant 4096 : i32
    %dma_wait3A_678 = tpu.memref_slice %arg14[%dma_wait3A_677] : memref<16384xf32, #tpu.memory_space<vmem>> -> memref<4096xf32, #tpu.memory_space<vmem>>
    tpu.wait_dma2 semaphore(%arg16 : memref<!tpu.dma_semaphore, #tpu.memory_space<semaphore_mem>>) src(%dma_wait3A_678 : memref<4096xf32, #tpu.memory_space<vmem>>) dst(%dma_wait3A_676 : memref<4096xf32, #tpu.memory_space<hbm>>)
    %dma_wait3A_679 = arith.constant 8192 : i32
    %dma_wait3A_680 = tpu.memref_slice %arg14[%dma_wait3A_679] : memref<16384xf32, #tpu.memory_space<vmem>> -> memref<4096xf32, #tpu.memory_space<vmem>>
    %dma_wait3A_681 = tpu.memref_slice %arg6[%add3A_646] : memref<524288xf32, #tpu.memory_space<hbm>> -> memref<4096xf32, #tpu.memory_space<hbm>>
    %dma_wait3A_682 = tpu.memref_slice %arg6[%add3A_646] : memref<524288xf32, #tpu.memory_space<hbm>> -> memref<4096xf32, #tpu.memory_space<hbm>>
    %dma_wait3A_683 = arith.constant 8192 : i32
    %dma_wait3A_684 = tpu.memref_slice %arg14[%dma_wait3A_683] : memref<16384xf32, #tpu.memory_space<vmem>> -> memref<4096xf32, #tpu.memory_space<vmem>>
    tpu.wait_dma2 semaphore(%arg16 : memref<!tpu.dma_semaphore, #tpu.memory_space<semaphore_mem>>) src(%dma_wait3A_684 : memref<4096xf32, #tpu.memory_space<vmem>>) dst(%dma_wait3A_682 : memref<4096xf32, #tpu.memory_space<hbm>>)
    %dma_wait3A_685 = arith.constant 12288 : i32
    %dma_wait3A_686 = tpu.memref_slice %arg14[%dma_wait3A_685] : memref<16384xf32, #tpu.memory_space<vmem>> -> memref<4096xf32, #tpu.memory_space<vmem>>
    %dma_wait3A_687 = tpu.memref_slice %arg6[%add3A_660] : memref<524288xf32, #tpu.memory_space<hbm>> -> memref<4096xf32, #tpu.memory_space<hbm>>
    %dma_wait3A_688 = tpu.memref_slice %arg6[%add3A_660] : memref<524288xf32, #tpu.memory_space<hbm>> -> memref<4096xf32, #tpu.memory_space<hbm>>
    %dma_wait3A_689 = arith.constant 12288 : i32
    %dma_wait3A_690 = tpu.memref_slice %arg14[%dma_wait3A_689] : memref<16384xf32, #tpu.memory_space<vmem>> -> memref<4096xf32, #tpu.memory_space<vmem>>
    tpu.wait_dma2 semaphore(%arg16 : memref<!tpu.dma_semaphore, #tpu.memory_space<semaphore_mem>>) src(%dma_wait3A_690 : memref<4096xf32, #tpu.memory_space<vmem>>) dst(%dma_wait3A_688 : memref<4096xf32, #tpu.memory_space<hbm>>)
    return
  }
}

</mosaic_0001>

<sc_bundles>
// kernel: kernel.3.cloned.1.call-start
scs
__scs_entry_jumppad:
0x0: {  	(pc) =	sbr.rel $0x88, $3  }
0x1: {  	(tag) =	ssettag $0x0;
	lr =	simm.s32 $0x1  }
0x2: {  	[smem:$0x3F9D] =	sst lr;
	_ =	strace $0xD0000000  }
0x3: {  	_ = 	snop  }
0x4: {  	_ = 	snop  }
0x5: {  	_ = 	snop  }
0x6: {  	_ = 	snop  }
0x7: {  	_ = 	snop  }
__scs_overlays_trampoline_lowered:
0x8: {  	[smem:$0x3FAC] =	sst s0  }
0x9: {  	[smem:$0x3FAD] =	sst s1  }
0xa: {  	[smem:$0x3FAE] =	sst s2  }
0xb: {  	[smem:$0x3FAF] =	sst s3  }
0xc: {  	[smem:$0x3FB0] =	sst s4  }
0xd: {  	[smem:$0x3FB1] =	sst s5  }
0xe: {  	[smem:$0x3FB2] =	sst s6  }
0xf: {  	[smem:$0x3FB3] =	sst s7  }
0x10: {  	[smem:$0x3FB4] =	sst s8  }
0x11: {  	[smem:$0x3FB5] =	sst s9;
	s0 =	simm.s32 @!p0 $0x0  }
0x12: {  	s1 =	sld [smem:$0x3F9B];
	s0 =	simm.s32 @p0 $0x1  }
0x13: {  	[smem:$0x3FB6] =	sst s0;
	s0 =	simm.s32 @!p1 $0x0  }
0x14: {  	s2 =	sld [smem:$0x3F9A];
	s0 =	simm.s32 @p1 $0x1  }
0x15: {  	[smem:$0x3FB7] =	sst s0;
	s0 =	simm.s32 @!p2 $0x0  }
0x16: {  	s3 =	sld [smem:$0x3FDB];
	s0 =	simm.s32 @p2 $0x1  }
0x17: {  	s4 =	simm.s32 $0x1BF5;
	[smem:$0x3FB9] =	sst s0  }
0x18: {  	s0 =	sld [smem:$0x3F9C];
	_ =	swait.ge [sflag:s4], $0x0  }
0x19: {  	s7 =	sld [smem:$0x3F9D]  }
0x1a: {  	s8 =	sadd.s32 $0xFFFFE003, lr  }
0x1b: {  	s9 =	sadd.s32 $0xFFFFFEF7, lr;
	s5 =	simm.s32 $0xFFFFFFFF;
	p2 =	slt.u32 s8, $0xFFFFF086  }
0x1c: {  	p1 =	slt.u32 s9, $0xF7A;
	s5 =	simm.s32 @!p2 $0x0  }
0x1d: {  	s5 =	simm.s32 @p1 $0x1;
	p0 =	seq.s32 s7, s2  }
0x1e: {  	s7 =	smul.u32 @!p0 $0xF7A, s2;
	p2 =	seq.s32 @!p0 s5, $0x0  }
0x1f: {  	s9 =	smul.u32 $0xF7A, s1;
	s8 =	simm.s32 @!p0 $0x1BF5;
	p2 =	por !p2, p0  }
0x20: {  	[sflag:s8] =	ssyncset.s32 @!p0 $0xFFFFF086;
	s6 =	sadd.s32 @!p0 s3, s7;
	s7 =	simm.s32 @!p0 $0x108  }
0x21: {  	s3 =	sadd.s32 s3, s9;
	s6 =	sadd.s32 @!p0 $0x88, s6;
	s7 =	simm.s32 @p2 $0x1082  }
0x22: {  	[simem:s7], [sflag:s8] =	dma.local @!p0 [hbm:s6], $0xF7A  }
0x23: {  	s9 =	sor.u32 $0xD0000000, s2;
	s6 =	simm.s32 $0x108;
	_ =	swait.ge @!p0 [sflag:s8], $0x0  }
0x24: {  	s3 =	sadd.s32 $0x88, s3;
	s6 =	simm.s32 @!p1 $0x1082;
	[sflag:s4] =	ssyncset.s32 $0xFFFFF086  }
0x25: {  	[simem:s6], [sflag:s4] =	dma.local [hbm:s3], $0xF7A  }
0x26: {  	[smem:$0x3F9D] =	sst s1;
	(tag) =	ssettag s2;
	_ =	strace s9  }
0x27: {  	s1 =	sld [smem:$0x3FAD]  }
0x28: {  	s2 =	sld [smem:$0x3FAE]  }
0x29: {  	s4 =	sld [smem:$0x3FB0]  }
0x2a: {  	p0 =	seq.s32 s5, $0x0;
	s5 =	sld [smem:$0x3FB1]  }
0x2b: {  	s6 =	sld [smem:$0x3FB2]  }
0x2c: {  	s7 =	sld [smem:$0x3FB3]  }
0x2d: {  	s3 =	simm.s32 $0x108;
	s8 =	sld [smem:$0x3FB4]  }
0x2e: {  	s3 =	simm.s32 @!p0 $0x1082;
	s9 =	sld [smem:$0x3FB5]  }
0x2f: {  	lr =	sadd.s32 s0, s3;
	s0 =	sld [smem:$0x3FAC]  }
0x30: {  	s3 =	sld [smem:$0x3FAF]  }
0x31: {  	[smem:$0x3FB8] =	sst s10  }
0x32: {  	s10 =	sld [smem:$0x3FB6];
	_ =	sdelay $0x3  }
0x33: {  	p0 =	seq.s32 s10, $0x1;
	s10 =	sld [smem:$0x3FB8];
	_ =	sdelay $0x3  }
0x34: {  	[smem:$0x3FB8] =	sst s10  }
0x35: {  	s10 =	sld [smem:$0x3FB7];
	_ =	sdelay $0x3  }
0x36: {  	p1 =	seq.s32 s10, $0x1;
	s10 =	sld [smem:$0x3FB8];
	_ =	sdelay $0x3  }
0x37: {  	[smem:$0x3FB8] =	sst s10  }
0x38: {  	s10 =	sld [smem:$0x3FB9]  }
0x39: {  	_ = 	snop;
	(pc) =	sbr.ind lr, $3  }
0x3a: {  	_ = 	snop  }
0x3b: {  	_ = 	snop  }
0x3c: {  	p2 =	seq.s32 s10, $0x1;
	s10 =	sld [smem:$0x3FB8]  }
0x3d: {  	_ =	shalt  }
0x3e: {  	_ =	shalt  }
0x3f: {  	_ =	shalt  }
0x40: {  	_ =	shalt  }
0x41: {  	_ =	shalt  }
0x42: {  	_ =	shalt  }
0x43: {  	_ =	shalt  }
0x44: {  	_ =	shalt  }
0x45: {  	_ =	shalt  }
0x46: {  	_ =	shalt  }
0x47: {  	_ =	shalt  }
0x48: {  	_ =	shalt  }
0x49: {  	_ =	shalt  }
0x4a: {  	_ =	shalt  }
0x4b: {  	_ =	shalt  }
0x4c: {  	_ =	shalt  }
0x4d: {  	_ =	shalt  }
0x4e: {  	_ =	shalt  }
0x4f: {  	_ =	shalt  }
0x50: {  	_ =	shalt  }
0x51: {  	_ =	shalt  }
0x52: {  	_ =	shalt  }
0x53: {  	_ =	shalt  }
0x54: {  	_ =	shalt  }
0x55: {  	_ =	shalt  }
0x56: {  	_ =	shalt  }
0x57: {  	_ =	shalt  }
0x58: {  	_ =	shalt  }
0x59: {  	_ =	shalt  }
0x5a: {  	_ =	shalt  }
0x5b: {  	_ =	shalt  }
0x5c: {  	_ =	shalt  }
0x5d: {  	_ =	shalt  }
0x5e: {  	_ =	shalt  }
0x5f: {  	_ =	shalt  }
0x60: {  	_ =	shalt  }
0x61: {  	_ =	shalt  }
0x62: {  	_ =	shalt  }
0x63: {  	_ =	shalt  }
0x64: {  	_ =	shalt  }
0x65: {  	_ =	shalt  }
0x66: {  	_ =	shalt  }
0x67: {  	_ =	shalt  }
0x68: {  	_ =	shalt  }
0x69: {  	_ =	shalt  }
0x6a: {  	_ =	shalt  }
0x6b: {  	_ =	shalt  }
0x6c: {  	_ =	shalt  }
0x6d: {  	_ =	shalt  }
0x6e: {  	_ =	shalt  }
0x6f: {  	_ =	shalt  }
0x70: {  	_ =	shalt  }
0x71: {  	_ =	shalt  }
0x72: {  	_ =	shalt  }
0x73: {  	_ =	shalt  }
0x74: {  	_ =	shalt  }
0x75: {  	_ =	shalt  }
0x76: {  	_ =	shalt  }
0x77: {  	_ =	shalt  }
0x78: {  	_ =	shalt  }
0x79: {  	_ =	shalt  }
0x7a: {  	_ =	shalt  }
0x7b: {  	_ =	shalt  }
0x7c: {  	_ =	shalt  }
0x7d: {  	_ =	shalt  }
0x7e: {  	_ =	shalt  }
0x7f: {  	_ =	shalt  }
0x80: {  	_ =	shalt  }
0x81: {  	_ =	shalt  }
0x82: {  	_ =	shalt  }
0x83: {  	_ =	shalt  }
0x84: {  	_ =	shalt  }
0x85: {  	_ =	shalt  }
0x86: {  	_ =	shalt  }
0x87: {  	_ =	shalt  }
.Lfunc_end0:
.L_simem_size_0:
called_computation_lowered:
.L_overlay_start_0:
0x88: {  	s2 =	sld [smem:$0x3FD9]  }
0x89: {  	s3 =	sld [smem:$0x3FFE];
	_ =	sdelay $0x1  }
0x8a: {  	s1 =	srdreg.scid  }
0x8b: {  	s0 =	sand.u32 $0x1, s1  }
0x8c: {  	s18 =	sshll.u32 s0, $0xA;
	s2 =	sadd.s32 s3, s2  }
0x8d: {  	s2 =	sadd.s32 s2, s18  }
0x8e: {  	[smem:$0x3FC4] =	sst s2  }
0x8f: {  	_ = 	snop  }
0x90: {  	s2 =	sld [smem:$0x3FC9]  }
0x91: {  	s19 =	sld [smem:$0x3FC8]  }
0x92: {  	s4 =	sld [smem:$0x3FC7]  }
0x93: {  	s5 =	sld [smem:$0x3FC6]  }
0x94: {  	s6 =	sld [smem:$0x3FD0];
	(tm) =	ssettm $0x1  }
0x95: {  	s7 =	sld [smem:$0x3FFB];
	_ =	sdelay $0x3  }
0x96: {  	_ =	strace s7  }
0x97: {  	s7 =	sld [smem:$0x3FFC];
	_ =	sdelay $0x3  }
0x98: {  	_ =	strace s7  }
0x99: {  	s7 =	sld [smem:$0x3FFD];
	_ =	sdelay $0x3  }
0x9a: {  	_ =	strace s7  }
0x9b: {  	_ =	strace $0x8FFFFFFF  }
0x9c: {  	s20 =	sld [smem:$0x3FDB];
	_ =	sdelay $0x1  }
0x9d: {  	s8 =	simm.s32 $_scs_section_size  }
0x9e: {  	s9 =	simm.s32 $_size__tile_overlayer_lowered;
	s10 =	simm.s32 $_tile_overlayer_lowered  }
0x9f: {  	s23 =	simm.s32 $0x1BFF;
	s22 =	sshll.u32 s10, $0x1;
	s7 =	sadd.s32 s8, s20  }
0xa0: {  	s11 =	simm.s32 $0x0;
	s21 =	sshll.u32 s9, $0x1;
	s9 =	sadd.s32 s22, s7  }
0xa1: {  	[timem:s11], [sflag:s23] =	dma.local [hbm:s9], s21  }
0xa2: {  	_ =	swait.ge [sflag:s23], s21  }
0xa3: {  	s8 =	ssub.s32 $0x0, s21;
	[sflag:s23] =	ssyncset.done $0x0  }
0xa4: {  	[sflag:s23] =	ssyncadd.s32 s8;
	_ =	sdelay $0x1  }
0xa5: {  	s24 =	simm.s32 $0x1B8B  }
0xa6: {  	_ =	swait.ge [sflag:s24], $0x1  }
0xa7: {  	[sflag:s24] =	ssyncset.done $0x0  }
0xa8: {  	s25 =	simm.s32 $0x1B8E;
	[sflag:s24] =	ssyncadd.s32 $0xFFFFFFFF  }
0xa9: {  	s26 =	simm.s32 $execute0_lowered;
	[smem:$0x3FD2] =	sst s25  }
0xaa: {  	s8 =	sshll.u32 s26, $0x1;
	_ =	strace $0x80000046;
	[dreg:$0x1] =	wrdreg $0xFFFFFFFF  }
0xab: {  	s28 =	simm.s32 $_size_execute0_lowered;
	s7 =	sadd.s32 s7, s8;
	[dreg:$0x0] =	wrdreg $0x0  }
0xac: {  	s8 =	sshll.u32 s28, $0x1;
	[dreg:$0x2] =	wrdreg s7  }
0xad: {  	[dreg:$0x3] =	wrdreg s8  }
0xae: {  	[dreg:$0x4] =	wrdreg $0xC0  }
0xaf: {  	_ =	task [dreg:s11], $0x5FFFF  }
0xb0: {  	[dreg:$0x1] =	wrdreg $0xFFFFFFFF  }
0xb1: {  	[dreg:$0x0] =	wrdreg $0x60  }
0xb2: {  	[dreg:$0x2] =	wrdreg s2  }
0xb3: {  	[dreg:$0x3] =	wrdreg s19  }
0xb4: {  	[dreg:$0x4] =	wrdreg s4  }
0xb5: {  	[dreg:$0x5] =	wrdreg s5  }
0xb6: {  	[dreg:$0x6] =	wrdreg s6  }
0xb7: {  	[dreg:$0x7] =	wrdreg $0x12000  }
0xb8: {  	[dreg:$0x8] =	wrdreg $0x9  }
0xb9: {  	_ =	task.clear_ibuf [dreg:s11], $0x9FFFF;
	_ =	strace $0x90000046  }
0xba: {  	s29 =	simm.s32 $0x9;
	_ =	strace $0x80000048  }
0xbb: {  	_ =	swait.ge [sflag:s29], $0x1  }
0xbc: {  	[sflag:s29] =	ssyncadd.s32 $0xFFFFFFFF  }
0xbd: {  	_ =	strace $0x90000048  }
0xbe: {  	_ =	sfence  }
0xbf: {  	s30 =	sld [smem:$0x0];
	_ =	sdelay $0x2  }
0xc0: {  	s31 =	sshll.u32 s1, $0xD;
	s1 =	sshrl.u32 s1, $0x2  }
0xc1: {  	s3 =	sand.u32 $0x4000, s31;
	s1 =	sadd.s32 s1, s30  }
0xc2: {  	s0 =	sor.u32 s3, s0;
	s1 =	sshll.u32 s1, $0x11  }
0xc3: {  	s0 =	sor.u32 s1, s0  }
0xc4: {  	s0 =	sadd.s32 $0x8F2B, s0  }
0xc5: {  	[sflag:s0] =	ssyncadd.remote.s32 $0x1  }
0xc6: {  	_ =	sfence.sel $0xFFFF  }
0xc7: {  	[dreg:$0x0] =	wrdreg $0xFFFFFFFF;
	(pc) =	sbr.abs _section_cstart, $3  }
0xc8: {  	[dreg:$0x1] =	wrdreg $0xFFFFFFFF  }
0xc9: {  	_ =	task.clear_ibuf [dreg:s11], $0x2FFFF;
	_ =	strace $0x9FFFFFFF  }
0xca: {  	(tm) =	ssettm $0x7FFFFFFF  }
0xcb: {  	_ =	shalt  }
tec
execute0_lowered:
.L_overlay_start_1:
0x0: {  	(tag) =	ssettag $0x1  }
0x1: {  	s0 =	srdreg.scid  }
0x2: {  	s2 =	sand.u32 $0x1, s0  }
0x3: {  	s8 =	stileid.u32;
	s0 =	sshll.u32 s2, $0x4  }
0x4: {  	s1 =	sor.u32 s8, s0;
	s0 =	sand.u32 $0x1, s8  }
0x5: {  	p0 =	seq.s32 s1, $0x0;
	p1 =	seq.s32 s0, $0x1  }
0x6: {  	p0 =	por !p0, !p1  }
0x7: {  	s3 =	simm.s32 $0x1;
	p0 =	por !p0, !p0  }
0x8: {  	s4 =	sshrl.u32 s1, $0x1;
	s3 =	simm.s32 @!p0 $0x0  }
0x9: {  	s3 =	ssub.s32 s4, s3  }
0xa: {  	s4 =	sshrl.u32 s3, $0xC  }
0xb: {  	s4 =	sand.u32 $0x7, s4  }
0xc: {  	s19 =	rddreg [dreg:$0x0];
	s4 =	sadd.s32 s4, s3  }
0xd: {  	s7 =	simm.s32 $0x1;
	s22 =	rddreg [dreg:$0x4];
	s5 =	sand.u32 $0xFFFFFFF8, s4  }
0xe: {  	s21 =	rddreg [dreg:$0x5];
	s14 =	simm.s32 $0x1;
	s5 =	ssub.s32 s3, s5  }
0xf: {  	v0 =	vimm.s32 $0xFEDCBA98;
	v1 =	vimm.s32 $0x76543210;
	s26 =	sshll.u32 s8, $0x7;
	s2 =	ssub.s32 $0x2, s2;
	s6 =	sand.u32 $0xFF, s5  }
0x10: {  	v3 =	vimm.s32 $0xBA98FEDC;
	v4 =	vimm.s32 $0x32107654;
	v5 =	vimm.s32 $0xDCFE98BA;
	s23 =	sshrl.u32 s2, $0x1;
	p5 =	slt.s32 s3, $0x1;
	p6 =	sne.s32 s6, $0x0  }
0x11: {  	v6 =	vimm.s32 $0x54761032;
	v7 =	vimm.s32 $0xEFCDAB89;
	s20 =	sshll.u32 s0, $0xE;
	s1 =	sshll.u32 s1, $0xB;
	p0 =	por !p5, !p6  }
0x12: {  	v8 =	vimm.s32 $0x67452301;
	v9 =	vimm.s32 $0x4;
	v10 =	vimm.s32 $0x5;
	s2 =	ssub.s32 s2, s23;
	s22 =	sadd.s32 s22, s1;
	p0 =	por !p0, !p0  }
0x13: {  	v11 =	vimm.s32 $0x6;
	v12 =	vimm.s32 $0x7;
	v13 =	vimm.s32 $0x8;
	s1 =	simm.s32 $0x0;
	s4 =	sshrl.u32 s4, $0x3;
	s7 =	simm.s32 @!p0 $0x0  }
0x14: {  	v14 =	vimm.s32 $0x9;
	v15 =	vimm.s32 $0xA;
	v16 =	vimm.s32 $0xB;
	s29 =	sadd.s32 $0x200, s22;
	s30 =	sadd.s32 $0x400, s22;
	s4 =	ssub.s32 s4, s7  }
0x15: {  	v17 =	vimm.s32 $0xC;
	v18 =	vimm.s32 $0xD;
	v19 =	vimm.s32 $0xE;
	s31 =	sadd.s32 $0x600, s22;
	s5 =	sshll.u32 s5, $0x7;
	s4 =	sshll.u32 s4, $0xF  }
0x16: {  	v20 =	vimm.s32 $0xF;
	v21 =	vlaneseq.u32;
	v2 =	vmov s3;
	s3 =	sxor.u32 $0x80, s26;
	s5 =	sand.u32 $0x380, s5;
	s4 =	sor.u32 s20, s4  }
0x17: {  	v0 =	vunpack.c.l.s4.s8 v0;
	v1 =	vunpack.c.l.s4.s8 v1;
	v3 =	vunpack.c.l.s4.s8 v3;
	s20 =	sadd.s32 s3, s21;
	s4 =	sor.u32 s5, s4;
	s5 =	simm.s32 $0x0  }
0x18: {  	v4 =	vunpack.c.l.s4.s8 v4;
	v5 =	vunpack.c.l.s4.s8 v5;
	v6 =	vunpack.c.l.s4.s8 v6;
	s3 =	simm.s32 $0x3;
	s4 =	sshrl.u32 s4, $0x3;
	[smem:$0x7FF] =	sst s5  }
0x19: {  	v7 =	vunpack.c.l.s4.s8 v7;
	v8 =	vunpack.c.l.s4.s8 v8;
	v0 =	vunpack.c.0.s8.s32 v0;
	s6 =	sadd.s32 s19, s4;
	_ =	strace $0x80000047;
	s19 =	sadd.s32 s26, s21  }
0x1a: {  	v3 =	vunpack.c.0.s8.s32 v3;
	v4 =	vunpack.c.0.s8.s32 v4;
	v5 =	vunpack.c.0.s8.s32 v5;
	s9 =	sadd.s32 $0x180, s6;
	s24 =	sadd.s32 $0x200, s6;
	s25 =	sadd.s32 $0x280, s6  }
0x1b: {  	v6 =	vunpack.c.0.s8.s32 v6;
	v7 =	vunpack.c.0.s8.s32 v7;
	v8 =	vunpack.c.0.s8.s32 v8;
	s10 =	sadd.s32 $0x300, s6;
	s11 =	sadd.s32 $0x380, s6;
	s12 =	sadd.s32 $0x400, s6  }
0x1c: {  	v22 =	vimm.f32 $0.0e+00;
	v1 =	vunpack.c.0.s8.s32 v1;
	v3 =	vcombine.low v4, v3;
	s13 =	sadd.s32 $0x480, s6;
	s15 =	sadd.s32 $0x80, s6;
	s16 =	sadd.s32 $0x500, s6  }
0x1d: {  	v4 =	vand.u32 $0xF, v0;
	v5 =	vcombine.low v6, v5;
	v6 =	vcombine.low v8, v7;
	s17 =	sadd.s32 $0x580, s6;
	s18 =	sadd.s32 $0x100, s6;
	[dreg:$0x7] =	wrdreg s9  }
0x1e: {  	v7 =	vimm.s32 $0x2;
	v8 =	vimm.s32 $0x3;
	v1 =	vcombine.low v4, v1;
	s21 =	sadd.s32 $0x600, s6;
	s23 =	sadd.s32 $0x680, s6;
	[dreg:$0x8] =	wrdreg s24  }
0x1f: {  	v4 =	vand.u32 $0xF, v6;
	v6 =	vimm.s32 $0x1;
	v2 =	vand.u32 $0xF, v2;
	s26 =	sadd.s32 $0x700, s6;
	s28 =	sadd.s32 $0x780, s6;
	[dreg:$0x9] =	wrdreg s25  }
0x20: {  	v0 =	vbroadcast v2, $0x0;
	v2 =	vand.u32 $0xF, v3;
	v3 =	vand.u32 $0xF, v5;
	s24 =	sshll.u32 s0, $0xB;
	s25 =	smax.u32 s2, $0x1;
	s0 =	simm.s32 $0x2  }
.LBB2_1:
0x21: {  	[tilespmem:s5], [sflag:$0x1] =	stream.linear.gather [hbm4b:s6+s5], $0x80, $0x38;
	[tilespmem:$0x5220] =	vst v63  }
0x22: {  	s2 =	simm.s32 $0x80  }
0x23: {  	[tilespmem:s2], [sflag:$0x1] =	stream.linear.gather [hbm4b:s15+s5], $0x80, $0x38;
	[tilespmem:$0x5220] =	vst v63  }
0x24: {  	s8 =	simm.s32 $0x100  }
0x25: {  	[tilespmem:s8], [sflag:$0x1] =	stream.linear.gather [hbm4b:s18+s5], $0x80, $0x38;
	[tilespmem:$0x5220] =	vst v63  }
0x26: {  	s9 =	rddreg [dreg:$0x7];
	s4 =	simm.s32 $0x180  }
0x27: {  	[tilespmem:s4], [sflag:$0x1] =	stream.linear.gather [hbm4b:s9+s5], $0x80, $0x38;
	[tilespmem:$0x5220] =	vst v63  }
0x28: {  	s7 =	simm.s32 $0x200;
	s4 =	rddreg [dreg:$0x8]  }
0x29: {  	[tilespmem:s7], [sflag:$0x1] =	stream.linear.gather [hbm4b:s4+s5], $0x80, $0x38;
	[tilespmem:$0x5220] =	vst v63  }
0x2a: {  	s8 =	rddreg [dreg:$0x9];
	s9 =	simm.s32 $0x280  }
0x2b: {  	[tilespmem:s9], [sflag:$0x1] =	stream.linear.gather [hbm4b:s8+s5], $0x80, $0x38;
	[tilespmem:$0x5220] =	vst v63  }
0x2c: {  	s4 =	simm.s32 $0x300  }
0x2d: {  	[tilespmem:s4], [sflag:$0x1] =	stream.linear.gather [hbm4b:s10+s5], $0x80, $0x38;
	[tilespmem:$0x5220] =	vst v63  }
0x2e: {  	s7 =	simm.s32 $0x380  }
0x2f: {  	[tilespmem:s7], [sflag:$0x1] =	stream.linear.gather [hbm4b:s11+s5], $0x80, $0x38;
	[tilespmem:$0x5220] =	vst v63  }
0x30: {  	s8 =	simm.s32 $0x400  }
0x31: {  	[tilespmem:s8], [sflag:$0x1] =	stream.linear.gather [hbm4b:s12+s5], $0x80, $0x38;
	[tilespmem:$0x5220] =	vst v63  }
0x32: {  	s9 =	simm.s32 $0x480  }
0x33: {  	[tilespmem:s9], [sflag:$0x1] =	stream.linear.gather [hbm4b:s13+s5], $0x80, $0x38;
	[tilespmem:$0x5220] =	vst v63  }
0x34: {  	s4 =	simm.s32 $0x500  }
0x35: {  	[tilespmem:s4], [sflag:$0x1] =	stream.linear.gather [hbm4b:s16+s5], $0x80, $0x38;
	[tilespmem:$0x5220] =	vst v63  }
0x36: {  	s7 =	simm.s32 $0x580  }
0x37: {  	[tilespmem:s7], [sflag:$0x1] =	stream.linear.gather [hbm4b:s17+s5], $0x80, $0x38;
	[tilespmem:$0x5220] =	vst v63  }
0x38: {  	s8 =	simm.s32 $0x600  }
0x39: {  	[tilespmem:s8], [sflag:$0x1] =	stream.linear.gather [hbm4b:s21+s5], $0x80, $0x38;
	[tilespmem:$0x5220] =	vst v63  }
0x3a: {  	s9 =	simm.s32 $0x680  }
0x3b: {  	[tilespmem:s9], [sflag:$0x1] =	stream.linear.gather [hbm4b:s23+s5], $0x80, $0x38;
	[tilespmem:$0x5220] =	vst v63  }
0x3c: {  	s4 =	simm.s32 $0x700  }
0x3d: {  	[tilespmem:s4], [sflag:$0x1] =	stream.linear.gather [hbm4b:s26+s5], $0x80, $0x38;
	[tilespmem:$0x5220] =	vst v63  }
0x3e: {  	s7 =	simm.s32 $0x780  }
0x3f: {  	[tilespmem:s7], [sflag:$0x1] =	stream.linear.gather [hbm4b:s28+s5], $0x80, $0x38;
	[tilespmem:$0x5220] =	vst v63  }
0x40: {  	s8 =	rddreg [dreg:$0x1];
	s9 =	simm.s32 $0x1000  }
0x41: {  	[tilespmem:s9], [sflag:$0x1] =	stream.linear.gather [hbm4b:s8+s5], $0x80, $0x38;
	[tilespmem:$0x5220] =	vst v63  }
0x42: {  	s4 =	rddreg [dreg:$0x2];
	s7 =	simm.s32 $0x1080  }
0x43: {  	[tilespmem:s7], [sflag:$0x1] =	stream.linear.gather [hbm4b:s4+s5], $0x8, $0x38;
	[tilespmem:$0x5220] =	vst v63  }
0x44: {  	s8 =	rddreg [dreg:$0x3];
	s9 =	simm.s32 $0x1088  }
0x45: {  	[tilespmem:s9], [sflag:$0x1] =	stream.linear.gather [hbm4b:s8+s5], $0x8, $0x38;
	[tilespmem:$0x5220] =	vst v63  }
0x46: {  	_ =	swait.ge [sflag:s14], $0x80  }
0x47: {  	[sflag:s14] =	ssyncset.done $0x0  }
0x48: {  	[sflag:s14] =	ssyncadd.s32 $0xFFFFFF80  }
0x49: {  	_ =	swait.ge [sflag:s14], $0x80  }
0x4a: {  	[sflag:s14] =	ssyncset.done $0x0  }
0x4b: {  	[sflag:s14] =	ssyncadd.s32 $0xFFFFFF80  }
0x4c: {  	_ =	swait.ge [sflag:s14], $0x80  }
0x4d: {  	[sflag:s14] =	ssyncset.done $0x0  }
0x4e: {  	[sflag:s14] =	ssyncadd.s32 $0xFFFFFF80  }
0x4f: {  	_ =	swait.ge [sflag:s14], $0x80  }
0x50: {  	[sflag:s14] =	ssyncset.done $0x0  }
0x51: {  	[sflag:s14] =	ssyncadd.s32 $0xFFFFFF80  }
0x52: {  	_ =	swait.ge [sflag:s14], $0x80  }
0x53: {  	[sflag:s14] =	ssyncset.done $0x0  }
0x54: {  	[sflag:s14] =	ssyncadd.s32 $0xFFFFFF80  }
0x55: {  	_ =	swait.ge [sflag:s14], $0x80  }
0x56: {  	[sflag:s14] =	ssyncset.done $0x0  }
0x57: {  	[sflag:s14] =	ssyncadd.s32 $0xFFFFFF80  }
0x58: {  	_ =	swait.ge [sflag:s14], $0x80  }
0x59: {  	[sflag:s14] =	ssyncset.done $0x0  }
0x5a: {  	[sflag:s14] =	ssyncadd.s32 $0xFFFFFF80  }
0x5b: {  	_ =	swait.ge [sflag:s14], $0x80  }
0x5c: {  	[sflag:s14] =	ssyncset.done $0x0  }
0x5d: {  	[sflag:s14] =	ssyncadd.s32 $0xFFFFFF80  }
0x5e: {  	_ =	swait.ge [sflag:s14], $0x80  }
0x5f: {  	[sflag:s14] =	ssyncset.done $0x0  }
0x60: {  	[sflag:s14] =	ssyncadd.s32 $0xFFFFFF80  }
0x61: {  	_ =	swait.ge [sflag:s14], $0x80  }
0x62: {  	[sflag:s14] =	ssyncset.done $0x0  }
0x63: {  	[sflag:s14] =	ssyncadd.s32 $0xFFFFFF80  }
0x64: {  	_ =	swait.ge [sflag:s14], $0x80  }
0x65: {  	[sflag:s14] =	ssyncset.done $0x0  }
0x66: {  	[sflag:s14] =	ssyncadd.s32 $0xFFFFFF80  }
0x67: {  	_ =	swait.ge [sflag:s14], $0x80  }
0x68: {  	[sflag:s14] =	ssyncset.done $0x0  }
0x69: {  	[sflag:s14] =	ssyncadd.s32 $0xFFFFFF80  }
0x6a: {  	_ =	swait.ge [sflag:s14], $0x80  }
0x6b: {  	[sflag:s14] =	ssyncset.done $0x0  }
0x6c: {  	[sflag:s14] =	ssyncadd.s32 $0xFFFFFF80  }
0x6d: {  	_ =	swait.ge [sflag:s14], $0x80  }
0x6e: {  	[sflag:s14] =	ssyncset.done $0x0  }
0x6f: {  	[sflag:s14] =	ssyncadd.s32 $0xFFFFFF80  }
0x70: {  	_ =	swait.ge [sflag:s14], $0x80  }
0x71: {  	[sflag:s14] =	ssyncset.done $0x0  }
0x72: {  	[sflag:s14] =	ssyncadd.s32 $0xFFFFFF80  }
0x73: {  	_ =	swait.ge [sflag:s14], $0x80  }
0x74: {  	[sflag:s14] =	ssyncset.done $0x0  }
0x75: {  	s2 =	simm.s32 $0x0;
	[sflag:s14] =	ssyncadd.s32 $0xFFFFFF80  }
0x76: {  	v25 =	vld [tilespmem:s2+$0x70]  }
0x77: {  	v27 =	vld [tilespmem:s2+$0x50]  }
0x78: {  	v28 =	vld [tilespmem:s2+$0x60]  }
0x79: {  	v29 =	vld [tilespmem:s2+$0x30]  }
0x7a: {  	v31 =	vld [tilespmem:s2+$0x20]  }
0x7b: {  	v30 =	vld [tilespmem:s2+$0x40]  }
0x7c: {  	v33 =	vld [tilespmem:s2+$0x0]  }
0x7d: {  	v34 =	vld [tilespmem:s2+$0x10];
	v23 =	vshrl.u32 v25, $0x7  }
0x7e: {  	v25 =	vand.u32 $0x7F, v25;
	v35 =	vshrl.u32 v27, $0x7;
	v36 =	vshrl.u32 v28, $0x7  }
0x7f: {  	v37 =	vshrl.u32 v29, $0x7;
	v38 =	vshrl.u32 v31, $0x7;
	v26 =	vcvt.s32.f32 v23  }
0x80: {  	v39 =	vshrl.u32 v30, $0x7;
	v25 =	vcvt.s32.f32 v25;
	v36 =	vcvt.s32.f32 v36  }
0x81: {  	v40 =	vshrl.u32 v33, $0x7;
	v35 =	vcvt.s32.f32 v35;
	v37 =	vcvt.s32.f32 v37  }
0x82: {  	v41 =	vshrl.u32 v34, $0x7;
	v40 =	vcvt.s32.f32 v40;
	v39 =	vcvt.s32.f32 v39  }
0x83: {  	v27 =	vand.u32 $0x7F, v27;
	v44 =	vcvt.s32.f32 v38;
	v57 =	vcvt.s32.f32 v41  }
0x84: {  	v27 =	vcvt.s32.f32 v27;
	v23 =	vmul.f32 $1.481481480e-03, v26  }
0x85: {  	v42 =	vmul.f32 $1.481481480e-03, v35;
	v56 =	vmul.f32 $1.481481480e-03, v37  }
0x86: {  	v59 =	vmul.f32 $1.481481480e-03, v36;
	v45 =	vmul.f32 $1.481481480e-03, v40  }
0x87: {  	v46 =	vmul.f32 $1.481481480e-03, v39;
	v47 =	vmul.f32 $1.481481480e-03, v57  }
0x88: {  	v52 =	vmul.f32 $1.481481480e-03, v44;
	v32 =	vtrunc.f32 v23  }
0x89: {  	v43 =	vand.u32 $0x7F, v29;
	v29 =	vtrunc.f32 v42;
	v60 =	vtrunc.f32 v59  }
0x8a: {  	v62 =	vtrunc.f32 v47;
	v32 =	vcvt.f32.s32 v32  }
0x8b: {  	v45 =	vtrunc.f32 v45;
	v54 =	vtrunc.f32 v52  }
0x8c: {  	v59 =	vcvt.s32.f32 v43;
	v32 =	vcvt.s32.f32 v32  }
0x8d: {  	v29 =	vcvt.f32.s32 v29;
	v41 =	vcvt.f32.s32 v60  }
0x8e: {  	v48 =	vcvt.f32.s32 v62;
	v32 =	vmul.f32 $6.750000000e+02, v32  }
0x8f: {  	v38 =	vcvt.f32.s32 v54;
	v29 =	vcvt.s32.f32 v29  }
0x90: {  	v41 =	vcvt.s32.f32 v41;
	v26 =	vsub.f32 v26, v32;
	v32 =	vtrunc.f32 v56  }
0x91: {  	v24 =	vimm.f32 $3.000000010e+38;
	v50 =	vcvt.s32.f32 v48;
	v32 =	vcvt.f32.s32 v32  }
0x92: {  	v23 =	vimm.f32 $-3.000000010e+38;
	v38 =	vcvt.s32.f32 v38;
	v63 =	vmul.f32 $6.750000000e+02, v29  }
0x93: {  	v29 =	vand.u32 $0x7F, v34;
	v41 =	vmul.f32 $6.750000000e+02, v41;
	v32 =	vcvt.s32.f32 v32  }
0x94: {  	v34 =	vand.u32 $0x7F, v28;
	v28 =	vcvt.f32.s32 v45;
	v58 =	vadd.f32 $6.750000000e+02, v26  }
0x95: {  	v51 =	vmul.f32 $6.750000000e+02, v50;
	vm0 =	vlt.f32 v26, $0.0e+00;
	v32 =	vmul.f32 $6.750000000e+02, v32  }
0x96: {  	v60 =	vmul.f32 $6.750000000e+02, v38;
	v41 =	vsub.f32 v36, v41;
	v26 =	vsel vm0, v58, v26  }
0x97: {  	v28 =	vcvt.s32.f32 v28;
	v61 =	vadd.f32 $-6.750000000e+02, v26;
	v32 =	vsub.f32 v37, v32  }
0x98: {  	v36 =	vand.u32 $0x7F, v30;
	v30 =	vsub.f32 v57, v51;
	vm0 =	vge.f32 v26, $6.750000000e+02  }
0x99: {  	v35 =	vsub.f32 v35, v63;
	v42 =	vsel vm0, v61, v26;
	v49 =	vadd.f32 $6.750000000e+02, v32  }
0x9a: {  	v26 =	vand.u32 $0x7F, v31;
	v31 =	vtrunc.f32 v46;
	vm0 =	vlt.f32 v32, $0.0e+00  }
0x9b: {  	v56 =	vadd.f32 $6.750000000e+02, v30;
	v31 =	vcvt.f32.s32 v31;
	v32 =	vsel vm0, v49, v32  }
0x9c: {  	v57 =	vadd.f32 $6.750000000e+02, v41;
	v28 =	vmul.f32 $6.750000000e+02, v28;
	v53 =	vadd.f32 $-6.750000000e+02, v32  }
0x9d: {  	v58 =	vadd.f32 $6.750000000e+02, v35;
	v31 =	vcvt.s32.f32 v31;
	vm0 =	vge.f32 v32, $6.750000000e+02  }
0x9e: {  	v55 =	vmul.f32 $1.280000000e+02, v42;
	v32 =	vsel vm0, v53, v32;
	vm0 =	vlt.f32 v30, $0.0e+00  }
0x9f: {  	v31 =	vmul.f32 $6.750000000e+02, v31;
	v30 =	vsel vm0, v56, v30;
	vm0 =	vlt.f32 v35, $0.0e+00  }
0xa0: {  	v42 =	vand.u32 $0x7F, v33;
	v25 =	vadd.f32 v25, v55;
	v35 =	vsel vm0, v58, v35  }
0xa1: {  	v61 =	vsub.f32 v39, v31;
	v32 =	vmul.f32 $1.280000000e+02, v32;
	v37 =	vadd.f32 $-6.750000000e+02, v35  }
0xa2: {  	vm0 =	vlt.f32 v41, $0.0e+00;
	vm2 =	vge.f32 v30, $6.750000000e+02;
	vm1 =	vge.f32 v35, $6.750000000e+02  }
0xa3: {  	v63 =	vadd.f32 $-6.750000000e+02, v30;
	v62 =	vsel vm1, v37, v35;
	v37 =	vsub.f32 v40, v28  }
0xa4: {  	v31 =	vadd.f32 v59, v32;
	v45 =	vsel vm0, v57, v41;
	v28 =	vadd.f32 $6.750000000e+02, v61  }
0xa5: {  	vm1 =	vlt.f32 v61, $0.0e+00;
	v32 =	vmul.f32 $1.280000000e+02, v62;
	vm0 =	vlt.f32 v37, $0.0e+00  }
0xa6: {  	v38 =	vsel vm1, v28, v61;
	vm1 =	vge.f32 v45, $6.750000000e+02;
	v28 =	vadd.f32 $-6.750000000e+02, v45  }
0xa7: {  	[tilespmem:s2+$0x870] =	vst v25;
	v41 =	vadd.f32 $6.750000000e+02, v37;
	v32 =	vadd.f32 v27, v32;
	v27 =	vsel vm2, v63, v30  }
0xa8: {  	s4 =	simm.s32 $0x200;
	[tilespmem:s2+$0x830] =	vst v31;
	v40 =	vadd.f32 $-6.750000000e+02, v38;
	v30 =	vsub.f32 v44, v60;
	v39 =	vmul.f32 $1.280000000e+02, v27  }
0xa9: {  	v33 =	vsel vm1, v28, v45;
	v28 =	vimm.f32 $-3.000000010e+38;
	v27 =	vimm.f32 $3.000000010e+38;
	[tilespmem:s2+$0x850] =	vst v32  }
.LBB2_2:
0xaa: {  	s7 =	sshra.s32 s4, $0x2;
	p0 =	sne.s32 s4, $0x1E00;
	s4 =	sadd.s32 $0x200, s4;
	v42 =	vcvt.s32.f32 v42;
	v35 =	vcvt.s32.f32 v34  }
0xab: {  	v45 =	vmul.f32 $1.280000000e+02, v33;
	v43 =	vld [tilespmem:s7+$0x70];
	vm1 =	vlt.f32 v30, $0.0e+00;
	v44 =	vadd.f32 $6.750000000e+02, v30  }
0xac: {  	v26 =	vcvt.s32.f32 v26;
	v46 =	vcvt.s32.f32 v36;
	v33 =	vld [tilespmem:s7+$0x50]  }
0xad: {  	v29 =	vcvt.s32.f32 v29;
	v34 =	vld [tilespmem:s7+$0x60];
	v30 =	vsel vm1, v44, v30;
	v44 =	vadd.f32 v35, v45  }
0xae: {  	vm2 =	vge.f32 v38, $6.750000000e+02;
	v36 =	vld [tilespmem:s7+$0x40];
	vm1 =	vge.f32 v30, $6.750000000e+02;
	v35 =	vadd.f32 $-6.750000000e+02, v30  }
0xaf: {  	v41 =	vsel vm0, v41, v37;
	v37 =	vsel vm2, v40, v38;
	v29 =	vadd.f32 v29, v39;
	v45 =	vld [tilespmem:s7+$0x30];
	[tilespmem:s2+$0x860] =	vst v44  }
0xb0: {  	v40 =	vld [tilespmem:s7+$0x20];
	v38 =	vshrl.u32 v43, $0x7;
	v39 =	vand.u32 $0x7F, v43;
	v35 =	vsel vm1, v35, v30  }
0xb1: {  	v30 =	vld [tilespmem:s7+$0x0];
	v43 =	vshrl.u32 v33, $0x7;
	v47 =	vcvt.s32.f32 v38;
	[tilespmem:s2+$0x810] =	vst v29;
	v35 =	vmul.f32 $1.280000000e+02, v35  }
0xb2: {  	v37 =	vmul.f32 $1.280000000e+02, v37;
	v38 =	vcvt.s32.f32 v39;
	v48 =	vld [tilespmem:s7+$0x10];
	v49 =	vshrl.u32 v34, $0x7  }
0xb3: {  	v49 =	vcvt.s32.f32 v49;
	v39 =	vmul.f32 $1.481481480e-03, v47;
	v50 =	vadd.f32 v26, v35  }
0xb4: {  	v46 =	vadd.f32 v46, v37;
	v43 =	vcvt.s32.f32 v43;
	v35 =	vshrl.u32 v45, $0x7  }
0xb5: {  	v26 =	vshrl.u32 v36, $0x7;
	v51 =	vshrl.u32 v40, $0x7;
	v37 =	vtrunc.f32 v39;
	[tilespmem:s2+$0x820] =	vst v50  }
0xb6: {  	v24 =	vmin.f32 v24, v29;
	v39 =	vshrl.u32 v30, $0x7;
	v52 =	vcvt.f32.s32 v37;
	[tilespmem:s2+$0x840] =	vst v46  }
0xb7: {  	v37 =	vcvt.s32.f32 v39;
	v53 =	vshrl.u32 v48, $0x7;
	v39 =	vcvt.s32.f32 v26  }
0xb8: {  	vm0 =	vge.f32 v41, $6.750000000e+02;
	v45 =	vand.u32 $0x7F, v45;
	v52 =	vcvt.s32.f32 v52  }
0xb9: {  	v23 =	vmax.f32 v23, v29;
	v26 =	vand.u32 $0x7F, v40;
	v40 =	vmul.f32 $1.481481480e-03, v43  }
0xba: {  	v54 =	vadd.f32 $-6.750000000e+02, v41;
	v29 =	vcvt.s32.f32 v35;
	v52 =	vmul.f32 $6.750000000e+02, v52  }
0xbb: {  	v24 =	vmin.f32 v24, v31;
	v35 =	vcvt.s32.f32 v51;
	v40 =	vtrunc.f32 v40  }
0xbc: {  	v41 =	vsel vm0, v54, v41;
	v51 =	vcvt.s32.f32 v53;
	v47 =	vsub.f32 v47, v52  }
0xbd: {  	v23 =	vmax.f32 v23, v31;
	v53 =	vmul.f32 $1.481481480e-03, v49;
	v52 =	vmul.f32 $1.481481480e-03, v37  }
0xbe: {  	v23 =	vmax.f32 v23, v32;
	v31 =	vcvt.f32.s32 v40;
	v40 =	vadd.f32 $6.750000000e+02, v47  }
0xbf: {  	v41 =	vmul.f32 $1.280000000e+02, v41;
	v54 =	vmul.f32 $1.481481480e-03, v29;
	vm0 =	vlt.f32 v47, $0.0e+00  }
0xc0: {  	v23 =	vmax.f32 v23, v25;
	v53 =	vtrunc.f32 v53;
	v40 =	vsel vm0, v40, v47  }
0xc1: {  	v41 =	vadd.f32 v42, v41;
	vm0 =	vge.f32 v40, $6.750000000e+02;
	v47 =	vadd.f32 $-6.750000000e+02, v40  }
0xc2: {  	v24 =	vmin.f32 v24, v32;
	v42 =	vtrunc.f32 v54;
	v54 =	vmul.f32 $1.481481480e-03, v39  }
0xc3: {  	v28 =	vmax.f32 v28, v41;
	v32 =	vcvt.f32.s32 v42;
	v40 =	vsel vm0, v47, v40;
	[tilespmem:s2+$0x800] =	vst v41;
	s2 =	smov.u32 s7  }
0xc4: {  	v24 =	vmin.f32 v24, v25;
	v42 =	vcvt.f32.s32 v53;
	v31 =	vcvt.s32.f32 v31  }
0xc5: {  	v27 =	vmin.f32 v27, v41;
	v28 =	vmax.f32 v28, v50;
	v25 =	vcvt.s32.f32 v32  }
0xc6: {  	v27 =	vmin.f32 v27, v50;
	v32 =	vtrunc.f32 v54;
	v41 =	vcvt.s32.f32 v42  }
0xc7: {  	v27 =	vmin.f32 v27, v46;
	v25 =	vmul.f32 $6.750000000e+02, v25;
	v42 =	vmul.f32 $1.481481480e-03, v51  }
0xc8: {  	v28 =	vmax.f32 v28, v46;
	v27 =	vmin.f32 v27, v44;
	v31 =	vmul.f32 $6.750000000e+02, v31  }
0xc9: {  	v28 =	vmax.f32 v28, v44;
	v25 =	vsub.f32 v29, v25;
	v42 =	vtrunc.f32 v42  }
0xca: {  	v29 =	vand.u32 $0x7F, v48;
	v41 =	vmul.f32 $6.750000000e+02, v41;
	v42 =	vcvt.f32.s32 v42  }
0xcb: {  	v32 =	vcvt.f32.s32 v32;
	v44 =	vadd.f32 $6.750000000e+02, v25;
	vm0 =	vlt.f32 v25, $0.0e+00  }
0xcc: {  	v34 =	vand.u32 $0x7F, v34;
	v46 =	vtrunc.f32 v52;
	v42 =	vcvt.s32.f32 v42  }
0xcd: {  	v46 =	vcvt.f32.s32 v46;
	v25 =	vsel vm0, v44, v25;
	v41 =	vsub.f32 v49, v41  }
0xce: {  	v44 =	vmul.f32 $1.481481480e-03, v35;
	v47 =	vadd.f32 $-6.750000000e+02, v25;
	v42 =	vmul.f32 $6.750000000e+02, v42  }
0xcf: {  	v36 =	vand.u32 $0x7F, v36;
	v46 =	vcvt.s32.f32 v46;
	vm0 =	vge.f32 v25, $6.750000000e+02  }
0xd0: {  	v31 =	vsub.f32 v43, v31;
	v44 =	vtrunc.f32 v44;
	v42 =	vsub.f32 v51, v42  }
0xd1: {  	v33 =	vand.u32 $0x7F, v33;
	v32 =	vcvt.s32.f32 v32;
	v40 =	vmul.f32 $1.280000000e+02, v40  }
0xd2: {  	v47 =	vsel vm0, v47, v25;
	v48 =	vadd.f32 $6.750000000e+02, v41;
	v43 =	vadd.f32 $6.750000000e+02, v42  }
0xd3: {  	v44 =	vcvt.f32.s32 v44;
	v25 =	vadd.f32 v38, v40;
	vm0 =	vlt.f32 v42, $0.0e+00  }
0xd4: {  	v32 =	vmul.f32 $6.750000000e+02, v32;
	v38 =	vadd.f32 $6.750000000e+02, v31;
	v40 =	vsel vm0, v43, v42  }
0xd5: {  	v42 =	vcvt.s32.f32 v44;
	v43 =	vmul.f32 $1.280000000e+02, v47;
	vm0 =	vlt.f32 v31, $0.0e+00;
	[tilespmem:s2+$0x870] =	vst v25  }
0xd6: {  	v44 =	vcvt.s32.f32 v45;
	v38 =	vsel vm0, v38, v31;
	vm0 =	vlt.f32 v41, $0.0e+00  }
0xd7: {  	v32 =	vsub.f32 v39, v32;
	v45 =	vmul.f32 $6.750000000e+02, v42;
	v39 =	vadd.f32 $-6.750000000e+02, v38  }
0xd8: {  	v42 =	vmul.f32 $6.750000000e+02, v46;
	v31 =	vadd.f32 v44, v43;
	vm1 =	vge.f32 v38, $6.750000000e+02  }
0xd9: {  	v33 =	vcvt.s32.f32 v33;
	vm2 =	vge.f32 v40, $6.750000000e+02;
	v38 =	vsel vm1, v39, v38  }
0xda: {  	v37 =	vsub.f32 v37, v42;
	v39 =	vadd.f32 $6.750000000e+02, v32;
	v42 =	vmul.f32 $1.280000000e+02, v38;
	[tilespmem:s2+$0x830] =	vst v31  }
.Ltmp0:
0xdb: {  	v43 =	vadd.f32 $-6.750000000e+02, v40;
	v44 =	vsel vm0, v48, v41;
	vm1 =	vlt.f32 v32, $0.0e+00;
	(pc) =	sbr.rel @p0 .LBB2_2-.Ltmp0, $4  }
0xdc: {  	vm0 =	vlt.f32 v37, $0.0e+00;
	v38 =	vsel vm1, v39, v32;
	v32 =	vadd.f32 v33, v42  }
0xdd: {  	vm1 =	vge.f32 v44, $6.750000000e+02;
	v33 =	vsel vm2, v43, v40;
	v43 =	vadd.f32 $-6.750000000e+02, v44  }
0xde: {  	v41 =	vadd.f32 $6.750000000e+02, v37;
	v40 =	vadd.f32 $-6.750000000e+02, v38;
	v39 =	vmul.f32 $1.280000000e+02, v33  }
0xdf: {  	v42 =	vand.u32 $0x7F, v30;
	v30 =	vsub.f32 v35, v45;
	v33 =	vsel vm1, v43, v44;
	[tilespmem:s2+$0x850] =	vst v32  }
0xe0: {  	_ = 	snop  }
0xe1: {  	v35 =	vcvt.s32.f32 v42;
	v59 =	vadd.f32 $6.750000000e+02, v30  }
0xe2: {  	v34 =	vcvt.s32.f32 v34;
	v33 =	vmul.f32 $1.280000000e+02, v33;
	vm1 =	vlt.f32 v30, $0.0e+00  }
0xe3: {  	v26 =	vcvt.s32.f32 v26;
	v37 =	vsel vm0, v41, v37;
	v30 =	vsel vm1, v59, v30  }
0xe4: {  	v36 =	vcvt.s32.f32 v36;
	v61 =	vadd.f32 $-6.750000000e+02, v37;
	v60 =	vadd.f32 $-6.750000000e+02, v30  }
0xe5: {  	v29 =	vcvt.s32.f32 v29;
	vm14 =	vge.f32 v37, $6.750000000e+02;
	vm13 =	vge.f32 v30, $6.750000000e+02  }
0xe6: {  	vm15 =	vge.f32 v38, $6.750000000e+02;
	v37 =	vsel vm14, v61, v37;
	v30 =	vsel vm13, v60, v30  }
0xe7: {  	v38 =	vsel vm15, v40, v38;
	v37 =	vmul.f32 $1.280000000e+02, v37;
	v30 =	vmul.f32 $1.280000000e+02, v30  }
0xe8: {  	v33 =	vadd.f32 v34, v33;
	v29 =	vadd.f32 v29, v39;
	v62 =	vmul.f32 $1.280000000e+02, v38  }
0xe9: {  	v26 =	vadd.f32 v26, v30;
	v30 =	vadd.f32 v35, v37  }
0xea: {  	v34 =	vadd.f32 v36, v62;
	v24 =	vmin.f32 v24, v29;
	v23 =	vmax.f32 v23, v29  }
0xeb: {  	[tilespmem:s2+$0x860] =	vst v33;
	v24 =	vmin.f32 v24, v31;
	v23 =	vmax.f32 v23, v31;
	v27 =	vmin.f32 v27, v30  }
0xec: {  	[tilespmem:s2+$0x810] =	vst v29;
	v23 =	vmax.f32 v23, v32;
	v28 =	vmax.f32 v28, v30;
	v27 =	vmin.f32 v27, v26  }
0xed: {  	v24 =	vmin.f32 v24, v32;
	[tilespmem:s2+$0x820] =	vst v26;
	v26 =	vmax.f32 v28, v26;
	v27 =	vmin.f32 v27, v34  }
0xee: {  	[tilespmem:s2+$0x840] =	vst v34;
	v24 =	vmin.f32 v24, v25;
	v26 =	vmax.f32 v26, v34;
	v27 =	vmin.f32 v27, v33  }
0xef: {  	v23 =	vmax.f32 v23, v25;
	[tilespmem:s2+$0x800] =	vst v30;
	v25 =	vmax.f32 v26, v33;
	v24 =	vmin.f32 v27, v24  }
0xf0: {  	v23 =	vmax.f32 v25, v23;
	[tilespmem:$0x1100] =	vst v24  }
0xf1: {  	s8 =	simm.s32 $0x1100;
	[tilespmem:$0x1110] =	vst v23  }
0xf2: {  	[spmem:s19] =	stream.linear.scatter [tilespmem:s8], [sflag:$0x3], $0x80, $0x38;
	[tilespmem:$0x5220] =	vst v63  }
0xf3: {  	_ =	swait.ge [sflag:s3], $0x80  }
0xf4: {  	[sflag:s3] =	ssyncset.done $0x0  }
0xf5: {  	[sflag:s3] =	ssyncadd.s32 $0xFFFFFF80  }
0xf6: {  	s9 =	simm.s32 $0x1180;
	[bflag:$0x0] =	sbarrier.arrive $0xFFFF  }
0xf7: {  	[tilespmem:s9], [sflag:$0x3] =	stream.linear.gather [spmem:s20], $0x80, $0x38;
	[tilespmem:$0x5220] =	vst v63  }
0xf8: {  	_ =	swait.ge [sflag:s3], $0x80  }
0xf9: {  	[sflag:s3] =	ssyncset.done $0x0  }
0xfa: {  	[sflag:s3] =	ssyncadd.s32 $0xFFFFFF80  }
0xfb: {  	_ =	swait.ge [sflag:s14], $0x80  }
0xfc: {  	[sflag:s14] =	ssyncset.done $0x0  }
0xfd: {  	[sflag:s14] =	ssyncadd.s32 $0xFFFFFF80  }
0xfe: {  	_ =	swait.ge [sflag:s14], $0x8  }
0xff: {  	[sflag:s14] =	ssyncset.done $0x0  }
0x100: {  	[sflag:s14] =	ssyncadd.s32 $0xFFFFFFF8  }
0x101: {  	_ =	swait.ge [sflag:s14], $0x8  }
0x102: {  	[sflag:s14] =	ssyncset.done $0x0  }
0x103: {  	[sflag:s14] =	ssyncadd.s32 $0xFFFFFFF8  }
0x104: {  	v25 =	vld [tilespmem:$0x1180]  }
0x105: {  	v26 =	vld [tilespmem:$0x1190];
	_ =	sdelay $0x4  }
0x106: {  	v24 =	vmin.f32 v24, v25;
	v23 =	vmax.f32 v23, v26  }
0x107: {  	v25 =	vperm.xlane v24, v1;
	v26 =	vperm.xlane v23, v1;
	_ =	sdelay $0x1  }
0x108: {  	v24 =	vmin.f32 v24, v25;
	v23 =	vmax.f32 v23, v26  }
0x109: {  	v25 =	vperm.xlane v24, v2;
	v26 =	vperm.xlane v23, v2;
	_ =	sdelay $0x1  }
0x10a: {  	v24 =	vmin.f32 v24, v25;
	v23 =	vmax.f32 v23, v26  }
0x10b: {  	v25 =	vperm.xlane v24, v3;
	v26 =	vperm.xlane v23, v3;
	_ =	sdelay $0x1  }
0x10c: {  	v24 =	vmin.f32 v24, v25;
	v25 =	vmax.f32 v23, v26  }
0x10d: {  	v23 =	vperm.xlane v24, v4;
	v26 =	vperm.xlane v25, v4  }
0x10e: {  	v63 =	vld [tilespmem:$0x1080]  }
0x10f: {  	v23 =	vmin.f32 v24, v23;
	v24 =	vmax.f32 v25, v26  }
0x110: {  	v24 =	vsub.f32 v24, v23;
	_ =	sdelay $0x1  }
0x111: {  	(erf) = vrcp.f32 v24  }
0x112: {  	v28 =	vperm.xlane v63, v8  }
0x113: {  	v29 =	vperm.xlane v63, v9;
	v30 =	vperm.xlane v63, v10  }
0x114: {  	v31 =	vperm.xlane v63, v11;
	v32 =	vperm.xlane v63, v12  }
0x115: {  	v27 =	vld [tilespmem:$0x1000];
	v33 =	vperm.xlane v63, v13;
	v34 =	vperm.xlane v63, v14  }
0x116: {  	v35 =	vperm.xlane v63, v15;
	v36 =	vperm.xlane v63, v16  }
0x117: {  	v37 =	vperm.xlane v63, v17;
	v38 =	vperm.xlane v63, v18  }
0x118: {  	v5 =	vimm.s32 $0x0;
	v40 =	vperm.xlane v63, v19;
	v41 =	vperm.xlane v63, v20  }
0x119: {  	v25 =	vperm.xlane v63, v5;
	v26 =	vperm.xlane v63, v6  }
0x11a: {  	s4 =	simm.s32 $0x1420;
	s7 =	simm.s32 $0x840;
	s2 =	simm.s32 $0x0;
	v24 =	vperm.xlane v27, v0;
	v27 =	vperm.xlane v63, v7;
	v39 =	vpop (erf)  }
.LBB2_4:
0x11b: {  	v42 =	vld [tilespmem:s7+$0xFFFFFFC0]  }
0x11c: {  	v43 =	vld [tilespmem:s7+$0xFFFFFFD0]  }
0x11d: {  	v44 =	vld [tilespmem:s7+$0xFFFFFFE0];
	s8 =	sadd.s32 s2, s24  }
0x11e: {  	v45 =	vld [tilespmem:s7+$0xFFFFFFF0];
	s9 =	sadd.s32 $0x10, s8  }
0x11f: {  	v47 =	vld [tilespmem:s7+$0x0];
	v58 =	vor.u32 s9, v21;
	s9 =	sadd.s32 $0x20, s8  }
0x120: {  	v48 =	vld [tilespmem:s7+$0x20];
	v46 =	vor.u32 s8, v21;
	vm1 =	vlt.s32 v58, v24;
	v61 =	vor.u32 s9, v21  }
0x121: {  	vm0 =	vlt.s32 v46, v24;
	s9 =	sadd.s32 $0x30, s8;
	v54 =	vsel vm1, $0x3F800000, v22;
	vm10 =	vlt.s32 v61, v24  }
0x122: {  	v46 =	vld [tilespmem:s7+$0x30];
	v62 =	vor.u32 s9, v21;
	v42 =	vsub.f32 v42, v23;
	v43 =	vsub.f32 v43, v23  }
0x123: {  	v59 =	vsub.f32 v44, v23;
	v44 =	vsel vm0, $0x3F800000, v22;
	v60 =	vsub.f32 v45, v23  }
0x124: {  	v45 =	vld [tilespmem:s7+$0x10];
	vm11 =	vlt.s32 v62, v24;
	v63 =	vsub.f32 v47, v23;
	v56 =	vsel vm10, $0x3F800000, v22  }
0x125: {  	v62 =	vsub.f32 v48, v23;
	v42 =	vmul.f32 v42, v39;
	v43 =	vmul.f32 v43, v39  }
0x126: {  	v51 =	vsel vm11, $0x3F800000, v22;
	v58 =	vmul.f32 v44, v33;
	v5 =	vmul.f32 v44, v37  }
0x127: {  	s9 =	sadd.s32 $0x40, s8;
	v57 =	vsub.f32 v46, v23;
	v52 =	vnsel vm0, $0x0, v42;
	v53 =	vnsel vm1, $0x0, v43  }
0x128: {  	v42 =	vmul.f32 v59, v39;
	v43 =	vmul.f32 v60, v39;
	v60 =	vor.u32 s9, v21  }
0x129: {  	s9 =	sadd.s32 $0x50, s8;
	v47 =	vmul.f32 v57, v39;
	v45 =	vsub.f32 v45, v23;
	vm12 =	vlt.s32 v60, v24  }
0x12a: {  	v61 =	vor.u32 s9, v21;
	v60 =	vmul.f32 v62, v39;
	v57 =	vmul.f32 v52, v25  }
0x12b: {  	s9 =	sadd.s32 $0x60, s8;
	v62 =	vmul.f32 v44, v35;
	v55 =	vnsel vm10, $0x0, v42;
	v50 =	vnsel vm11, $0x0, v43  }
0x12c: {  	s8 =	sadd.s32 $0x70, s8;
	v42 =	vmul.f32 v63, v39;
	vm13 =	vlt.s32 v61, v24;
	v61 =	vor.u32 s9, v21  }
0x12d: {  	v49 =	vsel vm12, $0x3F800000, v22;
	v59 =	vor.u32 s8, v21;
	v63 =	vmul.f32 v45, v39  }
0x12e: {  	vm14 =	vlt.s32 v61, v24;
	v61 =	vmul.f32 v44, v34;
	vm15 =	vlt.s32 v59, v24  }
0x12f: {  	v59 =	vmul.f32 v52, v27;
	v57 =	vadd.f32 v57, v58;
	v58 =	vmul.f32 v52, v28  }
0x130: {  	v48 =	vnsel vm12, $0x0, v42;
	v42 =	vnsel vm14, $0x0, v60;
	v60 =	vmul.f32 v52, v26  }
0x131: {  	v45 =	vnsel vm13, $0x0, v63;
	v63 =	vmul.f32 v44, v36;
	[tilespmem:s4+$0xFFFFFE00] =	vst v57;
	v57 =	vadd.f32 v59, v62  }
0x132: {  	v59 =	vmul.f32 v52, v30;
	v62 =	vmul.f32 v44, v38;
	v60 =	vadd.f32 v60, v61  }
0x133: {  	v46 =	vsel vm13, $0x3F800000, v22;
	v61 =	vmul.f32 v52, v29;
	v58 =	vadd.f32 v58, v63;
	[tilespmem:s4+$0xFFFFFF00] =	vst v57  }
0x134: {  	v63 =	vmul.f32 v44, v40;
	v44 =	vmul.f32 v44, v41;
	v57 =	vadd.f32 v59, v62;
	[tilespmem:s4+$0xFFFFFE80] =	vst v60  }
0x135: {  	v59 =	vmul.f32 v54, v33;
	v60 =	vmul.f32 v52, v31;
	v5 =	vadd.f32 v61, v5;
	[tilespmem:s4+$0xFFFFFF80] =	vst v58  }
0x136: {  	v43 =	vsel vm14, $0x3F800000, v22;
	v52 =	vmul.f32 v52, v32;
	v61 =	vmul.f32 v54, v34;
	[tilespmem:s4+$0x80] =	vst v57  }
0x137: {  	v58 =	vmul.f32 v53, v25;
	v57 =	vmul.f32 v54, v35;
	[tilespmem:s4+$0x0] =	vst v5;
	v5 =	vadd.f32 v60, v63  }
0x138: {  	v60 =	vmul.f32 v53, v26;
	v44 =	vadd.f32 v52, v44;
	v52 =	vmul.f32 v53, v27  }
0x139: {  	[tilespmem:s4+$0x100] =	vst v5;
	v5 =	vadd.f32 v58, v59;
	v58 =	vmul.f32 v53, v28;
	v59 =	vmul.f32 v54, v36  }
0x13a: {  	[tilespmem:s4+$0x180] =	vst v44;
	v44 =	vadd.f32 v60, v61;
	v60 =	vmul.f32 v53, v29;
	v61 =	vmul.f32 v54, v37  }
0x13b: {  	v62 =	vmul.f32 v53, v30;
	v63 =	vmul.f32 v54, v38;
	[tilespmem:s4+$0xFFFFFE10] =	vst v5;
	v5 =	vadd.f32 v52, v57  }
0x13c: {  	[tilespmem:s4+$0xFFFFFE90] =	vst v44;
	v58 =	vadd.f32 v58, v59;
	v61 =	vadd.f32 v60, v61;
	v44 =	vnsel vm15, $0x0, v47  }
0x13d: {  	[tilespmem:s4+$0xFFFFFF10] =	vst v5;
	v5 =	vadd.f32 v62, v63;
	v62 =	vmul.f32 v53, v31;
	v63 =	vmul.f32 v54, v40  }
0x13e: {  	v47 =	vsel vm15, $0x3F800000, v22;
	[tilespmem:s4+$0xFFFFFF90] =	vst v58;
	v53 =	vmul.f32 v53, v32;
	v54 =	vmul.f32 v54, v41  }
0x13f: {  	v60 =	vmul.f32 v55, v25;
	[tilespmem:s4+$0x10] =	vst v61;
	v61 =	vmul.f32 v56, v33;
	v52 =	vadd.f32 v62, v63  }
0x140: {  	[tilespmem:s4+$0x90] =	vst v5;
	v5 =	vadd.f32 v53, v54;
	v53 =	vmul.f32 v55, v26;
	v62 =	vmul.f32 v56, v34  }
0x141: {  	v63 =	vadd.f32 v60, v61;
	v60 =	vmul.f32 v55, v27;
	v61 =	vmul.f32 v56, v35;
	[tilespmem:s4+$0x110] =	vst v52  }
0x142: {  	[tilespmem:s4+$0x190] =	vst v5;
	v5 =	vadd.f32 v53, v62;
	v53 =	vmul.f32 v55, v28;
	v62 =	vmul.f32 v56, v36  }
0x143: {  	[tilespmem:s4+$0xFFFFFE20] =	vst v63;
	v63 =	vadd.f32 v60, v61;
	v60 =	vmul.f32 v55, v29;
	v61 =	vmul.f32 v56, v37  }
0x144: {  	[tilespmem:s4+$0xFFFFFEA0] =	vst v5;
	v5 =	vadd.f32 v53, v62;
	v53 =	vmul.f32 v55, v30;
	v62 =	vmul.f32 v56, v38  }
0x145: {  	[tilespmem:s4+$0xFFFFFF20] =	vst v63;
	v63 =	vadd.f32 v60, v61;
	v60 =	vmul.f32 v55, v31;
	v61 =	vmul.f32 v56, v40  }
0x146: {  	[tilespmem:s4+$0xFFFFFFA0] =	vst v5;
	v5 =	vadd.f32 v53, v62;
	v53 =	vmul.f32 v55, v32;
	v62 =	vmul.f32 v56, v41  }
0x147: {  	[tilespmem:s4+$0x20] =	vst v63;
	v63 =	vadd.f32 v60, v61;
	v60 =	vmul.f32 v50, v25;
	v61 =	vmul.f32 v51, v33  }
0x148: {  	[tilespmem:s4+$0xA0] =	vst v5;
	v5 =	vadd.f32 v53, v62;
	v53 =	vmul.f32 v50, v26;
	v62 =	vmul.f32 v51, v34  }
0x149: {  	[tilespmem:s4+$0x120] =	vst v63;
	v63 =	vadd.f32 v60, v61;
	v60 =	vmul.f32 v50, v27;
	v61 =	vmul.f32 v51, v35  }
0x14a: {  	[tilespmem:s4+$0x1A0] =	vst v5;
	v5 =	vadd.f32 v53, v62;
	v53 =	vmul.f32 v50, v28;
	v62 =	vmul.f32 v51, v36  }
0x14b: {  	[tilespmem:s4+$0xFFFFFE30] =	vst v63;
	v63 =	vadd.f32 v60, v61;
	v60 =	vmul.f32 v50, v29;
	v61 =	vmul.f32 v51, v37  }
0x14c: {  	[tilespmem:s4+$0xFFFFFEB0] =	vst v5;
	v5 =	vadd.f32 v53, v62;
	v53 =	vmul.f32 v50, v30;
	v62 =	vmul.f32 v51, v38  }
0x14d: {  	[tilespmem:s4+$0xFFFFFF30] =	vst v63;
	v63 =	vadd.f32 v60, v61;
	v60 =	vmul.f32 v50, v31;
	v61 =	vmul.f32 v51, v40  }
0x14e: {  	v50 =	vmul.f32 v50, v32;
	v51 =	vmul.f32 v51, v41;
	[tilespmem:s4+$0xFFFFFFB0] =	vst v5;
	v5 =	vadd.f32 v53, v62  }
0x14f: {  	v57 =	vmul.f32 v49, v33;
	[tilespmem:s4+$0x30] =	vst v63;
	v62 =	vadd.f32 v60, v61;
	v63 =	vmul.f32 v48, v25  }
0x150: {  	v59 =	vmul.f32 v49, v34;
	v58 =	vmul.f32 v48, v26;
	[tilespmem:s4+$0xB0] =	vst v5;
	v5 =	vadd.f32 v50, v51  }
0x151: {  	v61 =	vmul.f32 v48, v27;
	[tilespmem:s4+$0x130] =	vst v62;
	v60 =	vadd.f32 v63, v57;
	v62 =	vmul.f32 v49, v35  }
0x152: {  	v63 =	vmul.f32 v48, v28;
	v57 =	vmul.f32 v49, v36;
	[tilespmem:s4+$0x1B0] =	vst v5;
	v5 =	vadd.f32 v58, v59  }
0x153: {  	[tilespmem:s4+$0xFFFFFE40] =	vst v60;
	v58 =	vadd.f32 v61, v62;
	v59 =	vmul.f32 v48, v29;
	v60 =	vmul.f32 v49, v37  }
0x154: {  	v61 =	vmul.f32 v48, v30;
	v62 =	vmul.f32 v49, v38;
	[tilespmem:s4+$0xFFFFFEC0] =	vst v5;
	v5 =	vadd.f32 v63, v57  }
0x155: {  	[tilespmem:s4+$0xFFFFFF40] =	vst v58;
	v63 =	vadd.f32 v59, v60;
	v57 =	vmul.f32 v48, v31;
	v58 =	vmul.f32 v49, v40  }
0x156: {  	v48 =	vmul.f32 v48, v32;
	v49 =	vmul.f32 v49, v41;
	[tilespmem:s4+$0xFFFFFFC0] =	vst v5;
	v5 =	vadd.f32 v61, v62  }
0x157: {  	v60 =	vmul.f32 v45, v25;
	[tilespmem:s4+$0x40] =	vst v63;
	v59 =	vadd.f32 v57, v58;
	v61 =	vmul.f32 v46, v33  }
0x158: {  	v62 =	vmul.f32 v45, v26;
	v63 =	vmul.f32 v46, v34;
	[tilespmem:s4+$0xC0] =	vst v5;
	v5 =	vadd.f32 v48, v49  }
0x159: {  	v57 =	vmul.f32 v45, v27;
	v58 =	vmul.f32 v46, v35;
	[tilespmem:s4+$0x140] =	vst v59;
	v56 =	vadd.f32 v60, v61  }
0x15a: {  	v59 =	vmul.f32 v45, v28;
	v60 =	vmul.f32 v46, v36;
	[tilespmem:s4+$0x1C0] =	vst v5;
	v5 =	vadd.f32 v62, v63  }
0x15b: {  	v61 =	vadd.f32 v57, v58;
	[tilespmem:s4+$0xFFFFFE50] =	vst v56;
	v62 =	vmul.f32 v45, v29;
	v63 =	vmul.f32 v46, v37  }
0x15c: {  	v57 =	vmul.f32 v46, v38;
	v56 =	vmul.f32 v45, v30;
	[tilespmem:s4+$0xFFFFFED0] =	vst v5;
	v5 =	vadd.f32 v59, v60  }
0x15d: {  	[tilespmem:s4+$0xFFFFFF50] =	vst v61;
	v58 =	vadd.f32 v62, v63;
	v59 =	vmul.f32 v45, v31;
	v60 =	vmul.f32 v46, v40  }
0x15e: {  	v45 =	vmul.f32 v45, v32;
	v46 =	vmul.f32 v46, v41;
	[tilespmem:s4+$0xFFFFFFD0] =	vst v5;
	v5 =	vadd.f32 v56, v57  }
0x15f: {  	v62 =	vmul.f32 v42, v25;
	v63 =	vmul.f32 v43, v33;
	[tilespmem:s4+$0x50] =	vst v58;
	v61 =	vadd.f32 v59, v60  }
0x160: {  	v52 =	vmul.f32 v42, v26;
	v53 =	vmul.f32 v43, v34;
	[tilespmem:s4+$0xD0] =	vst v5;
	v5 =	vadd.f32 v45, v46  }
0x161: {  	v55 =	vmul.f32 v42, v27;
	v54 =	vadd.f32 v62, v63;
	v56 =	vmul.f32 v43, v35;
	[tilespmem:s4+$0x150] =	vst v61  }
0x162: {  	v57 =	vmul.f32 v42, v28;
	v58 =	vmul.f32 v43, v36;
	[tilespmem:s4+$0x1D0] =	vst v5;
	v5 =	vadd.f32 v52, v53  }
0x163: {  	v60 =	vmul.f32 v42, v29;
	[tilespmem:s4+$0xFFFFFE60] =	vst v54;
	v59 =	vadd.f32 v55, v56;
	v61 =	vmul.f32 v43, v37  }
0x164: {  	v62 =	vmul.f32 v42, v30;
	v63 =	vmul.f32 v43, v38;
	[tilespmem:s4+$0xFFFFFEE0] =	vst v5;
	v5 =	vadd.f32 v57, v58  }
0x165: {  	v54 =	vmul.f32 v43, v40;
	[tilespmem:s4+$0xFFFFFF60] =	vst v59;
	v52 =	vadd.f32 v60, v61;
	v53 =	vmul.f32 v42, v31  }
0x166: {  	v43 =	vmul.f32 v43, v41;
	v42 =	vmul.f32 v42, v32;
	[tilespmem:s4+$0xFFFFFFE0] =	vst v5;
	v5 =	vadd.f32 v62, v63  }
0x167: {  	v56 =	vmul.f32 v44, v25;
	[tilespmem:s4+$0x60] =	vst v52;
	v55 =	vadd.f32 v53, v54;
	v57 =	vmul.f32 v47, v33  }
0x168: {  	v59 =	vmul.f32 v47, v34;
	v58 =	vmul.f32 v44, v26;
	[tilespmem:s4+$0xE0] =	vst v5;
	v5 =	vadd.f32 v42, v43  }
0x169: {  	v61 =	vmul.f32 v44, v27;
	[tilespmem:s4+$0x160] =	vst v55;
	v60 =	vadd.f32 v56, v57;
	v62 =	vmul.f32 v47, v35  }
0x16a: {  	v52 =	vmul.f32 v47, v36;
	v63 =	vmul.f32 v44, v28;
	[tilespmem:s4+$0x1E0] =	vst v5;
	v5 =	vadd.f32 v58, v59  }
0x16b: {  	v54 =	vmul.f32 v44, v29;
	v55 =	vmul.f32 v47, v37;
	[tilespmem:s4+$0xFFFFFE70] =	vst v60;
	v53 =	vadd.f32 v61, v62  }
0x16c: {  	v56 =	vmul.f32 v44, v30;
	v57 =	vmul.f32 v47, v38;
	[tilespmem:s4+$0xFFFFFEF0] =	vst v5;
	v5 =	vadd.f32 v63, v52  }
0x16d: {  	p0 =	sne.s32 s2, $0x180;
	v60 =	vmul.f32 v47, v40;
	[tilespmem:s4+$0xFFFFFF70] =	vst v53;
	v58 =	vadd.f32 v54, v55;
	v59 =	vmul.f32 v44, v31  }
.Ltmp1:
0x16e: {  	v61 =	vmul.f32 v44, v32;
	v62 =	vmul.f32 v47, v41;
	[tilespmem:s4+$0xFFFFFFF0] =	vst v5;
	v5 =	vadd.f32 v56, v57;
	(pc) =	sbr.rel @p0 .LBB2_4-.Ltmp1, $4  }
0x16f: {  	[tilespmem:s4+$0x70] =	vst v58;
	v63 =	vadd.f32 v59, v60  }
0x170: {  	[tilespmem:s4+$0xF0] =	vst v5;
	v5 =	vadd.f32 v61, v62  }
0x171: {  	[tilespmem:s4+$0x170] =	vst v63  }
0x172: {  	s2 =	sadd.s32 $0x80, s2;
	s7 =	sadd.s32 $0x80, s7;
	[tilespmem:s4+$0x1F0] =	vst v5;
	s4 =	sadd.s32 $0x400, s4  }
0x173: {  	s2 =	simm.s32 $0x0;
	s4 =	simm.s32 $0x1220  }
0x174: {  	[hbm4b:s22+s2] =	stream.linear.scatter [tilespmem:s4], [sflag:$0x2], $0x1000, $0x38;
	[tilespmem:$0x5220] =	vst v63  }
0x175: {  	s7 =	simm.s32 $0xA70;
	s4 =	simm.s32 $0x2610  }
.LBB2_6:
0x176: {  	v5 =	vld [tilespmem:s7+$0xFFFFFF90]  }
0x177: {  	v42 =	vld [tilespmem:s7+$0xFFFFFFA0]  }
0x178: {  	v43 =	vld [tilespmem:s7+$0xFFFFFFB0]  }
0x179: {  	s8 =	sadd.s32 s2, s24;
	v44 =	vld [tilespmem:s7+$0xFFFFFFC0]  }
0x17a: {  	v46 =	vld [tilespmem:s7+$0xFFFFFFD0];
	s9 =	sadd.s32 $0x200, s8  }
0x17b: {  	v62 =	vld [tilespmem:s7+$0xFFFFFFE0];
	v45 =	vor.u32 s9, v21;
	s9 =	sadd.s32 $0x210, s8  }
0x17c: {  	v48 =	vld [tilespmem:s7+$0xFFFFFFF0];
	v60 =	vor.u32 s9, v21  }
0x17d: {  	v58 =	vld [tilespmem:s7+$0x0];
	vm0 =	vlt.s32 v45, v24;
	vm1 =	vlt.s32 v60, v24  }
0x17e: {  	s9 =	sadd.s32 $0x220, s8;
	v47 =	vsel vm0, $0x3F800000, v22;
	v5 =	vsub.f32 v5, v23;
	v42 =	vsub.f32 v42, v23  }
0x17f: {  	v63 =	vor.u32 s9, v21;
	v43 =	vsub.f32 v43, v23;
	v61 =	vsub.f32 v44, v23  }
0x180: {  	s9 =	sadd.s32 $0x230, s8;
	v53 =	vsel vm1, $0x3F800000, v22;
	vm10 =	vlt.s32 v63, v24;
	v57 =	vsub.f32 v46, v23  }
0x181: {  	v51 =	vor.u32 s9, v21;
	v44 =	vsub.f32 v62, v23;
	v62 =	vsub.f32 v48, v23  }
0x182: {  	v56 =	vsub.f32 v58, v23;
	vm11 =	vlt.s32 v51, v24;
	v5 =	vmul.f32 v5, v39  }
0x183: {  	s9 =	sadd.s32 $0x240, s8;
	v55 =	vsel vm10, $0x3F800000, v22;
	v42 =	vmul.f32 v42, v39;
	v43 =	vmul.f32 v43, v39  }
0x184: {  	v60 =	vor.u32 s9, v21;
	v59 =	vmul.f32 v57, v39;
	v63 =	vmul.f32 v44, v39  }
0x185: {  	vm12 =	vlt.s32 v60, v24;
	v60 =	vmul.f32 v62, v39;
	v44 =	vmul.f32 v56, v39  }
0x186: {  	v51 =	vsel vm11, $0x3F800000, v22;
	v57 =	vmul.f32 v47, v33;
	v62 =	vmul.f32 v47, v36  }
0x187: {  	s9 =	sadd.s32 $0x250, s8;
	v49 =	vsel vm12, $0x3F800000, v22;
	v5 =	vnsel vm0, $0x0, v5;
	v52 =	vnsel vm1, $0x0, v42  }
0x188: {  	v42 =	vmul.f32 v61, v39;
	v54 =	vnsel vm10, $0x0, v43;
	v61 =	vor.u32 s9, v21;
	s9 =	sadd.s32 $0x260, s8  }
0x189: {  	v48 =	vnsel vm12, $0x0, v59;
	s8 =	sadd.s32 $0x270, s8;
	vm13 =	vlt.s32 v61, v24;
	v61 =	vor.u32 s9, v21  }
0x18a: {  	v56 =	vmul.f32 v5, v25;
	v58 =	vor.u32 s8, v21;
	v59 =	vmul.f32 v5, v26  }
0x18b: {  	v50 =	vnsel vm11, $0x0, v42;
	v45 =	vnsel vm13, $0x0, v63;
	vm14 =	vlt.s32 v61, v24  }
0x18c: {  	v46 =	vsel vm13, $0x3F800000, v22;
	vm15 =	vlt.s32 v58, v24;
	v58 =	vmul.f32 v5, v27  }
0x18d: {  	v61 =	vmul.f32 v47, v35;
	v42 =	vnsel vm14, $0x0, v60;
	v60 =	vmul.f32 v47, v34  }
0x18e: {  	v63 =	vmul.f32 v47, v37;
	v43 =	vsel vm14, $0x3F800000, v22;
	v56 =	vadd.f32 v56, v57  }
0x18f: {  	v57 =	vmul.f32 v5, v28;
	v44 =	vnsel vm15, $0x0, v44;
	v59 =	vadd.f32 v59, v60  }
0x190: {  	v60 =	vmul.f32 v5, v29;
	[tilespmem:s4+$0xFFFFFC10] =	vst v56;
	v56 =	vadd.f32 v58, v61;
	v58 =	vmul.f32 v5, v30  }
0x191: {  	v61 =	vmul.f32 v47, v38;
	v57 =	vadd.f32 v57, v62;
	v62 =	vmul.f32 v47, v40;
	[tilespmem:s4+$0xFFFFFC90] =	vst v59  }
0x192: {  	v47 =	vmul.f32 v47, v41;
	v59 =	vmul.f32 v5, v31;
	[tilespmem:s4+$0xFFFFFD10] =	vst v56;
	v56 =	vadd.f32 v60, v63  }
0x193: {  	v5 =	vmul.f32 v5, v32;
	[tilespmem:s4+$0xFFFFFD90] =	vst v57;
	v57 =	vadd.f32 v58, v61;
	v58 =	vmul.f32 v52, v25  }
0x194: {  	v60 =	vmul.f32 v53, v33;
	v61 =	vmul.f32 v53, v34;
	[tilespmem:s4+$0xFFFFFE10] =	vst v56;
	v56 =	vadd.f32 v59, v62  }
0x195: {  	v59 =	vmul.f32 v52, v26;
	[tilespmem:s4+$0xFFFFFE90] =	vst v57;
	v5 =	vadd.f32 v5, v47;
	v47 =	vmul.f32 v52, v27  }
0x196: {  	v57 =	vmul.f32 v53, v35;
	v62 =	vmul.f32 v53, v38;
	[tilespmem:s4+$0xFFFFFF10] =	vst v56;
	v56 =	vadd.f32 v58, v60  }
0x197: {  	v58 =	vmul.f32 v52, v28;
	v60 =	vmul.f32 v53, v36;
	[tilespmem:s4+$0xFFFFFF90] =	vst v5;
	v5 =	vadd.f32 v59, v61  }
0x198: {  	v59 =	vmul.f32 v52, v29;
	v61 =	vmul.f32 v53, v37;
	v47 =	vadd.f32 v47, v57;
	[tilespmem:s4+$0xFFFFFC20] =	vst v56  }
0x199: {  	v57 =	vmul.f32 v49, v33;
	v56 =	vmul.f32 v52, v30;
	[tilespmem:s4+$0xFFFFFCA0] =	vst v5;
	v5 =	vadd.f32 v58, v60  }
0x19a: {  	v63 =	vadd.f32 v59, v61;
	[tilespmem:s4+$0xFFFFFD20] =	vst v47;
	v60 =	vmul.f32 v52, v31;
	v61 =	vmul.f32 v53, v40  }
0x19b: {  	v56 =	vadd.f32 v56, v62;
	[tilespmem:s4+$0xFFFFFDA0] =	vst v5;
	v5 =	vmul.f32 v52, v32;
	v62 =	vmul.f32 v53, v41  }
0x19c: {  	[tilespmem:s4+$0xFFFFFE20] =	vst v63;
	v63 =	vadd.f32 v60, v61;
	v60 =	vmul.f32 v54, v25;
	v61 =	vmul.f32 v55, v33  }
0x19d: {  	v52 =	vmul.f32 v54, v26;
	[tilespmem:s4+$0xFFFFFEA0] =	vst v56;
	v5 =	vadd.f32 v5, v62;
	v62 =	vmul.f32 v55, v34  }
0x19e: {  	[tilespmem:s4+$0xFFFFFF20] =	vst v63;
	v63 =	vadd.f32 v60, v61;
	v60 =	vmul.f32 v54, v27;
	v61 =	vmul.f32 v55, v35  }
0x19f: {  	[tilespmem:s4+$0xFFFFFFA0] =	vst v5;
	v5 =	vadd.f32 v52, v62;
	v52 =	vmul.f32 v54, v28;
	v62 =	vmul.f32 v55, v36  }
0x1a0: {  	[tilespmem:s4+$0xFFFFFC30] =	vst v63;
	v63 =	vadd.f32 v60, v61;
	v60 =	vmul.f32 v54, v29;
	v61 =	vmul.f32 v55, v37  }
0x1a1: {  	[tilespmem:s4+$0xFFFFFCB0] =	vst v5;
	v5 =	vadd.f32 v52, v62;
	v52 =	vmul.f32 v54, v30;
	v62 =	vmul.f32 v55, v38  }
0x1a2: {  	[tilespmem:s4+$0xFFFFFD30] =	vst v63;
	v63 =	vadd.f32 v60, v61;
	v60 =	vmul.f32 v54, v31;
	v61 =	vmul.f32 v55, v40  }
0x1a3: {  	[tilespmem:s4+$0xFFFFFDB0] =	vst v5;
	v5 =	vadd.f32 v52, v62;
	v52 =	vmul.f32 v54, v32;
	v62 =	vmul.f32 v55, v41  }
0x1a4: {  	[tilespmem:s4+$0xFFFFFE30] =	vst v63;
	v63 =	vadd.f32 v60, v61;
	v60 =	vmul.f32 v50, v25;
	v61 =	vmul.f32 v51, v33  }
0x1a5: {  	[tilespmem:s4+$0xFFFFFEB0] =	vst v5;
	v5 =	vadd.f32 v52, v62;
	v52 =	vmul.f32 v50, v26;
	v62 =	vmul.f32 v51, v34  }
0x1a6: {  	[tilespmem:s4+$0xFFFFFF30] =	vst v63;
	v63 =	vadd.f32 v60, v61;
	v60 =	vmul.f32 v50, v27;
	v61 =	vmul.f32 v51, v35  }
0x1a7: {  	[tilespmem:s4+$0xFFFFFFB0] =	vst v5;
	v5 =	vadd.f32 v52, v62;
	v52 =	vmul.f32 v50, v28;
	v62 =	vmul.f32 v51, v36  }
0x1a8: {  	[tilespmem:s4+$0xFFFFFC40] =	vst v63;
	v63 =	vadd.f32 v60, v61;
	v60 =	vmul.f32 v50, v29;
	v61 =	vmul.f32 v51, v37  }
0x1a9: {  	[tilespmem:s4+$0xFFFFFCC0] =	vst v5;
	v5 =	vadd.f32 v52, v62;
	v52 =	vmul.f32 v50, v30;
	v62 =	vmul.f32 v51, v38  }
0x1aa: {  	[tilespmem:s4+$0xFFFFFD40] =	vst v63;
	v63 =	vadd.f32 v60, v61;
	v60 =	vmul.f32 v50, v31;
	v61 =	vmul.f32 v51, v40  }
0x1ab: {  	v50 =	vmul.f32 v50, v32;
	v51 =	vmul.f32 v51, v41;
	[tilespmem:s4+$0xFFFFFDC0] =	vst v5;
	v5 =	vadd.f32 v52, v62  }
0x1ac: {  	v47 =	vsel vm15, $0x3F800000, v22;
	[tilespmem:s4+$0xFFFFFE40] =	vst v63;
	v62 =	vadd.f32 v60, v61;
	v63 =	vmul.f32 v48, v25  }
0x1ad: {  	v58 =	vmul.f32 v48, v26;
	v59 =	vmul.f32 v49, v34;
	[tilespmem:s4+$0xFFFFFEC0] =	vst v5;
	v5 =	vadd.f32 v50, v51  }
0x1ae: {  	v61 =	vmul.f32 v48, v27;
	[tilespmem:s4+$0xFFFFFF40] =	vst v62;
	v60 =	vadd.f32 v63, v57;
	v62 =	vmul.f32 v49, v35  }
0x1af: {  	v63 =	vmul.f32 v48, v28;
	v57 =	vmul.f32 v49, v36;
	[tilespmem:s4+$0xFFFFFFC0] =	vst v5;
	v5 =	vadd.f32 v58, v59  }
0x1b0: {  	[tilespmem:s4+$0xFFFFFC50] =	vst v60;
	v58 =	vadd.f32 v61, v62;
	v59 =	vmul.f32 v48, v29;
	v60 =	vmul.f32 v49, v37  }
0x1b1: {  	v61 =	vmul.f32 v48, v30;
	v62 =	vmul.f32 v49, v38;
	[tilespmem:s4+$0xFFFFFCD0] =	vst v5;
	v5 =	vadd.f32 v63, v57  }
0x1b2: {  	[tilespmem:s4+$0xFFFFFD50] =	vst v58;
	v63 =	vadd.f32 v59, v60;
	v57 =	vmul.f32 v48, v31;
	v58 =	vmul.f32 v49, v40  }
0x1b3: {  	v48 =	vmul.f32 v48, v32;
	v49 =	vmul.f32 v49, v41;
	[tilespmem:s4+$0xFFFFFDD0] =	vst v5;
	v5 =	vadd.f32 v61, v62  }
0x1b4: {  	v60 =	vmul.f32 v45, v25;
	[tilespmem:s4+$0xFFFFFE50] =	vst v63;
	v59 =	vadd.f32 v57, v58;
	v61 =	vmul.f32 v46, v33  }
0x1b5: {  	v62 =	vmul.f32 v45, v26;
	v63 =	vmul.f32 v46, v34;
	[tilespmem:s4+$0xFFFFFED0] =	vst v5;
	v5 =	vadd.f32 v48, v49  }
0x1b6: {  	v57 =	vmul.f32 v45, v27;
	v58 =	vmul.f32 v46, v35;
	[tilespmem:s4+$0xFFFFFF50] =	vst v59;
	v56 =	vadd.f32 v60, v61  }
0x1b7: {  	v59 =	vmul.f32 v45, v28;
	v60 =	vmul.f32 v46, v36;
	[tilespmem:s4+$0xFFFFFFD0] =	vst v5;
	v5 =	vadd.f32 v62, v63  }
0x1b8: {  	v61 =	vadd.f32 v57, v58;
	[tilespmem:s4+$0xFFFFFC60] =	vst v56;
	v62 =	vmul.f32 v45, v29;
	v63 =	vmul.f32 v46, v37  }
0x1b9: {  	v57 =	vmul.f32 v46, v38;
	v56 =	vmul.f32 v45, v30;
	[tilespmem:s4+$0xFFFFFCE0] =	vst v5;
	v5 =	vadd.f32 v59, v60  }
0x1ba: {  	[tilespmem:s4+$0xFFFFFD60] =	vst v61;
	v58 =	vadd.f32 v62, v63;
	v59 =	vmul.f32 v45, v31;
	v60 =	vmul.f32 v46, v40  }
0x1bb: {  	v45 =	vmul.f32 v45, v32;
	v46 =	vmul.f32 v46, v41;
	[tilespmem:s4+$0xFFFFFDE0] =	vst v5;
	v5 =	vadd.f32 v56, v57  }
0x1bc: {  	v62 =	vmul.f32 v42, v25;
	v63 =	vmul.f32 v43, v33;
	[tilespmem:s4+$0xFFFFFE60] =	vst v58;
	v61 =	vadd.f32 v59, v60  }
0x1bd: {  	v53 =	vmul.f32 v43, v34;
	v52 =	vmul.f32 v42, v26;
	[tilespmem:s4+$0xFFFFFEE0] =	vst v5;
	v5 =	vadd.f32 v45, v46  }
0x1be: {  	v55 =	vmul.f32 v42, v27;
	v54 =	vadd.f32 v62, v63;
	v56 =	vmul.f32 v43, v35;
	[tilespmem:s4+$0xFFFFFF60] =	vst v61  }
0x1bf: {  	v57 =	vmul.f32 v42, v28;
	v58 =	vmul.f32 v43, v36;
	[tilespmem:s4+$0xFFFFFFE0] =	vst v5;
	v5 =	vadd.f32 v52, v53  }
0x1c0: {  	v60 =	vmul.f32 v42, v29;
	[tilespmem:s4+$0xFFFFFC70] =	vst v54;
	v59 =	vadd.f32 v55, v56;
	v61 =	vmul.f32 v43, v37  }
0x1c1: {  	v62 =	vmul.f32 v42, v30;
	v63 =	vmul.f32 v43, v38;
	[tilespmem:s4+$0xFFFFFCF0] =	vst v5;
	v5 =	vadd.f32 v57, v58  }
0x1c2: {  	v54 =	vmul.f32 v43, v40;
	[tilespmem:s4+$0xFFFFFD70] =	vst v59;
	v52 =	vadd.f32 v60, v61;
	v53 =	vmul.f32 v42, v31  }
0x1c3: {  	v43 =	vmul.f32 v43, v41;
	v42 =	vmul.f32 v42, v32;
	[tilespmem:s4+$0xFFFFFDF0] =	vst v5;
	v5 =	vadd.f32 v62, v63  }
0x1c4: {  	v56 =	vmul.f32 v44, v25;
	[tilespmem:s4+$0xFFFFFE70] =	vst v52;
	v55 =	vadd.f32 v53, v54;
	v57 =	vmul.f32 v47, v33  }
0x1c5: {  	v59 =	vmul.f32 v47, v34;
	v58 =	vmul.f32 v44, v26;
	[tilespmem:s4+$0xFFFFFEF0] =	vst v5;
	v5 =	vadd.f32 v42, v43  }
0x1c6: {  	v61 =	vmul.f32 v44, v27;
	[tilespmem:s4+$0xFFFFFF70] =	vst v55;
	v60 =	vadd.f32 v56, v57;
	v62 =	vmul.f32 v47, v35  }
0x1c7: {  	v52 =	vmul.f32 v47, v36;
	v63 =	vmul.f32 v44, v28;
	[tilespmem:s4+$0xFFFFFFF0] =	vst v5;
	v5 =	vadd.f32 v58, v59  }
0x1c8: {  	v54 =	vmul.f32 v44, v29;
	v55 =	vmul.f32 v47, v37;
	[tilespmem:s4+$0xFFFFFC80] =	vst v60;
	v53 =	vadd.f32 v61, v62  }
0x1c9: {  	v56 =	vmul.f32 v44, v30;
	v57 =	vmul.f32 v47, v38;
	[tilespmem:s4+$0xFFFFFD00] =	vst v5;
	v5 =	vadd.f32 v63, v52  }
0x1ca: {  	p0 =	sne.s32 s2, $0x180;
	v60 =	vmul.f32 v47, v40;
	[tilespmem:s4+$0xFFFFFD80] =	vst v53;
	v58 =	vadd.f32 v54, v55;
	v59 =	vmul.f32 v44, v31  }
.Ltmp2:
0x1cb: {  	v61 =	vmul.f32 v44, v32;
	v62 =	vmul.f32 v47, v41;
	[tilespmem:s4+$0xFFFFFE00] =	vst v5;
	v5 =	vadd.f32 v56, v57;
	(pc) =	sbr.rel @p0 .LBB2_6-.Ltmp2, $4  }
0x1cc: {  	[tilespmem:s4+$0xFFFFFE80] =	vst v58;
	v63 =	vadd.f32 v59, v60  }
0x1cd: {  	[tilespmem:s4+$0xFFFFFF00] =	vst v5;
	v5 =	vadd.f32 v61, v62  }
0x1ce: {  	[tilespmem:s4+$0xFFFFFF80] =	vst v63  }
0x1cf: {  	s7 =	sadd.s32 $0x80, s7;
	s2 =	sadd.s32 $0x80, s2;
	[tilespmem:s4+$0x0] =	vst v5;
	s4 =	sadd.s32 $0x400, s4  }
0x1d0: {  	s2 =	simm.s32 $0x0;
	s4 =	simm.s32 $0x2220  }
0x1d1: {  	[hbm4b:s29+s2] =	stream.linear.scatter [tilespmem:s4], [sflag:$0x2], $0x1000, $0x38;
	[tilespmem:$0x5220] =	vst v63  }
0x1d2: {  	s7 =	simm.s32 $0xC70;
	s4 =	simm.s32 $0x3610  }
.LBB2_8:
0x1d3: {  	v5 =	vld [tilespmem:s7+$0xFFFFFF90]  }
0x1d4: {  	v42 =	vld [tilespmem:s7+$0xFFFFFFA0]  }
0x1d5: {  	v43 =	vld [tilespmem:s7+$0xFFFFFFB0]  }
0x1d6: {  	s8 =	sadd.s32 s2, s24;
	v44 =	vld [tilespmem:s7+$0xFFFFFFC0]  }
0x1d7: {  	v46 =	vld [tilespmem:s7+$0xFFFFFFD0];
	s9 =	sadd.s32 $0x400, s8  }
0x1d8: {  	v62 =	vld [tilespmem:s7+$0xFFFFFFE0];
	v45 =	vor.u32 s9, v21;
	s9 =	sadd.s32 $0x410, s8  }
0x1d9: {  	v48 =	vld [tilespmem:s7+$0xFFFFFFF0];
	v60 =	vor.u32 s9, v21  }
0x1da: {  	v58 =	vld [tilespmem:s7+$0x0];
	vm0 =	vlt.s32 v45, v24;
	vm1 =	vlt.s32 v60, v24  }
0x1db: {  	s9 =	sadd.s32 $0x420, s8;
	v47 =	vsel vm0, $0x3F800000, v22;
	v5 =	vsub.f32 v5, v23;
	v42 =	vsub.f32 v42, v23  }
0x1dc: {  	v63 =	vor.u32 s9, v21;
	v43 =	vsub.f32 v43, v23;
	v61 =	vsub.f32 v44, v23  }
0x1dd: {  	s9 =	sadd.s32 $0x430, s8;
	v53 =	vsel vm1, $0x3F800000, v22;
	vm10 =	vlt.s32 v63, v24;
	v57 =	vsub.f32 v46, v23  }
0x1de: {  	v51 =	vor.u32 s9, v21;
	v44 =	vsub.f32 v62, v23;
	v62 =	vsub.f32 v48, v23  }
0x1df: {  	v56 =	vsub.f32 v58, v23;
	vm11 =	vlt.s32 v51, v24;
	v5 =	vmul.f32 v5, v39  }
0x1e0: {  	s9 =	sadd.s32 $0x440, s8;
	v55 =	vsel vm10, $0x3F800000, v22;
	v42 =	vmul.f32 v42, v39;
	v43 =	vmul.f32 v43, v39  }
0x1e1: {  	v60 =	vor.u32 s9, v21;
	v59 =	vmul.f32 v57, v39;
	v63 =	vmul.f32 v44, v39  }
0x1e2: {  	vm12 =	vlt.s32 v60, v24;
	v60 =	vmul.f32 v62, v39;
	v44 =	vmul.f32 v56, v39  }
0x1e3: {  	v51 =	vsel vm11, $0x3F800000, v22;
	v57 =	vmul.f32 v47, v33;
	v62 =	vmul.f32 v47, v36  }
0x1e4: {  	s9 =	sadd.s32 $0x450, s8;
	v49 =	vsel vm12, $0x3F800000, v22;
	v5 =	vnsel vm0, $0x0, v5;
	v52 =	vnsel vm1, $0x0, v42  }
0x1e5: {  	v42 =	vmul.f32 v61, v39;
	v54 =	vnsel vm10, $0x0, v43;
	v61 =	vor.u32 s9, v21;
	s9 =	sadd.s32 $0x460, s8  }
0x1e6: {  	v48 =	vnsel vm12, $0x0, v59;
	s8 =	sadd.s32 $0x470, s8;
	vm13 =	vlt.s32 v61, v24;
	v61 =	vor.u32 s9, v21  }
0x1e7: {  	v56 =	vmul.f32 v5, v25;
	v58 =	vor.u32 s8, v21;
	v59 =	vmul.f32 v5, v26  }
0x1e8: {  	v50 =	vnsel vm11, $0x0, v42;
	v45 =	vnsel vm13, $0x0, v63;
	vm14 =	vlt.s32 v61, v24  }
0x1e9: {  	v46 =	vsel vm13, $0x3F800000, v22;
	vm15 =	vlt.s32 v58, v24;
	v58 =	vmul.f32 v5, v27  }
0x1ea: {  	v61 =	vmul.f32 v47, v35;
	v42 =	vnsel vm14, $0x0, v60;
	v60 =	vmul.f32 v47, v34  }
0x1eb: {  	v63 =	vmul.f32 v47, v37;
	v43 =	vsel vm14, $0x3F800000, v22;
	v56 =	vadd.f32 v56, v57  }
0x1ec: {  	v57 =	vmul.f32 v5, v28;
	v44 =	vnsel vm15, $0x0, v44;
	v59 =	vadd.f32 v59, v60  }
0x1ed: {  	v60 =	vmul.f32 v5, v29;
	[tilespmem:s4+$0xFFFFFC10] =	vst v56;
	v56 =	vadd.f32 v58, v61;
	v58 =	vmul.f32 v5, v30  }
0x1ee: {  	v61 =	vmul.f32 v47, v38;
	v57 =	vadd.f32 v57, v62;
	v62 =	vmul.f32 v47, v40;
	[tilespmem:s4+$0xFFFFFC90] =	vst v59  }
0x1ef: {  	v47 =	vmul.f32 v47, v41;
	v59 =	vmul.f32 v5, v31;
	[tilespmem:s4+$0xFFFFFD10] =	vst v56;
	v56 =	vadd.f32 v60, v63  }
0x1f0: {  	v5 =	vmul.f32 v5, v32;
	[tilespmem:s4+$0xFFFFFD90] =	vst v57;
	v57 =	vadd.f32 v58, v61;
	v58 =	vmul.f32 v52, v25  }
0x1f1: {  	v60 =	vmul.f32 v53, v33;
	v61 =	vmul.f32 v53, v34;
	[tilespmem:s4+$0xFFFFFE10] =	vst v56;
	v56 =	vadd.f32 v59, v62  }
0x1f2: {  	v59 =	vmul.f32 v52, v26;
	[tilespmem:s4+$0xFFFFFE90] =	vst v57;
	v5 =	vadd.f32 v5, v47;
	v47 =	vmul.f32 v52, v27  }
0x1f3: {  	v57 =	vmul.f32 v53, v35;
	v62 =	vmul.f32 v53, v38;
	[tilespmem:s4+$0xFFFFFF10] =	vst v56;
	v56 =	vadd.f32 v58, v60  }
0x1f4: {  	v58 =	vmul.f32 v52, v28;
	v60 =	vmul.f32 v53, v36;
	[tilespmem:s4+$0xFFFFFF90] =	vst v5;
	v5 =	vadd.f32 v59, v61  }
0x1f5: {  	v59 =	vmul.f32 v52, v29;
	v61 =	vmul.f32 v53, v37;
	v47 =	vadd.f32 v47, v57;
	[tilespmem:s4+$0xFFFFFC20] =	vst v56  }
0x1f6: {  	v57 =	vmul.f32 v49, v33;
	v56 =	vmul.f32 v52, v30;
	[tilespmem:s4+$0xFFFFFCA0] =	vst v5;
	v5 =	vadd.f32 v58, v60  }
0x1f7: {  	v63 =	vadd.f32 v59, v61;
	[tilespmem:s4+$0xFFFFFD20] =	vst v47;
	v60 =	vmul.f32 v52, v31;
	v61 =	vmul.f32 v53, v40  }
0x1f8: {  	v56 =	vadd.f32 v56, v62;
	[tilespmem:s4+$0xFFFFFDA0] =	vst v5;
	v5 =	vmul.f32 v52, v32;
	v62 =	vmul.f32 v53, v41  }
0x1f9: {  	[tilespmem:s4+$0xFFFFFE20] =	vst v63;
	v63 =	vadd.f32 v60, v61;
	v60 =	vmul.f32 v54, v25;
	v61 =	vmul.f32 v55, v33  }
0x1fa: {  	v52 =	vmul.f32 v54, v26;
	[tilespmem:s4+$0xFFFFFEA0] =	vst v56;
	v5 =	vadd.f32 v5, v62;
	v62 =	vmul.f32 v55, v34  }
0x1fb: {  	[tilespmem:s4+$0xFFFFFF20] =	vst v63;
	v63 =	vadd.f32 v60, v61;
	v60 =	vmul.f32 v54, v27;
	v61 =	vmul.f32 v55, v35  }
0x1fc: {  	[tilespmem:s4+$0xFFFFFFA0] =	vst v5;
	v5 =	vadd.f32 v52, v62;
	v52 =	vmul.f32 v54, v28;
	v62 =	vmul.f32 v55, v36  }
0x1fd: {  	[tilespmem:s4+$0xFFFFFC30] =	vst v63;
	v63 =	vadd.f32 v60, v61;
	v60 =	vmul.f32 v54, v29;
	v61 =	vmul.f32 v55, v37  }
0x1fe: {  	[tilespmem:s4+$0xFFFFFCB0] =	vst v5;
	v5 =	vadd.f32 v52, v62;
	v52 =	vmul.f32 v54, v30;
	v62 =	vmul.f32 v55, v38  }
0x1ff: {  	[tilespmem:s4+$0xFFFFFD30] =	vst v63;
	v63 =	vadd.f32 v60, v61;
	v60 =	vmul.f32 v54, v31;
	v61 =	vmul.f32 v55, v40  }
0x200: {  	[tilespmem:s4+$0xFFFFFDB0] =	vst v5;
	v5 =	vadd.f32 v52, v62;
	v52 =	vmul.f32 v54, v32;
	v62 =	vmul.f32 v55, v41  }
0x201: {  	[tilespmem:s4+$0xFFFFFE30] =	vst v63;
	v63 =	vadd.f32 v60, v61;
	v60 =	vmul.f32 v50, v25;
	v61 =	vmul.f32 v51, v33  }
0x202: {  	[tilespmem:s4+$0xFFFFFEB0] =	vst v5;
	v5 =	vadd.f32 v52, v62;
	v52 =	vmul.f32 v50, v26;
	v62 =	vmul.f32 v51, v34  }
0x203: {  	[tilespmem:s4+$0xFFFFFF30] =	vst v63;
	v63 =	vadd.f32 v60, v61;
	v60 =	vmul.f32 v50, v27;
	v61 =	vmul.f32 v51, v35  }
0x204: {  	[tilespmem:s4+$0xFFFFFFB0] =	vst v5;
	v5 =	vadd.f32 v52, v62;
	v52 =	vmul.f32 v50, v28;
	v62 =	vmul.f32 v51, v36  }
0x205: {  	[tilespmem:s4+$0xFFFFFC40] =	vst v63;
	v63 =	vadd.f32 v60, v61;
	v60 =	vmul.f32 v50, v29;
	v61 =	vmul.f32 v51, v37  }
0x206: {  	[tilespmem:s4+$0xFFFFFCC0] =	vst v5;
	v5 =	vadd.f32 v52, v62;
	v52 =	vmul.f32 v50, v30;
	v62 =	vmul.f32 v51, v38  }
0x207: {  	[tilespmem:s4+$0xFFFFFD40] =	vst v63;
	v63 =	vadd.f32 v60, v61;
	v60 =	vmul.f32 v50, v31;
	v61 =	vmul.f32 v51, v40  }
0x208: {  	v50 =	vmul.f32 v50, v32;
	v51 =	vmul.f32 v51, v41;
	[tilespmem:s4+$0xFFFFFDC0] =	vst v5;
	v5 =	vadd.f32 v52, v62  }
0x209: {  	v47 =	vsel vm15, $0x3F800000, v22;
	[tilespmem:s4+$0xFFFFFE40] =	vst v63;
	v62 =	vadd.f32 v60, v61;
	v63 =	vmul.f32 v48, v25  }
0x20a: {  	v58 =	vmul.f32 v48, v26;
	v59 =	vmul.f32 v49, v34;
	[tilespmem:s4+$0xFFFFFEC0] =	vst v5;
	v5 =	vadd.f32 v50, v51  }
0x20b: {  	v61 =	vmul.f32 v48, v27;
	[tilespmem:s4+$0xFFFFFF40] =	vst v62;
	v60 =	vadd.f32 v63, v57;
	v62 =	vmul.f32 v49, v35  }
0x20c: {  	v63 =	vmul.f32 v48, v28;
	v57 =	vmul.f32 v49, v36;
	[tilespmem:s4+$0xFFFFFFC0] =	vst v5;
	v5 =	vadd.f32 v58, v59  }
0x20d: {  	[tilespmem:s4+$0xFFFFFC50] =	vst v60;
	v58 =	vadd.f32 v61, v62;
	v59 =	vmul.f32 v48, v29;
	v60 =	vmul.f32 v49, v37  }
0x20e: {  	v61 =	vmul.f32 v48, v30;
	v62 =	vmul.f32 v49, v38;
	[tilespmem:s4+$0xFFFFFCD0] =	vst v5;
	v5 =	vadd.f32 v63, v57  }
0x20f: {  	[tilespmem:s4+$0xFFFFFD50] =	vst v58;
	v63 =	vadd.f32 v59, v60;
	v57 =	vmul.f32 v48, v31;
	v58 =	vmul.f32 v49, v40  }
0x210: {  	v48 =	vmul.f32 v48, v32;
	v49 =	vmul.f32 v49, v41;
	[tilespmem:s4+$0xFFFFFDD0] =	vst v5;
	v5 =	vadd.f32 v61, v62  }
0x211: {  	v60 =	vmul.f32 v45, v25;
	[tilespmem:s4+$0xFFFFFE50] =	vst v63;
	v59 =	vadd.f32 v57, v58;
	v61 =	vmul.f32 v46, v33  }
0x212: {  	v62 =	vmul.f32 v45, v26;
	v63 =	vmul.f32 v46, v34;
	[tilespmem:s4+$0xFFFFFED0] =	vst v5;
	v5 =	vadd.f32 v48, v49  }
0x213: {  	v57 =	vmul.f32 v45, v27;
	v58 =	vmul.f32 v46, v35;
	[tilespmem:s4+$0xFFFFFF50] =	vst v59;
	v56 =	vadd.f32 v60, v61  }
0x214: {  	v59 =	vmul.f32 v45, v28;
	v60 =	vmul.f32 v46, v36;
	[tilespmem:s4+$0xFFFFFFD0] =	vst v5;
	v5 =	vadd.f32 v62, v63  }
0x215: {  	v61 =	vadd.f32 v57, v58;
	[tilespmem:s4+$0xFFFFFC60] =	vst v56;
	v62 =	vmul.f32 v45, v29;
	v63 =	vmul.f32 v46, v37  }
0x216: {  	v57 =	vmul.f32 v46, v38;
	v56 =	vmul.f32 v45, v30;
	[tilespmem:s4+$0xFFFFFCE0] =	vst v5;
	v5 =	vadd.f32 v59, v60  }
0x217: {  	[tilespmem:s4+$0xFFFFFD60] =	vst v61;
	v58 =	vadd.f32 v62, v63;
	v59 =	vmul.f32 v45, v31;
	v60 =	vmul.f32 v46, v40  }
0x218: {  	v45 =	vmul.f32 v45, v32;
	v46 =	vmul.f32 v46, v41;
	[tilespmem:s4+$0xFFFFFDE0] =	vst v5;
	v5 =	vadd.f32 v56, v57  }
0x219: {  	v62 =	vmul.f32 v42, v25;
	v63 =	vmul.f32 v43, v33;
	[tilespmem:s4+$0xFFFFFE60] =	vst v58;
	v61 =	vadd.f32 v59, v60  }
0x21a: {  	v53 =	vmul.f32 v43, v34;
	v52 =	vmul.f32 v42, v26;
	[tilespmem:s4+$0xFFFFFEE0] =	vst v5;
	v5 =	vadd.f32 v45, v46  }
0x21b: {  	v55 =	vmul.f32 v42, v27;
	v54 =	vadd.f32 v62, v63;
	v56 =	vmul.f32 v43, v35;
	[tilespmem:s4+$0xFFFFFF60] =	vst v61  }
0x21c: {  	v57 =	vmul.f32 v42, v28;
	v58 =	vmul.f32 v43, v36;
	[tilespmem:s4+$0xFFFFFFE0] =	vst v5;
	v5 =	vadd.f32 v52, v53  }
0x21d: {  	v60 =	vmul.f32 v42, v29;
	[tilespmem:s4+$0xFFFFFC70] =	vst v54;
	v59 =	vadd.f32 v55, v56;
	v61 =	vmul.f32 v43, v37  }
0x21e: {  	v62 =	vmul.f32 v42, v30;
	v63 =	vmul.f32 v43, v38;
	[tilespmem:s4+$0xFFFFFCF0] =	vst v5;
	v5 =	vadd.f32 v57, v58  }
0x21f: {  	v54 =	vmul.f32 v43, v40;
	[tilespmem:s4+$0xFFFFFD70] =	vst v59;
	v52 =	vadd.f32 v60, v61;
	v53 =	vmul.f32 v42, v31  }
0x220: {  	v43 =	vmul.f32 v43, v41;
	v42 =	vmul.f32 v42, v32;
	[tilespmem:s4+$0xFFFFFDF0] =	vst v5;
	v5 =	vadd.f32 v62, v63  }
0x221: {  	v56 =	vmul.f32 v44, v25;
	[tilespmem:s4+$0xFFFFFE70] =	vst v52;
	v55 =	vadd.f32 v53, v54;
	v57 =	vmul.f32 v47, v33  }
0x222: {  	v59 =	vmul.f32 v47, v34;
	v58 =	vmul.f32 v44, v26;
	[tilespmem:s4+$0xFFFFFEF0] =	vst v5;
	v5 =	vadd.f32 v42, v43  }
0x223: {  	v61 =	vmul.f32 v44, v27;
	[tilespmem:s4+$0xFFFFFF70] =	vst v55;
	v60 =	vadd.f32 v56, v57;
	v62 =	vmul.f32 v47, v35  }
0x224: {  	v52 =	vmul.f32 v47, v36;
	v63 =	vmul.f32 v44, v28;
	[tilespmem:s4+$0xFFFFFFF0] =	vst v5;
	v5 =	vadd.f32 v58, v59  }
0x225: {  	v54 =	vmul.f32 v44, v29;
	v55 =	vmul.f32 v47, v37;
	[tilespmem:s4+$0xFFFFFC80] =	vst v60;
	v53 =	vadd.f32 v61, v62  }
0x226: {  	v56 =	vmul.f32 v44, v30;
	v57 =	vmul.f32 v47, v38;
	[tilespmem:s4+$0xFFFFFD00] =	vst v5;
	v5 =	vadd.f32 v63, v52  }
0x227: {  	p0 =	sne.s32 s2, $0x180;
	v60 =	vmul.f32 v47, v40;
	[tilespmem:s4+$0xFFFFFD80] =	vst v53;
	v58 =	vadd.f32 v54, v55;
	v59 =	vmul.f32 v44, v31  }
.Ltmp3:
0x228: {  	v61 =	vmul.f32 v44, v32;
	v62 =	vmul.f32 v47, v41;
	[tilespmem:s4+$0xFFFFFE00] =	vst v5;
	v5 =	vadd.f32 v56, v57;
	(pc) =	sbr.rel @p0 .LBB2_8-.Ltmp3, $4  }
0x229: {  	[tilespmem:s4+$0xFFFFFE80] =	vst v58;
	v63 =	vadd.f32 v59, v60  }
0x22a: {  	[tilespmem:s4+$0xFFFFFF00] =	vst v5;
	v5 =	vadd.f32 v61, v62  }
0x22b: {  	[tilespmem:s4+$0xFFFFFF80] =	vst v63  }
0x22c: {  	s7 =	sadd.s32 $0x80, s7;
	s2 =	sadd.s32 $0x80, s2;
	[tilespmem:s4+$0x0] =	vst v5;
	s4 =	sadd.s32 $0x400, s4  }
0x22d: {  	s2 =	simm.s32 $0x0;
	s4 =	simm.s32 $0x3220  }
0x22e: {  	[hbm4b:s30+s2] =	stream.linear.scatter [tilespmem:s4], [sflag:$0x2], $0x1000, $0x38;
	[tilespmem:$0x5220] =	vst v63  }
0x22f: {  	s7 =	simm.s32 $0xE70;
	s4 =	simm.s32 $0x4610  }
.LBB2_10:
0x230: {  	v5 =	vld [tilespmem:s7+$0xFFFFFF90]  }
0x231: {  	v42 =	vld [tilespmem:s7+$0xFFFFFFA0]  }
0x232: {  	v43 =	vld [tilespmem:s7+$0xFFFFFFB0]  }
0x233: {  	s8 =	sadd.s32 s2, s24;
	v44 =	vld [tilespmem:s7+$0xFFFFFFC0]  }
0x234: {  	v46 =	vld [tilespmem:s7+$0xFFFFFFD0];
	s9 =	sadd.s32 $0x600, s8  }
0x235: {  	v62 =	vld [tilespmem:s7+$0xFFFFFFE0];
	v45 =	vor.u32 s9, v21;
	s9 =	sadd.s32 $0x610, s8  }
0x236: {  	v48 =	vld [tilespmem:s7+$0xFFFFFFF0];
	v60 =	vor.u32 s9, v21  }
0x237: {  	v58 =	vld [tilespmem:s7+$0x0];
	vm0 =	vlt.s32 v45, v24;
	vm1 =	vlt.s32 v60, v24  }
0x238: {  	s9 =	sadd.s32 $0x620, s8;
	v47 =	vsel vm0, $0x3F800000, v22;
	v5 =	vsub.f32 v5, v23;
	v42 =	vsub.f32 v42, v23  }
0x239: {  	v63 =	vor.u32 s9, v21;
	v43 =	vsub.f32 v43, v23;
	v61 =	vsub.f32 v44, v23  }
0x23a: {  	s9 =	sadd.s32 $0x630, s8;
	v53 =	vsel vm1, $0x3F800000, v22;
	vm10 =	vlt.s32 v63, v24;
	v57 =	vsub.f32 v46, v23  }
0x23b: {  	v51 =	vor.u32 s9, v21;
	v44 =	vsub.f32 v62, v23;
	v62 =	vsub.f32 v48, v23  }
0x23c: {  	v56 =	vsub.f32 v58, v23;
	vm11 =	vlt.s32 v51, v24;
	v5 =	vmul.f32 v5, v39  }
0x23d: {  	s9 =	sadd.s32 $0x640, s8;
	v55 =	vsel vm10, $0x3F800000, v22;
	v42 =	vmul.f32 v42, v39;
	v43 =	vmul.f32 v43, v39  }
0x23e: {  	v60 =	vor.u32 s9, v21;
	v59 =	vmul.f32 v57, v39;
	v63 =	vmul.f32 v44, v39  }
0x23f: {  	vm12 =	vlt.s32 v60, v24;
	v60 =	vmul.f32 v62, v39;
	v44 =	vmul.f32 v56, v39  }
0x240: {  	v51 =	vsel vm11, $0x3F800000, v22;
	v57 =	vmul.f32 v47, v33;
	v62 =	vmul.f32 v47, v36  }
0x241: {  	s9 =	sadd.s32 $0x650, s8;
	v49 =	vsel vm12, $0x3F800000, v22;
	v5 =	vnsel vm0, $0x0, v5;
	v52 =	vnsel vm1, $0x0, v42  }
0x242: {  	v42 =	vmul.f32 v61, v39;
	v54 =	vnsel vm10, $0x0, v43;
	v61 =	vor.u32 s9, v21;
	s9 =	sadd.s32 $0x660, s8  }
0x243: {  	v48 =	vnsel vm12, $0x0, v59;
	s8 =	sadd.s32 $0x670, s8;
	vm13 =	vlt.s32 v61, v24;
	v61 =	vor.u32 s9, v21  }
0x244: {  	v56 =	vmul.f32 v5, v25;
	v58 =	vor.u32 s8, v21;
	v59 =	vmul.f32 v5, v26  }
0x245: {  	v50 =	vnsel vm11, $0x0, v42;
	v45 =	vnsel vm13, $0x0, v63;
	vm14 =	vlt.s32 v61, v24  }
0x246: {  	v46 =	vsel vm13, $0x3F800000, v22;
	vm15 =	vlt.s32 v58, v24;
	v58 =	vmul.f32 v5, v27  }
0x247: {  	v61 =	vmul.f32 v47, v35;
	v42 =	vnsel vm14, $0x0, v60;
	v60 =	vmul.f32 v47, v34  }
0x248: {  	v63 =	vmul.f32 v47, v37;
	v43 =	vsel vm14, $0x3F800000, v22;
	v56 =	vadd.f32 v56, v57  }
0x249: {  	v57 =	vmul.f32 v5, v28;
	v44 =	vnsel vm15, $0x0, v44;
	v59 =	vadd.f32 v59, v60  }
0x24a: {  	v60 =	vmul.f32 v5, v29;
	[tilespmem:s4+$0xFFFFFC10] =	vst v56;
	v56 =	vadd.f32 v58, v61;
	v58 =	vmul.f32 v5, v30  }
0x24b: {  	v61 =	vmul.f32 v47, v38;
	v57 =	vadd.f32 v57, v62;
	v62 =	vmul.f32 v47, v40;
	[tilespmem:s4+$0xFFFFFC90] =	vst v59  }
0x24c: {  	v47 =	vmul.f32 v47, v41;
	v59 =	vmul.f32 v5, v31;
	[tilespmem:s4+$0xFFFFFD10] =	vst v56;
	v56 =	vadd.f32 v60, v63  }
0x24d: {  	v5 =	vmul.f32 v5, v32;
	[tilespmem:s4+$0xFFFFFD90] =	vst v57;
	v57 =	vadd.f32 v58, v61;
	v58 =	vmul.f32 v52, v25  }
0x24e: {  	v60 =	vmul.f32 v53, v33;
	v61 =	vmul.f32 v53, v34;
	[tilespmem:s4+$0xFFFFFE10] =	vst v56;
	v56 =	vadd.f32 v59, v62  }
0x24f: {  	v59 =	vmul.f32 v52, v26;
	[tilespmem:s4+$0xFFFFFE90] =	vst v57;
	v5 =	vadd.f32 v5, v47;
	v47 =	vmul.f32 v52, v27  }
0x250: {  	v57 =	vmul.f32 v53, v35;
	v62 =	vmul.f32 v53, v38;
	[tilespmem:s4+$0xFFFFFF10] =	vst v56;
	v56 =	vadd.f32 v58, v60  }
0x251: {  	v58 =	vmul.f32 v52, v28;
	v60 =	vmul.f32 v53, v36;
	[tilespmem:s4+$0xFFFFFF90] =	vst v5;
	v5 =	vadd.f32 v59, v61  }
0x252: {  	v59 =	vmul.f32 v52, v29;
	v61 =	vmul.f32 v53, v37;
	v47 =	vadd.f32 v47, v57;
	[tilespmem:s4+$0xFFFFFC20] =	vst v56  }
0x253: {  	v57 =	vmul.f32 v49, v33;
	v56 =	vmul.f32 v52, v30;
	[tilespmem:s4+$0xFFFFFCA0] =	vst v5;
	v5 =	vadd.f32 v58, v60  }
0x254: {  	v63 =	vadd.f32 v59, v61;
	[tilespmem:s4+$0xFFFFFD20] =	vst v47;
	v60 =	vmul.f32 v52, v31;
	v61 =	vmul.f32 v53, v40  }
0x255: {  	v56 =	vadd.f32 v56, v62;
	[tilespmem:s4+$0xFFFFFDA0] =	vst v5;
	v5 =	vmul.f32 v52, v32;
	v62 =	vmul.f32 v53, v41  }
0x256: {  	[tilespmem:s4+$0xFFFFFE20] =	vst v63;
	v63 =	vadd.f32 v60, v61;
	v60 =	vmul.f32 v54, v25;
	v61 =	vmul.f32 v55, v33  }
0x257: {  	v52 =	vmul.f32 v54, v26;
	[tilespmem:s4+$0xFFFFFEA0] =	vst v56;
	v5 =	vadd.f32 v5, v62;
	v62 =	vmul.f32 v55, v34  }
0x258: {  	[tilespmem:s4+$0xFFFFFF20] =	vst v63;
	v63 =	vadd.f32 v60, v61;
	v60 =	vmul.f32 v54, v27;
	v61 =	vmul.f32 v55, v35  }
0x259: {  	[tilespmem:s4+$0xFFFFFFA0] =	vst v5;
	v5 =	vadd.f32 v52, v62;
	v52 =	vmul.f32 v54, v28;
	v62 =	vmul.f32 v55, v36  }
0x25a: {  	[tilespmem:s4+$0xFFFFFC30] =	vst v63;
	v63 =	vadd.f32 v60, v61;
	v60 =	vmul.f32 v54, v29;
	v61 =	vmul.f32 v55, v37  }
0x25b: {  	[tilespmem:s4+$0xFFFFFCB0] =	vst v5;
	v5 =	vadd.f32 v52, v62;
	v52 =	vmul.f32 v54, v30;
	v62 =	vmul.f32 v55, v38  }
0x25c: {  	[tilespmem:s4+$0xFFFFFD30] =	vst v63;
	v63 =	vadd.f32 v60, v61;
	v60 =	vmul.f32 v54, v31;
	v61 =	vmul.f32 v55, v40  }
0x25d: {  	[tilespmem:s4+$0xFFFFFDB0] =	vst v5;
	v5 =	vadd.f32 v52, v62;
	v52 =	vmul.f32 v54, v32;
	v62 =	vmul.f32 v55, v41  }
0x25e: {  	[tilespmem:s4+$0xFFFFFE30] =	vst v63;
	v63 =	vadd.f32 v60, v61;
	v60 =	vmul.f32 v50, v25;
	v61 =	vmul.f32 v51, v33  }
0x25f: {  	[tilespmem:s4+$0xFFFFFEB0] =	vst v5;
	v5 =	vadd.f32 v52, v62;
	v52 =	vmul.f32 v50, v26;
	v62 =	vmul.f32 v51, v34  }
0x260: {  	[tilespmem:s4+$0xFFFFFF30] =	vst v63;
	v63 =	vadd.f32 v60, v61;
	v60 =	vmul.f32 v50, v27;
	v61 =	vmul.f32 v51, v35  }
0x261: {  	[tilespmem:s4+$0xFFFFFFB0] =	vst v5;
	v5 =	vadd.f32 v52, v62;
	v52 =	vmul.f32 v50, v28;
	v62 =	vmul.f32 v51, v36  }
0x262: {  	[tilespmem:s4+$0xFFFFFC40] =	vst v63;
	v63 =	vadd.f32 v60, v61;
	v60 =	vmul.f32 v50, v29;
	v61 =	vmul.f32 v51, v37  }
0x263: {  	[tilespmem:s4+$0xFFFFFCC0] =	vst v5;
	v5 =	vadd.f32 v52, v62;
	v52 =	vmul.f32 v50, v30;
	v62 =	vmul.f32 v51, v38  }
0x264: {  	[tilespmem:s4+$0xFFFFFD40] =	vst v63;
	v63 =	vadd.f32 v60, v61;
	v60 =	vmul.f32 v50, v31;
	v61 =	vmul.f32 v51, v40  }
0x265: {  	v50 =	vmul.f32 v50, v32;
	v51 =	vmul.f32 v51, v41;
	[tilespmem:s4+$0xFFFFFDC0] =	vst v5;
	v5 =	vadd.f32 v52, v62  }
0x266: {  	v47 =	vsel vm15, $0x3F800000, v22;
	[tilespmem:s4+$0xFFFFFE40] =	vst v63;
	v62 =	vadd.f32 v60, v61;
	v63 =	vmul.f32 v48, v25  }
0x267: {  	v58 =	vmul.f32 v48, v26;
	v59 =	vmul.f32 v49, v34;
	[tilespmem:s4+$0xFFFFFEC0] =	vst v5;
	v5 =	vadd.f32 v50, v51  }
0x268: {  	v61 =	vmul.f32 v48, v27;
	[tilespmem:s4+$0xFFFFFF40] =	vst v62;
	v60 =	vadd.f32 v63, v57;
	v62 =	vmul.f32 v49, v35  }
0x269: {  	v63 =	vmul.f32 v48, v28;
	v57 =	vmul.f32 v49, v36;
	[tilespmem:s4+$0xFFFFFFC0] =	vst v5;
	v5 =	vadd.f32 v58, v59  }
0x26a: {  	[tilespmem:s4+$0xFFFFFC50] =	vst v60;
	v58 =	vadd.f32 v61, v62;
	v59 =	vmul.f32 v48, v29;
	v60 =	vmul.f32 v49, v37  }
0x26b: {  	v61 =	vmul.f32 v48, v30;
	v62 =	vmul.f32 v49, v38;
	[tilespmem:s4+$0xFFFFFCD0] =	vst v5;
	v5 =	vadd.f32 v63, v57  }
0x26c: {  	[tilespmem:s4+$0xFFFFFD50] =	vst v58;
	v63 =	vadd.f32 v59, v60;
	v57 =	vmul.f32 v48, v31;
	v58 =	vmul.f32 v49, v40  }
0x26d: {  	v48 =	vmul.f32 v48, v32;
	v49 =	vmul.f32 v49, v41;
	[tilespmem:s4+$0xFFFFFDD0] =	vst v5;
	v5 =	vadd.f32 v61, v62  }
0x26e: {  	v60 =	vmul.f32 v45, v25;
	[tilespmem:s4+$0xFFFFFE50] =	vst v63;
	v59 =	vadd.f32 v57, v58;
	v61 =	vmul.f32 v46, v33  }
0x26f: {  	v62 =	vmul.f32 v45, v26;
	v63 =	vmul.f32 v46, v34;
	[tilespmem:s4+$0xFFFFFED0] =	vst v5;
	v5 =	vadd.f32 v48, v49  }
0x270: {  	v57 =	vmul.f32 v45, v27;
	v58 =	vmul.f32 v46, v35;
	[tilespmem:s4+$0xFFFFFF50] =	vst v59;
	v56 =	vadd.f32 v60, v61  }
0x271: {  	v59 =	vmul.f32 v45, v28;
	v60 =	vmul.f32 v46, v36;
	[tilespmem:s4+$0xFFFFFFD0] =	vst v5;
	v5 =	vadd.f32 v62, v63  }
0x272: {  	v61 =	vadd.f32 v57, v58;
	[tilespmem:s4+$0xFFFFFC60] =	vst v56;
	v62 =	vmul.f32 v45, v29;
	v63 =	vmul.f32 v46, v37  }
0x273: {  	v57 =	vmul.f32 v46, v38;
	v56 =	vmul.f32 v45, v30;
	[tilespmem:s4+$0xFFFFFCE0] =	vst v5;
	v5 =	vadd.f32 v59, v60  }
0x274: {  	[tilespmem:s4+$0xFFFFFD60] =	vst v61;
	v58 =	vadd.f32 v62, v63;
	v59 =	vmul.f32 v45, v31;
	v60 =	vmul.f32 v46, v40  }
0x275: {  	v45 =	vmul.f32 v45, v32;
	v46 =	vmul.f32 v46, v41;
	[tilespmem:s4+$0xFFFFFDE0] =	vst v5;
	v5 =	vadd.f32 v56, v57  }
0x276: {  	v62 =	vmul.f32 v42, v25;
	v63 =	vmul.f32 v43, v33;
	[tilespmem:s4+$0xFFFFFE60] =	vst v58;
	v61 =	vadd.f32 v59, v60  }
0x277: {  	v53 =	vmul.f32 v43, v34;
	v52 =	vmul.f32 v42, v26;
	[tilespmem:s4+$0xFFFFFEE0] =	vst v5;
	v5 =	vadd.f32 v45, v46  }
0x278: {  	v55 =	vmul.f32 v42, v27;
	v54 =	vadd.f32 v62, v63;
	v56 =	vmul.f32 v43, v35;
	[tilespmem:s4+$0xFFFFFF60] =	vst v61  }
0x279: {  	v57 =	vmul.f32 v42, v28;
	v58 =	vmul.f32 v43, v36;
	[tilespmem:s4+$0xFFFFFFE0] =	vst v5;
	v5 =	vadd.f32 v52, v53  }
0x27a: {  	v60 =	vmul.f32 v42, v29;
	[tilespmem:s4+$0xFFFFFC70] =	vst v54;
	v59 =	vadd.f32 v55, v56;
	v61 =	vmul.f32 v43, v37  }
0x27b: {  	v62 =	vmul.f32 v42, v30;
	v63 =	vmul.f32 v43, v38;
	[tilespmem:s4+$0xFFFFFCF0] =	vst v5;
	v5 =	vadd.f32 v57, v58  }
0x27c: {  	v54 =	vmul.f32 v43, v40;
	[tilespmem:s4+$0xFFFFFD70] =	vst v59;
	v52 =	vadd.f32 v60, v61;
	v53 =	vmul.f32 v42, v31  }
0x27d: {  	v43 =	vmul.f32 v43, v41;
	v42 =	vmul.f32 v42, v32;
	[tilespmem:s4+$0xFFFFFDF0] =	vst v5;
	v5 =	vadd.f32 v62, v63  }
0x27e: {  	v56 =	vmul.f32 v44, v25;
	[tilespmem:s4+$0xFFFFFE70] =	vst v52;
	v55 =	vadd.f32 v53, v54;
	v57 =	vmul.f32 v47, v33  }
0x27f: {  	v59 =	vmul.f32 v47, v34;
	v58 =	vmul.f32 v44, v26;
	[tilespmem:s4+$0xFFFFFEF0] =	vst v5;
	v5 =	vadd.f32 v42, v43  }
0x280: {  	v61 =	vmul.f32 v44, v27;
	[tilespmem:s4+$0xFFFFFF70] =	vst v55;
	v60 =	vadd.f32 v56, v57;
	v62 =	vmul.f32 v47, v35  }
0x281: {  	v52 =	vmul.f32 v47, v36;
	v63 =	vmul.f32 v44, v28;
	[tilespmem:s4+$0xFFFFFFF0] =	vst v5;
	v5 =	vadd.f32 v58, v59  }
0x282: {  	v54 =	vmul.f32 v44, v29;
	v55 =	vmul.f32 v47, v37;
	[tilespmem:s4+$0xFFFFFC80] =	vst v60;
	v53 =	vadd.f32 v61, v62  }
0x283: {  	v56 =	vmul.f32 v44, v30;
	v57 =	vmul.f32 v47, v38;
	[tilespmem:s4+$0xFFFFFD00] =	vst v5;
	v5 =	vadd.f32 v63, v52  }
0x284: {  	p0 =	sne.s32 s2, $0x180;
	v60 =	vmul.f32 v47, v40;
	[tilespmem:s4+$0xFFFFFD80] =	vst v53;
	v58 =	vadd.f32 v54, v55;
	v59 =	vmul.f32 v44, v31  }
.Ltmp4:
0x285: {  	v61 =	vmul.f32 v44, v32;
	v62 =	vmul.f32 v47, v41;
	[tilespmem:s4+$0xFFFFFE00] =	vst v5;
	v5 =	vadd.f32 v56, v57;
	(pc) =	sbr.rel @p0 .LBB2_10-.Ltmp4, $4  }
0x286: {  	[tilespmem:s4+$0xFFFFFE80] =	vst v58;
	v63 =	vadd.f32 v59, v60  }
0x287: {  	[tilespmem:s4+$0xFFFFFF00] =	vst v5;
	v5 =	vadd.f32 v61, v62  }
0x288: {  	[tilespmem:s4+$0xFFFFFF80] =	vst v63  }
0x289: {  	s7 =	sadd.s32 $0x80, s7;
	s2 =	sadd.s32 $0x80, s2;
	[tilespmem:s4+$0x0] =	vst v5;
	s4 =	sadd.s32 $0x400, s4  }
0x28a: {  	s2 =	simm.s32 $0x4220  }
0x28b: {  	[hbm4b:s31+s5] =	stream.linear.scatter [tilespmem:s2], [sflag:$0x2], $0x1000, $0x38;
	[tilespmem:$0x5220] =	vst v63  }
0x28c: {  	_ =	swait.ge [sflag:s0], $0x1000  }
0x28d: {  	[sflag:s0] =	ssyncset.done $0x0  }
0x28e: {  	[sflag:s0] =	ssyncadd.s32 $0xFFFFF000  }
0x28f: {  	_ =	swait.ge [sflag:s0], $0x1000  }
0x290: {  	[sflag:s0] =	ssyncset.done $0x0  }
0x291: {  	s1 =	sadd.s32 $0x1, s1;
	[sflag:s0] =	ssyncadd.s32 $0xFFFFF000  }
0x292: {  	p0 =	sne.s32 s1, s25;
	_ =	swait.ge [sflag:s0], $0x1000  }
.Ltmp5:
0x293: {  	[sflag:s0] =	ssyncset.done $0x0;
	(pc) =	sbr.rel @p0 .LBB2_1-.Ltmp5, $4  }
0x294: {  	[sflag:s0] =	ssyncadd.s32 $0xFFFFF000  }
0x295: {  	_ =	swait.ge [sflag:s0], $0x1000  }
0x296: {  	[sflag:s0] =	ssyncset.done $0x0  }
0x297: {  	[sflag:s0] =	ssyncadd.s32 $0xFFFFF000  }
0x298: {  	_ =	sfence.sel $0x180000  }
0x299: {  	[bflag:$0x0] =	sbarrier.arrive $0xFFFF  }
0x29a: {  	_ =	strace $0x90000047  }
0x29b: {  	s0 =	stileid.u32;
	[bflag:$0x2] =	sbarrier.arrive $0xFFFF  }
0x29c: {  	p0 =	sne.s32 s0, $0x0;
	s0 =	rddreg [dreg:$0x6]  }
0x29d: {  	s0 =	sadd.s32 @!p0 $0x100000, s0  }
0x29e: {  	[sflag:s0] =	ssyncadd.tile.s32 @!p0 $0x1;
	_ =	shalt  }
.Lfunc_end2:
_tile_overlayer_lowered:
.L_overlay_start_2:
0x29f: {  	(tag) =	ssettag $0x2  }
0x2a0: {  	s0 =	rddreg [dreg:$0x0];
	s2 =	stileid.u32  }
0x2a1: {  	s1 =	rddreg [dreg:$0x1];
	p0 =	sne.s32 s2, $0x0  }
0x2a2: {  	s3 =	rddreg [dreg:$0x2];
	[bflag:$0x3] =	sbarrier.arrive $0xFFFF;
	s2 =	simm.s32 @!p0 $0x1C03  }
0x2a3: {  	[timem:s3], [sflag:s2] =	dma.local @!p0 [hbm:s0], s1  }
0x2a4: {  	s0 =	simm.s32 @!p0 $0x3  }
0x2a5: {  	_ =	swait.ge @!p0 [sflag:s0], s1  }
0x2a6: {  	s1 =	ssub.s32 @!p0 $0x0, s1;
	[sflag:s0] =	ssyncset.done @!p0 $0x0  }
0x2a7: {  	[sflag:s0] =	ssyncadd.s32 @!p0 s1  }
0x2a8: {  	[bflag:$0x3] =	sbarrier.arrive $0xFFFF  }
0x2a9: {  	_ =	shalt  }

</sc_bundles>
